<compile_context>
chip_gen: v7x
topology: tpu7x:2x2x1
jax: 0.10.2.dev20260603
libtpu: 0.0.44.dev20260713+nightly
codegen_flags: <defaults>
</compile_context>

<pallas_src>
import jax
import jax.numpy as jnp
from jax import lax
from jax.experimental import pallas as pl
from jax.experimental.pallas import tpu as pltpu
from jax.experimental.pallas import tpu_sc as plsc

BATCH = 4096
SEQ_LEN = 50
EMBED_DIM = 64

NUM_WORKERS = 32
BBLK = 256
NBB = BATCH // BBLK
NBT = BBLK // 128
NITEMS = SEQ_LEN * NBB
KMAX = NITEMS // NUM_WORKERS
GATHER_N = 128
NGATHER = BBLK // GATHER_N
NGROUP = BBLK // 16


def _body(user_hbm, tgt_hbm, mu_hbm, bias_hbm, out_hbm,
          t0, t1, rows0, rows1, u0, u1, bias0, bias1, o0, o1,
          semA0, semA1, semB0, semB1, semO0, semO1):
    t_v, rows_v, u_v, bias_v, out_v = (
        (t0, t1), (rows0, rows1), (u0, u1), (bias0, bias1), (o0, o1))
    semA, semB, semO = (semA0, semA1), (semB0, semB1), (semO0, semO1)
    wid = lax.axis_index("s") * 2 + lax.axis_index("c")

    def coords(idx):
        l = idx // NBB
        bb = (idx - l * NBB) * BBLK
        return l, bb

    def fire_a(idx, par):
        l, bb = coords(idx)
        pltpu.async_copy(tgt_hbm.at[l, pl.ds(bb, BBLK)], t_v[par], semA[par])

    def wait_a(par):
        pltpu.make_async_copy(
            tgt_hbm.at[0, pl.ds(0, BBLK)], t_v[par], semA[par]).wait()

    def fire_b(idx, par):
        l, bb = coords(idx)
        for g in range(NGATHER):
            pltpu.async_copy(
                mu_hbm.at[t_v[par].at[pl.ds(g * GATHER_N, GATHER_N)]],
                rows_v[par].at[pl.ds(g * GATHER_N, GATHER_N)], semB[par])
            pltpu.async_copy(
                bias_hbm.at[t_v[par].at[pl.ds(g * GATHER_N, GATHER_N)]],
                bias_v[par].at[pl.ds(g * GATHER_N, GATHER_N)], semB[par])
        for c in range(NBT):
            for d1 in range(8):
                pltpu.async_copy(
                    user_hbm.at[l, d1, bb // 128 + c],
                    u_v[par].at[pl.ds((c * 8 + d1) * 8, 8)], semB[par])

    def wait_b(par):
        for g in range(NGATHER):
            pltpu.make_async_copy(
                mu_hbm.at[pl.ds(0, GATHER_N)],
                rows_v[par].at[pl.ds(g * GATHER_N, GATHER_N)],
                semB[par]).wait()
            pltpu.make_async_copy(
                bias_hbm.at[pl.ds(0, GATHER_N)],
                bias_v[par].at[pl.ds(g * GATHER_N, GATHER_N)],
                semB[par]).wait()
        for _ in range(NBT * 8):
            pltpu.make_async_copy(
                user_hbm.at[0, 0, 0],
                u_v[par].at[pl.ds(0, 8)], semB[par]).wait()

    def fire_out(idx, par):
        l, bb = coords(idx)
        pltpu.async_copy(out_v[par], out_hbm.at[l, pl.ds(bb, BBLK)], semO[par])

    def wait_out(par):
        pltpu.make_async_copy(
            out_v[par], out_hbm.at[0, pl.ds(0, BBLK)], semO[par]).wait()

    def compute(par):
        @pl.loop(0, NGROUP)
        def _group(bg):
            iota = lax.iota(jnp.int32, 16)
            p_v = iota + bg * 16
            bt = bg // 8
            bo = (bg - bt * 8) * 16
            b_v = iota + bo

            @pl.loop(0, 4, init_carry=[jnp.zeros((16,), jnp.float32)] * 4)
            def _dchunk(dc, accs):
                dbase = dc * 16
                ubase = bt * 64 + dbase
                accs = list(accs)
                for k in range(16):
                    rot = (iota + k) & 15
                    m = plsc.load_gather(rows_v[par], [p_v, dbase + rot])
                    u = plsc.load_gather(u_v[par], [ubase + rot, b_v])
                    accs[k % 4] = accs[k % 4] + m * u
                return accs

            a0, a1, a2, a3 = _dchunk
            acc = (a0 + a1) + (a2 + a3)
            out_v[par][pl.ds(bg * 16, 16)] = acc + bias_v[par][pl.ds(bg * 16, 16)]

    def item(k, par):
        idx = k * NUM_WORKERS + wid
        wait_b(par)

        @pl.when(k < KMAX - 2)
        def _():
            fire_a(idx + 2 * NUM_WORKERS, par)

        @pl.when(k < KMAX - 1)
        def _():
            wait_a(1 - par)
            fire_b(idx + NUM_WORKERS, 1 - par)

        @pl.when(k >= 2)
        def _():
            wait_out(par)

        compute(par)
        fire_out(idx, par)

    fire_a(wid, 0)
    fire_a(NUM_WORKERS + wid, 1)
    wait_a(0)
    fire_b(wid, 0)

    @pl.loop(0, KMAX - 1, step=2)
    def _steps(k):
        item(k, 0)
        item(k + 1, 1)

    item(KMAX - 1, 0)
    wait_out(0)
    wait_out(1)


@jax.jit
def kernel(user_representations, targets, mu_table, sigma_table, bias_table):
    del sigma_table
    user_t = jnp.transpose(user_representations, (2, 1, 0))
    user_5 = jnp.transpose(
        user_t.reshape(SEQ_LEN, 8, 8, 32, 128), (0, 1, 3, 2, 4))
    tgt_t = jnp.transpose(targets, (1, 0)).astype(jnp.int32)
    bias_flat = bias_table.reshape(-1)

    mesh = plsc.VectorSubcoreMesh(core_axis_name="c", subcore_axis_name="s")
    run = pl.kernel(
        _body,
        out_type=jax.ShapeDtypeStruct((SEQ_LEN, BATCH), jnp.float32),
        mesh=mesh,
        compiler_params=pltpu.CompilerParams(
            use_tc_tiling_on_sc=False, needs_layout_passes=False),
        scratch_types=[
            pltpu.VMEM((BBLK,), jnp.int32),
            pltpu.VMEM((BBLK,), jnp.int32),
            pltpu.VMEM((BBLK, EMBED_DIM), jnp.float32),
            pltpu.VMEM((BBLK, EMBED_DIM), jnp.float32),
            pltpu.VMEM((NBT * EMBED_DIM, 128), jnp.float32),
            pltpu.VMEM((NBT * EMBED_DIM, 128), jnp.float32),
            pltpu.VMEM((BBLK,), jnp.float32),
            pltpu.VMEM((BBLK,), jnp.float32),
            pltpu.VMEM((BBLK,), jnp.float32),
            pltpu.VMEM((BBLK,), jnp.float32),
            pltpu.SemaphoreType.DMA,
            pltpu.SemaphoreType.DMA,
            pltpu.SemaphoreType.DMA,
            pltpu.SemaphoreType.DMA,
            pltpu.SemaphoreType.DMA,
            pltpu.SemaphoreType.DMA,
        ],
    )
    out_t = run(user_5, tgt_t, mu_table, bias_flat)
    return jnp.transpose(out_t, (1, 0))

# --- scband reference (transcript-rebuilt; emitter-appended) ---
"""Pipeline reference for scband-gaussian-lstmnet-38285338477082 (READ-ONLY COPY).

The authoritative reference and input builder live on the scoring server;
editing this copy changes nothing except your own understanding.
"""

import jax, jax.numpy as jnp
import numpy as np

NUM_ITEMS = 100000
EMBED_DIM = 64
BATCH = 4096
SEQ_LEN = 50
PADDING_IDX = 0


def setup_inputs(seed: int = 0) -> dict:
    key = jax.random.key(seed)
    k1, k2, k3, k4 = jax.random.split(key, 4)
    user_representations = jax.random.normal(k1, (BATCH, EMBED_DIM, SEQ_LEN), dtype=jnp.float32)
    targets = jax.random.randint(k2, (BATCH, SEQ_LEN), 0, NUM_ITEMS)
    # ScaledEmbedding: normal init scaled by 1/embedding_dim, padding row zeroed
    mu_table = (jax.random.normal(k3, (NUM_ITEMS, EMBED_DIM), dtype=jnp.float32) / EMBED_DIM).at[PADDING_IDX].set(0.0)
    sigma_table = (jax.random.normal(k4, (NUM_ITEMS, EMBED_DIM), dtype=jnp.float32) / EMBED_DIM).at[PADDING_IDX].set(0.0)
    # ZeroEmbedding: zero init
    bias_table = jnp.zeros((NUM_ITEMS, 1), dtype=jnp.float32)
    return {
        "user_representations": user_representations,
        "targets": targets,
        "mu_table": mu_table,
        "sigma_table": sigma_table,
        "bias_table": bias_table,
    }


def reference(user_representations, targets, mu_table, sigma_table, bias_table):
    # embedding lookups, then permute(0, 2, 1) as in torch
    embedding_mu = jnp.transpose(jnp.take(mu_table, targets, axis=0), (0, 2, 1))  # (B, D, L)
    embedding_sigma = jnp.transpose(jnp.take(sigma_table, targets, axis=0), (0, 2, 1))  # computed but unused, as in original forward
    target_embedding = embedding_mu
    target_bias = jnp.take(bias_table, targets, axis=0).squeeze(-1)  # (B, L)
    dot = (user_representations * target_embedding).sum(axis=1)  # (B, L)
    return target_bias + dot

if __name__ == "__main__":
    import jax
    _d = setup_inputs()
    print(jax.jit(kernel)(*tuple(_d.values())))

</pallas_src>

<mosaic_0001>
#map = affine_map<(d0, d1) -> (0, 0, 0, 0, 0)>
#map1 = affine_map<(d0, d1) -> (0, 0)>
#map2 = affine_map<(d0, d1) -> (0)>
module attributes {stable_mosaic.version = 14 : i64} {
  func.func @_body(%arg0: i32, %arg1: i32, %arg2: memref<50x8x32x8x128xf32, #tpu.memory_space<hbm>>, %arg3: memref<50x4096xi32, #tpu.memory_space<hbm>>, %arg4: memref<100000x64xf32, #tpu.memory_space<hbm>>, %arg5: memref<100000xf32, #tpu.memory_space<hbm>>, %arg6: memref<50x4096xf32, #tpu.memory_space<hbm>>, %arg7: memref<256xi32, #tpu.memory_space<vmem>>, %arg8: memref<256xi32, #tpu.memory_space<vmem>>, %arg9: memref<256x64xf32, #tpu.memory_space<vmem>>, %arg10: memref<256x64xf32, #tpu.memory_space<vmem>>, %arg11: memref<128x128xf32, #tpu.memory_space<vmem>>, %arg12: memref<128x128xf32, #tpu.memory_space<vmem>>, %arg13: memref<256xf32, #tpu.memory_space<vmem>>, %arg14: memref<256xf32, #tpu.memory_space<vmem>>, %arg15: memref<256xf32, #tpu.memory_space<vmem>>, %arg16: memref<256xf32, #tpu.memory_space<vmem>>, %arg17: memref<!tpu.dma_semaphore, #tpu.memory_space<semaphore_mem>>, %arg18: memref<!tpu.dma_semaphore, #tpu.memory_space<semaphore_mem>>, %arg19: memref<!tpu.dma_semaphore, #tpu.memory_space<semaphore_mem>>, %arg20: memref<!tpu.dma_semaphore, #tpu.memory_space<semaphore_mem>>, %arg21: memref<!tpu.dma_semaphore, #tpu.memory_space<semaphore_mem>>, %arg22: memref<!tpu.dma_semaphore, #tpu.memory_space<semaphore_mem>>) attributes {dimension_semantics = [#tpu.dimension_semantics<core_parallel>, #tpu.dimension_semantics<subcore_parallel>], iteration_bounds = array<i64: 2, 16>, scalar_prefetch = 0 : i64, scratch_operands = 16 : i64, tpu.core_type = #tpu.core_type<sc_vector_subcore>, window_params = [{transform_indices = #map}, {transform_indices = #map1}, {transform_indices = #map1}, {transform_indices = #map2}, {transform_indices = #map1}]} {
    %mul3A = arith.constant 2 : i32
    %mul3A_0 = arith.muli %arg1, %mul3A : i32
    %add3A = arith.addi %mul3A_0, %arg0 : i32
    %jit3A = arith.constant 16 : i32
    %div3A = arith.divsi %add3A, %jit3A : i32
    %sign3A = arith.constant 0 : i32
    %sign3A_1 = arith.cmpi sgt, %add3A, %sign3A : i32
    %sign3A_2 = arith.extui %sign3A_1 : i1 to i32
    %sign3A_3 = arith.constant 0 : i32
    %sign3A_4 = arith.cmpi slt, %add3A, %sign3A_3 : i32
    %sign3A_5 = arith.extui %sign3A_4 : i1 to i32
    %sign3A_6 = arith.subi %sign3A_2, %sign3A_5 : i32
    %sign3A_7 = arith.constant 0 : i32
    %sign3A_8 = arith.cmpi sgt, %jit3A, %sign3A_7 : i32
    %sign3A_9 = arith.extui %sign3A_8 : i1 to i32
    %sign3A_10 = arith.constant 0 : i32
    %sign3A_11 = arith.cmpi slt, %jit3A, %sign3A_10 : i32
    %sign3A_12 = arith.extui %sign3A_11 : i1 to i32
    %sign3A_13 = arith.subi %sign3A_9, %sign3A_12 : i32
    %ne3A = arith.cmpi ne, %sign3A_6, %sign3A_13 : i32
    %rem3A = arith.remsi %add3A, %jit3A : i32
    %ne3A_14 = arith.constant 0 : i32
    %ne3A_15 = arith.cmpi ne, %rem3A, %ne3A_14 : i32
    %and3A = arith.andi %ne3A, %ne3A_15 : i1
    %sub3A = arith.constant 1 : i32
    %sub3A_16 = arith.subi %div3A, %sub3A : i32
    %select_n3A = arith.select %and3A, %sub3A_16, %div3A : i32
    %mul3A_17 = arith.constant 16 : i32
    %mul3A_18 = arith.muli %select_n3A, %mul3A_17 : i32
    %sub3A_19 = arith.subi %add3A, %mul3A_18 : i32
    %mul3A_20 = arith.constant 256 : i32
    %mul3A_21 = arith.muli %sub3A_19, %mul3A_20 : i32
    %dma_start3A = tpu.memref_slice %arg3[%select_n3A, %mul3A_21] : memref<50x4096xi32, #tpu.memory_space<hbm>> -> memref<1x256xi32, #tpu.memory_space<hbm>>
    %dma_start3A_22 = tpu.memref_squeeze %dma_start3A : memref<1x256xi32, #tpu.memory_space<hbm>> -> memref<256xi32, #tpu.memory_space<hbm>>
    %dma_start3A_23 = tpu.memref_slice %arg3[%select_n3A, %mul3A_21] : memref<50x4096xi32, #tpu.memory_space<hbm>> -> memref<1x256xi32, #tpu.memory_space<hbm>>
    %dma_start3A_24 = tpu.memref_squeeze %dma_start3A_23 : memref<1x256xi32, #tpu.memory_space<hbm>> -> memref<256xi32, #tpu.memory_space<hbm>>
    tpu.enqueue_dma source(%dma_start3A_24 : memref<256xi32, #tpu.memory_space<hbm>>) target(%arg7 : memref<256xi32, #tpu.memory_space<vmem>>) target_semaphore(%arg17 : memref<!tpu.dma_semaphore, #tpu.memory_space<semaphore_mem>>)
    %add3A_25 = arith.constant 32 : i32
    %add3A_26 = arith.addi %add3A_25, %add3A : i32
    %jit3A_27 = arith.constant 16 : i32
    %div3A_28 = arith.divsi %add3A_26, %jit3A_27 : i32
    %sign3A_29 = arith.constant 0 : i32
    %sign3A_30 = arith.cmpi sgt, %add3A_26, %sign3A_29 : i32
    %sign3A_31 = arith.extui %sign3A_30 : i1 to i32
    %sign3A_32 = arith.constant 0 : i32
    %sign3A_33 = arith.cmpi slt, %add3A_26, %sign3A_32 : i32
    %sign3A_34 = arith.extui %sign3A_33 : i1 to i32
    %sign3A_35 = arith.subi %sign3A_31, %sign3A_34 : i32
    %sign3A_36 = arith.constant 0 : i32
    %sign3A_37 = arith.cmpi sgt, %jit3A_27, %sign3A_36 : i32
    %sign3A_38 = arith.extui %sign3A_37 : i1 to i32
    %sign3A_39 = arith.constant 0 : i32
    %sign3A_40 = arith.cmpi slt, %jit3A_27, %sign3A_39 : i32
    %sign3A_41 = arith.extui %sign3A_40 : i1 to i32
    %sign3A_42 = arith.subi %sign3A_38, %sign3A_41 : i32
    %ne3A_43 = arith.cmpi ne, %sign3A_35, %sign3A_42 : i32
    %rem3A_44 = arith.remsi %add3A_26, %jit3A_27 : i32
    %ne3A_45 = arith.constant 0 : i32
    %ne3A_46 = arith.cmpi ne, %rem3A_44, %ne3A_45 : i32
    %and3A_47 = arith.andi %ne3A_43, %ne3A_46 : i1
    %sub3A_48 = arith.constant 1 : i32
    %sub3A_49 = arith.subi %div3A_28, %sub3A_48 : i32
    %select_n3A_50 = arith.select %and3A_47, %sub3A_49, %div3A_28 : i32
    %mul3A_51 = arith.constant 16 : i32
    %mul3A_52 = arith.muli %select_n3A_50, %mul3A_51 : i32
    %sub3A_53 = arith.subi %add3A_26, %mul3A_52 : i32
    %mul3A_54 = arith.constant 256 : i32
    %mul3A_55 = arith.muli %sub3A_53, %mul3A_54 : i32
    %dma_start3A_56 = tpu.memref_slice %arg3[%select_n3A_50, %mul3A_55] : memref<50x4096xi32, #tpu.memory_space<hbm>> -> memref<1x256xi32, #tpu.memory_space<hbm>>
    %dma_start3A_57 = tpu.memref_squeeze %dma_start3A_56 : memref<1x256xi32, #tpu.memory_space<hbm>> -> memref<256xi32, #tpu.memory_space<hbm>>
    %dma_start3A_58 = tpu.memref_slice %arg3[%select_n3A_50, %mul3A_55] : memref<50x4096xi32, #tpu.memory_space<hbm>> -> memref<1x256xi32, #tpu.memory_space<hbm>>
    %dma_start3A_59 = tpu.memref_squeeze %dma_start3A_58 : memref<1x256xi32, #tpu.memory_space<hbm>> -> memref<256xi32, #tpu.memory_space<hbm>>
    tpu.enqueue_dma source(%dma_start3A_59 : memref<256xi32, #tpu.memory_space<hbm>>) target(%arg8 : memref<256xi32, #tpu.memory_space<vmem>>) target_semaphore(%arg18 : memref<!tpu.dma_semaphore, #tpu.memory_space<semaphore_mem>>)
    %dma_wait3A = arith.constant 0 : i32
    %dma_wait3A_60 = arith.constant 0 : i32
    %dma_wait3A_61 = tpu.memref_slice %arg3[%dma_wait3A, %dma_wait3A_60] : memref<50x4096xi32, #tpu.memory_space<hbm>> -> memref<1x256xi32, #tpu.memory_space<hbm>>
    %dma_wait3A_62 = tpu.memref_squeeze %dma_wait3A_61 : memref<1x256xi32, #tpu.memory_space<hbm>> -> memref<256xi32, #tpu.memory_space<hbm>>
    %dma_wait3A_63 = arith.constant 0 : i32
    %dma_wait3A_64 = tpu.memref_slice %arg3[%dma_wait3A, %dma_wait3A_63] : memref<50x4096xi32, #tpu.memory_space<hbm>> -> memref<1x256xi32, #tpu.memory_space<hbm>>
    %dma_wait3A_65 = tpu.memref_squeeze %dma_wait3A_64 : memref<1x256xi32, #tpu.memory_space<hbm>> -> memref<256xi32, #tpu.memory_space<hbm>>
    tpu.wait_dma2 semaphore(%arg17 : memref<!tpu.dma_semaphore, #tpu.memory_space<semaphore_mem>>) src(%dma_wait3A_65 : memref<256xi32, #tpu.memory_space<hbm>>) dst(%arg7 : memref<256xi32, #tpu.memory_space<vmem>>)
    %jit3A_66 = arith.constant 16 : i32
    %div3A_67 = arith.divsi %add3A, %jit3A_66 : i32
    %sign3A_68 = arith.constant 0 : i32
    %sign3A_69 = arith.cmpi sgt, %add3A, %sign3A_68 : i32
    %sign3A_70 = arith.extui %sign3A_69 : i1 to i32
    %sign3A_71 = arith.constant 0 : i32
    %sign3A_72 = arith.cmpi slt, %add3A, %sign3A_71 : i32
    %sign3A_73 = arith.extui %sign3A_72 : i1 to i32
    %sign3A_74 = arith.subi %sign3A_70, %sign3A_73 : i32
    %sign3A_75 = arith.constant 0 : i32
    %sign3A_76 = arith.cmpi sgt, %jit3A_66, %sign3A_75 : i32
    %sign3A_77 = arith.extui %sign3A_76 : i1 to i32
    %sign3A_78 = arith.constant 0 : i32
    %sign3A_79 = arith.cmpi slt, %jit3A_66, %sign3A_78 : i32
    %sign3A_80 = arith.extui %sign3A_79 : i1 to i32
    %sign3A_81 = arith.subi %sign3A_77, %sign3A_80 : i32
    %ne3A_82 = arith.cmpi ne, %sign3A_74, %sign3A_81 : i32
    %rem3A_83 = arith.remsi %add3A, %jit3A_66 : i32
    %ne3A_84 = arith.constant 0 : i32
    %ne3A_85 = arith.cmpi ne, %rem3A_83, %ne3A_84 : i32
    %and3A_86 = arith.andi %ne3A_82, %ne3A_85 : i1
    %sub3A_87 = arith.constant 1 : i32
    %sub3A_88 = arith.subi %div3A_67, %sub3A_87 : i32
    %select_n3A_89 = arith.select %and3A_86, %sub3A_88, %div3A_67 : i32
    %mul3A_90 = arith.constant 16 : i32
    %mul3A_91 = arith.muli %select_n3A_89, %mul3A_90 : i32
    %sub3A_92 = arith.subi %add3A, %mul3A_91 : i32
    %mul3A_93 = arith.constant 256 : i32
    %mul3A_94 = arith.muli %sub3A_92, %mul3A_93 : i32
    %dma_start3A_95 = arith.constant 0 : i32
    %dma_start3A_96 = arith.constant 0 : i32
    %dma_start3A_97 = tpu.memref_slice %arg9[%dma_start3A_95, %dma_start3A_96] : memref<256x64xf32, #tpu.memory_space<vmem>> -> memref<128x64xf32, #tpu.memory_space<vmem>>
    %dma_start3A_98 = arith.constant 0 : i32
    %dma_start3A_99 = tpu.memref_slice %arg7[%dma_start3A_98] : memref<256xi32, #tpu.memory_space<vmem>> -> memref<128xi32, #tpu.memory_space<vmem>>
    %dma_start3A_100 = arith.constant 0 : i32
    %dma_start3A_101 = arith.constant 0 : i32
    %dma_start3A_102 = tpu.memref_slice %arg4[%dma_start3A_100, %dma_start3A_101] : memref<100000x64xf32, #tpu.memory_space<hbm>> -> memref<100000x64xf32, #tpu.memory_space<hbm>>
    tpu.enqueue_indirect_dma source(%dma_start3A_102 : memref<100000x64xf32, #tpu.memory_space<hbm>>) target(%dma_start3A_97 : memref<128x64xf32, #tpu.memory_space<vmem>>) offsets(%dma_start3A_99 : memref<128xi32, #tpu.memory_space<vmem>>) semaphore(%arg19 : memref<!tpu.dma_semaphore, #tpu.memory_space<semaphore_mem>>)
    %dma_start3A_103 = arith.constant 0 : i32
    %dma_start3A_104 = tpu.memref_slice %arg13[%dma_start3A_103] : memref<256xf32, #tpu.memory_space<vmem>> -> memref<128xf32, #tpu.memory_space<vmem>>
    %dma_start3A_105 = arith.constant 0 : i32
    %dma_start3A_106 = tpu.memref_slice %arg7[%dma_start3A_105] : memref<256xi32, #tpu.memory_space<vmem>> -> memref<128xi32, #tpu.memory_space<vmem>>
    %dma_start3A_107 = arith.constant 0 : i32
    %dma_start3A_108 = tpu.memref_slice %arg5[%dma_start3A_107] : memref<100000xf32, #tpu.memory_space<hbm>> -> memref<100000xf32, #tpu.memory_space<hbm>>
    tpu.enqueue_indirect_dma source(%dma_start3A_108 : memref<100000xf32, #tpu.memory_space<hbm>>) target(%dma_start3A_104 : memref<128xf32, #tpu.memory_space<vmem>>) offsets(%dma_start3A_106 : memref<128xi32, #tpu.memory_space<vmem>>) semaphore(%arg19 : memref<!tpu.dma_semaphore, #tpu.memory_space<semaphore_mem>>)
    %dma_start3A_109 = arith.constant 128 : i32
    %dma_start3A_110 = arith.constant 0 : i32
    %dma_start3A_111 = tpu.memref_slice %arg9[%dma_start3A_109, %dma_start3A_110] : memref<256x64xf32, #tpu.memory_space<vmem>> -> memref<128x64xf32, #tpu.memory_space<vmem>>
    %dma_start3A_112 = arith.constant 128 : i32
    %dma_start3A_113 = tpu.memref_slice %arg7[%dma_start3A_112] : memref<256xi32, #tpu.memory_space<vmem>> -> memref<128xi32, #tpu.memory_space<vmem>>
    %dma_start3A_114 = arith.constant 0 : i32
    %dma_start3A_115 = arith.constant 0 : i32
    %dma_start3A_116 = tpu.memref_slice %arg4[%dma_start3A_114, %dma_start3A_115] : memref<100000x64xf32, #tpu.memory_space<hbm>> -> memref<100000x64xf32, #tpu.memory_space<hbm>>
    tpu.enqueue_indirect_dma source(%dma_start3A_116 : memref<100000x64xf32, #tpu.memory_space<hbm>>) target(%dma_start3A_111 : memref<128x64xf32, #tpu.memory_space<vmem>>) offsets(%dma_start3A_113 : memref<128xi32, #tpu.memory_space<vmem>>) semaphore(%arg19 : memref<!tpu.dma_semaphore, #tpu.memory_space<semaphore_mem>>)
    %dma_start3A_117 = arith.constant 128 : i32
    %dma_start3A_118 = tpu.memref_slice %arg13[%dma_start3A_117] : memref<256xf32, #tpu.memory_space<vmem>> -> memref<128xf32, #tpu.memory_space<vmem>>
    %dma_start3A_119 = arith.constant 128 : i32
    %dma_start3A_120 = tpu.memref_slice %arg7[%dma_start3A_119] : memref<256xi32, #tpu.memory_space<vmem>> -> memref<128xi32, #tpu.memory_space<vmem>>
    %dma_start3A_121 = arith.constant 0 : i32
    %dma_start3A_122 = tpu.memref_slice %arg5[%dma_start3A_121] : memref<100000xf32, #tpu.memory_space<hbm>> -> memref<100000xf32, #tpu.memory_space<hbm>>
    tpu.enqueue_indirect_dma source(%dma_start3A_122 : memref<100000xf32, #tpu.memory_space<hbm>>) target(%dma_start3A_118 : memref<128xf32, #tpu.memory_space<vmem>>) offsets(%dma_start3A_120 : memref<128xi32, #tpu.memory_space<vmem>>) semaphore(%arg19 : memref<!tpu.dma_semaphore, #tpu.memory_space<semaphore_mem>>)
    %jit3A_123 = arith.constant 128 : i32
    %div3A_124 = arith.divsi %mul3A_94, %jit3A_123 : i32
    %sign3A_125 = arith.constant 0 : i32
    %sign3A_126 = arith.cmpi sgt, %mul3A_94, %sign3A_125 : i32
    %sign3A_127 = arith.extui %sign3A_126 : i1 to i32
    %sign3A_128 = arith.constant 0 : i32
    %sign3A_129 = arith.cmpi slt, %mul3A_94, %sign3A_128 : i32
    %sign3A_130 = arith.extui %sign3A_129 : i1 to i32
    %sign3A_131 = arith.subi %sign3A_127, %sign3A_130 : i32
    %sign3A_132 = arith.constant 0 : i32
    %sign3A_133 = arith.cmpi sgt, %jit3A_123, %sign3A_132 : i32
    %sign3A_134 = arith.extui %sign3A_133 : i1 to i32
    %sign3A_135 = arith.constant 0 : i32
    %sign3A_136 = arith.cmpi slt, %jit3A_123, %sign3A_135 : i32
    %sign3A_137 = arith.extui %sign3A_136 : i1 to i32
    %sign3A_138 = arith.subi %sign3A_134, %sign3A_137 : i32
    %ne3A_139 = arith.cmpi ne, %sign3A_131, %sign3A_138 : i32
    %rem3A_140 = arith.remsi %mul3A_94, %jit3A_123 : i32
    %ne3A_141 = arith.constant 0 : i32
    %ne3A_142 = arith.cmpi ne, %rem3A_140, %ne3A_141 : i32
    %and3A_143 = arith.andi %ne3A_139, %ne3A_142 : i1
    %sub3A_144 = arith.constant 1 : i32
    %sub3A_145 = arith.subi %div3A_124, %sub3A_144 : i32
    %select_n3A_146 = arith.select %and3A_143, %sub3A_145, %div3A_124 : i32
    %add3A_147 = arith.constant 0 : i32
    %add3A_148 = arith.addi %select_n3A_146, %add3A_147 : i32
    %dma_start3A_149 = arith.constant 0 : i32
    %dma_start3A_150 = arith.constant 0 : i32
    %dma_start3A_151 = arith.constant 0 : i32
    %dma_start3A_152 = tpu.memref_slice %arg11[%dma_start3A_150, %dma_start3A_151] : memref<128x128xf32, #tpu.memory_space<vmem>> -> memref<8x128xf32, #tpu.memory_space<vmem>>
    %dma_start3A_153 = arith.constant 0 : i32
    %dma_start3A_154 = arith.constant 0 : i32
    %dma_start3A_155 = tpu.memref_slice %arg2[%select_n3A_89, %dma_start3A_149, %add3A_148, %dma_start3A_153, %dma_start3A_154] : memref<50x8x32x8x128xf32, #tpu.memory_space<hbm>> -> memref<1x1x1x8x128xf32, #tpu.memory_space<hbm>>
    %dma_start3A_156 = tpu.memref_squeeze %dma_start3A_155 : memref<1x1x1x8x128xf32, #tpu.memory_space<hbm>> -> memref<8x128xf32, #tpu.memory_space<hbm>>
    %dma_start3A_157 = arith.constant 0 : i32
    %dma_start3A_158 = arith.constant 0 : i32
    %dma_start3A_159 = tpu.memref_slice %arg11[%dma_start3A_157, %dma_start3A_158] : memref<128x128xf32, #tpu.memory_space<vmem>> -> memref<8x128xf32, #tpu.memory_space<vmem>>
    %dma_start3A_160 = arith.constant 0 : i32
    %dma_start3A_161 = arith.constant 0 : i32
    %dma_start3A_162 = tpu.memref_slice %arg2[%select_n3A_89, %dma_start3A_149, %add3A_148, %dma_start3A_160, %dma_start3A_161] : memref<50x8x32x8x128xf32, #tpu.memory_space<hbm>> -> memref<1x1x1x8x128xf32, #tpu.memory_space<hbm>>
    %dma_start3A_163 = tpu.memref_squeeze %dma_start3A_162 : memref<1x1x1x8x128xf32, #tpu.memory_space<hbm>> -> memref<8x128xf32, #tpu.memory_space<hbm>>
    tpu.enqueue_dma source(%dma_start3A_163 : memref<8x128xf32, #tpu.memory_space<hbm>>) target(%dma_start3A_159 : memref<8x128xf32, #tpu.memory_space<vmem>>) target_semaphore(%arg19 : memref<!tpu.dma_semaphore, #tpu.memory_space<semaphore_mem>>)
    %jit3A_164 = arith.constant 128 : i32
    %div3A_165 = arith.divsi %mul3A_94, %jit3A_164 : i32
    %sign3A_166 = arith.constant 0 : i32
    %sign3A_167 = arith.cmpi sgt, %mul3A_94, %sign3A_166 : i32
    %sign3A_168 = arith.extui %sign3A_167 : i1 to i32
    %sign3A_169 = arith.constant 0 : i32
    %sign3A_170 = arith.cmpi slt, %mul3A_94, %sign3A_169 : i32
    %sign3A_171 = arith.extui %sign3A_170 : i1 to i32
    %sign3A_172 = arith.subi %sign3A_168, %sign3A_171 : i32
    %sign3A_173 = arith.constant 0 : i32
    %sign3A_174 = arith.cmpi sgt, %jit3A_164, %sign3A_173 : i32
    %sign3A_175 = arith.extui %sign3A_174 : i1 to i32
    %sign3A_176 = arith.constant 0 : i32
    %sign3A_177 = arith.cmpi slt, %jit3A_164, %sign3A_176 : i32
    %sign3A_178 = arith.extui %sign3A_177 : i1 to i32
    %sign3A_179 = arith.subi %sign3A_175, %sign3A_178 : i32
    %ne3A_180 = arith.cmpi ne, %sign3A_172, %sign3A_179 : i32
    %rem3A_181 = arith.remsi %mul3A_94, %jit3A_164 : i32
    %ne3A_182 = arith.constant 0 : i32
    %ne3A_183 = arith.cmpi ne, %rem3A_181, %ne3A_182 : i32
    %and3A_184 = arith.andi %ne3A_180, %ne3A_183 : i1
    %sub3A_185 = arith.constant 1 : i32
    %sub3A_186 = arith.subi %div3A_165, %sub3A_185 : i32
    %select_n3A_187 = arith.select %and3A_184, %sub3A_186, %div3A_165 : i32
    %add3A_188 = arith.constant 0 : i32
    %add3A_189 = arith.addi %select_n3A_187, %add3A_188 : i32
    %dma_start3A_190 = arith.constant 1 : i32
    %dma_start3A_191 = arith.constant 8 : i32
    %dma_start3A_192 = arith.constant 0 : i32
    %dma_start3A_193 = tpu.memref_slice %arg11[%dma_start3A_191, %dma_start3A_192] : memref<128x128xf32, #tpu.memory_space<vmem>> -> memref<8x128xf32, #tpu.memory_space<vmem>>
    %dma_start3A_194 = arith.constant 0 : i32
    %dma_start3A_195 = arith.constant 0 : i32
    %dma_start3A_196 = tpu.memref_slice %arg2[%select_n3A_89, %dma_start3A_190, %add3A_189, %dma_start3A_194, %dma_start3A_195] : memref<50x8x32x8x128xf32, #tpu.memory_space<hbm>> -> memref<1x1x1x8x128xf32, #tpu.memory_space<hbm>>
    %dma_start3A_197 = tpu.memref_squeeze %dma_start3A_196 : memref<1x1x1x8x128xf32, #tpu.memory_space<hbm>> -> memref<8x128xf32, #tpu.memory_space<hbm>>
    %dma_start3A_198 = arith.constant 8 : i32
    %dma_start3A_199 = arith.constant 0 : i32
    %dma_start3A_200 = tpu.memref_slice %arg11[%dma_start3A_198, %dma_start3A_199] : memref<128x128xf32, #tpu.memory_space<vmem>> -> memref<8x128xf32, #tpu.memory_space<vmem>>
    %dma_start3A_201 = arith.constant 0 : i32
    %dma_start3A_202 = arith.constant 0 : i32
    %dma_start3A_203 = tpu.memref_slice %arg2[%select_n3A_89, %dma_start3A_190, %add3A_189, %dma_start3A_201, %dma_start3A_202] : memref<50x8x32x8x128xf32, #tpu.memory_space<hbm>> -> memref<1x1x1x8x128xf32, #tpu.memory_space<hbm>>
    %dma_start3A_204 = tpu.memref_squeeze %dma_start3A_203 : memref<1x1x1x8x128xf32, #tpu.memory_space<hbm>> -> memref<8x128xf32, #tpu.memory_space<hbm>>
    tpu.enqueue_dma source(%dma_start3A_204 : memref<8x128xf32, #tpu.memory_space<hbm>>) target(%dma_start3A_200 : memref<8x128xf32, #tpu.memory_space<vmem>>) target_semaphore(%arg19 : memref<!tpu.dma_semaphore, #tpu.memory_space<semaphore_mem>>)
    %jit3A_205 = arith.constant 128 : i32
    %div3A_206 = arith.divsi %mul3A_94, %jit3A_205 : i32
    %sign3A_207 = arith.constant 0 : i32
    %sign3A_208 = arith.cmpi sgt, %mul3A_94, %sign3A_207 : i32
    %sign3A_209 = arith.extui %sign3A_208 : i1 to i32
    %sign3A_210 = arith.constant 0 : i32
    %sign3A_211 = arith.cmpi slt, %mul3A_94, %sign3A_210 : i32
    %sign3A_212 = arith.extui %sign3A_211 : i1 to i32
    %sign3A_213 = arith.subi %sign3A_209, %sign3A_212 : i32
    %sign3A_214 = arith.constant 0 : i32
    %sign3A_215 = arith.cmpi sgt, %jit3A_205, %sign3A_214 : i32
    %sign3A_216 = arith.extui %sign3A_215 : i1 to i32
    %sign3A_217 = arith.constant 0 : i32
    %sign3A_218 = arith.cmpi slt, %jit3A_205, %sign3A_217 : i32
    %sign3A_219 = arith.extui %sign3A_218 : i1 to i32
    %sign3A_220 = arith.subi %sign3A_216, %sign3A_219 : i32
    %ne3A_221 = arith.cmpi ne, %sign3A_213, %sign3A_220 : i32
    %rem3A_222 = arith.remsi %mul3A_94, %jit3A_205 : i32
    %ne3A_223 = arith.constant 0 : i32
    %ne3A_224 = arith.cmpi ne, %rem3A_222, %ne3A_223 : i32
    %and3A_225 = arith.andi %ne3A_221, %ne3A_224 : i1
    %sub3A_226 = arith.constant 1 : i32
    %sub3A_227 = arith.subi %div3A_206, %sub3A_226 : i32
    %select_n3A_228 = arith.select %and3A_225, %sub3A_227, %div3A_206 : i32
    %add3A_229 = arith.constant 0 : i32
    %add3A_230 = arith.addi %select_n3A_228, %add3A_229 : i32
    %dma_start3A_231 = arith.constant 2 : i32
    %dma_start3A_232 = arith.constant 16 : i32
    %dma_start3A_233 = arith.constant 0 : i32
    %dma_start3A_234 = tpu.memref_slice %arg11[%dma_start3A_232, %dma_start3A_233] : memref<128x128xf32, #tpu.memory_space<vmem>> -> memref<8x128xf32, #tpu.memory_space<vmem>>
    %dma_start3A_235 = arith.constant 0 : i32
    %dma_start3A_236 = arith.constant 0 : i32
    %dma_start3A_237 = tpu.memref_slice %arg2[%select_n3A_89, %dma_start3A_231, %add3A_230, %dma_start3A_235, %dma_start3A_236] : memref<50x8x32x8x128xf32, #tpu.memory_space<hbm>> -> memref<1x1x1x8x128xf32, #tpu.memory_space<hbm>>
    %dma_start3A_238 = tpu.memref_squeeze %dma_start3A_237 : memref<1x1x1x8x128xf32, #tpu.memory_space<hbm>> -> memref<8x128xf32, #tpu.memory_space<hbm>>
    %dma_start3A_239 = arith.constant 16 : i32
    %dma_start3A_240 = arith.constant 0 : i32
    %dma_start3A_241 = tpu.memref_slice %arg11[%dma_start3A_239, %dma_start3A_240] : memref<128x128xf32, #tpu.memory_space<vmem>> -> memref<8x128xf32, #tpu.memory_space<vmem>>
    %dma_start3A_242 = arith.constant 0 : i32
    %dma_start3A_243 = arith.constant 0 : i32
    %dma_start3A_244 = tpu.memref_slice %arg2[%select_n3A_89, %dma_start3A_231, %add3A_230, %dma_start3A_242, %dma_start3A_243] : memref<50x8x32x8x128xf32, #tpu.memory_space<hbm>> -> memref<1x1x1x8x128xf32, #tpu.memory_space<hbm>>
    %dma_start3A_245 = tpu.memref_squeeze %dma_start3A_244 : memref<1x1x1x8x128xf32, #tpu.memory_space<hbm>> -> memref<8x128xf32, #tpu.memory_space<hbm>>
    tpu.enqueue_dma source(%dma_start3A_245 : memref<8x128xf32, #tpu.memory_space<hbm>>) target(%dma_start3A_241 : memref<8x128xf32, #tpu.memory_space<vmem>>) target_semaphore(%arg19 : memref<!tpu.dma_semaphore, #tpu.memory_space<semaphore_mem>>)
    %jit3A_246 = arith.constant 128 : i32
    %div3A_247 = arith.divsi %mul3A_94, %jit3A_246 : i32
    %sign3A_248 = arith.constant 0 : i32
    %sign3A_249 = arith.cmpi sgt, %mul3A_94, %sign3A_248 : i32
    %sign3A_250 = arith.extui %sign3A_249 : i1 to i32
    %sign3A_251 = arith.constant 0 : i32
    %sign3A_252 = arith.cmpi slt, %mul3A_94, %sign3A_251 : i32
    %sign3A_253 = arith.extui %sign3A_252 : i1 to i32
    %sign3A_254 = arith.subi %sign3A_250, %sign3A_253 : i32
    %sign3A_255 = arith.constant 0 : i32
    %sign3A_256 = arith.cmpi sgt, %jit3A_246, %sign3A_255 : i32
    %sign3A_257 = arith.extui %sign3A_256 : i1 to i32
    %sign3A_258 = arith.constant 0 : i32
    %sign3A_259 = arith.cmpi slt, %jit3A_246, %sign3A_258 : i32
    %sign3A_260 = arith.extui %sign3A_259 : i1 to i32
    %sign3A_261 = arith.subi %sign3A_257, %sign3A_260 : i32
    %ne3A_262 = arith.cmpi ne, %sign3A_254, %sign3A_261 : i32
    %rem3A_263 = arith.remsi %mul3A_94, %jit3A_246 : i32
    %ne3A_264 = arith.constant 0 : i32
    %ne3A_265 = arith.cmpi ne, %rem3A_263, %ne3A_264 : i32
    %and3A_266 = arith.andi %ne3A_262, %ne3A_265 : i1
    %sub3A_267 = arith.constant 1 : i32
    %sub3A_268 = arith.subi %div3A_247, %sub3A_267 : i32
    %select_n3A_269 = arith.select %and3A_266, %sub3A_268, %div3A_247 : i32
    %add3A_270 = arith.constant 0 : i32
    %add3A_271 = arith.addi %select_n3A_269, %add3A_270 : i32
    %dma_start3A_272 = arith.constant 3 : i32
    %dma_start3A_273 = arith.constant 24 : i32
    %dma_start3A_274 = arith.constant 0 : i32
    %dma_start3A_275 = tpu.memref_slice %arg11[%dma_start3A_273, %dma_start3A_274] : memref<128x128xf32, #tpu.memory_space<vmem>> -> memref<8x128xf32, #tpu.memory_space<vmem>>
    %dma_start3A_276 = arith.constant 0 : i32
    %dma_start3A_277 = arith.constant 0 : i32
    %dma_start3A_278 = tpu.memref_slice %arg2[%select_n3A_89, %dma_start3A_272, %add3A_271, %dma_start3A_276, %dma_start3A_277] : memref<50x8x32x8x128xf32, #tpu.memory_space<hbm>> -> memref<1x1x1x8x128xf32, #tpu.memory_space<hbm>>
    %dma_start3A_279 = tpu.memref_squeeze %dma_start3A_278 : memref<1x1x1x8x128xf32, #tpu.memory_space<hbm>> -> memref<8x128xf32, #tpu.memory_space<hbm>>
    %dma_start3A_280 = arith.constant 24 : i32
    %dma_start3A_281 = arith.constant 0 : i32
    %dma_start3A_282 = tpu.memref_slice %arg11[%dma_start3A_280, %dma_start3A_281] : memref<128x128xf32, #tpu.memory_space<vmem>> -> memref<8x128xf32, #tpu.memory_space<vmem>>
    %dma_start3A_283 = arith.constant 0 : i32
    %dma_start3A_284 = arith.constant 0 : i32
    %dma_start3A_285 = tpu.memref_slice %arg2[%select_n3A_89, %dma_start3A_272, %add3A_271, %dma_start3A_283, %dma_start3A_284] : memref<50x8x32x8x128xf32, #tpu.memory_space<hbm>> -> memref<1x1x1x8x128xf32, #tpu.memory_space<hbm>>
    %dma_start3A_286 = tpu.memref_squeeze %dma_start3A_285 : memref<1x1x1x8x128xf32, #tpu.memory_space<hbm>> -> memref<8x128xf32, #tpu.memory_space<hbm>>
    tpu.enqueue_dma source(%dma_start3A_286 : memref<8x128xf32, #tpu.memory_space<hbm>>) target(%dma_start3A_282 : memref<8x128xf32, #tpu.memory_space<vmem>>) target_semaphore(%arg19 : memref<!tpu.dma_semaphore, #tpu.memory_space<semaphore_mem>>)
    %jit3A_287 = arith.constant 128 : i32
    %div3A_288 = arith.divsi %mul3A_94, %jit3A_287 : i32
    %sign3A_289 = arith.constant 0 : i32
    %sign3A_290 = arith.cmpi sgt, %mul3A_94, %sign3A_289 : i32
    %sign3A_291 = arith.extui %sign3A_290 : i1 to i32
    %sign3A_292 = arith.constant 0 : i32
    %sign3A_293 = arith.cmpi slt, %mul3A_94, %sign3A_292 : i32
    %sign3A_294 = arith.extui %sign3A_293 : i1 to i32
    %sign3A_295 = arith.subi %sign3A_291, %sign3A_294 : i32
    %sign3A_296 = arith.constant 0 : i32
    %sign3A_297 = arith.cmpi sgt, %jit3A_287, %sign3A_296 : i32
    %sign3A_298 = arith.extui %sign3A_297 : i1 to i32
    %sign3A_299 = arith.constant 0 : i32
    %sign3A_300 = arith.cmpi slt, %jit3A_287, %sign3A_299 : i32
    %sign3A_301 = arith.extui %sign3A_300 : i1 to i32
    %sign3A_302 = arith.subi %sign3A_298, %sign3A_301 : i32
    %ne3A_303 = arith.cmpi ne, %sign3A_295, %sign3A_302 : i32
    %rem3A_304 = arith.remsi %mul3A_94, %jit3A_287 : i32
    %ne3A_305 = arith.constant 0 : i32
    %ne3A_306 = arith.cmpi ne, %rem3A_304, %ne3A_305 : i32
    %and3A_307 = arith.andi %ne3A_303, %ne3A_306 : i1
    %sub3A_308 = arith.constant 1 : i32
    %sub3A_309 = arith.subi %div3A_288, %sub3A_308 : i32
    %select_n3A_310 = arith.select %and3A_307, %sub3A_309, %div3A_288 : i32
    %add3A_311 = arith.constant 0 : i32
    %add3A_312 = arith.addi %select_n3A_310, %add3A_311 : i32
    %dma_start3A_313 = arith.constant 4 : i32
    %dma_start3A_314 = arith.constant 32 : i32
    %dma_start3A_315 = arith.constant 0 : i32
    %dma_start3A_316 = tpu.memref_slice %arg11[%dma_start3A_314, %dma_start3A_315] : memref<128x128xf32, #tpu.memory_space<vmem>> -> memref<8x128xf32, #tpu.memory_space<vmem>>
    %dma_start3A_317 = arith.constant 0 : i32
    %dma_start3A_318 = arith.constant 0 : i32
    %dma_start3A_319 = tpu.memref_slice %arg2[%select_n3A_89, %dma_start3A_313, %add3A_312, %dma_start3A_317, %dma_start3A_318] : memref<50x8x32x8x128xf32, #tpu.memory_space<hbm>> -> memref<1x1x1x8x128xf32, #tpu.memory_space<hbm>>
    %dma_start3A_320 = tpu.memref_squeeze %dma_start3A_319 : memref<1x1x1x8x128xf32, #tpu.memory_space<hbm>> -> memref<8x128xf32, #tpu.memory_space<hbm>>
    %dma_start3A_321 = arith.constant 32 : i32
    %dma_start3A_322 = arith.constant 0 : i32
    %dma_start3A_323 = tpu.memref_slice %arg11[%dma_start3A_321, %dma_start3A_322] : memref<128x128xf32, #tpu.memory_space<vmem>> -> memref<8x128xf32, #tpu.memory_space<vmem>>
    %dma_start3A_324 = arith.constant 0 : i32
    %dma_start3A_325 = arith.constant 0 : i32
    %dma_start3A_326 = tpu.memref_slice %arg2[%select_n3A_89, %dma_start3A_313, %add3A_312, %dma_start3A_324, %dma_start3A_325] : memref<50x8x32x8x128xf32, #tpu.memory_space<hbm>> -> memref<1x1x1x8x128xf32, #tpu.memory_space<hbm>>
    %dma_start3A_327 = tpu.memref_squeeze %dma_start3A_326 : memref<1x1x1x8x128xf32, #tpu.memory_space<hbm>> -> memref<8x128xf32, #tpu.memory_space<hbm>>
    tpu.enqueue_dma source(%dma_start3A_327 : memref<8x128xf32, #tpu.memory_space<hbm>>) target(%dma_start3A_323 : memref<8x128xf32, #tpu.memory_space<vmem>>) target_semaphore(%arg19 : memref<!tpu.dma_semaphore, #tpu.memory_space<semaphore_mem>>)
    %jit3A_328 = arith.constant 128 : i32
    %div3A_329 = arith.divsi %mul3A_94, %jit3A_328 : i32
    %sign3A_330 = arith.constant 0 : i32
    %sign3A_331 = arith.cmpi sgt, %mul3A_94, %sign3A_330 : i32
    %sign3A_332 = arith.extui %sign3A_331 : i1 to i32
    %sign3A_333 = arith.constant 0 : i32
    %sign3A_334 = arith.cmpi slt, %mul3A_94, %sign3A_333 : i32
    %sign3A_335 = arith.extui %sign3A_334 : i1 to i32
    %sign3A_336 = arith.subi %sign3A_332, %sign3A_335 : i32
    %sign3A_337 = arith.constant 0 : i32
    %sign3A_338 = arith.cmpi sgt, %jit3A_328, %sign3A_337 : i32
    %sign3A_339 = arith.extui %sign3A_338 : i1 to i32
    %sign3A_340 = arith.constant 0 : i32
    %sign3A_341 = arith.cmpi slt, %jit3A_328, %sign3A_340 : i32
    %sign3A_342 = arith.extui %sign3A_341 : i1 to i32
    %sign3A_343 = arith.subi %sign3A_339, %sign3A_342 : i32
    %ne3A_344 = arith.cmpi ne, %sign3A_336, %sign3A_343 : i32
    %rem3A_345 = arith.remsi %mul3A_94, %jit3A_328 : i32
    %ne3A_346 = arith.constant 0 : i32
    %ne3A_347 = arith.cmpi ne, %rem3A_345, %ne3A_346 : i32
    %and3A_348 = arith.andi %ne3A_344, %ne3A_347 : i1
    %sub3A_349 = arith.constant 1 : i32
    %sub3A_350 = arith.subi %div3A_329, %sub3A_349 : i32
    %select_n3A_351 = arith.select %and3A_348, %sub3A_350, %div3A_329 : i32
    %add3A_352 = arith.constant 0 : i32
    %add3A_353 = arith.addi %select_n3A_351, %add3A_352 : i32
    %dma_start3A_354 = arith.constant 5 : i32
    %dma_start3A_355 = arith.constant 40 : i32
    %dma_start3A_356 = arith.constant 0 : i32
    %dma_start3A_357 = tpu.memref_slice %arg11[%dma_start3A_355, %dma_start3A_356] : memref<128x128xf32, #tpu.memory_space<vmem>> -> memref<8x128xf32, #tpu.memory_space<vmem>>
    %dma_start3A_358 = arith.constant 0 : i32
    %dma_start3A_359 = arith.constant 0 : i32
    %dma_start3A_360 = tpu.memref_slice %arg2[%select_n3A_89, %dma_start3A_354, %add3A_353, %dma_start3A_358, %dma_start3A_359] : memref<50x8x32x8x128xf32, #tpu.memory_space<hbm>> -> memref<1x1x1x8x128xf32, #tpu.memory_space<hbm>>
    %dma_start3A_361 = tpu.memref_squeeze %dma_start3A_360 : memref<1x1x1x8x128xf32, #tpu.memory_space<hbm>> -> memref<8x128xf32, #tpu.memory_space<hbm>>
    %dma_start3A_362 = arith.constant 40 : i32
    %dma_start3A_363 = arith.constant 0 : i32
    %dma_start3A_364 = tpu.memref_slice %arg11[%dma_start3A_362, %dma_start3A_363] : memref<128x128xf32, #tpu.memory_space<vmem>> -> memref<8x128xf32, #tpu.memory_space<vmem>>
    %dma_start3A_365 = arith.constant 0 : i32
    %dma_start3A_366 = arith.constant 0 : i32
    %dma_start3A_367 = tpu.memref_slice %arg2[%select_n3A_89, %dma_start3A_354, %add3A_353, %dma_start3A_365, %dma_start3A_366] : memref<50x8x32x8x128xf32, #tpu.memory_space<hbm>> -> memref<1x1x1x8x128xf32, #tpu.memory_space<hbm>>
    %dma_start3A_368 = tpu.memref_squeeze %dma_start3A_367 : memref<1x1x1x8x128xf32, #tpu.memory_space<hbm>> -> memref<8x128xf32, #tpu.memory_space<hbm>>
    tpu.enqueue_dma source(%dma_start3A_368 : memref<8x128xf32, #tpu.memory_space<hbm>>) target(%dma_start3A_364 : memref<8x128xf32, #tpu.memory_space<vmem>>) target_semaphore(%arg19 : memref<!tpu.dma_semaphore, #tpu.memory_space<semaphore_mem>>)
    %jit3A_369 = arith.constant 128 : i32
    %div3A_370 = arith.divsi %mul3A_94, %jit3A_369 : i32
    %sign3A_371 = arith.constant 0 : i32
    %sign3A_372 = arith.cmpi sgt, %mul3A_94, %sign3A_371 : i32
    %sign3A_373 = arith.extui %sign3A_372 : i1 to i32
    %sign3A_374 = arith.constant 0 : i32
    %sign3A_375 = arith.cmpi slt, %mul3A_94, %sign3A_374 : i32
    %sign3A_376 = arith.extui %sign3A_375 : i1 to i32
    %sign3A_377 = arith.subi %sign3A_373, %sign3A_376 : i32
    %sign3A_378 = arith.constant 0 : i32
    %sign3A_379 = arith.cmpi sgt, %jit3A_369, %sign3A_378 : i32
    %sign3A_380 = arith.extui %sign3A_379 : i1 to i32
    %sign3A_381 = arith.constant 0 : i32
    %sign3A_382 = arith.cmpi slt, %jit3A_369, %sign3A_381 : i32
    %sign3A_383 = arith.extui %sign3A_382 : i1 to i32
    %sign3A_384 = arith.subi %sign3A_380, %sign3A_383 : i32
    %ne3A_385 = arith.cmpi ne, %sign3A_377, %sign3A_384 : i32
    %rem3A_386 = arith.remsi %mul3A_94, %jit3A_369 : i32
    %ne3A_387 = arith.constant 0 : i32
    %ne3A_388 = arith.cmpi ne, %rem3A_386, %ne3A_387 : i32
    %and3A_389 = arith.andi %ne3A_385, %ne3A_388 : i1
    %sub3A_390 = arith.constant 1 : i32
    %sub3A_391 = arith.subi %div3A_370, %sub3A_390 : i32
    %select_n3A_392 = arith.select %and3A_389, %sub3A_391, %div3A_370 : i32
    %add3A_393 = arith.constant 0 : i32
    %add3A_394 = arith.addi %select_n3A_392, %add3A_393 : i32
    %dma_start3A_395 = arith.constant 6 : i32
    %dma_start3A_396 = arith.constant 48 : i32
    %dma_start3A_397 = arith.constant 0 : i32
    %dma_start3A_398 = tpu.memref_slice %arg11[%dma_start3A_396, %dma_start3A_397] : memref<128x128xf32, #tpu.memory_space<vmem>> -> memref<8x128xf32, #tpu.memory_space<vmem>>
    %dma_start3A_399 = arith.constant 0 : i32
    %dma_start3A_400 = arith.constant 0 : i32
    %dma_start3A_401 = tpu.memref_slice %arg2[%select_n3A_89, %dma_start3A_395, %add3A_394, %dma_start3A_399, %dma_start3A_400] : memref<50x8x32x8x128xf32, #tpu.memory_space<hbm>> -> memref<1x1x1x8x128xf32, #tpu.memory_space<hbm>>
    %dma_start3A_402 = tpu.memref_squeeze %dma_start3A_401 : memref<1x1x1x8x128xf32, #tpu.memory_space<hbm>> -> memref<8x128xf32, #tpu.memory_space<hbm>>
    %dma_start3A_403 = arith.constant 48 : i32
    %dma_start3A_404 = arith.constant 0 : i32
    %dma_start3A_405 = tpu.memref_slice %arg11[%dma_start3A_403, %dma_start3A_404] : memref<128x128xf32, #tpu.memory_space<vmem>> -> memref<8x128xf32, #tpu.memory_space<vmem>>
    %dma_start3A_406 = arith.constant 0 : i32
    %dma_start3A_407 = arith.constant 0 : i32
    %dma_start3A_408 = tpu.memref_slice %arg2[%select_n3A_89, %dma_start3A_395, %add3A_394, %dma_start3A_406, %dma_start3A_407] : memref<50x8x32x8x128xf32, #tpu.memory_space<hbm>> -> memref<1x1x1x8x128xf32, #tpu.memory_space<hbm>>
    %dma_start3A_409 = tpu.memref_squeeze %dma_start3A_408 : memref<1x1x1x8x128xf32, #tpu.memory_space<hbm>> -> memref<8x128xf32, #tpu.memory_space<hbm>>
    tpu.enqueue_dma source(%dma_start3A_409 : memref<8x128xf32, #tpu.memory_space<hbm>>) target(%dma_start3A_405 : memref<8x128xf32, #tpu.memory_space<vmem>>) target_semaphore(%arg19 : memref<!tpu.dma_semaphore, #tpu.memory_space<semaphore_mem>>)
    %jit3A_410 = arith.constant 128 : i32
    %div3A_411 = arith.divsi %mul3A_94, %jit3A_410 : i32
    %sign3A_412 = arith.constant 0 : i32
    %sign3A_413 = arith.cmpi sgt, %mul3A_94, %sign3A_412 : i32
    %sign3A_414 = arith.extui %sign3A_413 : i1 to i32
    %sign3A_415 = arith.constant 0 : i32
    %sign3A_416 = arith.cmpi slt, %mul3A_94, %sign3A_415 : i32
    %sign3A_417 = arith.extui %sign3A_416 : i1 to i32
    %sign3A_418 = arith.subi %sign3A_414, %sign3A_417 : i32
    %sign3A_419 = arith.constant 0 : i32
    %sign3A_420 = arith.cmpi sgt, %jit3A_410, %sign3A_419 : i32
    %sign3A_421 = arith.extui %sign3A_420 : i1 to i32
    %sign3A_422 = arith.constant 0 : i32
    %sign3A_423 = arith.cmpi slt, %jit3A_410, %sign3A_422 : i32
    %sign3A_424 = arith.extui %sign3A_423 : i1 to i32
    %sign3A_425 = arith.subi %sign3A_421, %sign3A_424 : i32
    %ne3A_426 = arith.cmpi ne, %sign3A_418, %sign3A_425 : i32
    %rem3A_427 = arith.remsi %mul3A_94, %jit3A_410 : i32
    %ne3A_428 = arith.constant 0 : i32
    %ne3A_429 = arith.cmpi ne, %rem3A_427, %ne3A_428 : i32
    %and3A_430 = arith.andi %ne3A_426, %ne3A_429 : i1
    %sub3A_431 = arith.constant 1 : i32
    %sub3A_432 = arith.subi %div3A_411, %sub3A_431 : i32
    %select_n3A_433 = arith.select %and3A_430, %sub3A_432, %div3A_411 : i32
    %add3A_434 = arith.constant 0 : i32
    %add3A_435 = arith.addi %select_n3A_433, %add3A_434 : i32
    %dma_start3A_436 = arith.constant 7 : i32
    %dma_start3A_437 = arith.constant 56 : i32
    %dma_start3A_438 = arith.constant 0 : i32
    %dma_start3A_439 = tpu.memref_slice %arg11[%dma_start3A_437, %dma_start3A_438] : memref<128x128xf32, #tpu.memory_space<vmem>> -> memref<8x128xf32, #tpu.memory_space<vmem>>
    %dma_start3A_440 = arith.constant 0 : i32
    %dma_start3A_441 = arith.constant 0 : i32
    %dma_start3A_442 = tpu.memref_slice %arg2[%select_n3A_89, %dma_start3A_436, %add3A_435, %dma_start3A_440, %dma_start3A_441] : memref<50x8x32x8x128xf32, #tpu.memory_space<hbm>> -> memref<1x1x1x8x128xf32, #tpu.memory_space<hbm>>
    %dma_start3A_443 = tpu.memref_squeeze %dma_start3A_442 : memref<1x1x1x8x128xf32, #tpu.memory_space<hbm>> -> memref<8x128xf32, #tpu.memory_space<hbm>>
    %dma_start3A_444 = arith.constant 56 : i32
    %dma_start3A_445 = arith.constant 0 : i32
    %dma_start3A_446 = tpu.memref_slice %arg11[%dma_start3A_444, %dma_start3A_445] : memref<128x128xf32, #tpu.memory_space<vmem>> -> memref<8x128xf32, #tpu.memory_space<vmem>>
    %dma_start3A_447 = arith.constant 0 : i32
    %dma_start3A_448 = arith.constant 0 : i32
    %dma_start3A_449 = tpu.memref_slice %arg2[%select_n3A_89, %dma_start3A_436, %add3A_435, %dma_start3A_447, %dma_start3A_448] : memref<50x8x32x8x128xf32, #tpu.memory_space<hbm>> -> memref<1x1x1x8x128xf32, #tpu.memory_space<hbm>>
    %dma_start3A_450 = tpu.memref_squeeze %dma_start3A_449 : memref<1x1x1x8x128xf32, #tpu.memory_space<hbm>> -> memref<8x128xf32, #tpu.memory_space<hbm>>
    tpu.enqueue_dma source(%dma_start3A_450 : memref<8x128xf32, #tpu.memory_space<hbm>>) target(%dma_start3A_446 : memref<8x128xf32, #tpu.memory_space<vmem>>) target_semaphore(%arg19 : memref<!tpu.dma_semaphore, #tpu.memory_space<semaphore_mem>>)
    %jit3A_451 = arith.constant 128 : i32
    %div3A_452 = arith.divsi %mul3A_94, %jit3A_451 : i32
    %sign3A_453 = arith.constant 0 : i32
    %sign3A_454 = arith.cmpi sgt, %mul3A_94, %sign3A_453 : i32
    %sign3A_455 = arith.extui %sign3A_454 : i1 to i32
    %sign3A_456 = arith.constant 0 : i32
    %sign3A_457 = arith.cmpi slt, %mul3A_94, %sign3A_456 : i32
    %sign3A_458 = arith.extui %sign3A_457 : i1 to i32
    %sign3A_459 = arith.subi %sign3A_455, %sign3A_458 : i32
    %sign3A_460 = arith.constant 0 : i32
    %sign3A_461 = arith.cmpi sgt, %jit3A_451, %sign3A_460 : i32
    %sign3A_462 = arith.extui %sign3A_461 : i1 to i32
    %sign3A_463 = arith.constant 0 : i32
    %sign3A_464 = arith.cmpi slt, %jit3A_451, %sign3A_463 : i32
    %sign3A_465 = arith.extui %sign3A_464 : i1 to i32
    %sign3A_466 = arith.subi %sign3A_462, %sign3A_465 : i32
    %ne3A_467 = arith.cmpi ne, %sign3A_459, %sign3A_466 : i32
    %rem3A_468 = arith.remsi %mul3A_94, %jit3A_451 : i32
    %ne3A_469 = arith.constant 0 : i32
    %ne3A_470 = arith.cmpi ne, %rem3A_468, %ne3A_469 : i32
    %and3A_471 = arith.andi %ne3A_467, %ne3A_470 : i1
    %sub3A_472 = arith.constant 1 : i32
    %sub3A_473 = arith.subi %div3A_452, %sub3A_472 : i32
    %select_n3A_474 = arith.select %and3A_471, %sub3A_473, %div3A_452 : i32
    %add3A_475 = arith.constant 1 : i32
    %add3A_476 = arith.addi %select_n3A_474, %add3A_475 : i32
    %dma_start3A_477 = arith.constant 0 : i32
    %dma_start3A_478 = arith.constant 64 : i32
    %dma_start3A_479 = arith.constant 0 : i32
    %dma_start3A_480 = tpu.memref_slice %arg11[%dma_start3A_478, %dma_start3A_479] : memref<128x128xf32, #tpu.memory_space<vmem>> -> memref<8x128xf32, #tpu.memory_space<vmem>>
    %dma_start3A_481 = arith.constant 0 : i32
    %dma_start3A_482 = arith.constant 0 : i32
    %dma_start3A_483 = tpu.memref_slice %arg2[%select_n3A_89, %dma_start3A_477, %add3A_476, %dma_start3A_481, %dma_start3A_482] : memref<50x8x32x8x128xf32, #tpu.memory_space<hbm>> -> memref<1x1x1x8x128xf32, #tpu.memory_space<hbm>>
    %dma_start3A_484 = tpu.memref_squeeze %dma_start3A_483 : memref<1x1x1x8x128xf32, #tpu.memory_space<hbm>> -> memref<8x128xf32, #tpu.memory_space<hbm>>
    %dma_start3A_485 = arith.constant 64 : i32
    %dma_start3A_486 = arith.constant 0 : i32
    %dma_start3A_487 = tpu.memref_slice %arg11[%dma_start3A_485, %dma_start3A_486] : memref<128x128xf32, #tpu.memory_space<vmem>> -> memref<8x128xf32, #tpu.memory_space<vmem>>
    %dma_start3A_488 = arith.constant 0 : i32
    %dma_start3A_489 = arith.constant 0 : i32
    %dma_start3A_490 = tpu.memref_slice %arg2[%select_n3A_89, %dma_start3A_477, %add3A_476, %dma_start3A_488, %dma_start3A_489] : memref<50x8x32x8x128xf32, #tpu.memory_space<hbm>> -> memref<1x1x1x8x128xf32, #tpu.memory_space<hbm>>
    %dma_start3A_491 = tpu.memref_squeeze %dma_start3A_490 : memref<1x1x1x8x128xf32, #tpu.memory_space<hbm>> -> memref<8x128xf32, #tpu.memory_space<hbm>>
    tpu.enqueue_dma source(%dma_start3A_491 : memref<8x128xf32, #tpu.memory_space<hbm>>) target(%dma_start3A_487 : memref<8x128xf32, #tpu.memory_space<vmem>>) target_semaphore(%arg19 : memref<!tpu.dma_semaphore, #tpu.memory_space<semaphore_mem>>)
    %jit3A_492 = arith.constant 128 : i32
    %div3A_493 = arith.divsi %mul3A_94, %jit3A_492 : i32
    %sign3A_494 = arith.constant 0 : i32
    %sign3A_495 = arith.cmpi sgt, %mul3A_94, %sign3A_494 : i32
    %sign3A_496 = arith.extui %sign3A_495 : i1 to i32
    %sign3A_497 = arith.constant 0 : i32
    %sign3A_498 = arith.cmpi slt, %mul3A_94, %sign3A_497 : i32
    %sign3A_499 = arith.extui %sign3A_498 : i1 to i32
    %sign3A_500 = arith.subi %sign3A_496, %sign3A_499 : i32
    %sign3A_501 = arith.constant 0 : i32
    %sign3A_502 = arith.cmpi sgt, %jit3A_492, %sign3A_501 : i32
    %sign3A_503 = arith.extui %sign3A_502 : i1 to i32
    %sign3A_504 = arith.constant 0 : i32
    %sign3A_505 = arith.cmpi slt, %jit3A_492, %sign3A_504 : i32
    %sign3A_506 = arith.extui %sign3A_505 : i1 to i32
    %sign3A_507 = arith.subi %sign3A_503, %sign3A_506 : i32
    %ne3A_508 = arith.cmpi ne, %sign3A_500, %sign3A_507 : i32
    %rem3A_509 = arith.remsi %mul3A_94, %jit3A_492 : i32
    %ne3A_510 = arith.constant 0 : i32
    %ne3A_511 = arith.cmpi ne, %rem3A_509, %ne3A_510 : i32
    %and3A_512 = arith.andi %ne3A_508, %ne3A_511 : i1
    %sub3A_513 = arith.constant 1 : i32
    %sub3A_514 = arith.subi %div3A_493, %sub3A_513 : i32
    %select_n3A_515 = arith.select %and3A_512, %sub3A_514, %div3A_493 : i32
    %add3A_516 = arith.constant 1 : i32
    %add3A_517 = arith.addi %select_n3A_515, %add3A_516 : i32
    %dma_start3A_518 = arith.constant 1 : i32
    %dma_start3A_519 = arith.constant 72 : i32
    %dma_start3A_520 = arith.constant 0 : i32
    %dma_start3A_521 = tpu.memref_slice %arg11[%dma_start3A_519, %dma_start3A_520] : memref<128x128xf32, #tpu.memory_space<vmem>> -> memref<8x128xf32, #tpu.memory_space<vmem>>
    %dma_start3A_522 = arith.constant 0 : i32
    %dma_start3A_523 = arith.constant 0 : i32
    %dma_start3A_524 = tpu.memref_slice %arg2[%select_n3A_89, %dma_start3A_518, %add3A_517, %dma_start3A_522, %dma_start3A_523] : memref<50x8x32x8x128xf32, #tpu.memory_space<hbm>> -> memref<1x1x1x8x128xf32, #tpu.memory_space<hbm>>
    %dma_start3A_525 = tpu.memref_squeeze %dma_start3A_524 : memref<1x1x1x8x128xf32, #tpu.memory_space<hbm>> -> memref<8x128xf32, #tpu.memory_space<hbm>>
    %dma_start3A_526 = arith.constant 72 : i32
    %dma_start3A_527 = arith.constant 0 : i32
    %dma_start3A_528 = tpu.memref_slice %arg11[%dma_start3A_526, %dma_start3A_527] : memref<128x128xf32, #tpu.memory_space<vmem>> -> memref<8x128xf32, #tpu.memory_space<vmem>>
    %dma_start3A_529 = arith.constant 0 : i32
    %dma_start3A_530 = arith.constant 0 : i32
    %dma_start3A_531 = tpu.memref_slice %arg2[%select_n3A_89, %dma_start3A_518, %add3A_517, %dma_start3A_529, %dma_start3A_530] : memref<50x8x32x8x128xf32, #tpu.memory_space<hbm>> -> memref<1x1x1x8x128xf32, #tpu.memory_space<hbm>>
    %dma_start3A_532 = tpu.memref_squeeze %dma_start3A_531 : memref<1x1x1x8x128xf32, #tpu.memory_space<hbm>> -> memref<8x128xf32, #tpu.memory_space<hbm>>
    tpu.enqueue_dma source(%dma_start3A_532 : memref<8x128xf32, #tpu.memory_space<hbm>>) target(%dma_start3A_528 : memref<8x128xf32, #tpu.memory_space<vmem>>) target_semaphore(%arg19 : memref<!tpu.dma_semaphore, #tpu.memory_space<semaphore_mem>>)
    %jit3A_533 = arith.constant 128 : i32
    %div3A_534 = arith.divsi %mul3A_94, %jit3A_533 : i32
    %sign3A_535 = arith.constant 0 : i32
    %sign3A_536 = arith.cmpi sgt, %mul3A_94, %sign3A_535 : i32
    %sign3A_537 = arith.extui %sign3A_536 : i1 to i32
    %sign3A_538 = arith.constant 0 : i32
    %sign3A_539 = arith.cmpi slt, %mul3A_94, %sign3A_538 : i32
    %sign3A_540 = arith.extui %sign3A_539 : i1 to i32
    %sign3A_541 = arith.subi %sign3A_537, %sign3A_540 : i32
    %sign3A_542 = arith.constant 0 : i32
    %sign3A_543 = arith.cmpi sgt, %jit3A_533, %sign3A_542 : i32
    %sign3A_544 = arith.extui %sign3A_543 : i1 to i32
    %sign3A_545 = arith.constant 0 : i32
    %sign3A_546 = arith.cmpi slt, %jit3A_533, %sign3A_545 : i32
    %sign3A_547 = arith.extui %sign3A_546 : i1 to i32
    %sign3A_548 = arith.subi %sign3A_544, %sign3A_547 : i32
    %ne3A_549 = arith.cmpi ne, %sign3A_541, %sign3A_548 : i32
    %rem3A_550 = arith.remsi %mul3A_94, %jit3A_533 : i32
    %ne3A_551 = arith.constant 0 : i32
    %ne3A_552 = arith.cmpi ne, %rem3A_550, %ne3A_551 : i32
    %and3A_553 = arith.andi %ne3A_549, %ne3A_552 : i1
    %sub3A_554 = arith.constant 1 : i32
    %sub3A_555 = arith.subi %div3A_534, %sub3A_554 : i32
    %select_n3A_556 = arith.select %and3A_553, %sub3A_555, %div3A_534 : i32
    %add3A_557 = arith.constant 1 : i32
    %add3A_558 = arith.addi %select_n3A_556, %add3A_557 : i32
    %dma_start3A_559 = arith.constant 2 : i32
    %dma_start3A_560 = arith.constant 80 : i32
    %dma_start3A_561 = arith.constant 0 : i32
    %dma_start3A_562 = tpu.memref_slice %arg11[%dma_start3A_560, %dma_start3A_561] : memref<128x128xf32, #tpu.memory_space<vmem>> -> memref<8x128xf32, #tpu.memory_space<vmem>>
    %dma_start3A_563 = arith.constant 0 : i32
    %dma_start3A_564 = arith.constant 0 : i32
    %dma_start3A_565 = tpu.memref_slice %arg2[%select_n3A_89, %dma_start3A_559, %add3A_558, %dma_start3A_563, %dma_start3A_564] : memref<50x8x32x8x128xf32, #tpu.memory_space<hbm>> -> memref<1x1x1x8x128xf32, #tpu.memory_space<hbm>>
    %dma_start3A_566 = tpu.memref_squeeze %dma_start3A_565 : memref<1x1x1x8x128xf32, #tpu.memory_space<hbm>> -> memref<8x128xf32, #tpu.memory_space<hbm>>
    %dma_start3A_567 = arith.constant 80 : i32
    %dma_start3A_568 = arith.constant 0 : i32
    %dma_start3A_569 = tpu.memref_slice %arg11[%dma_start3A_567, %dma_start3A_568] : memref<128x128xf32, #tpu.memory_space<vmem>> -> memref<8x128xf32, #tpu.memory_space<vmem>>
    %dma_start3A_570 = arith.constant 0 : i32
    %dma_start3A_571 = arith.constant 0 : i32
    %dma_start3A_572 = tpu.memref_slice %arg2[%select_n3A_89, %dma_start3A_559, %add3A_558, %dma_start3A_570, %dma_start3A_571] : memref<50x8x32x8x128xf32, #tpu.memory_space<hbm>> -> memref<1x1x1x8x128xf32, #tpu.memory_space<hbm>>
    %dma_start3A_573 = tpu.memref_squeeze %dma_start3A_572 : memref<1x1x1x8x128xf32, #tpu.memory_space<hbm>> -> memref<8x128xf32, #tpu.memory_space<hbm>>
    tpu.enqueue_dma source(%dma_start3A_573 : memref<8x128xf32, #tpu.memory_space<hbm>>) target(%dma_start3A_569 : memref<8x128xf32, #tpu.memory_space<vmem>>) target_semaphore(%arg19 : memref<!tpu.dma_semaphore, #tpu.memory_space<semaphore_mem>>)
    %jit3A_574 = arith.constant 128 : i32
    %div3A_575 = arith.divsi %mul3A_94, %jit3A_574 : i32
    %sign3A_576 = arith.constant 0 : i32
    %sign3A_577 = arith.cmpi sgt, %mul3A_94, %sign3A_576 : i32
    %sign3A_578 = arith.extui %sign3A_577 : i1 to i32
    %sign3A_579 = arith.constant 0 : i32
    %sign3A_580 = arith.cmpi slt, %mul3A_94, %sign3A_579 : i32
    %sign3A_581 = arith.extui %sign3A_580 : i1 to i32
    %sign3A_582 = arith.subi %sign3A_578, %sign3A_581 : i32
    %sign3A_583 = arith.constant 0 : i32
    %sign3A_584 = arith.cmpi sgt, %jit3A_574, %sign3A_583 : i32
    %sign3A_585 = arith.extui %sign3A_584 : i1 to i32
    %sign3A_586 = arith.constant 0 : i32
    %sign3A_587 = arith.cmpi slt, %jit3A_574, %sign3A_586 : i32
    %sign3A_588 = arith.extui %sign3A_587 : i1 to i32
    %sign3A_589 = arith.subi %sign3A_585, %sign3A_588 : i32
    %ne3A_590 = arith.cmpi ne, %sign3A_582, %sign3A_589 : i32
    %rem3A_591 = arith.remsi %mul3A_94, %jit3A_574 : i32
    %ne3A_592 = arith.constant 0 : i32
    %ne3A_593 = arith.cmpi ne, %rem3A_591, %ne3A_592 : i32
    %and3A_594 = arith.andi %ne3A_590, %ne3A_593 : i1
    %sub3A_595 = arith.constant 1 : i32
    %sub3A_596 = arith.subi %div3A_575, %sub3A_595 : i32
    %select_n3A_597 = arith.select %and3A_594, %sub3A_596, %div3A_575 : i32
    %add3A_598 = arith.constant 1 : i32
    %add3A_599 = arith.addi %select_n3A_597, %add3A_598 : i32
    %dma_start3A_600 = arith.constant 3 : i32
    %dma_start3A_601 = arith.constant 88 : i32
    %dma_start3A_602 = arith.constant 0 : i32
    %dma_start3A_603 = tpu.memref_slice %arg11[%dma_start3A_601, %dma_start3A_602] : memref<128x128xf32, #tpu.memory_space<vmem>> -> memref<8x128xf32, #tpu.memory_space<vmem>>
    %dma_start3A_604 = arith.constant 0 : i32
    %dma_start3A_605 = arith.constant 0 : i32
    %dma_start3A_606 = tpu.memref_slice %arg2[%select_n3A_89, %dma_start3A_600, %add3A_599, %dma_start3A_604, %dma_start3A_605] : memref<50x8x32x8x128xf32, #tpu.memory_space<hbm>> -> memref<1x1x1x8x128xf32, #tpu.memory_space<hbm>>
    %dma_start3A_607 = tpu.memref_squeeze %dma_start3A_606 : memref<1x1x1x8x128xf32, #tpu.memory_space<hbm>> -> memref<8x128xf32, #tpu.memory_space<hbm>>
    %dma_start3A_608 = arith.constant 88 : i32
    %dma_start3A_609 = arith.constant 0 : i32
    %dma_start3A_610 = tpu.memref_slice %arg11[%dma_start3A_608, %dma_start3A_609] : memref<128x128xf32, #tpu.memory_space<vmem>> -> memref<8x128xf32, #tpu.memory_space<vmem>>
    %dma_start3A_611 = arith.constant 0 : i32
    %dma_start3A_612 = arith.constant 0 : i32
    %dma_start3A_613 = tpu.memref_slice %arg2[%select_n3A_89, %dma_start3A_600, %add3A_599, %dma_start3A_611, %dma_start3A_612] : memref<50x8x32x8x128xf32, #tpu.memory_space<hbm>> -> memref<1x1x1x8x128xf32, #tpu.memory_space<hbm>>
    %dma_start3A_614 = tpu.memref_squeeze %dma_start3A_613 : memref<1x1x1x8x128xf32, #tpu.memory_space<hbm>> -> memref<8x128xf32, #tpu.memory_space<hbm>>
    tpu.enqueue_dma source(%dma_start3A_614 : memref<8x128xf32, #tpu.memory_space<hbm>>) target(%dma_start3A_610 : memref<8x128xf32, #tpu.memory_space<vmem>>) target_semaphore(%arg19 : memref<!tpu.dma_semaphore, #tpu.memory_space<semaphore_mem>>)
    %jit3A_615 = arith.constant 128 : i32
    %div3A_616 = arith.divsi %mul3A_94, %jit3A_615 : i32
    %sign3A_617 = arith.constant 0 : i32
    %sign3A_618 = arith.cmpi sgt, %mul3A_94, %sign3A_617 : i32
    %sign3A_619 = arith.extui %sign3A_618 : i1 to i32
    %sign3A_620 = arith.constant 0 : i32
    %sign3A_621 = arith.cmpi slt, %mul3A_94, %sign3A_620 : i32
    %sign3A_622 = arith.extui %sign3A_621 : i1 to i32
    %sign3A_623 = arith.subi %sign3A_619, %sign3A_622 : i32
    %sign3A_624 = arith.constant 0 : i32
    %sign3A_625 = arith.cmpi sgt, %jit3A_615, %sign3A_624 : i32
    %sign3A_626 = arith.extui %sign3A_625 : i1 to i32
    %sign3A_627 = arith.constant 0 : i32
    %sign3A_628 = arith.cmpi slt, %jit3A_615, %sign3A_627 : i32
    %sign3A_629 = arith.extui %sign3A_628 : i1 to i32
    %sign3A_630 = arith.subi %sign3A_626, %sign3A_629 : i32
    %ne3A_631 = arith.cmpi ne, %sign3A_623, %sign3A_630 : i32
    %rem3A_632 = arith.remsi %mul3A_94, %jit3A_615 : i32
    %ne3A_633 = arith.constant 0 : i32
    %ne3A_634 = arith.cmpi ne, %rem3A_632, %ne3A_633 : i32
    %and3A_635 = arith.andi %ne3A_631, %ne3A_634 : i1
    %sub3A_636 = arith.constant 1 : i32
    %sub3A_637 = arith.subi %div3A_616, %sub3A_636 : i32
    %select_n3A_638 = arith.select %and3A_635, %sub3A_637, %div3A_616 : i32
    %add3A_639 = arith.constant 1 : i32
    %add3A_640 = arith.addi %select_n3A_638, %add3A_639 : i32
    %dma_start3A_641 = arith.constant 4 : i32
    %dma_start3A_642 = arith.constant 96 : i32
    %dma_start3A_643 = arith.constant 0 : i32
    %dma_start3A_644 = tpu.memref_slice %arg11[%dma_start3A_642, %dma_start3A_643] : memref<128x128xf32, #tpu.memory_space<vmem>> -> memref<8x128xf32, #tpu.memory_space<vmem>>
    %dma_start3A_645 = arith.constant 0 : i32
    %dma_start3A_646 = arith.constant 0 : i32
    %dma_start3A_647 = tpu.memref_slice %arg2[%select_n3A_89, %dma_start3A_641, %add3A_640, %dma_start3A_645, %dma_start3A_646] : memref<50x8x32x8x128xf32, #tpu.memory_space<hbm>> -> memref<1x1x1x8x128xf32, #tpu.memory_space<hbm>>
    %dma_start3A_648 = tpu.memref_squeeze %dma_start3A_647 : memref<1x1x1x8x128xf32, #tpu.memory_space<hbm>> -> memref<8x128xf32, #tpu.memory_space<hbm>>
    %dma_start3A_649 = arith.constant 96 : i32
    %dma_start3A_650 = arith.constant 0 : i32
    %dma_start3A_651 = tpu.memref_slice %arg11[%dma_start3A_649, %dma_start3A_650] : memref<128x128xf32, #tpu.memory_space<vmem>> -> memref<8x128xf32, #tpu.memory_space<vmem>>
    %dma_start3A_652 = arith.constant 0 : i32
    %dma_start3A_653 = arith.constant 0 : i32
    %dma_start3A_654 = tpu.memref_slice %arg2[%select_n3A_89, %dma_start3A_641, %add3A_640, %dma_start3A_652, %dma_start3A_653] : memref<50x8x32x8x128xf32, #tpu.memory_space<hbm>> -> memref<1x1x1x8x128xf32, #tpu.memory_space<hbm>>
    %dma_start3A_655 = tpu.memref_squeeze %dma_start3A_654 : memref<1x1x1x8x128xf32, #tpu.memory_space<hbm>> -> memref<8x128xf32, #tpu.memory_space<hbm>>
    tpu.enqueue_dma source(%dma_start3A_655 : memref<8x128xf32, #tpu.memory_space<hbm>>) target(%dma_start3A_651 : memref<8x128xf32, #tpu.memory_space<vmem>>) target_semaphore(%arg19 : memref<!tpu.dma_semaphore, #tpu.memory_space<semaphore_mem>>)
    %jit3A_656 = arith.constant 128 : i32
    %div3A_657 = arith.divsi %mul3A_94, %jit3A_656 : i32
    %sign3A_658 = arith.constant 0 : i32
    %sign3A_659 = arith.cmpi sgt, %mul3A_94, %sign3A_658 : i32
    %sign3A_660 = arith.extui %sign3A_659 : i1 to i32
    %sign3A_661 = arith.constant 0 : i32
    %sign3A_662 = arith.cmpi slt, %mul3A_94, %sign3A_661 : i32
    %sign3A_663 = arith.extui %sign3A_662 : i1 to i32
    %sign3A_664 = arith.subi %sign3A_660, %sign3A_663 : i32
    %sign3A_665 = arith.constant 0 : i32
    %sign3A_666 = arith.cmpi sgt, %jit3A_656, %sign3A_665 : i32
    %sign3A_667 = arith.extui %sign3A_666 : i1 to i32
    %sign3A_668 = arith.constant 0 : i32
    %sign3A_669 = arith.cmpi slt, %jit3A_656, %sign3A_668 : i32
    %sign3A_670 = arith.extui %sign3A_669 : i1 to i32
    %sign3A_671 = arith.subi %sign3A_667, %sign3A_670 : i32
    %ne3A_672 = arith.cmpi ne, %sign3A_664, %sign3A_671 : i32
    %rem3A_673 = arith.remsi %mul3A_94, %jit3A_656 : i32
    %ne3A_674 = arith.constant 0 : i32
    %ne3A_675 = arith.cmpi ne, %rem3A_673, %ne3A_674 : i32
    %and3A_676 = arith.andi %ne3A_672, %ne3A_675 : i1
    %sub3A_677 = arith.constant 1 : i32
    %sub3A_678 = arith.subi %div3A_657, %sub3A_677 : i32
    %select_n3A_679 = arith.select %and3A_676, %sub3A_678, %div3A_657 : i32
    %add3A_680 = arith.constant 1 : i32
    %add3A_681 = arith.addi %select_n3A_679, %add3A_680 : i32
    %dma_start3A_682 = arith.constant 5 : i32
    %dma_start3A_683 = arith.constant 104 : i32
    %dma_start3A_684 = arith.constant 0 : i32
    %dma_start3A_685 = tpu.memref_slice %arg11[%dma_start3A_683, %dma_start3A_684] : memref<128x128xf32, #tpu.memory_space<vmem>> -> memref<8x128xf32, #tpu.memory_space<vmem>>
    %dma_start3A_686 = arith.constant 0 : i32
    %dma_start3A_687 = arith.constant 0 : i32
    %dma_start3A_688 = tpu.memref_slice %arg2[%select_n3A_89, %dma_start3A_682, %add3A_681, %dma_start3A_686, %dma_start3A_687] : memref<50x8x32x8x128xf32, #tpu.memory_space<hbm>> -> memref<1x1x1x8x128xf32, #tpu.memory_space<hbm>>
    %dma_start3A_689 = tpu.memref_squeeze %dma_start3A_688 : memref<1x1x1x8x128xf32, #tpu.memory_space<hbm>> -> memref<8x128xf32, #tpu.memory_space<hbm>>
    %dma_start3A_690 = arith.constant 104 : i32
    %dma_start3A_691 = arith.constant 0 : i32
    %dma_start3A_692 = tpu.memref_slice %arg11[%dma_start3A_690, %dma_start3A_691] : memref<128x128xf32, #tpu.memory_space<vmem>> -> memref<8x128xf32, #tpu.memory_space<vmem>>
    %dma_start3A_693 = arith.constant 0 : i32
    %dma_start3A_694 = arith.constant 0 : i32
    %dma_start3A_695 = tpu.memref_slice %arg2[%select_n3A_89, %dma_start3A_682, %add3A_681, %dma_start3A_693, %dma_start3A_694] : memref<50x8x32x8x128xf32, #tpu.memory_space<hbm>> -> memref<1x1x1x8x128xf32, #tpu.memory_space<hbm>>
    %dma_start3A_696 = tpu.memref_squeeze %dma_start3A_695 : memref<1x1x1x8x128xf32, #tpu.memory_space<hbm>> -> memref<8x128xf32, #tpu.memory_space<hbm>>
    tpu.enqueue_dma source(%dma_start3A_696 : memref<8x128xf32, #tpu.memory_space<hbm>>) target(%dma_start3A_692 : memref<8x128xf32, #tpu.memory_space<vmem>>) target_semaphore(%arg19 : memref<!tpu.dma_semaphore, #tpu.memory_space<semaphore_mem>>)
    %jit3A_697 = arith.constant 128 : i32
    %div3A_698 = arith.divsi %mul3A_94, %jit3A_697 : i32
    %sign3A_699 = arith.constant 0 : i32
    %sign3A_700 = arith.cmpi sgt, %mul3A_94, %sign3A_699 : i32
    %sign3A_701 = arith.extui %sign3A_700 : i1 to i32
    %sign3A_702 = arith.constant 0 : i32
    %sign3A_703 = arith.cmpi slt, %mul3A_94, %sign3A_702 : i32
    %sign3A_704 = arith.extui %sign3A_703 : i1 to i32
    %sign3A_705 = arith.subi %sign3A_701, %sign3A_704 : i32
    %sign3A_706 = arith.constant 0 : i32
    %sign3A_707 = arith.cmpi sgt, %jit3A_697, %sign3A_706 : i32
    %sign3A_708 = arith.extui %sign3A_707 : i1 to i32
    %sign3A_709 = arith.constant 0 : i32
    %sign3A_710 = arith.cmpi slt, %jit3A_697, %sign3A_709 : i32
    %sign3A_711 = arith.extui %sign3A_710 : i1 to i32
    %sign3A_712 = arith.subi %sign3A_708, %sign3A_711 : i32
    %ne3A_713 = arith.cmpi ne, %sign3A_705, %sign3A_712 : i32
    %rem3A_714 = arith.remsi %mul3A_94, %jit3A_697 : i32
    %ne3A_715 = arith.constant 0 : i32
    %ne3A_716 = arith.cmpi ne, %rem3A_714, %ne3A_715 : i32
    %and3A_717 = arith.andi %ne3A_713, %ne3A_716 : i1
    %sub3A_718 = arith.constant 1 : i32
    %sub3A_719 = arith.subi %div3A_698, %sub3A_718 : i32
    %select_n3A_720 = arith.select %and3A_717, %sub3A_719, %div3A_698 : i32
    %add3A_721 = arith.constant 1 : i32
    %add3A_722 = arith.addi %select_n3A_720, %add3A_721 : i32
    %dma_start3A_723 = arith.constant 6 : i32
    %dma_start3A_724 = arith.constant 112 : i32
    %dma_start3A_725 = arith.constant 0 : i32
    %dma_start3A_726 = tpu.memref_slice %arg11[%dma_start3A_724, %dma_start3A_725] : memref<128x128xf32, #tpu.memory_space<vmem>> -> memref<8x128xf32, #tpu.memory_space<vmem>>
    %dma_start3A_727 = arith.constant 0 : i32
    %dma_start3A_728 = arith.constant 0 : i32
    %dma_start3A_729 = tpu.memref_slice %arg2[%select_n3A_89, %dma_start3A_723, %add3A_722, %dma_start3A_727, %dma_start3A_728] : memref<50x8x32x8x128xf32, #tpu.memory_space<hbm>> -> memref<1x1x1x8x128xf32, #tpu.memory_space<hbm>>
    %dma_start3A_730 = tpu.memref_squeeze %dma_start3A_729 : memref<1x1x1x8x128xf32, #tpu.memory_space<hbm>> -> memref<8x128xf32, #tpu.memory_space<hbm>>
    %dma_start3A_731 = arith.constant 112 : i32
    %dma_start3A_732 = arith.constant 0 : i32
    %dma_start3A_733 = tpu.memref_slice %arg11[%dma_start3A_731, %dma_start3A_732] : memref<128x128xf32, #tpu.memory_space<vmem>> -> memref<8x128xf32, #tpu.memory_space<vmem>>
    %dma_start3A_734 = arith.constant 0 : i32
    %dma_start3A_735 = arith.constant 0 : i32
    %dma_start3A_736 = tpu.memref_slice %arg2[%select_n3A_89, %dma_start3A_723, %add3A_722, %dma_start3A_734, %dma_start3A_735] : memref<50x8x32x8x128xf32, #tpu.memory_space<hbm>> -> memref<1x1x1x8x128xf32, #tpu.memory_space<hbm>>
    %dma_start3A_737 = tpu.memref_squeeze %dma_start3A_736 : memref<1x1x1x8x128xf32, #tpu.memory_space<hbm>> -> memref<8x128xf32, #tpu.memory_space<hbm>>
    tpu.enqueue_dma source(%dma_start3A_737 : memref<8x128xf32, #tpu.memory_space<hbm>>) target(%dma_start3A_733 : memref<8x128xf32, #tpu.memory_space<vmem>>) target_semaphore(%arg19 : memref<!tpu.dma_semaphore, #tpu.memory_space<semaphore_mem>>)
    %jit3A_738 = arith.constant 128 : i32
    %div3A_739 = arith.divsi %mul3A_94, %jit3A_738 : i32
    %sign3A_740 = arith.constant 0 : i32
    %sign3A_741 = arith.cmpi sgt, %mul3A_94, %sign3A_740 : i32
    %sign3A_742 = arith.extui %sign3A_741 : i1 to i32
    %sign3A_743 = arith.constant 0 : i32
    %sign3A_744 = arith.cmpi slt, %mul3A_94, %sign3A_743 : i32
    %sign3A_745 = arith.extui %sign3A_744 : i1 to i32
    %sign3A_746 = arith.subi %sign3A_742, %sign3A_745 : i32
    %sign3A_747 = arith.constant 0 : i32
    %sign3A_748 = arith.cmpi sgt, %jit3A_738, %sign3A_747 : i32
    %sign3A_749 = arith.extui %sign3A_748 : i1 to i32
    %sign3A_750 = arith.constant 0 : i32
    %sign3A_751 = arith.cmpi slt, %jit3A_738, %sign3A_750 : i32
    %sign3A_752 = arith.extui %sign3A_751 : i1 to i32
    %sign3A_753 = arith.subi %sign3A_749, %sign3A_752 : i32
    %ne3A_754 = arith.cmpi ne, %sign3A_746, %sign3A_753 : i32
    %rem3A_755 = arith.remsi %mul3A_94, %jit3A_738 : i32
    %ne3A_756 = arith.constant 0 : i32
    %ne3A_757 = arith.cmpi ne, %rem3A_755, %ne3A_756 : i32
    %and3A_758 = arith.andi %ne3A_754, %ne3A_757 : i1
    %sub3A_759 = arith.constant 1 : i32
    %sub3A_760 = arith.subi %div3A_739, %sub3A_759 : i32
    %select_n3A_761 = arith.select %and3A_758, %sub3A_760, %div3A_739 : i32
    %add3A_762 = arith.constant 1 : i32
    %add3A_763 = arith.addi %select_n3A_761, %add3A_762 : i32
    %dma_start3A_764 = arith.constant 7 : i32
    %dma_start3A_765 = arith.constant 120 : i32
    %dma_start3A_766 = arith.constant 0 : i32
    %dma_start3A_767 = tpu.memref_slice %arg11[%dma_start3A_765, %dma_start3A_766] : memref<128x128xf32, #tpu.memory_space<vmem>> -> memref<8x128xf32, #tpu.memory_space<vmem>>
    %dma_start3A_768 = arith.constant 0 : i32
    %dma_start3A_769 = arith.constant 0 : i32
    %dma_start3A_770 = tpu.memref_slice %arg2[%select_n3A_89, %dma_start3A_764, %add3A_763, %dma_start3A_768, %dma_start3A_769] : memref<50x8x32x8x128xf32, #tpu.memory_space<hbm>> -> memref<1x1x1x8x128xf32, #tpu.memory_space<hbm>>
    %dma_start3A_771 = tpu.memref_squeeze %dma_start3A_770 : memref<1x1x1x8x128xf32, #tpu.memory_space<hbm>> -> memref<8x128xf32, #tpu.memory_space<hbm>>
    %dma_start3A_772 = arith.constant 120 : i32
    %dma_start3A_773 = arith.constant 0 : i32
    %dma_start3A_774 = tpu.memref_slice %arg11[%dma_start3A_772, %dma_start3A_773] : memref<128x128xf32, #tpu.memory_space<vmem>> -> memref<8x128xf32, #tpu.memory_space<vmem>>
    %dma_start3A_775 = arith.constant 0 : i32
    %dma_start3A_776 = arith.constant 0 : i32
    %dma_start3A_777 = tpu.memref_slice %arg2[%select_n3A_89, %dma_start3A_764, %add3A_763, %dma_start3A_775, %dma_start3A_776] : memref<50x8x32x8x128xf32, #tpu.memory_space<hbm>> -> memref<1x1x1x8x128xf32, #tpu.memory_space<hbm>>
    %dma_start3A_778 = tpu.memref_squeeze %dma_start3A_777 : memref<1x1x1x8x128xf32, #tpu.memory_space<hbm>> -> memref<8x128xf32, #tpu.memory_space<hbm>>
    tpu.enqueue_dma source(%dma_start3A_778 : memref<8x128xf32, #tpu.memory_space<hbm>>) target(%dma_start3A_774 : memref<8x128xf32, #tpu.memory_space<vmem>>) target_semaphore(%arg19 : memref<!tpu.dma_semaphore, #tpu.memory_space<semaphore_mem>>)
    %scan3A = arith.constant 0 : i32
    %scan3A_779 = arith.constant 12 : i32
    %scan3A_780 = arith.addi %scan3A, %scan3A_779 : i32
    %scan3A_781 = arith.constant 1 : i32
    scf.for %scan3A_1156 = %scan3A to %scan3A_780 step %scan3A_781  : i32 {
      %mul3A_1157 = arith.constant 2 : i32
      %mul3A_1158 = arith.muli %scan3A_1156, %mul3A_1157 : i32
      %add3A_1159 = arith.constant 0 : i32
      %add3A_1160 = arith.addi %add3A_1159, %mul3A_1158 : i32
      %mul3A_1161 = arith.constant 32 : i32
      %mul3A_1162 = arith.muli %add3A_1160, %mul3A_1161 : i32
      %add3A_1163 = arith.addi %mul3A_1162, %add3A : i32
      %dma_wait3A_1164 = arith.constant 0 : i32
      %dma_wait3A_1165 = arith.constant 0 : i32
      %dma_wait3A_1166 = tpu.memref_slice %arg9[%dma_wait3A_1164, %dma_wait3A_1165] : memref<256x64xf32, #tpu.memory_space<vmem>> -> memref<128x64xf32, #tpu.memory_space<vmem>>
      %dma_wait3A_1167 = arith.constant 0 : i32
      %dma_wait3A_1168 = arith.constant 0 : i32
      %dma_wait3A_1169 = tpu.memref_slice %arg4[%dma_wait3A_1167, %dma_wait3A_1168] : memref<100000x64xf32, #tpu.memory_space<hbm>> -> memref<128x64xf32, #tpu.memory_space<hbm>>
      %dma_wait3A_1170 = arith.constant 0 : i32
      %dma_wait3A_1171 = arith.constant 0 : i32
      %dma_wait3A_1172 = tpu.memref_slice %arg9[%dma_wait3A_1170, %dma_wait3A_1171] : memref<256x64xf32, #tpu.memory_space<vmem>> -> memref<128x64xf32, #tpu.memory_space<vmem>>
      %dma_wait3A_1173 = arith.constant 0 : i32
      %dma_wait3A_1174 = arith.constant 0 : i32
      %dma_wait3A_1175 = tpu.memref_slice %arg4[%dma_wait3A_1173, %dma_wait3A_1174] : memref<100000x64xf32, #tpu.memory_space<hbm>> -> memref<128x64xf32, #tpu.memory_space<hbm>>
      tpu.wait_dma2 semaphore(%arg19 : memref<!tpu.dma_semaphore, #tpu.memory_space<semaphore_mem>>) src(%dma_wait3A_1175 : memref<128x64xf32, #tpu.memory_space<hbm>>) dst(%dma_wait3A_1172 : memref<128x64xf32, #tpu.memory_space<vmem>>)
      %dma_wait3A_1176 = arith.constant 0 : i32
      %dma_wait3A_1177 = tpu.memref_slice %arg13[%dma_wait3A_1176] : memref<256xf32, #tpu.memory_space<vmem>> -> memref<128xf32, #tpu.memory_space<vmem>>
      %dma_wait3A_1178 = arith.constant 0 : i32
      %dma_wait3A_1179 = tpu.memref_slice %arg5[%dma_wait3A_1178] : memref<100000xf32, #tpu.memory_space<hbm>> -> memref<128xf32, #tpu.memory_space<hbm>>
      %dma_wait3A_1180 = arith.constant 0 : i32
      %dma_wait3A_1181 = tpu.memref_slice %arg13[%dma_wait3A_1180] : memref<256xf32, #tpu.memory_space<vmem>> -> memref<128xf32, #tpu.memory_space<vmem>>
      %dma_wait3A_1182 = arith.constant 0 : i32
      %dma_wait3A_1183 = tpu.memref_slice %arg5[%dma_wait3A_1182] : memref<100000xf32, #tpu.memory_space<hbm>> -> memref<128xf32, #tpu.memory_space<hbm>>
      tpu.wait_dma2 semaphore(%arg19 : memref<!tpu.dma_semaphore, #tpu.memory_space<semaphore_mem>>) src(%dma_wait3A_1183 : memref<128xf32, #tpu.memory_space<hbm>>) dst(%dma_wait3A_1181 : memref<128xf32, #tpu.memory_space<vmem>>)
      %dma_wait3A_1184 = arith.constant 128 : i32
      %dma_wait3A_1185 = arith.constant 0 : i32
      %dma_wait3A_1186 = tpu.memref_slice %arg9[%dma_wait3A_1184, %dma_wait3A_1185] : memref<256x64xf32, #tpu.memory_space<vmem>> -> memref<128x64xf32, #tpu.memory_space<vmem>>
      %dma_wait3A_1187 = arith.constant 0 : i32
      %dma_wait3A_1188 = arith.constant 0 : i32
      %dma_wait3A_1189 = tpu.memref_slice %arg4[%dma_wait3A_1187, %dma_wait3A_1188] : memref<100000x64xf32, #tpu.memory_space<hbm>> -> memref<128x64xf32, #tpu.memory_space<hbm>>
      %dma_wait3A_1190 = arith.constant 128 : i32
      %dma_wait3A_1191 = arith.constant 0 : i32
      %dma_wait3A_1192 = tpu.memref_slice %arg9[%dma_wait3A_1190, %dma_wait3A_1191] : memref<256x64xf32, #tpu.memory_space<vmem>> -> memref<128x64xf32, #tpu.memory_space<vmem>>
      %dma_wait3A_1193 = arith.constant 0 : i32
      %dma_wait3A_1194 = arith.constant 0 : i32
      %dma_wait3A_1195 = tpu.memref_slice %arg4[%dma_wait3A_1193, %dma_wait3A_1194] : memref<100000x64xf32, #tpu.memory_space<hbm>> -> memref<128x64xf32, #tpu.memory_space<hbm>>
      tpu.wait_dma2 semaphore(%arg19 : memref<!tpu.dma_semaphore, #tpu.memory_space<semaphore_mem>>) src(%dma_wait3A_1195 : memref<128x64xf32, #tpu.memory_space<hbm>>) dst(%dma_wait3A_1192 : memref<128x64xf32, #tpu.memory_space<vmem>>)
      %dma_wait3A_1196 = arith.constant 128 : i32
      %dma_wait3A_1197 = tpu.memref_slice %arg13[%dma_wait3A_1196] : memref<256xf32, #tpu.memory_space<vmem>> -> memref<128xf32, #tpu.memory_space<vmem>>
      %dma_wait3A_1198 = arith.constant 0 : i32
      %dma_wait3A_1199 = tpu.memref_slice %arg5[%dma_wait3A_1198] : memref<100000xf32, #tpu.memory_space<hbm>> -> memref<128xf32, #tpu.memory_space<hbm>>
      %dma_wait3A_1200 = arith.constant 128 : i32
      %dma_wait3A_1201 = tpu.memref_slice %arg13[%dma_wait3A_1200] : memref<256xf32, #tpu.memory_space<vmem>> -> memref<128xf32, #tpu.memory_space<vmem>>
      %dma_wait3A_1202 = arith.constant 0 : i32
      %dma_wait3A_1203 = tpu.memref_slice %arg5[%dma_wait3A_1202] : memref<100000xf32, #tpu.memory_space<hbm>> -> memref<128xf32, #tpu.memory_space<hbm>>
      tpu.wait_dma2 semaphore(%arg19 : memref<!tpu.dma_semaphore, #tpu.memory_space<semaphore_mem>>) src(%dma_wait3A_1203 : memref<128xf32, #tpu.memory_space<hbm>>) dst(%dma_wait3A_1201 : memref<128xf32, #tpu.memory_space<vmem>>)
      %dma_wait3A_1204 = arith.constant 0 : i32
      %dma_wait3A_1205 = arith.constant 0 : i32
      %dma_wait3A_1206 = arith.constant 0 : i32
      %dma_wait3A_1207 = arith.constant 0 : i32
      %dma_wait3A_1208 = arith.constant 0 : i32
      %dma_wait3A_1209 = tpu.memref_slice %arg11[%dma_wait3A_1207, %dma_wait3A_1208] : memref<128x128xf32, #tpu.memory_space<vmem>> -> memref<8x128xf32, #tpu.memory_space<vmem>>
      %dma_wait3A_1210 = arith.constant 0 : i32
      %dma_wait3A_1211 = arith.constant 0 : i32
      %dma_wait3A_1212 = tpu.memref_slice %arg2[%dma_wait3A_1204, %dma_wait3A_1205, %dma_wait3A_1206, %dma_wait3A_1210, %dma_wait3A_1211] : memref<50x8x32x8x128xf32, #tpu.memory_space<hbm>> -> memref<1x1x1x8x128xf32, #tpu.memory_space<hbm>>
      %dma_wait3A_1213 = tpu.memref_squeeze %dma_wait3A_1212 : memref<1x1x1x8x128xf32, #tpu.memory_space<hbm>> -> memref<8x128xf32, #tpu.memory_space<hbm>>
      %dma_wait3A_1214 = arith.constant 0 : i32
      %dma_wait3A_1215 = arith.constant 0 : i32
      %dma_wait3A_1216 = tpu.memref_slice %arg11[%dma_wait3A_1214, %dma_wait3A_1215] : memref<128x128xf32, #tpu.memory_space<vmem>> -> memref<8x128xf32, #tpu.memory_space<vmem>>
      %dma_wait3A_1217 = arith.constant 0 : i32
      %dma_wait3A_1218 = arith.constant 0 : i32
      %dma_wait3A_1219 = tpu.memref_slice %arg2[%dma_wait3A_1204, %dma_wait3A_1205, %dma_wait3A_1206, %dma_wait3A_1217, %dma_wait3A_1218] : memref<50x8x32x8x128xf32, #tpu.memory_space<hbm>> -> memref<1x1x1x8x128xf32, #tpu.memory_space<hbm>>
      %dma_wait3A_1220 = tpu.memref_squeeze %dma_wait3A_1219 : memref<1x1x1x8x128xf32, #tpu.memory_space<hbm>> -> memref<8x128xf32, #tpu.memory_space<hbm>>
      tpu.wait_dma2 semaphore(%arg19 : memref<!tpu.dma_semaphore, #tpu.memory_space<semaphore_mem>>) src(%dma_wait3A_1220 : memref<8x128xf32, #tpu.memory_space<hbm>>) dst(%dma_wait3A_1216 : memref<8x128xf32, #tpu.memory_space<vmem>>)
      %dma_wait3A_1221 = arith.constant 0 : i32
      %dma_wait3A_1222 = arith.constant 0 : i32
      %dma_wait3A_1223 = arith.constant 0 : i32
      %dma_wait3A_1224 = arith.constant 0 : i32
      %dma_wait3A_1225 = arith.constant 0 : i32
      %dma_wait3A_1226 = tpu.memref_slice %arg11[%dma_wait3A_1224, %dma_wait3A_1225] : memref<128x128xf32, #tpu.memory_space<vmem>> -> memref<8x128xf32, #tpu.memory_space<vmem>>
      %dma_wait3A_1227 = arith.constant 0 : i32
      %dma_wait3A_1228 = arith.constant 0 : i32
      %dma_wait3A_1229 = tpu.memref_slice %arg2[%dma_wait3A_1221, %dma_wait3A_1222, %dma_wait3A_1223, %dma_wait3A_1227, %dma_wait3A_1228] : memref<50x8x32x8x128xf32, #tpu.memory_space<hbm>> -> memref<1x1x1x8x128xf32, #tpu.memory_space<hbm>>
      %dma_wait3A_1230 = tpu.memref_squeeze %dma_wait3A_1229 : memref<1x1x1x8x128xf32, #tpu.memory_space<hbm>> -> memref<8x128xf32, #tpu.memory_space<hbm>>
      %dma_wait3A_1231 = arith.constant 0 : i32
      %dma_wait3A_1232 = arith.constant 0 : i32
      %dma_wait3A_1233 = tpu.memref_slice %arg11[%dma_wait3A_1231, %dma_wait3A_1232] : memref<128x128xf32, #tpu.memory_space<vmem>> -> memref<8x128xf32, #tpu.memory_space<vmem>>
      %dma_wait3A_1234 = arith.constant 0 : i32
      %dma_wait3A_1235 = arith.constant 0 : i32
      %dma_wait3A_1236 = tpu.memref_slice %arg2[%dma_wait3A_1221, %dma_wait3A_1222, %dma_wait3A_1223, %dma_wait3A_1234, %dma_wait3A_1235] : memref<50x8x32x8x128xf32, #tpu.memory_space<hbm>> -> memref<1x1x1x8x128xf32, #tpu.memory_space<hbm>>
      %dma_wait3A_1237 = tpu.memref_squeeze %dma_wait3A_1236 : memref<1x1x1x8x128xf32, #tpu.memory_space<hbm>> -> memref<8x128xf32, #tpu.memory_space<hbm>>
      tpu.wait_dma2 semaphore(%arg19 : memref<!tpu.dma_semaphore, #tpu.memory_space<semaphore_mem>>) src(%dma_wait3A_1237 : memref<8x128xf32, #tpu.memory_space<hbm>>) dst(%dma_wait3A_1233 : memref<8x128xf32, #tpu.memory_space<vmem>>)
      %dma_wait3A_1238 = arith.constant 0 : i32
      %dma_wait3A_1239 = arith.constant 0 : i32
      %dma_wait3A_1240 = arith.constant 0 : i32
      %dma_wait3A_1241 = arith.constant 0 : i32
      %dma_wait3A_1242 = arith.constant 0 : i32
      %dma_wait3A_1243 = tpu.memref_slice %arg11[%dma_wait3A_1241, %dma_wait3A_1242] : memref<128x128xf32, #tpu.memory_space<vmem>> -> memref<8x128xf32, #tpu.memory_space<vmem>>
      %dma_wait3A_1244 = arith.constant 0 : i32
      %dma_wait3A_1245 = arith.constant 0 : i32
      %dma_wait3A_1246 = tpu.memref_slice %arg2[%dma_wait3A_1238, %dma_wait3A_1239, %dma_wait3A_1240, %dma_wait3A_1244, %dma_wait3A_1245] : memref<50x8x32x8x128xf32, #tpu.memory_space<hbm>> -> memref<1x1x1x8x128xf32, #tpu.memory_space<hbm>>
      %dma_wait3A_1247 = tpu.memref_squeeze %dma_wait3A_1246 : memref<1x1x1x8x128xf32, #tpu.memory_space<hbm>> -> memref<8x128xf32, #tpu.memory_space<hbm>>
      %dma_wait3A_1248 = arith.constant 0 : i32
      %dma_wait3A_1249 = arith.constant 0 : i32
      %dma_wait3A_1250 = tpu.memref_slice %arg11[%dma_wait3A_1248, %dma_wait3A_1249] : memref<128x128xf32, #tpu.memory_space<vmem>> -> memref<8x128xf32, #tpu.memory_space<vmem>>
      %dma_wait3A_1251 = arith.constant 0 : i32
      %dma_wait3A_1252 = arith.constant 0 : i32
      %dma_wait3A_1253 = tpu.memref_slice %arg2[%dma_wait3A_1238, %dma_wait3A_1239, %dma_wait3A_1240, %dma_wait3A_1251, %dma_wait3A_1252] : memref<50x8x32x8x128xf32, #tpu.memory_space<hbm>> -> memref<1x1x1x8x128xf32, #tpu.memory_space<hbm>>
      %dma_wait3A_1254 = tpu.memref_squeeze %dma_wait3A_1253 : memref<1x1x1x8x128xf32, #tpu.memory_space<hbm>> -> memref<8x128xf32, #tpu.memory_space<hbm>>
      tpu.wait_dma2 semaphore(%arg19 : memref<!tpu.dma_semaphore, #tpu.memory_space<semaphore_mem>>) src(%dma_wait3A_1254 : memref<8x128xf32, #tpu.memory_space<hbm>>) dst(%dma_wait3A_1250 : memref<8x128xf32, #tpu.memory_space<vmem>>)
      %dma_wait3A_1255 = arith.constant 0 : i32
      %dma_wait3A_1256 = arith.constant 0 : i32
      %dma_wait3A_1257 = arith.constant 0 : i32
      %dma_wait3A_1258 = arith.constant 0 : i32
      %dma_wait3A_1259 = arith.constant 0 : i32
      %dma_wait3A_1260 = tpu.memref_slice %arg11[%dma_wait3A_1258, %dma_wait3A_1259] : memref<128x128xf32, #tpu.memory_space<vmem>> -> memref<8x128xf32, #tpu.memory_space<vmem>>
      %dma_wait3A_1261 = arith.constant 0 : i32
      %dma_wait3A_1262 = arith.constant 0 : i32
      %dma_wait3A_1263 = tpu.memref_slice %arg2[%dma_wait3A_1255, %dma_wait3A_1256, %dma_wait3A_1257, %dma_wait3A_1261, %dma_wait3A_1262] : memref<50x8x32x8x128xf32, #tpu.memory_space<hbm>> -> memref<1x1x1x8x128xf32, #tpu.memory_space<hbm>>
      %dma_wait3A_1264 = tpu.memref_squeeze %dma_wait3A_1263 : memref<1x1x1x8x128xf32, #tpu.memory_space<hbm>> -> memref<8x128xf32, #tpu.memory_space<hbm>>
      %dma_wait3A_1265 = arith.constant 0 : i32
      %dma_wait3A_1266 = arith.constant 0 : i32
      %dma_wait3A_1267 = tpu.memref_slice %arg11[%dma_wait3A_1265, %dma_wait3A_1266] : memref<128x128xf32, #tpu.memory_space<vmem>> -> memref<8x128xf32, #tpu.memory_space<vmem>>
      %dma_wait3A_1268 = arith.constant 0 : i32
      %dma_wait3A_1269 = arith.constant 0 : i32
      %dma_wait3A_1270 = tpu.memref_slice %arg2[%dma_wait3A_1255, %dma_wait3A_1256, %dma_wait3A_1257, %dma_wait3A_1268, %dma_wait3A_1269] : memref<50x8x32x8x128xf32, #tpu.memory_space<hbm>> -> memref<1x1x1x8x128xf32, #tpu.memory_space<hbm>>
      %dma_wait3A_1271 = tpu.memref_squeeze %dma_wait3A_1270 : memref<1x1x1x8x128xf32, #tpu.memory_space<hbm>> -> memref<8x128xf32, #tpu.memory_space<hbm>>
      tpu.wait_dma2 semaphore(%arg19 : memref<!tpu.dma_semaphore, #tpu.memory_space<semaphore_mem>>) src(%dma_wait3A_1271 : memref<8x128xf32, #tpu.memory_space<hbm>>) dst(%dma_wait3A_1267 : memref<8x128xf32, #tpu.memory_space<vmem>>)
      %dma_wait3A_1272 = arith.constant 0 : i32
      %dma_wait3A_1273 = arith.constant 0 : i32
      %dma_wait3A_1274 = arith.constant 0 : i32
      %dma_wait3A_1275 = arith.constant 0 : i32
      %dma_wait3A_1276 = arith.constant 0 : i32
      %dma_wait3A_1277 = tpu.memref_slice %arg11[%dma_wait3A_1275, %dma_wait3A_1276] : memref<128x128xf32, #tpu.memory_space<vmem>> -> memref<8x128xf32, #tpu.memory_space<vmem>>
      %dma_wait3A_1278 = arith.constant 0 : i32
      %dma_wait3A_1279 = arith.constant 0 : i32
      %dma_wait3A_1280 = tpu.memref_slice %arg2[%dma_wait3A_1272, %dma_wait3A_1273, %dma_wait3A_1274, %dma_wait3A_1278, %dma_wait3A_1279] : memref<50x8x32x8x128xf32, #tpu.memory_space<hbm>> -> memref<1x1x1x8x128xf32, #tpu.memory_space<hbm>>
      %dma_wait3A_1281 = tpu.memref_squeeze %dma_wait3A_1280 : memref<1x1x1x8x128xf32, #tpu.memory_space<hbm>> -> memref<8x128xf32, #tpu.memory_space<hbm>>
      %dma_wait3A_1282 = arith.constant 0 : i32
      %dma_wait3A_1283 = arith.constant 0 : i32
      %dma_wait3A_1284 = tpu.memref_slice %arg11[%dma_wait3A_1282, %dma_wait3A_1283] : memref<128x128xf32, #tpu.memory_space<vmem>> -> memref<8x128xf32, #tpu.memory_space<vmem>>
      %dma_wait3A_1285 = arith.constant 0 : i32
      %dma_wait3A_1286 = arith.constant 0 : i32
      %dma_wait3A_1287 = tpu.memref_slice %arg2[%dma_wait3A_1272, %dma_wait3A_1273, %dma_wait3A_1274, %dma_wait3A_1285, %dma_wait3A_1286] : memref<50x8x32x8x128xf32, #tpu.memory_space<hbm>> -> memref<1x1x1x8x128xf32, #tpu.memory_space<hbm>>
      %dma_wait3A_1288 = tpu.memref_squeeze %dma_wait3A_1287 : memref<1x1x1x8x128xf32, #tpu.memory_space<hbm>> -> memref<8x128xf32, #tpu.memory_space<hbm>>
      tpu.wait_dma2 semaphore(%arg19 : memref<!tpu.dma_semaphore, #tpu.memory_space<semaphore_mem>>) src(%dma_wait3A_1288 : memref<8x128xf32, #tpu.memory_space<hbm>>) dst(%dma_wait3A_1284 : memref<8x128xf32, #tpu.memory_space<vmem>>)
      %dma_wait3A_1289 = arith.constant 0 : i32
      %dma_wait3A_1290 = arith.constant 0 : i32
      %dma_wait3A_1291 = arith.constant 0 : i32
      %dma_wait3A_1292 = arith.constant 0 : i32
      %dma_wait3A_1293 = arith.constant 0 : i32
      %dma_wait3A_1294 = tpu.memref_slice %arg11[%dma_wait3A_1292, %dma_wait3A_1293] : memref<128x128xf32, #tpu.memory_space<vmem>> -> memref<8x128xf32, #tpu.memory_space<vmem>>
      %dma_wait3A_1295 = arith.constant 0 : i32
      %dma_wait3A_1296 = arith.constant 0 : i32
      %dma_wait3A_1297 = tpu.memref_slice %arg2[%dma_wait3A_1289, %dma_wait3A_1290, %dma_wait3A_1291, %dma_wait3A_1295, %dma_wait3A_1296] : memref<50x8x32x8x128xf32, #tpu.memory_space<hbm>> -> memref<1x1x1x8x128xf32, #tpu.memory_space<hbm>>
      %dma_wait3A_1298 = tpu.memref_squeeze %dma_wait3A_1297 : memref<1x1x1x8x128xf32, #tpu.memory_space<hbm>> -> memref<8x128xf32, #tpu.memory_space<hbm>>
      %dma_wait3A_1299 = arith.constant 0 : i32
      %dma_wait3A_1300 = arith.constant 0 : i32
      %dma_wait3A_1301 = tpu.memref_slice %arg11[%dma_wait3A_1299, %dma_wait3A_1300] : memref<128x128xf32, #tpu.memory_space<vmem>> -> memref<8x128xf32, #tpu.memory_space<vmem>>
      %dma_wait3A_1302 = arith.constant 0 : i32
      %dma_wait3A_1303 = arith.constant 0 : i32
      %dma_wait3A_1304 = tpu.memref_slice %arg2[%dma_wait3A_1289, %dma_wait3A_1290, %dma_wait3A_1291, %dma_wait3A_1302, %dma_wait3A_1303] : memref<50x8x32x8x128xf32, #tpu.memory_space<hbm>> -> memref<1x1x1x8x128xf32, #tpu.memory_space<hbm>>
      %dma_wait3A_1305 = tpu.memref_squeeze %dma_wait3A_1304 : memref<1x1x1x8x128xf32, #tpu.memory_space<hbm>> -> memref<8x128xf32, #tpu.memory_space<hbm>>
      tpu.wait_dma2 semaphore(%arg19 : memref<!tpu.dma_semaphore, #tpu.memory_space<semaphore_mem>>) src(%dma_wait3A_1305 : memref<8x128xf32, #tpu.memory_space<hbm>>) dst(%dma_wait3A_1301 : memref<8x128xf32, #tpu.memory_space<vmem>>)
      %dma_wait3A_1306 = arith.constant 0 : i32
      %dma_wait3A_1307 = arith.constant 0 : i32
      %dma_wait3A_1308 = arith.constant 0 : i32
      %dma_wait3A_1309 = arith.constant 0 : i32
      %dma_wait3A_1310 = arith.constant 0 : i32
      %dma_wait3A_1311 = tpu.memref_slice %arg11[%dma_wait3A_1309, %dma_wait3A_1310] : memref<128x128xf32, #tpu.memory_space<vmem>> -> memref<8x128xf32, #tpu.memory_space<vmem>>
      %dma_wait3A_1312 = arith.constant 0 : i32
      %dma_wait3A_1313 = arith.constant 0 : i32
      %dma_wait3A_1314 = tpu.memref_slice %arg2[%dma_wait3A_1306, %dma_wait3A_1307, %dma_wait3A_1308, %dma_wait3A_1312, %dma_wait3A_1313] : memref<50x8x32x8x128xf32, #tpu.memory_space<hbm>> -> memref<1x1x1x8x128xf32, #tpu.memory_space<hbm>>
      %dma_wait3A_1315 = tpu.memref_squeeze %dma_wait3A_1314 : memref<1x1x1x8x128xf32, #tpu.memory_space<hbm>> -> memref<8x128xf32, #tpu.memory_space<hbm>>
      %dma_wait3A_1316 = arith.constant 0 : i32
      %dma_wait3A_1317 = arith.constant 0 : i32
      %dma_wait3A_1318 = tpu.memref_slice %arg11[%dma_wait3A_1316, %dma_wait3A_1317] : memref<128x128xf32, #tpu.memory_space<vmem>> -> memref<8x128xf32, #tpu.memory_space<vmem>>
      %dma_wait3A_1319 = arith.constant 0 : i32
      %dma_wait3A_1320 = arith.constant 0 : i32
      %dma_wait3A_1321 = tpu.memref_slice %arg2[%dma_wait3A_1306, %dma_wait3A_1307, %dma_wait3A_1308, %dma_wait3A_1319, %dma_wait3A_1320] : memref<50x8x32x8x128xf32, #tpu.memory_space<hbm>> -> memref<1x1x1x8x128xf32, #tpu.memory_space<hbm>>
      %dma_wait3A_1322 = tpu.memref_squeeze %dma_wait3A_1321 : memref<1x1x1x8x128xf32, #tpu.memory_space<hbm>> -> memref<8x128xf32, #tpu.memory_space<hbm>>
      tpu.wait_dma2 semaphore(%arg19 : memref<!tpu.dma_semaphore, #tpu.memory_space<semaphore_mem>>) src(%dma_wait3A_1322 : memref<8x128xf32, #tpu.memory_space<hbm>>) dst(%dma_wait3A_1318 : memref<8x128xf32, #tpu.memory_space<vmem>>)
      %dma_wait3A_1323 = arith.constant 0 : i32
      %dma_wait3A_1324 = arith.constant 0 : i32
      %dma_wait3A_1325 = arith.constant 0 : i32
      %dma_wait3A_1326 = arith.constant 0 : i32
      %dma_wait3A_1327 = arith.constant 0 : i32
      %dma_wait3A_1328 = tpu.memref_slice %arg11[%dma_wait3A_1326, %dma_wait3A_1327] : memref<128x128xf32, #tpu.memory_space<vmem>> -> memref<8x128xf32, #tpu.memory_space<vmem>>
      %dma_wait3A_1329 = arith.constant 0 : i32
      %dma_wait3A_1330 = arith.constant 0 : i32
      %dma_wait3A_1331 = tpu.memref_slice %arg2[%dma_wait3A_1323, %dma_wait3A_1324, %dma_wait3A_1325, %dma_wait3A_1329, %dma_wait3A_1330] : memref<50x8x32x8x128xf32, #tpu.memory_space<hbm>> -> memref<1x1x1x8x128xf32, #tpu.memory_space<hbm>>
      %dma_wait3A_1332 = tpu.memref_squeeze %dma_wait3A_1331 : memref<1x1x1x8x128xf32, #tpu.memory_space<hbm>> -> memref<8x128xf32, #tpu.memory_space<hbm>>
      %dma_wait3A_1333 = arith.constant 0 : i32
      %dma_wait3A_1334 = arith.constant 0 : i32
      %dma_wait3A_1335 = tpu.memref_slice %arg11[%dma_wait3A_1333, %dma_wait3A_1334] : memref<128x128xf32, #tpu.memory_space<vmem>> -> memref<8x128xf32, #tpu.memory_space<vmem>>
      %dma_wait3A_1336 = arith.constant 0 : i32
      %dma_wait3A_1337 = arith.constant 0 : i32
      %dma_wait3A_1338 = tpu.memref_slice %arg2[%dma_wait3A_1323, %dma_wait3A_1324, %dma_wait3A_1325, %dma_wait3A_1336, %dma_wait3A_1337] : memref<50x8x32x8x128xf32, #tpu.memory_space<hbm>> -> memref<1x1x1x8x128xf32, #tpu.memory_space<hbm>>
      %dma_wait3A_1339 = tpu.memref_squeeze %dma_wait3A_1338 : memref<1x1x1x8x128xf32, #tpu.memory_space<hbm>> -> memref<8x128xf32, #tpu.memory_space<hbm>>
      tpu.wait_dma2 semaphore(%arg19 : memref<!tpu.dma_semaphore, #tpu.memory_space<semaphore_mem>>) src(%dma_wait3A_1339 : memref<8x128xf32, #tpu.memory_space<hbm>>) dst(%dma_wait3A_1335 : memref<8x128xf32, #tpu.memory_space<vmem>>)
      %dma_wait3A_1340 = arith.constant 0 : i32
      %dma_wait3A_1341 = arith.constant 0 : i32
      %dma_wait3A_1342 = arith.constant 0 : i32
      %dma_wait3A_1343 = arith.constant 0 : i32
      %dma_wait3A_1344 = arith.constant 0 : i32
      %dma_wait3A_1345 = tpu.memref_slice %arg11[%dma_wait3A_1343, %dma_wait3A_1344] : memref<128x128xf32, #tpu.memory_space<vmem>> -> memref<8x128xf32, #tpu.memory_space<vmem>>
      %dma_wait3A_1346 = arith.constant 0 : i32
      %dma_wait3A_1347 = arith.constant 0 : i32
      %dma_wait3A_1348 = tpu.memref_slice %arg2[%dma_wait3A_1340, %dma_wait3A_1341, %dma_wait3A_1342, %dma_wait3A_1346, %dma_wait3A_1347] : memref<50x8x32x8x128xf32, #tpu.memory_space<hbm>> -> memref<1x1x1x8x128xf32, #tpu.memory_space<hbm>>
      %dma_wait3A_1349 = tpu.memref_squeeze %dma_wait3A_1348 : memref<1x1x1x8x128xf32, #tpu.memory_space<hbm>> -> memref<8x128xf32, #tpu.memory_space<hbm>>
      %dma_wait3A_1350 = arith.constant 0 : i32
      %dma_wait3A_1351 = arith.constant 0 : i32
      %dma_wait3A_1352 = tpu.memref_slice %arg11[%dma_wait3A_1350, %dma_wait3A_1351] : memref<128x128xf32, #tpu.memory_space<vmem>> -> memref<8x128xf32, #tpu.memory_space<vmem>>
      %dma_wait3A_1353 = arith.constant 0 : i32
      %dma_wait3A_1354 = arith.constant 0 : i32
      %dma_wait3A_1355 = tpu.memref_slice %arg2[%dma_wait3A_1340, %dma_wait3A_1341, %dma_wait3A_1342, %dma_wait3A_1353, %dma_wait3A_1354] : memref<50x8x32x8x128xf32, #tpu.memory_space<hbm>> -> memref<1x1x1x8x128xf32, #tpu.memory_space<hbm>>
      %dma_wait3A_1356 = tpu.memref_squeeze %dma_wait3A_1355 : memref<1x1x1x8x128xf32, #tpu.memory_space<hbm>> -> memref<8x128xf32, #tpu.memory_space<hbm>>
      tpu.wait_dma2 semaphore(%arg19 : memref<!tpu.dma_semaphore, #tpu.memory_space<semaphore_mem>>) src(%dma_wait3A_1356 : memref<8x128xf32, #tpu.memory_space<hbm>>) dst(%dma_wait3A_1352 : memref<8x128xf32, #tpu.memory_space<vmem>>)
      %dma_wait3A_1357 = arith.constant 0 : i32
      %dma_wait3A_1358 = arith.constant 0 : i32
      %dma_wait3A_1359 = arith.constant 0 : i32
      %dma_wait3A_1360 = arith.constant 0 : i32
      %dma_wait3A_1361 = arith.constant 0 : i32
      %dma_wait3A_1362 = tpu.memref_slice %arg11[%dma_wait3A_1360, %dma_wait3A_1361] : memref<128x128xf32, #tpu.memory_space<vmem>> -> memref<8x128xf32, #tpu.memory_space<vmem>>
      %dma_wait3A_1363 = arith.constant 0 : i32
      %dma_wait3A_1364 = arith.constant 0 : i32
      %dma_wait3A_1365 = tpu.memref_slice %arg2[%dma_wait3A_1357, %dma_wait3A_1358, %dma_wait3A_1359, %dma_wait3A_1363, %dma_wait3A_1364] : memref<50x8x32x8x128xf32, #tpu.memory_space<hbm>> -> memref<1x1x1x8x128xf32, #tpu.memory_space<hbm>>
      %dma_wait3A_1366 = tpu.memref_squeeze %dma_wait3A_1365 : memref<1x1x1x8x128xf32, #tpu.memory_space<hbm>> -> memref<8x128xf32, #tpu.memory_space<hbm>>
      %dma_wait3A_1367 = arith.constant 0 : i32
      %dma_wait3A_1368 = arith.constant 0 : i32
      %dma_wait3A_1369 = tpu.memref_slice %arg11[%dma_wait3A_1367, %dma_wait3A_1368] : memref<128x128xf32, #tpu.memory_space<vmem>> -> memref<8x128xf32, #tpu.memory_space<vmem>>
      %dma_wait3A_1370 = arith.constant 0 : i32
      %dma_wait3A_1371 = arith.constant 0 : i32
      %dma_wait3A_1372 = tpu.memref_slice %arg2[%dma_wait3A_1357, %dma_wait3A_1358, %dma_wait3A_1359, %dma_wait3A_1370, %dma_wait3A_1371] : memref<50x8x32x8x128xf32, #tpu.memory_space<hbm>> -> memref<1x1x1x8x128xf32, #tpu.memory_space<hbm>>
      %dma_wait3A_1373 = tpu.memref_squeeze %dma_wait3A_1372 : memref<1x1x1x8x128xf32, #tpu.memory_space<hbm>> -> memref<8x128xf32, #tpu.memory_space<hbm>>
      tpu.wait_dma2 semaphore(%arg19 : memref<!tpu.dma_semaphore, #tpu.memory_space<semaphore_mem>>) src(%dma_wait3A_1373 : memref<8x128xf32, #tpu.memory_space<hbm>>) dst(%dma_wait3A_1369 : memref<8x128xf32, #tpu.memory_space<vmem>>)
      %dma_wait3A_1374 = arith.constant 0 : i32
      %dma_wait3A_1375 = arith.constant 0 : i32
      %dma_wait3A_1376 = arith.constant 0 : i32
      %dma_wait3A_1377 = arith.constant 0 : i32
      %dma_wait3A_1378 = arith.constant 0 : i32
      %dma_wait3A_1379 = tpu.memref_slice %arg11[%dma_wait3A_1377, %dma_wait3A_1378] : memref<128x128xf32, #tpu.memory_space<vmem>> -> memref<8x128xf32, #tpu.memory_space<vmem>>
      %dma_wait3A_1380 = arith.constant 0 : i32
      %dma_wait3A_1381 = arith.constant 0 : i32
      %dma_wait3A_1382 = tpu.memref_slice %arg2[%dma_wait3A_1374, %dma_wait3A_1375, %dma_wait3A_1376, %dma_wait3A_1380, %dma_wait3A_1381] : memref<50x8x32x8x128xf32, #tpu.memory_space<hbm>> -> memref<1x1x1x8x128xf32, #tpu.memory_space<hbm>>
      %dma_wait3A_1383 = tpu.memref_squeeze %dma_wait3A_1382 : memref<1x1x1x8x128xf32, #tpu.memory_space<hbm>> -> memref<8x128xf32, #tpu.memory_space<hbm>>
      %dma_wait3A_1384 = arith.constant 0 : i32
      %dma_wait3A_1385 = arith.constant 0 : i32
      %dma_wait3A_1386 = tpu.memref_slice %arg11[%dma_wait3A_1384, %dma_wait3A_1385] : memref<128x128xf32, #tpu.memory_space<vmem>> -> memref<8x128xf32, #tpu.memory_space<vmem>>
      %dma_wait3A_1387 = arith.constant 0 : i32
      %dma_wait3A_1388 = arith.constant 0 : i32
      %dma_wait3A_1389 = tpu.memref_slice %arg2[%dma_wait3A_1374, %dma_wait3A_1375, %dma_wait3A_1376, %dma_wait3A_1387, %dma_wait3A_1388] : memref<50x8x32x8x128xf32, #tpu.memory_space<hbm>> -> memref<1x1x1x8x128xf32, #tpu.memory_space<hbm>>
      %dma_wait3A_1390 = tpu.memref_squeeze %dma_wait3A_1389 : memref<1x1x1x8x128xf32, #tpu.memory_space<hbm>> -> memref<8x128xf32, #tpu.memory_space<hbm>>
      tpu.wait_dma2 semaphore(%arg19 : memref<!tpu.dma_semaphore, #tpu.memory_space<semaphore_mem>>) src(%dma_wait3A_1390 : memref<8x128xf32, #tpu.memory_space<hbm>>) dst(%dma_wait3A_1386 : memref<8x128xf32, #tpu.memory_space<vmem>>)
      %dma_wait3A_1391 = arith.constant 0 : i32
      %dma_wait3A_1392 = arith.constant 0 : i32
      %dma_wait3A_1393 = arith.constant 0 : i32
      %dma_wait3A_1394 = arith.constant 0 : i32
      %dma_wait3A_1395 = arith.constant 0 : i32
      %dma_wait3A_1396 = tpu.memref_slice %arg11[%dma_wait3A_1394, %dma_wait3A_1395] : memref<128x128xf32, #tpu.memory_space<vmem>> -> memref<8x128xf32, #tpu.memory_space<vmem>>
      %dma_wait3A_1397 = arith.constant 0 : i32
      %dma_wait3A_1398 = arith.constant 0 : i32
      %dma_wait3A_1399 = tpu.memref_slice %arg2[%dma_wait3A_1391, %dma_wait3A_1392, %dma_wait3A_1393, %dma_wait3A_1397, %dma_wait3A_1398] : memref<50x8x32x8x128xf32, #tpu.memory_space<hbm>> -> memref<1x1x1x8x128xf32, #tpu.memory_space<hbm>>
      %dma_wait3A_1400 = tpu.memref_squeeze %dma_wait3A_1399 : memref<1x1x1x8x128xf32, #tpu.memory_space<hbm>> -> memref<8x128xf32, #tpu.memory_space<hbm>>
      %dma_wait3A_1401 = arith.constant 0 : i32
      %dma_wait3A_1402 = arith.constant 0 : i32
      %dma_wait3A_1403 = tpu.memref_slice %arg11[%dma_wait3A_1401, %dma_wait3A_1402] : memref<128x128xf32, #tpu.memory_space<vmem>> -> memref<8x128xf32, #tpu.memory_space<vmem>>
      %dma_wait3A_1404 = arith.constant 0 : i32
      %dma_wait3A_1405 = arith.constant 0 : i32
      %dma_wait3A_1406 = tpu.memref_slice %arg2[%dma_wait3A_1391, %dma_wait3A_1392, %dma_wait3A_1393, %dma_wait3A_1404, %dma_wait3A_1405] : memref<50x8x32x8x128xf32, #tpu.memory_space<hbm>> -> memref<1x1x1x8x128xf32, #tpu.memory_space<hbm>>
      %dma_wait3A_1407 = tpu.memref_squeeze %dma_wait3A_1406 : memref<1x1x1x8x128xf32, #tpu.memory_space<hbm>> -> memref<8x128xf32, #tpu.memory_space<hbm>>
      tpu.wait_dma2 semaphore(%arg19 : memref<!tpu.dma_semaphore, #tpu.memory_space<semaphore_mem>>) src(%dma_wait3A_1407 : memref<8x128xf32, #tpu.memory_space<hbm>>) dst(%dma_wait3A_1403 : memref<8x128xf32, #tpu.memory_space<vmem>>)
      %dma_wait3A_1408 = arith.constant 0 : i32
      %dma_wait3A_1409 = arith.constant 0 : i32
      %dma_wait3A_1410 = arith.constant 0 : i32
      %dma_wait3A_1411 = arith.constant 0 : i32
      %dma_wait3A_1412 = arith.constant 0 : i32
      %dma_wait3A_1413 = tpu.memref_slice %arg11[%dma_wait3A_1411, %dma_wait3A_1412] : memref<128x128xf32, #tpu.memory_space<vmem>> -> memref<8x128xf32, #tpu.memory_space<vmem>>
      %dma_wait3A_1414 = arith.constant 0 : i32
      %dma_wait3A_1415 = arith.constant 0 : i32
      %dma_wait3A_1416 = tpu.memref_slice %arg2[%dma_wait3A_1408, %dma_wait3A_1409, %dma_wait3A_1410, %dma_wait3A_1414, %dma_wait3A_1415] : memref<50x8x32x8x128xf32, #tpu.memory_space<hbm>> -> memref<1x1x1x8x128xf32, #tpu.memory_space<hbm>>
      %dma_wait3A_1417 = tpu.memref_squeeze %dma_wait3A_1416 : memref<1x1x1x8x128xf32, #tpu.memory_space<hbm>> -> memref<8x128xf32, #tpu.memory_space<hbm>>
      %dma_wait3A_1418 = arith.constant 0 : i32
      %dma_wait3A_1419 = arith.constant 0 : i32
      %dma_wait3A_1420 = tpu.memref_slice %arg11[%dma_wait3A_1418, %dma_wait3A_1419] : memref<128x128xf32, #tpu.memory_space<vmem>> -> memref<8x128xf32, #tpu.memory_space<vmem>>
      %dma_wait3A_1421 = arith.constant 0 : i32
      %dma_wait3A_1422 = arith.constant 0 : i32
      %dma_wait3A_1423 = tpu.memref_slice %arg2[%dma_wait3A_1408, %dma_wait3A_1409, %dma_wait3A_1410, %dma_wait3A_1421, %dma_wait3A_1422] : memref<50x8x32x8x128xf32, #tpu.memory_space<hbm>> -> memref<1x1x1x8x128xf32, #tpu.memory_space<hbm>>
      %dma_wait3A_1424 = tpu.memref_squeeze %dma_wait3A_1423 : memref<1x1x1x8x128xf32, #tpu.memory_space<hbm>> -> memref<8x128xf32, #tpu.memory_space<hbm>>
      tpu.wait_dma2 semaphore(%arg19 : memref<!tpu.dma_semaphore, #tpu.memory_space<semaphore_mem>>) src(%dma_wait3A_1424 : memref<8x128xf32, #tpu.memory_space<hbm>>) dst(%dma_wait3A_1420 : memref<8x128xf32, #tpu.memory_space<vmem>>)
      %dma_wait3A_1425 = arith.constant 0 : i32
      %dma_wait3A_1426 = arith.constant 0 : i32
      %dma_wait3A_1427 = arith.constant 0 : i32
      %dma_wait3A_1428 = arith.constant 0 : i32
      %dma_wait3A_1429 = arith.constant 0 : i32
      %dma_wait3A_1430 = tpu.memref_slice %arg11[%dma_wait3A_1428, %dma_wait3A_1429] : memref<128x128xf32, #tpu.memory_space<vmem>> -> memref<8x128xf32, #tpu.memory_space<vmem>>
      %dma_wait3A_1431 = arith.constant 0 : i32
      %dma_wait3A_1432 = arith.constant 0 : i32
      %dma_wait3A_1433 = tpu.memref_slice %arg2[%dma_wait3A_1425, %dma_wait3A_1426, %dma_wait3A_1427, %dma_wait3A_1431, %dma_wait3A_1432] : memref<50x8x32x8x128xf32, #tpu.memory_space<hbm>> -> memref<1x1x1x8x128xf32, #tpu.memory_space<hbm>>
      %dma_wait3A_1434 = tpu.memref_squeeze %dma_wait3A_1433 : memref<1x1x1x8x128xf32, #tpu.memory_space<hbm>> -> memref<8x128xf32, #tpu.memory_space<hbm>>
      %dma_wait3A_1435 = arith.constant 0 : i32
      %dma_wait3A_1436 = arith.constant 0 : i32
      %dma_wait3A_1437 = tpu.memref_slice %arg11[%dma_wait3A_1435, %dma_wait3A_1436] : memref<128x128xf32, #tpu.memory_space<vmem>> -> memref<8x128xf32, #tpu.memory_space<vmem>>
      %dma_wait3A_1438 = arith.constant 0 : i32
      %dma_wait3A_1439 = arith.constant 0 : i32
      %dma_wait3A_1440 = tpu.memref_slice %arg2[%dma_wait3A_1425, %dma_wait3A_1426, %dma_wait3A_1427, %dma_wait3A_1438, %dma_wait3A_1439] : memref<50x8x32x8x128xf32, #tpu.memory_space<hbm>> -> memref<1x1x1x8x128xf32, #tpu.memory_space<hbm>>
      %dma_wait3A_1441 = tpu.memref_squeeze %dma_wait3A_1440 : memref<1x1x1x8x128xf32, #tpu.memory_space<hbm>> -> memref<8x128xf32, #tpu.memory_space<hbm>>
      tpu.wait_dma2 semaphore(%arg19 : memref<!tpu.dma_semaphore, #tpu.memory_space<semaphore_mem>>) src(%dma_wait3A_1441 : memref<8x128xf32, #tpu.memory_space<hbm>>) dst(%dma_wait3A_1437 : memref<8x128xf32, #tpu.memory_space<vmem>>)
      %dma_wait3A_1442 = arith.constant 0 : i32
      %dma_wait3A_1443 = arith.constant 0 : i32
      %dma_wait3A_1444 = arith.constant 0 : i32
      %dma_wait3A_1445 = arith.constant 0 : i32
      %dma_wait3A_1446 = arith.constant 0 : i32
      %dma_wait3A_1447 = tpu.memref_slice %arg11[%dma_wait3A_1445, %dma_wait3A_1446] : memref<128x128xf32, #tpu.memory_space<vmem>> -> memref<8x128xf32, #tpu.memory_space<vmem>>
      %dma_wait3A_1448 = arith.constant 0 : i32
      %dma_wait3A_1449 = arith.constant 0 : i32
      %dma_wait3A_1450 = tpu.memref_slice %arg2[%dma_wait3A_1442, %dma_wait3A_1443, %dma_wait3A_1444, %dma_wait3A_1448, %dma_wait3A_1449] : memref<50x8x32x8x128xf32, #tpu.memory_space<hbm>> -> memref<1x1x1x8x128xf32, #tpu.memory_space<hbm>>
      %dma_wait3A_1451 = tpu.memref_squeeze %dma_wait3A_1450 : memref<1x1x1x8x128xf32, #tpu.memory_space<hbm>> -> memref<8x128xf32, #tpu.memory_space<hbm>>
      %dma_wait3A_1452 = arith.constant 0 : i32
      %dma_wait3A_1453 = arith.constant 0 : i32
      %dma_wait3A_1454 = tpu.memref_slice %arg11[%dma_wait3A_1452, %dma_wait3A_1453] : memref<128x128xf32, #tpu.memory_space<vmem>> -> memref<8x128xf32, #tpu.memory_space<vmem>>
      %dma_wait3A_1455 = arith.constant 0 : i32
      %dma_wait3A_1456 = arith.constant 0 : i32
      %dma_wait3A_1457 = tpu.memref_slice %arg2[%dma_wait3A_1442, %dma_wait3A_1443, %dma_wait3A_1444, %dma_wait3A_1455, %dma_wait3A_1456] : memref<50x8x32x8x128xf32, #tpu.memory_space<hbm>> -> memref<1x1x1x8x128xf32, #tpu.memory_space<hbm>>
      %dma_wait3A_1458 = tpu.memref_squeeze %dma_wait3A_1457 : memref<1x1x1x8x128xf32, #tpu.memory_space<hbm>> -> memref<8x128xf32, #tpu.memory_space<hbm>>
      tpu.wait_dma2 semaphore(%arg19 : memref<!tpu.dma_semaphore, #tpu.memory_space<semaphore_mem>>) src(%dma_wait3A_1458 : memref<8x128xf32, #tpu.memory_space<hbm>>) dst(%dma_wait3A_1454 : memref<8x128xf32, #tpu.memory_space<vmem>>)
      %dma_wait3A_1459 = arith.constant 0 : i32
      %dma_wait3A_1460 = arith.constant 0 : i32
      %dma_wait3A_1461 = arith.constant 0 : i32
      %dma_wait3A_1462 = arith.constant 0 : i32
      %dma_wait3A_1463 = arith.constant 0 : i32
      %dma_wait3A_1464 = tpu.memref_slice %arg11[%dma_wait3A_1462, %dma_wait3A_1463] : memref<128x128xf32, #tpu.memory_space<vmem>> -> memref<8x128xf32, #tpu.memory_space<vmem>>
      %dma_wait3A_1465 = arith.constant 0 : i32
      %dma_wait3A_1466 = arith.constant 0 : i32
      %dma_wait3A_1467 = tpu.memref_slice %arg2[%dma_wait3A_1459, %dma_wait3A_1460, %dma_wait3A_1461, %dma_wait3A_1465, %dma_wait3A_1466] : memref<50x8x32x8x128xf32, #tpu.memory_space<hbm>> -> memref<1x1x1x8x128xf32, #tpu.memory_space<hbm>>
      %dma_wait3A_1468 = tpu.memref_squeeze %dma_wait3A_1467 : memref<1x1x1x8x128xf32, #tpu.memory_space<hbm>> -> memref<8x128xf32, #tpu.memory_space<hbm>>
      %dma_wait3A_1469 = arith.constant 0 : i32
      %dma_wait3A_1470 = arith.constant 0 : i32
      %dma_wait3A_1471 = tpu.memref_slice %arg11[%dma_wait3A_1469, %dma_wait3A_1470] : memref<128x128xf32, #tpu.memory_space<vmem>> -> memref<8x128xf32, #tpu.memory_space<vmem>>
      %dma_wait3A_1472 = arith.constant 0 : i32
      %dma_wait3A_1473 = arith.constant 0 : i32
      %dma_wait3A_1474 = tpu.memref_slice %arg2[%dma_wait3A_1459, %dma_wait3A_1460, %dma_wait3A_1461, %dma_wait3A_1472, %dma_wait3A_1473] : memref<50x8x32x8x128xf32, #tpu.memory_space<hbm>> -> memref<1x1x1x8x128xf32, #tpu.memory_space<hbm>>
      %dma_wait3A_1475 = tpu.memref_squeeze %dma_wait3A_1474 : memref<1x1x1x8x128xf32, #tpu.memory_space<hbm>> -> memref<8x128xf32, #tpu.memory_space<hbm>>
      tpu.wait_dma2 semaphore(%arg19 : memref<!tpu.dma_semaphore, #tpu.memory_space<semaphore_mem>>) src(%dma_wait3A_1475 : memref<8x128xf32, #tpu.memory_space<hbm>>) dst(%dma_wait3A_1471 : memref<8x128xf32, #tpu.memory_space<vmem>>)
      %lt3A = arith.constant 23 : i32
      %lt3A_1476 = arith.cmpi slt, %add3A_1160, %lt3A : i32
      %convert_element_type3A = arith.extui %lt3A_1476 : i1 to i32
      %cond3A = arith.constant 0 : i32
      %cond3A_1477 = arith.cmpi ne, %convert_element_type3A, %cond3A : i32
      scf.if %cond3A_1477 {
        %add3A_1895 = arith.constant 64 : i32
        %add3A_1896 = arith.addi %add3A_1163, %add3A_1895 : i32
        %jit3A_1897 = arith.constant 16 : i32
        %div3A_1898 = arith.divsi %add3A_1896, %jit3A_1897 : i32
        %sign3A_1899 = arith.constant 0 : i32
        %sign3A_1900 = arith.cmpi sgt, %add3A_1896, %sign3A_1899 : i32
        %sign3A_1901 = arith.extui %sign3A_1900 : i1 to i32
        %sign3A_1902 = arith.constant 0 : i32
        %sign3A_1903 = arith.cmpi slt, %add3A_1896, %sign3A_1902 : i32
        %sign3A_1904 = arith.extui %sign3A_1903 : i1 to i32
        %sign3A_1905 = arith.subi %sign3A_1901, %sign3A_1904 : i32
        %sign3A_1906 = arith.constant 0 : i32
        %sign3A_1907 = arith.cmpi sgt, %jit3A_1897, %sign3A_1906 : i32
        %sign3A_1908 = arith.extui %sign3A_1907 : i1 to i32
        %sign3A_1909 = arith.constant 0 : i32
        %sign3A_1910 = arith.cmpi slt, %jit3A_1897, %sign3A_1909 : i32
        %sign3A_1911 = arith.extui %sign3A_1910 : i1 to i32
        %sign3A_1912 = arith.subi %sign3A_1908, %sign3A_1911 : i32
        %ne3A_1913 = arith.cmpi ne, %sign3A_1905, %sign3A_1912 : i32
        %rem3A_1914 = arith.remsi %add3A_1896, %jit3A_1897 : i32
        %ne3A_1915 = arith.constant 0 : i32
        %ne3A_1916 = arith.cmpi ne, %rem3A_1914, %ne3A_1915 : i32
        %and3A_1917 = arith.andi %ne3A_1913, %ne3A_1916 : i1
        %sub3A_1918 = arith.constant 1 : i32
        %sub3A_1919 = arith.subi %div3A_1898, %sub3A_1918 : i32
        %select_n3A_1920 = arith.select %and3A_1917, %sub3A_1919, %div3A_1898 : i32
        %mul3A_1921 = arith.constant 16 : i32
        %mul3A_1922 = arith.muli %select_n3A_1920, %mul3A_1921 : i32
        %sub3A_1923 = arith.subi %add3A_1896, %mul3A_1922 : i32
        %mul3A_1924 = arith.constant 256 : i32
        %mul3A_1925 = arith.muli %sub3A_1923, %mul3A_1924 : i32
        %dma_start3A_1926 = tpu.memref_slice %arg3[%select_n3A_1920, %mul3A_1925] : memref<50x4096xi32, #tpu.memory_space<hbm>> -> memref<1x256xi32, #tpu.memory_space<hbm>>
        %dma_start3A_1927 = tpu.memref_squeeze %dma_start3A_1926 : memref<1x256xi32, #tpu.memory_space<hbm>> -> memref<256xi32, #tpu.memory_space<hbm>>
        %dma_start3A_1928 = tpu.memref_slice %arg3[%select_n3A_1920, %mul3A_1925] : memref<50x4096xi32, #tpu.memory_space<hbm>> -> memref<1x256xi32, #tpu.memory_space<hbm>>
        %dma_start3A_1929 = tpu.memref_squeeze %dma_start3A_1928 : memref<1x256xi32, #tpu.memory_space<hbm>> -> memref<256xi32, #tpu.memory_space<hbm>>
        tpu.enqueue_dma source(%dma_start3A_1929 : memref<256xi32, #tpu.memory_space<hbm>>) target(%arg7 : memref<256xi32, #tpu.memory_space<vmem>>) target_semaphore(%arg17 : memref<!tpu.dma_semaphore, #tpu.memory_space<semaphore_mem>>)
      } else {
      }
      %lt3A_1478 = arith.constant 24 : i32
      %lt3A_1479 = arith.cmpi slt, %add3A_1160, %lt3A_1478 : i32
      %convert_element_type3A_1480 = arith.extui %lt3A_1479 : i1 to i32
      %cond3A_1481 = arith.constant 0 : i32
      %cond3A_1482 = arith.cmpi ne, %convert_element_type3A_1480, %cond3A_1481 : i32
      scf.if %cond3A_1482 {
        %dma_wait3A_1895 = arith.constant 0 : i32
        %dma_wait3A_1896 = arith.constant 0 : i32
        %dma_wait3A_1897 = tpu.memref_slice %arg3[%dma_wait3A_1895, %dma_wait3A_1896] : memref<50x4096xi32, #tpu.memory_space<hbm>> -> memref<1x256xi32, #tpu.memory_space<hbm>>
        %dma_wait3A_1898 = tpu.memref_squeeze %dma_wait3A_1897 : memref<1x256xi32, #tpu.memory_space<hbm>> -> memref<256xi32, #tpu.memory_space<hbm>>
        %dma_wait3A_1899 = arith.constant 0 : i32
        %dma_wait3A_1900 = tpu.memref_slice %arg3[%dma_wait3A_1895, %dma_wait3A_1899] : memref<50x4096xi32, #tpu.memory_space<hbm>> -> memref<1x256xi32, #tpu.memory_space<hbm>>
        %dma_wait3A_1901 = tpu.memref_squeeze %dma_wait3A_1900 : memref<1x256xi32, #tpu.memory_space<hbm>> -> memref<256xi32, #tpu.memory_space<hbm>>
        tpu.wait_dma2 semaphore(%arg18 : memref<!tpu.dma_semaphore, #tpu.memory_space<semaphore_mem>>) src(%dma_wait3A_1901 : memref<256xi32, #tpu.memory_space<hbm>>) dst(%arg8 : memref<256xi32, #tpu.memory_space<vmem>>)
        %add3A_1902 = arith.constant 32 : i32
        %add3A_1903 = arith.addi %add3A_1163, %add3A_1902 : i32
        %jit3A_1904 = arith.constant 16 : i32
        %div3A_1905 = arith.divsi %add3A_1903, %jit3A_1904 : i32
        %sign3A_1906 = arith.constant 0 : i32
        %sign3A_1907 = arith.cmpi sgt, %add3A_1903, %sign3A_1906 : i32
        %sign3A_1908 = arith.extui %sign3A_1907 : i1 to i32
        %sign3A_1909 = arith.constant 0 : i32
        %sign3A_1910 = arith.cmpi slt, %add3A_1903, %sign3A_1909 : i32
        %sign3A_1911 = arith.extui %sign3A_1910 : i1 to i32
        %sign3A_1912 = arith.subi %sign3A_1908, %sign3A_1911 : i32
        %sign3A_1913 = arith.constant 0 : i32
        %sign3A_1914 = arith.cmpi sgt, %jit3A_1904, %sign3A_1913 : i32
        %sign3A_1915 = arith.extui %sign3A_1914 : i1 to i32
        %sign3A_1916 = arith.constant 0 : i32
        %sign3A_1917 = arith.cmpi slt, %jit3A_1904, %sign3A_1916 : i32
        %sign3A_1918 = arith.extui %sign3A_1917 : i1 to i32
        %sign3A_1919 = arith.subi %sign3A_1915, %sign3A_1918 : i32
        %ne3A_1920 = arith.cmpi ne, %sign3A_1912, %sign3A_1919 : i32
        %rem3A_1921 = arith.remsi %add3A_1903, %jit3A_1904 : i32
        %ne3A_1922 = arith.constant 0 : i32
        %ne3A_1923 = arith.cmpi ne, %rem3A_1921, %ne3A_1922 : i32
        %and3A_1924 = arith.andi %ne3A_1920, %ne3A_1923 : i1
        %sub3A_1925 = arith.constant 1 : i32
        %sub3A_1926 = arith.subi %div3A_1905, %sub3A_1925 : i32
        %select_n3A_1927 = arith.select %and3A_1924, %sub3A_1926, %div3A_1905 : i32
        %mul3A_1928 = arith.constant 16 : i32
        %mul3A_1929 = arith.muli %select_n3A_1927, %mul3A_1928 : i32
        %sub3A_1930 = arith.subi %add3A_1903, %mul3A_1929 : i32
        %mul3A_1931 = arith.constant 256 : i32
        %mul3A_1932 = arith.muli %sub3A_1930, %mul3A_1931 : i32
        %dma_start3A_1933 = arith.constant 0 : i32
        %dma_start3A_1934 = arith.constant 0 : i32
        %dma_start3A_1935 = tpu.memref_slice %arg10[%dma_start3A_1933, %dma_start3A_1934] : memref<256x64xf32, #tpu.memory_space<vmem>> -> memref<128x64xf32, #tpu.memory_space<vmem>>
        %dma_start3A_1936 = arith.constant 0 : i32
        %dma_start3A_1937 = tpu.memref_slice %arg8[%dma_start3A_1936] : memref<256xi32, #tpu.memory_space<vmem>> -> memref<128xi32, #tpu.memory_space<vmem>>
        %dma_start3A_1938 = arith.constant 0 : i32
        %dma_start3A_1939 = arith.constant 0 : i32
        %dma_start3A_1940 = tpu.memref_slice %arg4[%dma_start3A_1938, %dma_start3A_1939] : memref<100000x64xf32, #tpu.memory_space<hbm>> -> memref<100000x64xf32, #tpu.memory_space<hbm>>
        tpu.enqueue_indirect_dma source(%dma_start3A_1940 : memref<100000x64xf32, #tpu.memory_space<hbm>>) target(%dma_start3A_1935 : memref<128x64xf32, #tpu.memory_space<vmem>>) offsets(%dma_start3A_1937 : memref<128xi32, #tpu.memory_space<vmem>>) semaphore(%arg20 : memref<!tpu.dma_semaphore, #tpu.memory_space<semaphore_mem>>)
        %dma_start3A_1941 = arith.constant 0 : i32
        %dma_start3A_1942 = tpu.memref_slice %arg14[%dma_start3A_1941] : memref<256xf32, #tpu.memory_space<vmem>> -> memref<128xf32, #tpu.memory_space<vmem>>
        %dma_start3A_1943 = arith.constant 0 : i32
        %dma_start3A_1944 = tpu.memref_slice %arg8[%dma_start3A_1943] : memref<256xi32, #tpu.memory_space<vmem>> -> memref<128xi32, #tpu.memory_space<vmem>>
        %dma_start3A_1945 = arith.constant 0 : i32
        %dma_start3A_1946 = tpu.memref_slice %arg5[%dma_start3A_1945] : memref<100000xf32, #tpu.memory_space<hbm>> -> memref<100000xf32, #tpu.memory_space<hbm>>
        tpu.enqueue_indirect_dma source(%dma_start3A_1946 : memref<100000xf32, #tpu.memory_space<hbm>>) target(%dma_start3A_1942 : memref<128xf32, #tpu.memory_space<vmem>>) offsets(%dma_start3A_1944 : memref<128xi32, #tpu.memory_space<vmem>>) semaphore(%arg20 : memref<!tpu.dma_semaphore, #tpu.memory_space<semaphore_mem>>)
        %dma_start3A_1947 = arith.constant 128 : i32
        %dma_start3A_1948 = arith.constant 0 : i32
        %dma_start3A_1949 = tpu.memref_slice %arg10[%dma_start3A_1947, %dma_start3A_1948] : memref<256x64xf32, #tpu.memory_space<vmem>> -> memref<128x64xf32, #tpu.memory_space<vmem>>
        %dma_start3A_1950 = arith.constant 128 : i32
        %dma_start3A_1951 = tpu.memref_slice %arg8[%dma_start3A_1950] : memref<256xi32, #tpu.memory_space<vmem>> -> memref<128xi32, #tpu.memory_space<vmem>>
        %dma_start3A_1952 = arith.constant 0 : i32
        %dma_start3A_1953 = arith.constant 0 : i32
        %dma_start3A_1954 = tpu.memref_slice %arg4[%dma_start3A_1952, %dma_start3A_1953] : memref<100000x64xf32, #tpu.memory_space<hbm>> -> memref<100000x64xf32, #tpu.memory_space<hbm>>
        tpu.enqueue_indirect_dma source(%dma_start3A_1954 : memref<100000x64xf32, #tpu.memory_space<hbm>>) target(%dma_start3A_1949 : memref<128x64xf32, #tpu.memory_space<vmem>>) offsets(%dma_start3A_1951 : memref<128xi32, #tpu.memory_space<vmem>>) semaphore(%arg20 : memref<!tpu.dma_semaphore, #tpu.memory_space<semaphore_mem>>)
        %dma_start3A_1955 = arith.constant 128 : i32
        %dma_start3A_1956 = tpu.memref_slice %arg14[%dma_start3A_1955] : memref<256xf32, #tpu.memory_space<vmem>> -> memref<128xf32, #tpu.memory_space<vmem>>
        %dma_start3A_1957 = arith.constant 128 : i32
        %dma_start3A_1958 = tpu.memref_slice %arg8[%dma_start3A_1957] : memref<256xi32, #tpu.memory_space<vmem>> -> memref<128xi32, #tpu.memory_space<vmem>>
        %dma_start3A_1959 = arith.constant 0 : i32
        %dma_start3A_1960 = tpu.memref_slice %arg5[%dma_start3A_1959] : memref<100000xf32, #tpu.memory_space<hbm>> -> memref<100000xf32, #tpu.memory_space<hbm>>
        tpu.enqueue_indirect_dma source(%dma_start3A_1960 : memref<100000xf32, #tpu.memory_space<hbm>>) target(%dma_start3A_1956 : memref<128xf32, #tpu.memory_space<vmem>>) offsets(%dma_start3A_1958 : memref<128xi32, #tpu.memory_space<vmem>>) semaphore(%arg20 : memref<!tpu.dma_semaphore, #tpu.memory_space<semaphore_mem>>)
        %jit3A_1961 = arith.constant 128 : i32
        %div3A_1962 = arith.divsi %mul3A_1932, %jit3A_1961 : i32
        %sign3A_1963 = arith.constant 0 : i32
        %sign3A_1964 = arith.cmpi sgt, %mul3A_1932, %sign3A_1963 : i32
        %sign3A_1965 = arith.extui %sign3A_1964 : i1 to i32
        %sign3A_1966 = arith.constant 0 : i32
        %sign3A_1967 = arith.cmpi slt, %mul3A_1932, %sign3A_1966 : i32
        %sign3A_1968 = arith.extui %sign3A_1967 : i1 to i32
        %sign3A_1969 = arith.subi %sign3A_1965, %sign3A_1968 : i32
        %sign3A_1970 = arith.constant 0 : i32
        %sign3A_1971 = arith.cmpi sgt, %jit3A_1961, %sign3A_1970 : i32
        %sign3A_1972 = arith.extui %sign3A_1971 : i1 to i32
        %sign3A_1973 = arith.constant 0 : i32
        %sign3A_1974 = arith.cmpi slt, %jit3A_1961, %sign3A_1973 : i32
        %sign3A_1975 = arith.extui %sign3A_1974 : i1 to i32
        %sign3A_1976 = arith.subi %sign3A_1972, %sign3A_1975 : i32
        %ne3A_1977 = arith.cmpi ne, %sign3A_1969, %sign3A_1976 : i32
        %rem3A_1978 = arith.remsi %mul3A_1932, %jit3A_1961 : i32
        %ne3A_1979 = arith.constant 0 : i32
        %ne3A_1980 = arith.cmpi ne, %rem3A_1978, %ne3A_1979 : i32
        %and3A_1981 = arith.andi %ne3A_1977, %ne3A_1980 : i1
        %sub3A_1982 = arith.constant 1 : i32
        %sub3A_1983 = arith.subi %div3A_1962, %sub3A_1982 : i32
        %select_n3A_1984 = arith.select %and3A_1981, %sub3A_1983, %div3A_1962 : i32
        %add3A_1985 = arith.constant 0 : i32
        %add3A_1986 = arith.addi %select_n3A_1984, %add3A_1985 : i32
        %dma_start3A_1987 = arith.constant 0 : i32
        %dma_start3A_1988 = arith.constant 0 : i32
        %dma_start3A_1989 = arith.constant 0 : i32
        %dma_start3A_1990 = tpu.memref_slice %arg12[%dma_start3A_1988, %dma_start3A_1989] : memref<128x128xf32, #tpu.memory_space<vmem>> -> memref<8x128xf32, #tpu.memory_space<vmem>>
        %dma_start3A_1991 = arith.constant 0 : i32
        %dma_start3A_1992 = arith.constant 0 : i32
        %dma_start3A_1993 = tpu.memref_slice %arg2[%select_n3A_1927, %dma_start3A_1987, %add3A_1986, %dma_start3A_1991, %dma_start3A_1992] : memref<50x8x32x8x128xf32, #tpu.memory_space<hbm>> -> memref<1x1x1x8x128xf32, #tpu.memory_space<hbm>>
        %dma_start3A_1994 = tpu.memref_squeeze %dma_start3A_1993 : memref<1x1x1x8x128xf32, #tpu.memory_space<hbm>> -> memref<8x128xf32, #tpu.memory_space<hbm>>
        %dma_start3A_1995 = arith.constant 0 : i32
        %dma_start3A_1996 = arith.constant 0 : i32
        %dma_start3A_1997 = tpu.memref_slice %arg12[%dma_start3A_1995, %dma_start3A_1996] : memref<128x128xf32, #tpu.memory_space<vmem>> -> memref<8x128xf32, #tpu.memory_space<vmem>>
        %dma_start3A_1998 = arith.constant 0 : i32
        %dma_start3A_1999 = arith.constant 0 : i32
        %dma_start3A_2000 = tpu.memref_slice %arg2[%select_n3A_1927, %dma_start3A_1987, %add3A_1986, %dma_start3A_1998, %dma_start3A_1999] : memref<50x8x32x8x128xf32, #tpu.memory_space<hbm>> -> memref<1x1x1x8x128xf32, #tpu.memory_space<hbm>>
        %dma_start3A_2001 = tpu.memref_squeeze %dma_start3A_2000 : memref<1x1x1x8x128xf32, #tpu.memory_space<hbm>> -> memref<8x128xf32, #tpu.memory_space<hbm>>
        tpu.enqueue_dma source(%dma_start3A_2001 : memref<8x128xf32, #tpu.memory_space<hbm>>) target(%dma_start3A_1997 : memref<8x128xf32, #tpu.memory_space<vmem>>) target_semaphore(%arg20 : memref<!tpu.dma_semaphore, #tpu.memory_space<semaphore_mem>>)
        %jit3A_2002 = arith.constant 128 : i32
        %div3A_2003 = arith.divsi %mul3A_1932, %jit3A_2002 : i32
        %sign3A_2004 = arith.constant 0 : i32
        %sign3A_2005 = arith.cmpi sgt, %mul3A_1932, %sign3A_2004 : i32
        %sign3A_2006 = arith.extui %sign3A_2005 : i1 to i32
        %sign3A_2007 = arith.constant 0 : i32
        %sign3A_2008 = arith.cmpi slt, %mul3A_1932, %sign3A_2007 : i32
        %sign3A_2009 = arith.extui %sign3A_2008 : i1 to i32
        %sign3A_2010 = arith.subi %sign3A_2006, %sign3A_2009 : i32
        %sign3A_2011 = arith.constant 0 : i32
        %sign3A_2012 = arith.cmpi sgt, %jit3A_2002, %sign3A_2011 : i32
        %sign3A_2013 = arith.extui %sign3A_2012 : i1 to i32
        %sign3A_2014 = arith.constant 0 : i32
        %sign3A_2015 = arith.cmpi slt, %jit3A_2002, %sign3A_2014 : i32
        %sign3A_2016 = arith.extui %sign3A_2015 : i1 to i32
        %sign3A_2017 = arith.subi %sign3A_2013, %sign3A_2016 : i32
        %ne3A_2018 = arith.cmpi ne, %sign3A_2010, %sign3A_2017 : i32
        %rem3A_2019 = arith.remsi %mul3A_1932, %jit3A_2002 : i32
        %ne3A_2020 = arith.constant 0 : i32
        %ne3A_2021 = arith.cmpi ne, %rem3A_2019, %ne3A_2020 : i32
        %and3A_2022 = arith.andi %ne3A_2018, %ne3A_2021 : i1
        %sub3A_2023 = arith.constant 1 : i32
        %sub3A_2024 = arith.subi %div3A_2003, %sub3A_2023 : i32
        %select_n3A_2025 = arith.select %and3A_2022, %sub3A_2024, %div3A_2003 : i32
        %add3A_2026 = arith.constant 0 : i32
        %add3A_2027 = arith.addi %select_n3A_2025, %add3A_2026 : i32
        %dma_start3A_2028 = arith.constant 1 : i32
        %dma_start3A_2029 = arith.constant 8 : i32
        %dma_start3A_2030 = arith.constant 0 : i32
        %dma_start3A_2031 = tpu.memref_slice %arg12[%dma_start3A_2029, %dma_start3A_2030] : memref<128x128xf32, #tpu.memory_space<vmem>> -> memref<8x128xf32, #tpu.memory_space<vmem>>
        %dma_start3A_2032 = arith.constant 0 : i32
        %dma_start3A_2033 = arith.constant 0 : i32
        %dma_start3A_2034 = tpu.memref_slice %arg2[%select_n3A_1927, %dma_start3A_2028, %add3A_2027, %dma_start3A_2032, %dma_start3A_2033] : memref<50x8x32x8x128xf32, #tpu.memory_space<hbm>> -> memref<1x1x1x8x128xf32, #tpu.memory_space<hbm>>
        %dma_start3A_2035 = tpu.memref_squeeze %dma_start3A_2034 : memref<1x1x1x8x128xf32, #tpu.memory_space<hbm>> -> memref<8x128xf32, #tpu.memory_space<hbm>>
        %dma_start3A_2036 = arith.constant 8 : i32
        %dma_start3A_2037 = arith.constant 0 : i32
        %dma_start3A_2038 = tpu.memref_slice %arg12[%dma_start3A_2036, %dma_start3A_2037] : memref<128x128xf32, #tpu.memory_space<vmem>> -> memref<8x128xf32, #tpu.memory_space<vmem>>
        %dma_start3A_2039 = arith.constant 0 : i32
        %dma_start3A_2040 = arith.constant 0 : i32
        %dma_start3A_2041 = tpu.memref_slice %arg2[%select_n3A_1927, %dma_start3A_2028, %add3A_2027, %dma_start3A_2039, %dma_start3A_2040] : memref<50x8x32x8x128xf32, #tpu.memory_space<hbm>> -> memref<1x1x1x8x128xf32, #tpu.memory_space<hbm>>
        %dma_start3A_2042 = tpu.memref_squeeze %dma_start3A_2041 : memref<1x1x1x8x128xf32, #tpu.memory_space<hbm>> -> memref<8x128xf32, #tpu.memory_space<hbm>>
        tpu.enqueue_dma source(%dma_start3A_2042 : memref<8x128xf32, #tpu.memory_space<hbm>>) target(%dma_start3A_2038 : memref<8x128xf32, #tpu.memory_space<vmem>>) target_semaphore(%arg20 : memref<!tpu.dma_semaphore, #tpu.memory_space<semaphore_mem>>)
        %jit3A_2043 = arith.constant 128 : i32
        %div3A_2044 = arith.divsi %mul3A_1932, %jit3A_2043 : i32
        %sign3A_2045 = arith.constant 0 : i32
        %sign3A_2046 = arith.cmpi sgt, %mul3A_1932, %sign3A_2045 : i32
        %sign3A_2047 = arith.extui %sign3A_2046 : i1 to i32
        %sign3A_2048 = arith.constant 0 : i32
        %sign3A_2049 = arith.cmpi slt, %mul3A_1932, %sign3A_2048 : i32
        %sign3A_2050 = arith.extui %sign3A_2049 : i1 to i32
        %sign3A_2051 = arith.subi %sign3A_2047, %sign3A_2050 : i32
        %sign3A_2052 = arith.constant 0 : i32
        %sign3A_2053 = arith.cmpi sgt, %jit3A_2043, %sign3A_2052 : i32
        %sign3A_2054 = arith.extui %sign3A_2053 : i1 to i32
        %sign3A_2055 = arith.constant 0 : i32
        %sign3A_2056 = arith.cmpi slt, %jit3A_2043, %sign3A_2055 : i32
        %sign3A_2057 = arith.extui %sign3A_2056 : i1 to i32
        %sign3A_2058 = arith.subi %sign3A_2054, %sign3A_2057 : i32
        %ne3A_2059 = arith.cmpi ne, %sign3A_2051, %sign3A_2058 : i32
        %rem3A_2060 = arith.remsi %mul3A_1932, %jit3A_2043 : i32
        %ne3A_2061 = arith.constant 0 : i32
        %ne3A_2062 = arith.cmpi ne, %rem3A_2060, %ne3A_2061 : i32
        %and3A_2063 = arith.andi %ne3A_2059, %ne3A_2062 : i1
        %sub3A_2064 = arith.constant 1 : i32
        %sub3A_2065 = arith.subi %div3A_2044, %sub3A_2064 : i32
        %select_n3A_2066 = arith.select %and3A_2063, %sub3A_2065, %div3A_2044 : i32
        %add3A_2067 = arith.constant 0 : i32
        %add3A_2068 = arith.addi %select_n3A_2066, %add3A_2067 : i32
        %dma_start3A_2069 = arith.constant 2 : i32
        %dma_start3A_2070 = arith.constant 16 : i32
        %dma_start3A_2071 = arith.constant 0 : i32
        %dma_start3A_2072 = tpu.memref_slice %arg12[%dma_start3A_2070, %dma_start3A_2071] : memref<128x128xf32, #tpu.memory_space<vmem>> -> memref<8x128xf32, #tpu.memory_space<vmem>>
        %dma_start3A_2073 = arith.constant 0 : i32
        %dma_start3A_2074 = arith.constant 0 : i32
        %dma_start3A_2075 = tpu.memref_slice %arg2[%select_n3A_1927, %dma_start3A_2069, %add3A_2068, %dma_start3A_2073, %dma_start3A_2074] : memref<50x8x32x8x128xf32, #tpu.memory_space<hbm>> -> memref<1x1x1x8x128xf32, #tpu.memory_space<hbm>>
        %dma_start3A_2076 = tpu.memref_squeeze %dma_start3A_2075 : memref<1x1x1x8x128xf32, #tpu.memory_space<hbm>> -> memref<8x128xf32, #tpu.memory_space<hbm>>
        %dma_start3A_2077 = arith.constant 16 : i32
        %dma_start3A_2078 = arith.constant 0 : i32
        %dma_start3A_2079 = tpu.memref_slice %arg12[%dma_start3A_2077, %dma_start3A_2078] : memref<128x128xf32, #tpu.memory_space<vmem>> -> memref<8x128xf32, #tpu.memory_space<vmem>>
        %dma_start3A_2080 = arith.constant 0 : i32
        %dma_start3A_2081 = arith.constant 0 : i32
        %dma_start3A_2082 = tpu.memref_slice %arg2[%select_n3A_1927, %dma_start3A_2069, %add3A_2068, %dma_start3A_2080, %dma_start3A_2081] : memref<50x8x32x8x128xf32, #tpu.memory_space<hbm>> -> memref<1x1x1x8x128xf32, #tpu.memory_space<hbm>>
        %dma_start3A_2083 = tpu.memref_squeeze %dma_start3A_2082 : memref<1x1x1x8x128xf32, #tpu.memory_space<hbm>> -> memref<8x128xf32, #tpu.memory_space<hbm>>
        tpu.enqueue_dma source(%dma_start3A_2083 : memref<8x128xf32, #tpu.memory_space<hbm>>) target(%dma_start3A_2079 : memref<8x128xf32, #tpu.memory_space<vmem>>) target_semaphore(%arg20 : memref<!tpu.dma_semaphore, #tpu.memory_space<semaphore_mem>>)
        %jit3A_2084 = arith.constant 128 : i32
        %div3A_2085 = arith.divsi %mul3A_1932, %jit3A_2084 : i32
        %sign3A_2086 = arith.constant 0 : i32
        %sign3A_2087 = arith.cmpi sgt, %mul3A_1932, %sign3A_2086 : i32
        %sign3A_2088 = arith.extui %sign3A_2087 : i1 to i32
        %sign3A_2089 = arith.constant 0 : i32
        %sign3A_2090 = arith.cmpi slt, %mul3A_1932, %sign3A_2089 : i32
        %sign3A_2091 = arith.extui %sign3A_2090 : i1 to i32
        %sign3A_2092 = arith.subi %sign3A_2088, %sign3A_2091 : i32
        %sign3A_2093 = arith.constant 0 : i32
        %sign3A_2094 = arith.cmpi sgt, %jit3A_2084, %sign3A_2093 : i32
        %sign3A_2095 = arith.extui %sign3A_2094 : i1 to i32
        %sign3A_2096 = arith.constant 0 : i32
        %sign3A_2097 = arith.cmpi slt, %jit3A_2084, %sign3A_2096 : i32
        %sign3A_2098 = arith.extui %sign3A_2097 : i1 to i32
        %sign3A_2099 = arith.subi %sign3A_2095, %sign3A_2098 : i32
        %ne3A_2100 = arith.cmpi ne, %sign3A_2092, %sign3A_2099 : i32
        %rem3A_2101 = arith.remsi %mul3A_1932, %jit3A_2084 : i32
        %ne3A_2102 = arith.constant 0 : i32
        %ne3A_2103 = arith.cmpi ne, %rem3A_2101, %ne3A_2102 : i32
        %and3A_2104 = arith.andi %ne3A_2100, %ne3A_2103 : i1
        %sub3A_2105 = arith.constant 1 : i32
        %sub3A_2106 = arith.subi %div3A_2085, %sub3A_2105 : i32
        %select_n3A_2107 = arith.select %and3A_2104, %sub3A_2106, %div3A_2085 : i32
        %add3A_2108 = arith.constant 0 : i32
        %add3A_2109 = arith.addi %select_n3A_2107, %add3A_2108 : i32
        %dma_start3A_2110 = arith.constant 3 : i32
        %dma_start3A_2111 = arith.constant 24 : i32
        %dma_start3A_2112 = arith.constant 0 : i32
        %dma_start3A_2113 = tpu.memref_slice %arg12[%dma_start3A_2111, %dma_start3A_2112] : memref<128x128xf32, #tpu.memory_space<vmem>> -> memref<8x128xf32, #tpu.memory_space<vmem>>
        %dma_start3A_2114 = arith.constant 0 : i32
        %dma_start3A_2115 = arith.constant 0 : i32
        %dma_start3A_2116 = tpu.memref_slice %arg2[%select_n3A_1927, %dma_start3A_2110, %add3A_2109, %dma_start3A_2114, %dma_start3A_2115] : memref<50x8x32x8x128xf32, #tpu.memory_space<hbm>> -> memref<1x1x1x8x128xf32, #tpu.memory_space<hbm>>
        %dma_start3A_2117 = tpu.memref_squeeze %dma_start3A_2116 : memref<1x1x1x8x128xf32, #tpu.memory_space<hbm>> -> memref<8x128xf32, #tpu.memory_space<hbm>>
        %dma_start3A_2118 = arith.constant 24 : i32
        %dma_start3A_2119 = arith.constant 0 : i32
        %dma_start3A_2120 = tpu.memref_slice %arg12[%dma_start3A_2118, %dma_start3A_2119] : memref<128x128xf32, #tpu.memory_space<vmem>> -> memref<8x128xf32, #tpu.memory_space<vmem>>
        %dma_start3A_2121 = arith.constant 0 : i32
        %dma_start3A_2122 = arith.constant 0 : i32
        %dma_start3A_2123 = tpu.memref_slice %arg2[%select_n3A_1927, %dma_start3A_2110, %add3A_2109, %dma_start3A_2121, %dma_start3A_2122] : memref<50x8x32x8x128xf32, #tpu.memory_space<hbm>> -> memref<1x1x1x8x128xf32, #tpu.memory_space<hbm>>
        %dma_start3A_2124 = tpu.memref_squeeze %dma_start3A_2123 : memref<1x1x1x8x128xf32, #tpu.memory_space<hbm>> -> memref<8x128xf32, #tpu.memory_space<hbm>>
        tpu.enqueue_dma source(%dma_start3A_2124 : memref<8x128xf32, #tpu.memory_space<hbm>>) target(%dma_start3A_2120 : memref<8x128xf32, #tpu.memory_space<vmem>>) target_semaphore(%arg20 : memref<!tpu.dma_semaphore, #tpu.memory_space<semaphore_mem>>)
        %jit3A_2125 = arith.constant 128 : i32
        %div3A_2126 = arith.divsi %mul3A_1932, %jit3A_2125 : i32
        %sign3A_2127 = arith.constant 0 : i32
        %sign3A_2128 = arith.cmpi sgt, %mul3A_1932, %sign3A_2127 : i32
        %sign3A_2129 = arith.extui %sign3A_2128 : i1 to i32
        %sign3A_2130 = arith.constant 0 : i32
        %sign3A_2131 = arith.cmpi slt, %mul3A_1932, %sign3A_2130 : i32
        %sign3A_2132 = arith.extui %sign3A_2131 : i1 to i32
        %sign3A_2133 = arith.subi %sign3A_2129, %sign3A_2132 : i32
        %sign3A_2134 = arith.constant 0 : i32
        %sign3A_2135 = arith.cmpi sgt, %jit3A_2125, %sign3A_2134 : i32
        %sign3A_2136 = arith.extui %sign3A_2135 : i1 to i32
        %sign3A_2137 = arith.constant 0 : i32
        %sign3A_2138 = arith.cmpi slt, %jit3A_2125, %sign3A_2137 : i32
        %sign3A_2139 = arith.extui %sign3A_2138 : i1 to i32
        %sign3A_2140 = arith.subi %sign3A_2136, %sign3A_2139 : i32
        %ne3A_2141 = arith.cmpi ne, %sign3A_2133, %sign3A_2140 : i32
        %rem3A_2142 = arith.remsi %mul3A_1932, %jit3A_2125 : i32
        %ne3A_2143 = arith.constant 0 : i32
        %ne3A_2144 = arith.cmpi ne, %rem3A_2142, %ne3A_2143 : i32
        %and3A_2145 = arith.andi %ne3A_2141, %ne3A_2144 : i1
        %sub3A_2146 = arith.constant 1 : i32
        %sub3A_2147 = arith.subi %div3A_2126, %sub3A_2146 : i32
        %select_n3A_2148 = arith.select %and3A_2145, %sub3A_2147, %div3A_2126 : i32
        %add3A_2149 = arith.constant 0 : i32
        %add3A_2150 = arith.addi %select_n3A_2148, %add3A_2149 : i32
        %dma_start3A_2151 = arith.constant 4 : i32
        %dma_start3A_2152 = arith.constant 32 : i32
        %dma_start3A_2153 = arith.constant 0 : i32
        %dma_start3A_2154 = tpu.memref_slice %arg12[%dma_start3A_2152, %dma_start3A_2153] : memref<128x128xf32, #tpu.memory_space<vmem>> -> memref<8x128xf32, #tpu.memory_space<vmem>>
        %dma_start3A_2155 = arith.constant 0 : i32
        %dma_start3A_2156 = arith.constant 0 : i32
        %dma_start3A_2157 = tpu.memref_slice %arg2[%select_n3A_1927, %dma_start3A_2151, %add3A_2150, %dma_start3A_2155, %dma_start3A_2156] : memref<50x8x32x8x128xf32, #tpu.memory_space<hbm>> -> memref<1x1x1x8x128xf32, #tpu.memory_space<hbm>>
        %dma_start3A_2158 = tpu.memref_squeeze %dma_start3A_2157 : memref<1x1x1x8x128xf32, #tpu.memory_space<hbm>> -> memref<8x128xf32, #tpu.memory_space<hbm>>
        %dma_start3A_2159 = arith.constant 32 : i32
        %dma_start3A_2160 = arith.constant 0 : i32
        %dma_start3A_2161 = tpu.memref_slice %arg12[%dma_start3A_2159, %dma_start3A_2160] : memref<128x128xf32, #tpu.memory_space<vmem>> -> memref<8x128xf32, #tpu.memory_space<vmem>>
        %dma_start3A_2162 = arith.constant 0 : i32
        %dma_start3A_2163 = arith.constant 0 : i32
        %dma_start3A_2164 = tpu.memref_slice %arg2[%select_n3A_1927, %dma_start3A_2151, %add3A_2150, %dma_start3A_2162, %dma_start3A_2163] : memref<50x8x32x8x128xf32, #tpu.memory_space<hbm>> -> memref<1x1x1x8x128xf32, #tpu.memory_space<hbm>>
        %dma_start3A_2165 = tpu.memref_squeeze %dma_start3A_2164 : memref<1x1x1x8x128xf32, #tpu.memory_space<hbm>> -> memref<8x128xf32, #tpu.memory_space<hbm>>
        tpu.enqueue_dma source(%dma_start3A_2165 : memref<8x128xf32, #tpu.memory_space<hbm>>) target(%dma_start3A_2161 : memref<8x128xf32, #tpu.memory_space<vmem>>) target_semaphore(%arg20 : memref<!tpu.dma_semaphore, #tpu.memory_space<semaphore_mem>>)
        %jit3A_2166 = arith.constant 128 : i32
        %div3A_2167 = arith.divsi %mul3A_1932, %jit3A_2166 : i32
        %sign3A_2168 = arith.constant 0 : i32
        %sign3A_2169 = arith.cmpi sgt, %mul3A_1932, %sign3A_2168 : i32
        %sign3A_2170 = arith.extui %sign3A_2169 : i1 to i32
        %sign3A_2171 = arith.constant 0 : i32
        %sign3A_2172 = arith.cmpi slt, %mul3A_1932, %sign3A_2171 : i32
        %sign3A_2173 = arith.extui %sign3A_2172 : i1 to i32
        %sign3A_2174 = arith.subi %sign3A_2170, %sign3A_2173 : i32
        %sign3A_2175 = arith.constant 0 : i32
        %sign3A_2176 = arith.cmpi sgt, %jit3A_2166, %sign3A_2175 : i32
        %sign3A_2177 = arith.extui %sign3A_2176 : i1 to i32
        %sign3A_2178 = arith.constant 0 : i32
        %sign3A_2179 = arith.cmpi slt, %jit3A_2166, %sign3A_2178 : i32
        %sign3A_2180 = arith.extui %sign3A_2179 : i1 to i32
        %sign3A_2181 = arith.subi %sign3A_2177, %sign3A_2180 : i32
        %ne3A_2182 = arith.cmpi ne, %sign3A_2174, %sign3A_2181 : i32
        %rem3A_2183 = arith.remsi %mul3A_1932, %jit3A_2166 : i32
        %ne3A_2184 = arith.constant 0 : i32
        %ne3A_2185 = arith.cmpi ne, %rem3A_2183, %ne3A_2184 : i32
        %and3A_2186 = arith.andi %ne3A_2182, %ne3A_2185 : i1
        %sub3A_2187 = arith.constant 1 : i32
        %sub3A_2188 = arith.subi %div3A_2167, %sub3A_2187 : i32
        %select_n3A_2189 = arith.select %and3A_2186, %sub3A_2188, %div3A_2167 : i32
        %add3A_2190 = arith.constant 0 : i32
        %add3A_2191 = arith.addi %select_n3A_2189, %add3A_2190 : i32
        %dma_start3A_2192 = arith.constant 5 : i32
        %dma_start3A_2193 = arith.constant 40 : i32
        %dma_start3A_2194 = arith.constant 0 : i32
        %dma_start3A_2195 = tpu.memref_slice %arg12[%dma_start3A_2193, %dma_start3A_2194] : memref<128x128xf32, #tpu.memory_space<vmem>> -> memref<8x128xf32, #tpu.memory_space<vmem>>
        %dma_start3A_2196 = arith.constant 0 : i32
        %dma_start3A_2197 = arith.constant 0 : i32
        %dma_start3A_2198 = tpu.memref_slice %arg2[%select_n3A_1927, %dma_start3A_2192, %add3A_2191, %dma_start3A_2196, %dma_start3A_2197] : memref<50x8x32x8x128xf32, #tpu.memory_space<hbm>> -> memref<1x1x1x8x128xf32, #tpu.memory_space<hbm>>
        %dma_start3A_2199 = tpu.memref_squeeze %dma_start3A_2198 : memref<1x1x1x8x128xf32, #tpu.memory_space<hbm>> -> memref<8x128xf32, #tpu.memory_space<hbm>>
        %dma_start3A_2200 = arith.constant 40 : i32
        %dma_start3A_2201 = arith.constant 0 : i32
        %dma_start3A_2202 = tpu.memref_slice %arg12[%dma_start3A_2200, %dma_start3A_2201] : memref<128x128xf32, #tpu.memory_space<vmem>> -> memref<8x128xf32, #tpu.memory_space<vmem>>
        %dma_start3A_2203 = arith.constant 0 : i32
        %dma_start3A_2204 = arith.constant 0 : i32
        %dma_start3A_2205 = tpu.memref_slice %arg2[%select_n3A_1927, %dma_start3A_2192, %add3A_2191, %dma_start3A_2203, %dma_start3A_2204] : memref<50x8x32x8x128xf32, #tpu.memory_space<hbm>> -> memref<1x1x1x8x128xf32, #tpu.memory_space<hbm>>
        %dma_start3A_2206 = tpu.memref_squeeze %dma_start3A_2205 : memref<1x1x1x8x128xf32, #tpu.memory_space<hbm>> -> memref<8x128xf32, #tpu.memory_space<hbm>>
        tpu.enqueue_dma source(%dma_start3A_2206 : memref<8x128xf32, #tpu.memory_space<hbm>>) target(%dma_start3A_2202 : memref<8x128xf32, #tpu.memory_space<vmem>>) target_semaphore(%arg20 : memref<!tpu.dma_semaphore, #tpu.memory_space<semaphore_mem>>)
        %jit3A_2207 = arith.constant 128 : i32
        %div3A_2208 = arith.divsi %mul3A_1932, %jit3A_2207 : i32
        %sign3A_2209 = arith.constant 0 : i32
        %sign3A_2210 = arith.cmpi sgt, %mul3A_1932, %sign3A_2209 : i32
        %sign3A_2211 = arith.extui %sign3A_2210 : i1 to i32
        %sign3A_2212 = arith.constant 0 : i32
        %sign3A_2213 = arith.cmpi slt, %mul3A_1932, %sign3A_2212 : i32
        %sign3A_2214 = arith.extui %sign3A_2213 : i1 to i32
        %sign3A_2215 = arith.subi %sign3A_2211, %sign3A_2214 : i32
        %sign3A_2216 = arith.constant 0 : i32
        %sign3A_2217 = arith.cmpi sgt, %jit3A_2207, %sign3A_2216 : i32
        %sign3A_2218 = arith.extui %sign3A_2217 : i1 to i32
        %sign3A_2219 = arith.constant 0 : i32
        %sign3A_2220 = arith.cmpi slt, %jit3A_2207, %sign3A_2219 : i32
        %sign3A_2221 = arith.extui %sign3A_2220 : i1 to i32
        %sign3A_2222 = arith.subi %sign3A_2218, %sign3A_2221 : i32
        %ne3A_2223 = arith.cmpi ne, %sign3A_2215, %sign3A_2222 : i32
        %rem3A_2224 = arith.remsi %mul3A_1932, %jit3A_2207 : i32
        %ne3A_2225 = arith.constant 0 : i32
        %ne3A_2226 = arith.cmpi ne, %rem3A_2224, %ne3A_2225 : i32
        %and3A_2227 = arith.andi %ne3A_2223, %ne3A_2226 : i1
        %sub3A_2228 = arith.constant 1 : i32
        %sub3A_2229 = arith.subi %div3A_2208, %sub3A_2228 : i32
        %select_n3A_2230 = arith.select %and3A_2227, %sub3A_2229, %div3A_2208 : i32
        %add3A_2231 = arith.constant 0 : i32
        %add3A_2232 = arith.addi %select_n3A_2230, %add3A_2231 : i32
        %dma_start3A_2233 = arith.constant 6 : i32
        %dma_start3A_2234 = arith.constant 48 : i32
        %dma_start3A_2235 = arith.constant 0 : i32
        %dma_start3A_2236 = tpu.memref_slice %arg12[%dma_start3A_2234, %dma_start3A_2235] : memref<128x128xf32, #tpu.memory_space<vmem>> -> memref<8x128xf32, #tpu.memory_space<vmem>>
        %dma_start3A_2237 = arith.constant 0 : i32
        %dma_start3A_2238 = arith.constant 0 : i32
        %dma_start3A_2239 = tpu.memref_slice %arg2[%select_n3A_1927, %dma_start3A_2233, %add3A_2232, %dma_start3A_2237, %dma_start3A_2238] : memref<50x8x32x8x128xf32, #tpu.memory_space<hbm>> -> memref<1x1x1x8x128xf32, #tpu.memory_space<hbm>>
        %dma_start3A_2240 = tpu.memref_squeeze %dma_start3A_2239 : memref<1x1x1x8x128xf32, #tpu.memory_space<hbm>> -> memref<8x128xf32, #tpu.memory_space<hbm>>
        %dma_start3A_2241 = arith.constant 48 : i32
        %dma_start3A_2242 = arith.constant 0 : i32
        %dma_start3A_2243 = tpu.memref_slice %arg12[%dma_start3A_2241, %dma_start3A_2242] : memref<128x128xf32, #tpu.memory_space<vmem>> -> memref<8x128xf32, #tpu.memory_space<vmem>>
        %dma_start3A_2244 = arith.constant 0 : i32
        %dma_start3A_2245 = arith.constant 0 : i32
        %dma_start3A_2246 = tpu.memref_slice %arg2[%select_n3A_1927, %dma_start3A_2233, %add3A_2232, %dma_start3A_2244, %dma_start3A_2245] : memref<50x8x32x8x128xf32, #tpu.memory_space<hbm>> -> memref<1x1x1x8x128xf32, #tpu.memory_space<hbm>>
        %dma_start3A_2247 = tpu.memref_squeeze %dma_start3A_2246 : memref<1x1x1x8x128xf32, #tpu.memory_space<hbm>> -> memref<8x128xf32, #tpu.memory_space<hbm>>
        tpu.enqueue_dma source(%dma_start3A_2247 : memref<8x128xf32, #tpu.memory_space<hbm>>) target(%dma_start3A_2243 : memref<8x128xf32, #tpu.memory_space<vmem>>) target_semaphore(%arg20 : memref<!tpu.dma_semaphore, #tpu.memory_space<semaphore_mem>>)
        %jit3A_2248 = arith.constant 128 : i32
        %div3A_2249 = arith.divsi %mul3A_1932, %jit3A_2248 : i32
        %sign3A_2250 = arith.constant 0 : i32
        %sign3A_2251 = arith.cmpi sgt, %mul3A_1932, %sign3A_2250 : i32
        %sign3A_2252 = arith.extui %sign3A_2251 : i1 to i32
        %sign3A_2253 = arith.constant 0 : i32
        %sign3A_2254 = arith.cmpi slt, %mul3A_1932, %sign3A_2253 : i32
        %sign3A_2255 = arith.extui %sign3A_2254 : i1 to i32
        %sign3A_2256 = arith.subi %sign3A_2252, %sign3A_2255 : i32
        %sign3A_2257 = arith.constant 0 : i32
        %sign3A_2258 = arith.cmpi sgt, %jit3A_2248, %sign3A_2257 : i32
        %sign3A_2259 = arith.extui %sign3A_2258 : i1 to i32
        %sign3A_2260 = arith.constant 0 : i32
        %sign3A_2261 = arith.cmpi slt, %jit3A_2248, %sign3A_2260 : i32
        %sign3A_2262 = arith.extui %sign3A_2261 : i1 to i32
        %sign3A_2263 = arith.subi %sign3A_2259, %sign3A_2262 : i32
        %ne3A_2264 = arith.cmpi ne, %sign3A_2256, %sign3A_2263 : i32
        %rem3A_2265 = arith.remsi %mul3A_1932, %jit3A_2248 : i32
        %ne3A_2266 = arith.constant 0 : i32
        %ne3A_2267 = arith.cmpi ne, %rem3A_2265, %ne3A_2266 : i32
        %and3A_2268 = arith.andi %ne3A_2264, %ne3A_2267 : i1
        %sub3A_2269 = arith.constant 1 : i32
        %sub3A_2270 = arith.subi %div3A_2249, %sub3A_2269 : i32
        %select_n3A_2271 = arith.select %and3A_2268, %sub3A_2270, %div3A_2249 : i32
        %add3A_2272 = arith.constant 0 : i32
        %add3A_2273 = arith.addi %select_n3A_2271, %add3A_2272 : i32
        %dma_start3A_2274 = arith.constant 7 : i32
        %dma_start3A_2275 = arith.constant 56 : i32
        %dma_start3A_2276 = arith.constant 0 : i32
        %dma_start3A_2277 = tpu.memref_slice %arg12[%dma_start3A_2275, %dma_start3A_2276] : memref<128x128xf32, #tpu.memory_space<vmem>> -> memref<8x128xf32, #tpu.memory_space<vmem>>
        %dma_start3A_2278 = arith.constant 0 : i32
        %dma_start3A_2279 = arith.constant 0 : i32
        %dma_start3A_2280 = tpu.memref_slice %arg2[%select_n3A_1927, %dma_start3A_2274, %add3A_2273, %dma_start3A_2278, %dma_start3A_2279] : memref<50x8x32x8x128xf32, #tpu.memory_space<hbm>> -> memref<1x1x1x8x128xf32, #tpu.memory_space<hbm>>
        %dma_start3A_2281 = tpu.memref_squeeze %dma_start3A_2280 : memref<1x1x1x8x128xf32, #tpu.memory_space<hbm>> -> memref<8x128xf32, #tpu.memory_space<hbm>>
        %dma_start3A_2282 = arith.constant 56 : i32
        %dma_start3A_2283 = arith.constant 0 : i32
        %dma_start3A_2284 = tpu.memref_slice %arg12[%dma_start3A_2282, %dma_start3A_2283] : memref<128x128xf32, #tpu.memory_space<vmem>> -> memref<8x128xf32, #tpu.memory_space<vmem>>
        %dma_start3A_2285 = arith.constant 0 : i32
        %dma_start3A_2286 = arith.constant 0 : i32
        %dma_start3A_2287 = tpu.memref_slice %arg2[%select_n3A_1927, %dma_start3A_2274, %add3A_2273, %dma_start3A_2285, %dma_start3A_2286] : memref<50x8x32x8x128xf32, #tpu.memory_space<hbm>> -> memref<1x1x1x8x128xf32, #tpu.memory_space<hbm>>
        %dma_start3A_2288 = tpu.memref_squeeze %dma_start3A_2287 : memref<1x1x1x8x128xf32, #tpu.memory_space<hbm>> -> memref<8x128xf32, #tpu.memory_space<hbm>>
        tpu.enqueue_dma source(%dma_start3A_2288 : memref<8x128xf32, #tpu.memory_space<hbm>>) target(%dma_start3A_2284 : memref<8x128xf32, #tpu.memory_space<vmem>>) target_semaphore(%arg20 : memref<!tpu.dma_semaphore, #tpu.memory_space<semaphore_mem>>)
        %jit3A_2289 = arith.constant 128 : i32
        %div3A_2290 = arith.divsi %mul3A_1932, %jit3A_2289 : i32
        %sign3A_2291 = arith.constant 0 : i32
        %sign3A_2292 = arith.cmpi sgt, %mul3A_1932, %sign3A_2291 : i32
        %sign3A_2293 = arith.extui %sign3A_2292 : i1 to i32
        %sign3A_2294 = arith.constant 0 : i32
        %sign3A_2295 = arith.cmpi slt, %mul3A_1932, %sign3A_2294 : i32
        %sign3A_2296 = arith.extui %sign3A_2295 : i1 to i32
        %sign3A_2297 = arith.subi %sign3A_2293, %sign3A_2296 : i32
        %sign3A_2298 = arith.constant 0 : i32
        %sign3A_2299 = arith.cmpi sgt, %jit3A_2289, %sign3A_2298 : i32
        %sign3A_2300 = arith.extui %sign3A_2299 : i1 to i32
        %sign3A_2301 = arith.constant 0 : i32
        %sign3A_2302 = arith.cmpi slt, %jit3A_2289, %sign3A_2301 : i32
        %sign3A_2303 = arith.extui %sign3A_2302 : i1 to i32
        %sign3A_2304 = arith.subi %sign3A_2300, %sign3A_2303 : i32
        %ne3A_2305 = arith.cmpi ne, %sign3A_2297, %sign3A_2304 : i32
        %rem3A_2306 = arith.remsi %mul3A_1932, %jit3A_2289 : i32
        %ne3A_2307 = arith.constant 0 : i32
        %ne3A_2308 = arith.cmpi ne, %rem3A_2306, %ne3A_2307 : i32
        %and3A_2309 = arith.andi %ne3A_2305, %ne3A_2308 : i1
        %sub3A_2310 = arith.constant 1 : i32
        %sub3A_2311 = arith.subi %div3A_2290, %sub3A_2310 : i32
        %select_n3A_2312 = arith.select %and3A_2309, %sub3A_2311, %div3A_2290 : i32
        %add3A_2313 = arith.constant 1 : i32
        %add3A_2314 = arith.addi %select_n3A_2312, %add3A_2313 : i32
        %dma_start3A_2315 = arith.constant 0 : i32
        %dma_start3A_2316 = arith.constant 64 : i32
        %dma_start3A_2317 = arith.constant 0 : i32
        %dma_start3A_2318 = tpu.memref_slice %arg12[%dma_start3A_2316, %dma_start3A_2317] : memref<128x128xf32, #tpu.memory_space<vmem>> -> memref<8x128xf32, #tpu.memory_space<vmem>>
        %dma_start3A_2319 = arith.constant 0 : i32
        %dma_start3A_2320 = arith.constant 0 : i32
        %dma_start3A_2321 = tpu.memref_slice %arg2[%select_n3A_1927, %dma_start3A_2315, %add3A_2314, %dma_start3A_2319, %dma_start3A_2320] : memref<50x8x32x8x128xf32, #tpu.memory_space<hbm>> -> memref<1x1x1x8x128xf32, #tpu.memory_space<hbm>>
        %dma_start3A_2322 = tpu.memref_squeeze %dma_start3A_2321 : memref<1x1x1x8x128xf32, #tpu.memory_space<hbm>> -> memref<8x128xf32, #tpu.memory_space<hbm>>
        %dma_start3A_2323 = arith.constant 64 : i32
        %dma_start3A_2324 = arith.constant 0 : i32
        %dma_start3A_2325 = tpu.memref_slice %arg12[%dma_start3A_2323, %dma_start3A_2324] : memref<128x128xf32, #tpu.memory_space<vmem>> -> memref<8x128xf32, #tpu.memory_space<vmem>>
        %dma_start3A_2326 = arith.constant 0 : i32
        %dma_start3A_2327 = arith.constant 0 : i32
        %dma_start3A_2328 = tpu.memref_slice %arg2[%select_n3A_1927, %dma_start3A_2315, %add3A_2314, %dma_start3A_2326, %dma_start3A_2327] : memref<50x8x32x8x128xf32, #tpu.memory_space<hbm>> -> memref<1x1x1x8x128xf32, #tpu.memory_space<hbm>>
        %dma_start3A_2329 = tpu.memref_squeeze %dma_start3A_2328 : memref<1x1x1x8x128xf32, #tpu.memory_space<hbm>> -> memref<8x128xf32, #tpu.memory_space<hbm>>
        tpu.enqueue_dma source(%dma_start3A_2329 : memref<8x128xf32, #tpu.memory_space<hbm>>) target(%dma_start3A_2325 : memref<8x128xf32, #tpu.memory_space<vmem>>) target_semaphore(%arg20 : memref<!tpu.dma_semaphore, #tpu.memory_space<semaphore_mem>>)
        %jit3A_2330 = arith.constant 128 : i32
        %div3A_2331 = arith.divsi %mul3A_1932, %jit3A_2330 : i32
        %sign3A_2332 = arith.constant 0 : i32
        %sign3A_2333 = arith.cmpi sgt, %mul3A_1932, %sign3A_2332 : i32
        %sign3A_2334 = arith.extui %sign3A_2333 : i1 to i32
        %sign3A_2335 = arith.constant 0 : i32
        %sign3A_2336 = arith.cmpi slt, %mul3A_1932, %sign3A_2335 : i32
        %sign3A_2337 = arith.extui %sign3A_2336 : i1 to i32
        %sign3A_2338 = arith.subi %sign3A_2334, %sign3A_2337 : i32
        %sign3A_2339 = arith.constant 0 : i32
        %sign3A_2340 = arith.cmpi sgt, %jit3A_2330, %sign3A_2339 : i32
        %sign3A_2341 = arith.extui %sign3A_2340 : i1 to i32
        %sign3A_2342 = arith.constant 0 : i32
        %sign3A_2343 = arith.cmpi slt, %jit3A_2330, %sign3A_2342 : i32
        %sign3A_2344 = arith.extui %sign3A_2343 : i1 to i32
        %sign3A_2345 = arith.subi %sign3A_2341, %sign3A_2344 : i32
        %ne3A_2346 = arith.cmpi ne, %sign3A_2338, %sign3A_2345 : i32
        %rem3A_2347 = arith.remsi %mul3A_1932, %jit3A_2330 : i32
        %ne3A_2348 = arith.constant 0 : i32
        %ne3A_2349 = arith.cmpi ne, %rem3A_2347, %ne3A_2348 : i32
        %and3A_2350 = arith.andi %ne3A_2346, %ne3A_2349 : i1
        %sub3A_2351 = arith.constant 1 : i32
        %sub3A_2352 = arith.subi %div3A_2331, %sub3A_2351 : i32
        %select_n3A_2353 = arith.select %and3A_2350, %sub3A_2352, %div3A_2331 : i32
        %add3A_2354 = arith.constant 1 : i32
        %add3A_2355 = arith.addi %select_n3A_2353, %add3A_2354 : i32
        %dma_start3A_2356 = arith.constant 1 : i32
        %dma_start3A_2357 = arith.constant 72 : i32
        %dma_start3A_2358 = arith.constant 0 : i32
        %dma_start3A_2359 = tpu.memref_slice %arg12[%dma_start3A_2357, %dma_start3A_2358] : memref<128x128xf32, #tpu.memory_space<vmem>> -> memref<8x128xf32, #tpu.memory_space<vmem>>
        %dma_start3A_2360 = arith.constant 0 : i32
        %dma_start3A_2361 = arith.constant 0 : i32
        %dma_start3A_2362 = tpu.memref_slice %arg2[%select_n3A_1927, %dma_start3A_2356, %add3A_2355, %dma_start3A_2360, %dma_start3A_2361] : memref<50x8x32x8x128xf32, #tpu.memory_space<hbm>> -> memref<1x1x1x8x128xf32, #tpu.memory_space<hbm>>
        %dma_start3A_2363 = tpu.memref_squeeze %dma_start3A_2362 : memref<1x1x1x8x128xf32, #tpu.memory_space<hbm>> -> memref<8x128xf32, #tpu.memory_space<hbm>>
        %dma_start3A_2364 = arith.constant 72 : i32
        %dma_start3A_2365 = arith.constant 0 : i32
        %dma_start3A_2366 = tpu.memref_slice %arg12[%dma_start3A_2364, %dma_start3A_2365] : memref<128x128xf32, #tpu.memory_space<vmem>> -> memref<8x128xf32, #tpu.memory_space<vmem>>
        %dma_start3A_2367 = arith.constant 0 : i32
        %dma_start3A_2368 = arith.constant 0 : i32
        %dma_start3A_2369 = tpu.memref_slice %arg2[%select_n3A_1927, %dma_start3A_2356, %add3A_2355, %dma_start3A_2367, %dma_start3A_2368] : memref<50x8x32x8x128xf32, #tpu.memory_space<hbm>> -> memref<1x1x1x8x128xf32, #tpu.memory_space<hbm>>
        %dma_start3A_2370 = tpu.memref_squeeze %dma_start3A_2369 : memref<1x1x1x8x128xf32, #tpu.memory_space<hbm>> -> memref<8x128xf32, #tpu.memory_space<hbm>>
        tpu.enqueue_dma source(%dma_start3A_2370 : memref<8x128xf32, #tpu.memory_space<hbm>>) target(%dma_start3A_2366 : memref<8x128xf32, #tpu.memory_space<vmem>>) target_semaphore(%arg20 : memref<!tpu.dma_semaphore, #tpu.memory_space<semaphore_mem>>)
        %jit3A_2371 = arith.constant 128 : i32
        %div3A_2372 = arith.divsi %mul3A_1932, %jit3A_2371 : i32
        %sign3A_2373 = arith.constant 0 : i32
        %sign3A_2374 = arith.cmpi sgt, %mul3A_1932, %sign3A_2373 : i32
        %sign3A_2375 = arith.extui %sign3A_2374 : i1 to i32
        %sign3A_2376 = arith.constant 0 : i32
        %sign3A_2377 = arith.cmpi slt, %mul3A_1932, %sign3A_2376 : i32
        %sign3A_2378 = arith.extui %sign3A_2377 : i1 to i32
        %sign3A_2379 = arith.subi %sign3A_2375, %sign3A_2378 : i32
        %sign3A_2380 = arith.constant 0 : i32
        %sign3A_2381 = arith.cmpi sgt, %jit3A_2371, %sign3A_2380 : i32
        %sign3A_2382 = arith.extui %sign3A_2381 : i1 to i32
        %sign3A_2383 = arith.constant 0 : i32
        %sign3A_2384 = arith.cmpi slt, %jit3A_2371, %sign3A_2383 : i32
        %sign3A_2385 = arith.extui %sign3A_2384 : i1 to i32
        %sign3A_2386 = arith.subi %sign3A_2382, %sign3A_2385 : i32
        %ne3A_2387 = arith.cmpi ne, %sign3A_2379, %sign3A_2386 : i32
        %rem3A_2388 = arith.remsi %mul3A_1932, %jit3A_2371 : i32
        %ne3A_2389 = arith.constant 0 : i32
        %ne3A_2390 = arith.cmpi ne, %rem3A_2388, %ne3A_2389 : i32
        %and3A_2391 = arith.andi %ne3A_2387, %ne3A_2390 : i1
        %sub3A_2392 = arith.constant 1 : i32
        %sub3A_2393 = arith.subi %div3A_2372, %sub3A_2392 : i32
        %select_n3A_2394 = arith.select %and3A_2391, %sub3A_2393, %div3A_2372 : i32
        %add3A_2395 = arith.constant 1 : i32
        %add3A_2396 = arith.addi %select_n3A_2394, %add3A_2395 : i32
        %dma_start3A_2397 = arith.constant 2 : i32
        %dma_start3A_2398 = arith.constant 80 : i32
        %dma_start3A_2399 = arith.constant 0 : i32
        %dma_start3A_2400 = tpu.memref_slice %arg12[%dma_start3A_2398, %dma_start3A_2399] : memref<128x128xf32, #tpu.memory_space<vmem>> -> memref<8x128xf32, #tpu.memory_space<vmem>>
        %dma_start3A_2401 = arith.constant 0 : i32
        %dma_start3A_2402 = arith.constant 0 : i32
        %dma_start3A_2403 = tpu.memref_slice %arg2[%select_n3A_1927, %dma_start3A_2397, %add3A_2396, %dma_start3A_2401, %dma_start3A_2402] : memref<50x8x32x8x128xf32, #tpu.memory_space<hbm>> -> memref<1x1x1x8x128xf32, #tpu.memory_space<hbm>>
        %dma_start3A_2404 = tpu.memref_squeeze %dma_start3A_2403 : memref<1x1x1x8x128xf32, #tpu.memory_space<hbm>> -> memref<8x128xf32, #tpu.memory_space<hbm>>
        %dma_start3A_2405 = arith.constant 80 : i32
        %dma_start3A_2406 = arith.constant 0 : i32
        %dma_start3A_2407 = tpu.memref_slice %arg12[%dma_start3A_2405, %dma_start3A_2406] : memref<128x128xf32, #tpu.memory_space<vmem>> -> memref<8x128xf32, #tpu.memory_space<vmem>>
        %dma_start3A_2408 = arith.constant 0 : i32
        %dma_start3A_2409 = arith.constant 0 : i32
        %dma_start3A_2410 = tpu.memref_slice %arg2[%select_n3A_1927, %dma_start3A_2397, %add3A_2396, %dma_start3A_2408, %dma_start3A_2409] : memref<50x8x32x8x128xf32, #tpu.memory_space<hbm>> -> memref<1x1x1x8x128xf32, #tpu.memory_space<hbm>>
        %dma_start3A_2411 = tpu.memref_squeeze %dma_start3A_2410 : memref<1x1x1x8x128xf32, #tpu.memory_space<hbm>> -> memref<8x128xf32, #tpu.memory_space<hbm>>
        tpu.enqueue_dma source(%dma_start3A_2411 : memref<8x128xf32, #tpu.memory_space<hbm>>) target(%dma_start3A_2407 : memref<8x128xf32, #tpu.memory_space<vmem>>) target_semaphore(%arg20 : memref<!tpu.dma_semaphore, #tpu.memory_space<semaphore_mem>>)
        %jit3A_2412 = arith.constant 128 : i32
        %div3A_2413 = arith.divsi %mul3A_1932, %jit3A_2412 : i32
        %sign3A_2414 = arith.constant 0 : i32
        %sign3A_2415 = arith.cmpi sgt, %mul3A_1932, %sign3A_2414 : i32
        %sign3A_2416 = arith.extui %sign3A_2415 : i1 to i32
        %sign3A_2417 = arith.constant 0 : i32
        %sign3A_2418 = arith.cmpi slt, %mul3A_1932, %sign3A_2417 : i32
        %sign3A_2419 = arith.extui %sign3A_2418 : i1 to i32
        %sign3A_2420 = arith.subi %sign3A_2416, %sign3A_2419 : i32
        %sign3A_2421 = arith.constant 0 : i32
        %sign3A_2422 = arith.cmpi sgt, %jit3A_2412, %sign3A_2421 : i32
        %sign3A_2423 = arith.extui %sign3A_2422 : i1 to i32
        %sign3A_2424 = arith.constant 0 : i32
        %sign3A_2425 = arith.cmpi slt, %jit3A_2412, %sign3A_2424 : i32
        %sign3A_2426 = arith.extui %sign3A_2425 : i1 to i32
        %sign3A_2427 = arith.subi %sign3A_2423, %sign3A_2426 : i32
        %ne3A_2428 = arith.cmpi ne, %sign3A_2420, %sign3A_2427 : i32
        %rem3A_2429 = arith.remsi %mul3A_1932, %jit3A_2412 : i32
        %ne3A_2430 = arith.constant 0 : i32
        %ne3A_2431 = arith.cmpi ne, %rem3A_2429, %ne3A_2430 : i32
        %and3A_2432 = arith.andi %ne3A_2428, %ne3A_2431 : i1
        %sub3A_2433 = arith.constant 1 : i32
        %sub3A_2434 = arith.subi %div3A_2413, %sub3A_2433 : i32
        %select_n3A_2435 = arith.select %and3A_2432, %sub3A_2434, %div3A_2413 : i32
        %add3A_2436 = arith.constant 1 : i32
        %add3A_2437 = arith.addi %select_n3A_2435, %add3A_2436 : i32
        %dma_start3A_2438 = arith.constant 3 : i32
        %dma_start3A_2439 = arith.constant 88 : i32
        %dma_start3A_2440 = arith.constant 0 : i32
        %dma_start3A_2441 = tpu.memref_slice %arg12[%dma_start3A_2439, %dma_start3A_2440] : memref<128x128xf32, #tpu.memory_space<vmem>> -> memref<8x128xf32, #tpu.memory_space<vmem>>
        %dma_start3A_2442 = arith.constant 0 : i32
        %dma_start3A_2443 = arith.constant 0 : i32
        %dma_start3A_2444 = tpu.memref_slice %arg2[%select_n3A_1927, %dma_start3A_2438, %add3A_2437, %dma_start3A_2442, %dma_start3A_2443] : memref<50x8x32x8x128xf32, #tpu.memory_space<hbm>> -> memref<1x1x1x8x128xf32, #tpu.memory_space<hbm>>
        %dma_start3A_2445 = tpu.memref_squeeze %dma_start3A_2444 : memref<1x1x1x8x128xf32, #tpu.memory_space<hbm>> -> memref<8x128xf32, #tpu.memory_space<hbm>>
        %dma_start3A_2446 = arith.constant 88 : i32
        %dma_start3A_2447 = arith.constant 0 : i32
        %dma_start3A_2448 = tpu.memref_slice %arg12[%dma_start3A_2446, %dma_start3A_2447] : memref<128x128xf32, #tpu.memory_space<vmem>> -> memref<8x128xf32, #tpu.memory_space<vmem>>
        %dma_start3A_2449 = arith.constant 0 : i32
        %dma_start3A_2450 = arith.constant 0 : i32
        %dma_start3A_2451 = tpu.memref_slice %arg2[%select_n3A_1927, %dma_start3A_2438, %add3A_2437, %dma_start3A_2449, %dma_start3A_2450] : memref<50x8x32x8x128xf32, #tpu.memory_space<hbm>> -> memref<1x1x1x8x128xf32, #tpu.memory_space<hbm>>
        %dma_start3A_2452 = tpu.memref_squeeze %dma_start3A_2451 : memref<1x1x1x8x128xf32, #tpu.memory_space<hbm>> -> memref<8x128xf32, #tpu.memory_space<hbm>>
        tpu.enqueue_dma source(%dma_start3A_2452 : memref<8x128xf32, #tpu.memory_space<hbm>>) target(%dma_start3A_2448 : memref<8x128xf32, #tpu.memory_space<vmem>>) target_semaphore(%arg20 : memref<!tpu.dma_semaphore, #tpu.memory_space<semaphore_mem>>)
        %jit3A_2453 = arith.constant 128 : i32
        %div3A_2454 = arith.divsi %mul3A_1932, %jit3A_2453 : i32
        %sign3A_2455 = arith.constant 0 : i32
        %sign3A_2456 = arith.cmpi sgt, %mul3A_1932, %sign3A_2455 : i32
        %sign3A_2457 = arith.extui %sign3A_2456 : i1 to i32
        %sign3A_2458 = arith.constant 0 : i32
        %sign3A_2459 = arith.cmpi slt, %mul3A_1932, %sign3A_2458 : i32
        %sign3A_2460 = arith.extui %sign3A_2459 : i1 to i32
        %sign3A_2461 = arith.subi %sign3A_2457, %sign3A_2460 : i32
        %sign3A_2462 = arith.constant 0 : i32
        %sign3A_2463 = arith.cmpi sgt, %jit3A_2453, %sign3A_2462 : i32
        %sign3A_2464 = arith.extui %sign3A_2463 : i1 to i32
        %sign3A_2465 = arith.constant 0 : i32
        %sign3A_2466 = arith.cmpi slt, %jit3A_2453, %sign3A_2465 : i32
        %sign3A_2467 = arith.extui %sign3A_2466 : i1 to i32
        %sign3A_2468 = arith.subi %sign3A_2464, %sign3A_2467 : i32
        %ne3A_2469 = arith.cmpi ne, %sign3A_2461, %sign3A_2468 : i32
        %rem3A_2470 = arith.remsi %mul3A_1932, %jit3A_2453 : i32
        %ne3A_2471 = arith.constant 0 : i32
        %ne3A_2472 = arith.cmpi ne, %rem3A_2470, %ne3A_2471 : i32
        %and3A_2473 = arith.andi %ne3A_2469, %ne3A_2472 : i1
        %sub3A_2474 = arith.constant 1 : i32
        %sub3A_2475 = arith.subi %div3A_2454, %sub3A_2474 : i32
        %select_n3A_2476 = arith.select %and3A_2473, %sub3A_2475, %div3A_2454 : i32
        %add3A_2477 = arith.constant 1 : i32
        %add3A_2478 = arith.addi %select_n3A_2476, %add3A_2477 : i32
        %dma_start3A_2479 = arith.constant 4 : i32
        %dma_start3A_2480 = arith.constant 96 : i32
        %dma_start3A_2481 = arith.constant 0 : i32
        %dma_start3A_2482 = tpu.memref_slice %arg12[%dma_start3A_2480, %dma_start3A_2481] : memref<128x128xf32, #tpu.memory_space<vmem>> -> memref<8x128xf32, #tpu.memory_space<vmem>>
        %dma_start3A_2483 = arith.constant 0 : i32
        %dma_start3A_2484 = arith.constant 0 : i32
        %dma_start3A_2485 = tpu.memref_slice %arg2[%select_n3A_1927, %dma_start3A_2479, %add3A_2478, %dma_start3A_2483, %dma_start3A_2484] : memref<50x8x32x8x128xf32, #tpu.memory_space<hbm>> -> memref<1x1x1x8x128xf32, #tpu.memory_space<hbm>>
        %dma_start3A_2486 = tpu.memref_squeeze %dma_start3A_2485 : memref<1x1x1x8x128xf32, #tpu.memory_space<hbm>> -> memref<8x128xf32, #tpu.memory_space<hbm>>
        %dma_start3A_2487 = arith.constant 96 : i32
        %dma_start3A_2488 = arith.constant 0 : i32
        %dma_start3A_2489 = tpu.memref_slice %arg12[%dma_start3A_2487, %dma_start3A_2488] : memref<128x128xf32, #tpu.memory_space<vmem>> -> memref<8x128xf32, #tpu.memory_space<vmem>>
        %dma_start3A_2490 = arith.constant 0 : i32
        %dma_start3A_2491 = arith.constant 0 : i32
        %dma_start3A_2492 = tpu.memref_slice %arg2[%select_n3A_1927, %dma_start3A_2479, %add3A_2478, %dma_start3A_2490, %dma_start3A_2491] : memref<50x8x32x8x128xf32, #tpu.memory_space<hbm>> -> memref<1x1x1x8x128xf32, #tpu.memory_space<hbm>>
        %dma_start3A_2493 = tpu.memref_squeeze %dma_start3A_2492 : memref<1x1x1x8x128xf32, #tpu.memory_space<hbm>> -> memref<8x128xf32, #tpu.memory_space<hbm>>
        tpu.enqueue_dma source(%dma_start3A_2493 : memref<8x128xf32, #tpu.memory_space<hbm>>) target(%dma_start3A_2489 : memref<8x128xf32, #tpu.memory_space<vmem>>) target_semaphore(%arg20 : memref<!tpu.dma_semaphore, #tpu.memory_space<semaphore_mem>>)
        %jit3A_2494 = arith.constant 128 : i32
        %div3A_2495 = arith.divsi %mul3A_1932, %jit3A_2494 : i32
        %sign3A_2496 = arith.constant 0 : i32
        %sign3A_2497 = arith.cmpi sgt, %mul3A_1932, %sign3A_2496 : i32
        %sign3A_2498 = arith.extui %sign3A_2497 : i1 to i32
        %sign3A_2499 = arith.constant 0 : i32
        %sign3A_2500 = arith.cmpi slt, %mul3A_1932, %sign3A_2499 : i32
        %sign3A_2501 = arith.extui %sign3A_2500 : i1 to i32
        %sign3A_2502 = arith.subi %sign3A_2498, %sign3A_2501 : i32
        %sign3A_2503 = arith.constant 0 : i32
        %sign3A_2504 = arith.cmpi sgt, %jit3A_2494, %sign3A_2503 : i32
        %sign3A_2505 = arith.extui %sign3A_2504 : i1 to i32
        %sign3A_2506 = arith.constant 0 : i32
        %sign3A_2507 = arith.cmpi slt, %jit3A_2494, %sign3A_2506 : i32
        %sign3A_2508 = arith.extui %sign3A_2507 : i1 to i32
        %sign3A_2509 = arith.subi %sign3A_2505, %sign3A_2508 : i32
        %ne3A_2510 = arith.cmpi ne, %sign3A_2502, %sign3A_2509 : i32
        %rem3A_2511 = arith.remsi %mul3A_1932, %jit3A_2494 : i32
        %ne3A_2512 = arith.constant 0 : i32
        %ne3A_2513 = arith.cmpi ne, %rem3A_2511, %ne3A_2512 : i32
        %and3A_2514 = arith.andi %ne3A_2510, %ne3A_2513 : i1
        %sub3A_2515 = arith.constant 1 : i32
        %sub3A_2516 = arith.subi %div3A_2495, %sub3A_2515 : i32
        %select_n3A_2517 = arith.select %and3A_2514, %sub3A_2516, %div3A_2495 : i32
        %add3A_2518 = arith.constant 1 : i32
        %add3A_2519 = arith.addi %select_n3A_2517, %add3A_2518 : i32
        %dma_start3A_2520 = arith.constant 5 : i32
        %dma_start3A_2521 = arith.constant 104 : i32
        %dma_start3A_2522 = arith.constant 0 : i32
        %dma_start3A_2523 = tpu.memref_slice %arg12[%dma_start3A_2521, %dma_start3A_2522] : memref<128x128xf32, #tpu.memory_space<vmem>> -> memref<8x128xf32, #tpu.memory_space<vmem>>
        %dma_start3A_2524 = arith.constant 0 : i32
        %dma_start3A_2525 = arith.constant 0 : i32
        %dma_start3A_2526 = tpu.memref_slice %arg2[%select_n3A_1927, %dma_start3A_2520, %add3A_2519, %dma_start3A_2524, %dma_start3A_2525] : memref<50x8x32x8x128xf32, #tpu.memory_space<hbm>> -> memref<1x1x1x8x128xf32, #tpu.memory_space<hbm>>
        %dma_start3A_2527 = tpu.memref_squeeze %dma_start3A_2526 : memref<1x1x1x8x128xf32, #tpu.memory_space<hbm>> -> memref<8x128xf32, #tpu.memory_space<hbm>>
        %dma_start3A_2528 = arith.constant 104 : i32
        %dma_start3A_2529 = arith.constant 0 : i32
        %dma_start3A_2530 = tpu.memref_slice %arg12[%dma_start3A_2528, %dma_start3A_2529] : memref<128x128xf32, #tpu.memory_space<vmem>> -> memref<8x128xf32, #tpu.memory_space<vmem>>
        %dma_start3A_2531 = arith.constant 0 : i32
        %dma_start3A_2532 = arith.constant 0 : i32
        %dma_start3A_2533 = tpu.memref_slice %arg2[%select_n3A_1927, %dma_start3A_2520, %add3A_2519, %dma_start3A_2531, %dma_start3A_2532] : memref<50x8x32x8x128xf32, #tpu.memory_space<hbm>> -> memref<1x1x1x8x128xf32, #tpu.memory_space<hbm>>
        %dma_start3A_2534 = tpu.memref_squeeze %dma_start3A_2533 : memref<1x1x1x8x128xf32, #tpu.memory_space<hbm>> -> memref<8x128xf32, #tpu.memory_space<hbm>>
        tpu.enqueue_dma source(%dma_start3A_2534 : memref<8x128xf32, #tpu.memory_space<hbm>>) target(%dma_start3A_2530 : memref<8x128xf32, #tpu.memory_space<vmem>>) target_semaphore(%arg20 : memref<!tpu.dma_semaphore, #tpu.memory_space<semaphore_mem>>)
        %jit3A_2535 = arith.constant 128 : i32
        %div3A_2536 = arith.divsi %mul3A_1932, %jit3A_2535 : i32
        %sign3A_2537 = arith.constant 0 : i32
        %sign3A_2538 = arith.cmpi sgt, %mul3A_1932, %sign3A_2537 : i32
        %sign3A_2539 = arith.extui %sign3A_2538 : i1 to i32
        %sign3A_2540 = arith.constant 0 : i32
        %sign3A_2541 = arith.cmpi slt, %mul3A_1932, %sign3A_2540 : i32
        %sign3A_2542 = arith.extui %sign3A_2541 : i1 to i32
        %sign3A_2543 = arith.subi %sign3A_2539, %sign3A_2542 : i32
        %sign3A_2544 = arith.constant 0 : i32
        %sign3A_2545 = arith.cmpi sgt, %jit3A_2535, %sign3A_2544 : i32
        %sign3A_2546 = arith.extui %sign3A_2545 : i1 to i32
        %sign3A_2547 = arith.constant 0 : i32
        %sign3A_2548 = arith.cmpi slt, %jit3A_2535, %sign3A_2547 : i32
        %sign3A_2549 = arith.extui %sign3A_2548 : i1 to i32
        %sign3A_2550 = arith.subi %sign3A_2546, %sign3A_2549 : i32
        %ne3A_2551 = arith.cmpi ne, %sign3A_2543, %sign3A_2550 : i32
        %rem3A_2552 = arith.remsi %mul3A_1932, %jit3A_2535 : i32
        %ne3A_2553 = arith.constant 0 : i32
        %ne3A_2554 = arith.cmpi ne, %rem3A_2552, %ne3A_2553 : i32
        %and3A_2555 = arith.andi %ne3A_2551, %ne3A_2554 : i1
        %sub3A_2556 = arith.constant 1 : i32
        %sub3A_2557 = arith.subi %div3A_2536, %sub3A_2556 : i32
        %select_n3A_2558 = arith.select %and3A_2555, %sub3A_2557, %div3A_2536 : i32
        %add3A_2559 = arith.constant 1 : i32
        %add3A_2560 = arith.addi %select_n3A_2558, %add3A_2559 : i32
        %dma_start3A_2561 = arith.constant 6 : i32
        %dma_start3A_2562 = arith.constant 112 : i32
        %dma_start3A_2563 = arith.constant 0 : i32
        %dma_start3A_2564 = tpu.memref_slice %arg12[%dma_start3A_2562, %dma_start3A_2563] : memref<128x128xf32, #tpu.memory_space<vmem>> -> memref<8x128xf32, #tpu.memory_space<vmem>>
        %dma_start3A_2565 = arith.constant 0 : i32
        %dma_start3A_2566 = arith.constant 0 : i32
        %dma_start3A_2567 = tpu.memref_slice %arg2[%select_n3A_1927, %dma_start3A_2561, %add3A_2560, %dma_start3A_2565, %dma_start3A_2566] : memref<50x8x32x8x128xf32, #tpu.memory_space<hbm>> -> memref<1x1x1x8x128xf32, #tpu.memory_space<hbm>>
        %dma_start3A_2568 = tpu.memref_squeeze %dma_start3A_2567 : memref<1x1x1x8x128xf32, #tpu.memory_space<hbm>> -> memref<8x128xf32, #tpu.memory_space<hbm>>
        %dma_start3A_2569 = arith.constant 112 : i32
        %dma_start3A_2570 = arith.constant 0 : i32
        %dma_start3A_2571 = tpu.memref_slice %arg12[%dma_start3A_2569, %dma_start3A_2570] : memref<128x128xf32, #tpu.memory_space<vmem>> -> memref<8x128xf32, #tpu.memory_space<vmem>>
        %dma_start3A_2572 = arith.constant 0 : i32
        %dma_start3A_2573 = arith.constant 0 : i32
        %dma_start3A_2574 = tpu.memref_slice %arg2[%select_n3A_1927, %dma_start3A_2561, %add3A_2560, %dma_start3A_2572, %dma_start3A_2573] : memref<50x8x32x8x128xf32, #tpu.memory_space<hbm>> -> memref<1x1x1x8x128xf32, #tpu.memory_space<hbm>>
        %dma_start3A_2575 = tpu.memref_squeeze %dma_start3A_2574 : memref<1x1x1x8x128xf32, #tpu.memory_space<hbm>> -> memref<8x128xf32, #tpu.memory_space<hbm>>
        tpu.enqueue_dma source(%dma_start3A_2575 : memref<8x128xf32, #tpu.memory_space<hbm>>) target(%dma_start3A_2571 : memref<8x128xf32, #tpu.memory_space<vmem>>) target_semaphore(%arg20 : memref<!tpu.dma_semaphore, #tpu.memory_space<semaphore_mem>>)
        %jit3A_2576 = arith.constant 128 : i32
        %div3A_2577 = arith.divsi %mul3A_1932, %jit3A_2576 : i32
        %sign3A_2578 = arith.constant 0 : i32
        %sign3A_2579 = arith.cmpi sgt, %mul3A_1932, %sign3A_2578 : i32
        %sign3A_2580 = arith.extui %sign3A_2579 : i1 to i32
        %sign3A_2581 = arith.constant 0 : i32
        %sign3A_2582 = arith.cmpi slt, %mul3A_1932, %sign3A_2581 : i32
        %sign3A_2583 = arith.extui %sign3A_2582 : i1 to i32
        %sign3A_2584 = arith.subi %sign3A_2580, %sign3A_2583 : i32
        %sign3A_2585 = arith.constant 0 : i32
        %sign3A_2586 = arith.cmpi sgt, %jit3A_2576, %sign3A_2585 : i32
        %sign3A_2587 = arith.extui %sign3A_2586 : i1 to i32
        %sign3A_2588 = arith.constant 0 : i32
        %sign3A_2589 = arith.cmpi slt, %jit3A_2576, %sign3A_2588 : i32
        %sign3A_2590 = arith.extui %sign3A_2589 : i1 to i32
        %sign3A_2591 = arith.subi %sign3A_2587, %sign3A_2590 : i32
        %ne3A_2592 = arith.cmpi ne, %sign3A_2584, %sign3A_2591 : i32
        %rem3A_2593 = arith.remsi %mul3A_1932, %jit3A_2576 : i32
        %ne3A_2594 = arith.constant 0 : i32
        %ne3A_2595 = arith.cmpi ne, %rem3A_2593, %ne3A_2594 : i32
        %and3A_2596 = arith.andi %ne3A_2592, %ne3A_2595 : i1
        %sub3A_2597 = arith.constant 1 : i32
        %sub3A_2598 = arith.subi %div3A_2577, %sub3A_2597 : i32
        %select_n3A_2599 = arith.select %and3A_2596, %sub3A_2598, %div3A_2577 : i32
        %add3A_2600 = arith.constant 1 : i32
        %add3A_2601 = arith.addi %select_n3A_2599, %add3A_2600 : i32
        %dma_start3A_2602 = arith.constant 7 : i32
        %dma_start3A_2603 = arith.constant 120 : i32
        %dma_start3A_2604 = arith.constant 0 : i32
        %dma_start3A_2605 = tpu.memref_slice %arg12[%dma_start3A_2603, %dma_start3A_2604] : memref<128x128xf32, #tpu.memory_space<vmem>> -> memref<8x128xf32, #tpu.memory_space<vmem>>
        %dma_start3A_2606 = arith.constant 0 : i32
        %dma_start3A_2607 = arith.constant 0 : i32
        %dma_start3A_2608 = tpu.memref_slice %arg2[%select_n3A_1927, %dma_start3A_2602, %add3A_2601, %dma_start3A_2606, %dma_start3A_2607] : memref<50x8x32x8x128xf32, #tpu.memory_space<hbm>> -> memref<1x1x1x8x128xf32, #tpu.memory_space<hbm>>
        %dma_start3A_2609 = tpu.memref_squeeze %dma_start3A_2608 : memref<1x1x1x8x128xf32, #tpu.memory_space<hbm>> -> memref<8x128xf32, #tpu.memory_space<hbm>>
        %dma_start3A_2610 = arith.constant 120 : i32
        %dma_start3A_2611 = arith.constant 0 : i32
        %dma_start3A_2612 = tpu.memref_slice %arg12[%dma_start3A_2610, %dma_start3A_2611] : memref<128x128xf32, #tpu.memory_space<vmem>> -> memref<8x128xf32, #tpu.memory_space<vmem>>
        %dma_start3A_2613 = arith.constant 0 : i32
        %dma_start3A_2614 = arith.constant 0 : i32
        %dma_start3A_2615 = tpu.memref_slice %arg2[%select_n3A_1927, %dma_start3A_2602, %add3A_2601, %dma_start3A_2613, %dma_start3A_2614] : memref<50x8x32x8x128xf32, #tpu.memory_space<hbm>> -> memref<1x1x1x8x128xf32, #tpu.memory_space<hbm>>
        %dma_start3A_2616 = tpu.memref_squeeze %dma_start3A_2615 : memref<1x1x1x8x128xf32, #tpu.memory_space<hbm>> -> memref<8x128xf32, #tpu.memory_space<hbm>>
        tpu.enqueue_dma source(%dma_start3A_2616 : memref<8x128xf32, #tpu.memory_space<hbm>>) target(%dma_start3A_2612 : memref<8x128xf32, #tpu.memory_space<vmem>>) target_semaphore(%arg20 : memref<!tpu.dma_semaphore, #tpu.memory_space<semaphore_mem>>)
      } else {
      }
      %ge3A = arith.constant 2 : i32
      %ge3A_1483 = arith.cmpi sge, %add3A_1160, %ge3A : i32
      %convert_element_type3A_1484 = arith.extui %ge3A_1483 : i1 to i32
      %cond3A_1485 = arith.constant 0 : i32
      %cond3A_1486 = arith.cmpi ne, %convert_element_type3A_1484, %cond3A_1485 : i32
      scf.if %cond3A_1486 {
        %dma_wait3A_1895 = arith.constant 0 : i32
        %dma_wait3A_1896 = arith.constant 0 : i32
        %dma_wait3A_1897 = tpu.memref_slice %arg6[%dma_wait3A_1895, %dma_wait3A_1896] : memref<50x4096xf32, #tpu.memory_space<hbm>> -> memref<1x256xf32, #tpu.memory_space<hbm>>
        %dma_wait3A_1898 = tpu.memref_squeeze %dma_wait3A_1897 : memref<1x256xf32, #tpu.memory_space<hbm>> -> memref<256xf32, #tpu.memory_space<hbm>>
        %dma_wait3A_1899 = arith.constant 0 : i32
        %dma_wait3A_1900 = tpu.memref_slice %arg6[%dma_wait3A_1895, %dma_wait3A_1899] : memref<50x4096xf32, #tpu.memory_space<hbm>> -> memref<1x256xf32, #tpu.memory_space<hbm>>
        %dma_wait3A_1901 = tpu.memref_squeeze %dma_wait3A_1900 : memref<1x256xf32, #tpu.memory_space<hbm>> -> memref<256xf32, #tpu.memory_space<hbm>>
        tpu.wait_dma2 semaphore(%arg21 : memref<!tpu.dma_semaphore, #tpu.memory_space<semaphore_mem>>) src(%arg15 : memref<256xf32, #tpu.memory_space<vmem>>) dst(%dma_wait3A_1901 : memref<256xf32, #tpu.memory_space<hbm>>)
      } else {
      }
      %scan3A_1487 = arith.constant 0 : i32
      %scan3A_1488 = arith.constant 16 : i32
      %scan3A_1489 = arith.addi %scan3A_1487, %scan3A_1488 : i32
      %scan3A_1490 = arith.constant 1 : i32
      scf.for %scan3A_1895 = %scan3A_1487 to %scan3A_1489 step %scan3A_1490  : i32 {
        %mul3A_1896 = arith.constant 1 : i32
        %mul3A_1897 = arith.muli %scan3A_1895, %mul3A_1896 : i32
        %add3A_1898 = arith.constant 0 : i32
        %add3A_1899 = arith.addi %add3A_1898, %mul3A_1897 : i32
        %iota3A = tpu.iota {dimensions = array<i32: 0>} : vector<16xi32>
        %mul3A_1900 = arith.constant 16 : i32
        %mul3A_1901 = arith.muli %add3A_1899, %mul3A_1900 : i32
        %add3A_1902 = vector.broadcast %mul3A_1901 : i32 to vector<16xi32>
        %add3A_1903 = arith.addi %iota3A, %add3A_1902 : vector<16xi32>
        %jit3A_1904 = arith.constant 8 : i32
        %div3A_1905 = arith.divsi %add3A_1899, %jit3A_1904 : i32
        %sign3A_1906 = arith.constant 0 : i32
        %sign3A_1907 = arith.cmpi sgt, %add3A_1899, %sign3A_1906 : i32
        %sign3A_1908 = arith.extui %sign3A_1907 : i1 to i32
        %sign3A_1909 = arith.constant 0 : i32
        %sign3A_1910 = arith.cmpi slt, %add3A_1899, %sign3A_1909 : i32
        %sign3A_1911 = arith.extui %sign3A_1910 : i1 to i32
        %sign3A_1912 = arith.subi %sign3A_1908, %sign3A_1911 : i32
        %sign3A_1913 = arith.constant 0 : i32
        %sign3A_1914 = arith.cmpi sgt, %jit3A_1904, %sign3A_1913 : i32
        %sign3A_1915 = arith.extui %sign3A_1914 : i1 to i32
        %sign3A_1916 = arith.constant 0 : i32
        %sign3A_1917 = arith.cmpi slt, %jit3A_1904, %sign3A_1916 : i32
        %sign3A_1918 = arith.extui %sign3A_1917 : i1 to i32
        %sign3A_1919 = arith.subi %sign3A_1915, %sign3A_1918 : i32
        %ne3A_1920 = arith.cmpi ne, %sign3A_1912, %sign3A_1919 : i32
        %rem3A_1921 = arith.remsi %add3A_1899, %jit3A_1904 : i32
        %ne3A_1922 = arith.constant 0 : i32
        %ne3A_1923 = arith.cmpi ne, %rem3A_1921, %ne3A_1922 : i32
        %and3A_1924 = arith.andi %ne3A_1920, %ne3A_1923 : i1
        %sub3A_1925 = arith.constant 1 : i32
        %sub3A_1926 = arith.subi %div3A_1905, %sub3A_1925 : i32
        %select_n3A_1927 = arith.select %and3A_1924, %sub3A_1926, %div3A_1905 : i32
        %mul3A_1928 = arith.constant 8 : i32
        %mul3A_1929 = arith.muli %select_n3A_1927, %mul3A_1928 : i32
        %sub3A_1930 = arith.subi %add3A_1899, %mul3A_1929 : i32
        %mul3A_1931 = arith.constant 16 : i32
        %mul3A_1932 = arith.muli %sub3A_1930, %mul3A_1931 : i32
        %add3A_1933 = vector.broadcast %mul3A_1932 : i32 to vector<16xi32>
        %add3A_1934 = arith.addi %iota3A, %add3A_1933 : vector<16xi32>
        %broadcast_in_dim3A = arith.constant 0.000000e+00 : f32
        %broadcast_in_dim3A_1935 = vector.broadcast %broadcast_in_dim3A : f32 to vector<16xf32>
        %scan3A_1936 = arith.constant 0 : i32
        %scan3A_1937 = arith.constant 4 : i32
        %scan3A_1938 = arith.addi %scan3A_1936, %scan3A_1937 : i32
        %scan3A_1939 = arith.constant 1 : i32
        %scan3A_1940:4 = scf.for %scan3A_1952 = %scan3A_1936 to %scan3A_1938 step %scan3A_1939 iter_args(%scan3A_1953 = %broadcast_in_dim3A_1935, %scan3A_1954 = %broadcast_in_dim3A_1935, %scan3A_1955 = %broadcast_in_dim3A_1935, %scan3A_1956 = %broadcast_in_dim3A_1935) -> (vector<16xf32>, vector<16xf32>, vector<16xf32>, vector<16xf32>)  : i32 {
          %mul3A_1957 = arith.constant 1 : i32
          %mul3A_1958 = arith.muli %scan3A_1952, %mul3A_1957 : i32
          %add3A_1959 = arith.constant 0 : i32
          %add3A_1960 = arith.addi %add3A_1959, %mul3A_1958 : i32
          %mul3A_1961 = arith.constant 16 : i32
          %mul3A_1962 = arith.muli %add3A_1960, %mul3A_1961 : i32
          %mul3A_1963 = arith.constant 64 : i32
          %mul3A_1964 = arith.muli %select_n3A_1927, %mul3A_1963 : i32
          %add3A_1965 = arith.addi %mul3A_1964, %mul3A_1962 : i32
          %add3A_1966 = arith.constant 0 : i32
          %add3A_1967 = vector.broadcast %add3A_1966 : i32 to vector<16xi32>
          %add3A_1968 = arith.addi %iota3A, %add3A_1967 : vector<16xi32>
          %and3A_1969 = arith.constant 15 : i32
          %and3A_1970 = vector.broadcast %and3A_1969 : i32 to vector<16xi32>
          %and3A_1971 = arith.andi %add3A_1968, %and3A_1970 : vector<16xi32>
          %add3A_1972 = vector.broadcast %mul3A_1962 : i32 to vector<16xi32>
          %add3A_1973 = arith.addi %add3A_1972, %and3A_1971 : vector<16xi32>
          %gather3A = tpu.vector_load_idx %arg9[%add3A_1903, %add3A_1973] : memref<256x64xf32, #tpu.memory_space<vmem>>[vector<16xi32>, vector<16xi32>], vector<16xf32>,
          %add3A_1974 = vector.broadcast %add3A_1965 : i32 to vector<16xi32>
          %add3A_1975 = arith.addi %add3A_1974, %and3A_1971 : vector<16xi32>
          %gather3A_1976 = tpu.vector_load_idx %arg11[%add3A_1975, %add3A_1934] : memref<128x128xf32, #tpu.memory_space<vmem>>[vector<16xi32>, vector<16xi32>], vector<16xf32>,
          %mul3A_1977 = arith.mulf %gather3A, %gather3A_1976 : vector<16xf32>
          %add3A_1978 = arith.addf %scan3A_1953, %mul3A_1977 : vector<16xf32>
          %add3A_1979 = arith.constant 1 : i32
          %add3A_1980 = vector.broadcast %add3A_1979 : i32 to vector<16xi32>
          %add3A_1981 = arith.addi %iota3A, %add3A_1980 : vector<16xi32>
          %and3A_1982 = arith.constant 15 : i32
          %and3A_1983 = vector.broadcast %and3A_1982 : i32 to vector<16xi32>
          %and3A_1984 = arith.andi %add3A_1981, %and3A_1983 : vector<16xi32>
          %add3A_1985 = vector.broadcast %mul3A_1962 : i32 to vector<16xi32>
          %add3A_1986 = arith.addi %add3A_1985, %and3A_1984 : vector<16xi32>
          %gather3A_1987 = tpu.vector_load_idx %arg9[%add3A_1903, %add3A_1986] : memref<256x64xf32, #tpu.memory_space<vmem>>[vector<16xi32>, vector<16xi32>], vector<16xf32>,
          %add3A_1988 = vector.broadcast %add3A_1965 : i32 to vector<16xi32>
          %add3A_1989 = arith.addi %add3A_1988, %and3A_1984 : vector<16xi32>
          %gather3A_1990 = tpu.vector_load_idx %arg11[%add3A_1989, %add3A_1934] : memref<128x128xf32, #tpu.memory_space<vmem>>[vector<16xi32>, vector<16xi32>], vector<16xf32>,
          %mul3A_1991 = arith.mulf %gather3A_1987, %gather3A_1990 : vector<16xf32>
          %add3A_1992 = arith.addf %scan3A_1954, %mul3A_1991 : vector<16xf32>
          %add3A_1993 = arith.constant 2 : i32
          %add3A_1994 = vector.broadcast %add3A_1993 : i32 to vector<16xi32>
          %add3A_1995 = arith.addi %iota3A, %add3A_1994 : vector<16xi32>
          %and3A_1996 = arith.constant 15 : i32
          %and3A_1997 = vector.broadcast %and3A_1996 : i32 to vector<16xi32>
          %and3A_1998 = arith.andi %add3A_1995, %and3A_1997 : vector<16xi32>
          %add3A_1999 = vector.broadcast %mul3A_1962 : i32 to vector<16xi32>
          %add3A_2000 = arith.addi %add3A_1999, %and3A_1998 : vector<16xi32>
          %gather3A_2001 = tpu.vector_load_idx %arg9[%add3A_1903, %add3A_2000] : memref<256x64xf32, #tpu.memory_space<vmem>>[vector<16xi32>, vector<16xi32>], vector<16xf32>,
          %add3A_2002 = vector.broadcast %add3A_1965 : i32 to vector<16xi32>
          %add3A_2003 = arith.addi %add3A_2002, %and3A_1998 : vector<16xi32>
          %gather3A_2004 = tpu.vector_load_idx %arg11[%add3A_2003, %add3A_1934] : memref<128x128xf32, #tpu.memory_space<vmem>>[vector<16xi32>, vector<16xi32>], vector<16xf32>,
          %mul3A_2005 = arith.mulf %gather3A_2001, %gather3A_2004 : vector<16xf32>
          %add3A_2006 = arith.addf %scan3A_1955, %mul3A_2005 : vector<16xf32>
          %add3A_2007 = arith.constant 3 : i32
          %add3A_2008 = vector.broadcast %add3A_2007 : i32 to vector<16xi32>
          %add3A_2009 = arith.addi %iota3A, %add3A_2008 : vector<16xi32>
          %and3A_2010 = arith.constant 15 : i32
          %and3A_2011 = vector.broadcast %and3A_2010 : i32 to vector<16xi32>
          %and3A_2012 = arith.andi %add3A_2009, %and3A_2011 : vector<16xi32>
          %add3A_2013 = vector.broadcast %mul3A_1962 : i32 to vector<16xi32>
          %add3A_2014 = arith.addi %add3A_2013, %and3A_2012 : vector<16xi32>
          %gather3A_2015 = tpu.vector_load_idx %arg9[%add3A_1903, %add3A_2014] : memref<256x64xf32, #tpu.memory_space<vmem>>[vector<16xi32>, vector<16xi32>], vector<16xf32>,
          %add3A_2016 = vector.broadcast %add3A_1965 : i32 to vector<16xi32>
          %add3A_2017 = arith.addi %add3A_2016, %and3A_2012 : vector<16xi32>
          %gather3A_2018 = tpu.vector_load_idx %arg11[%add3A_2017, %add3A_1934] : memref<128x128xf32, #tpu.memory_space<vmem>>[vector<16xi32>, vector<16xi32>], vector<16xf32>,
          %mul3A_2019 = arith.mulf %gather3A_2015, %gather3A_2018 : vector<16xf32>
          %add3A_2020 = arith.addf %scan3A_1956, %mul3A_2019 : vector<16xf32>
          %add3A_2021 = arith.constant 4 : i32
          %add3A_2022 = vector.broadcast %add3A_2021 : i32 to vector<16xi32>
          %add3A_2023 = arith.addi %iota3A, %add3A_2022 : vector<16xi32>
          %and3A_2024 = arith.constant 15 : i32
          %and3A_2025 = vector.broadcast %and3A_2024 : i32 to vector<16xi32>
          %and3A_2026 = arith.andi %add3A_2023, %and3A_2025 : vector<16xi32>
          %add3A_2027 = vector.broadcast %mul3A_1962 : i32 to vector<16xi32>
          %add3A_2028 = arith.addi %add3A_2027, %and3A_2026 : vector<16xi32>
          %gather3A_2029 = tpu.vector_load_idx %arg9[%add3A_1903, %add3A_2028] : memref<256x64xf32, #tpu.memory_space<vmem>>[vector<16xi32>, vector<16xi32>], vector<16xf32>,
          %add3A_2030 = vector.broadcast %add3A_1965 : i32 to vector<16xi32>
          %add3A_2031 = arith.addi %add3A_2030, %and3A_2026 : vector<16xi32>
          %gather3A_2032 = tpu.vector_load_idx %arg11[%add3A_2031, %add3A_1934] : memref<128x128xf32, #tpu.memory_space<vmem>>[vector<16xi32>, vector<16xi32>], vector<16xf32>,
          %mul3A_2033 = arith.mulf %gather3A_2029, %gather3A_2032 : vector<16xf32>
          %add3A_2034 = arith.addf %add3A_1978, %mul3A_2033 : vector<16xf32>
          %add3A_2035 = arith.constant 5 : i32
          %add3A_2036 = vector.broadcast %add3A_2035 : i32 to vector<16xi32>
          %add3A_2037 = arith.addi %iota3A, %add3A_2036 : vector<16xi32>
          %and3A_2038 = arith.constant 15 : i32
          %and3A_2039 = vector.broadcast %and3A_2038 : i32 to vector<16xi32>
          %and3A_2040 = arith.andi %add3A_2037, %and3A_2039 : vector<16xi32>
          %add3A_2041 = vector.broadcast %mul3A_1962 : i32 to vector<16xi32>
          %add3A_2042 = arith.addi %add3A_2041, %and3A_2040 : vector<16xi32>
          %gather3A_2043 = tpu.vector_load_idx %arg9[%add3A_1903, %add3A_2042] : memref<256x64xf32, #tpu.memory_space<vmem>>[vector<16xi32>, vector<16xi32>], vector<16xf32>,
          %add3A_2044 = vector.broadcast %add3A_1965 : i32 to vector<16xi32>
          %add3A_2045 = arith.addi %add3A_2044, %and3A_2040 : vector<16xi32>
          %gather3A_2046 = tpu.vector_load_idx %arg11[%add3A_2045, %add3A_1934] : memref<128x128xf32, #tpu.memory_space<vmem>>[vector<16xi32>, vector<16xi32>], vector<16xf32>,
          %mul3A_2047 = arith.mulf %gather3A_2043, %gather3A_2046 : vector<16xf32>
          %add3A_2048 = arith.addf %add3A_1992, %mul3A_2047 : vector<16xf32>
          %add3A_2049 = arith.constant 6 : i32
          %add3A_2050 = vector.broadcast %add3A_2049 : i32 to vector<16xi32>
          %add3A_2051 = arith.addi %iota3A, %add3A_2050 : vector<16xi32>
          %and3A_2052 = arith.constant 15 : i32
          %and3A_2053 = vector.broadcast %and3A_2052 : i32 to vector<16xi32>
          %and3A_2054 = arith.andi %add3A_2051, %and3A_2053 : vector<16xi32>
          %add3A_2055 = vector.broadcast %mul3A_1962 : i32 to vector<16xi32>
          %add3A_2056 = arith.addi %add3A_2055, %and3A_2054 : vector<16xi32>
          %gather3A_2057 = tpu.vector_load_idx %arg9[%add3A_1903, %add3A_2056] : memref<256x64xf32, #tpu.memory_space<vmem>>[vector<16xi32>, vector<16xi32>], vector<16xf32>,
          %add3A_2058 = vector.broadcast %add3A_1965 : i32 to vector<16xi32>
          %add3A_2059 = arith.addi %add3A_2058, %and3A_2054 : vector<16xi32>
          %gather3A_2060 = tpu.vector_load_idx %arg11[%add3A_2059, %add3A_1934] : memref<128x128xf32, #tpu.memory_space<vmem>>[vector<16xi32>, vector<16xi32>], vector<16xf32>,
          %mul3A_2061 = arith.mulf %gather3A_2057, %gather3A_2060 : vector<16xf32>
          %add3A_2062 = arith.addf %add3A_2006, %mul3A_2061 : vector<16xf32>
          %add3A_2063 = arith.constant 7 : i32
          %add3A_2064 = vector.broadcast %add3A_2063 : i32 to vector<16xi32>
          %add3A_2065 = arith.addi %iota3A, %add3A_2064 : vector<16xi32>
          %and3A_2066 = arith.constant 15 : i32
          %and3A_2067 = vector.broadcast %and3A_2066 : i32 to vector<16xi32>
          %and3A_2068 = arith.andi %add3A_2065, %and3A_2067 : vector<16xi32>
          %add3A_2069 = vector.broadcast %mul3A_1962 : i32 to vector<16xi32>
          %add3A_2070 = arith.addi %add3A_2069, %and3A_2068 : vector<16xi32>
          %gather3A_2071 = tpu.vector_load_idx %arg9[%add3A_1903, %add3A_2070] : memref<256x64xf32, #tpu.memory_space<vmem>>[vector<16xi32>, vector<16xi32>], vector<16xf32>,
          %add3A_2072 = vector.broadcast %add3A_1965 : i32 to vector<16xi32>
          %add3A_2073 = arith.addi %add3A_2072, %and3A_2068 : vector<16xi32>
          %gather3A_2074 = tpu.vector_load_idx %arg11[%add3A_2073, %add3A_1934] : memref<128x128xf32, #tpu.memory_space<vmem>>[vector<16xi32>, vector<16xi32>], vector<16xf32>,
          %mul3A_2075 = arith.mulf %gather3A_2071, %gather3A_2074 : vector<16xf32>
          %add3A_2076 = arith.addf %add3A_2020, %mul3A_2075 : vector<16xf32>
          %add3A_2077 = arith.constant 8 : i32
          %add3A_2078 = vector.broadcast %add3A_2077 : i32 to vector<16xi32>
          %add3A_2079 = arith.addi %iota3A, %add3A_2078 : vector<16xi32>
          %and3A_2080 = arith.constant 15 : i32
          %and3A_2081 = vector.broadcast %and3A_2080 : i32 to vector<16xi32>
          %and3A_2082 = arith.andi %add3A_2079, %and3A_2081 : vector<16xi32>
          %add3A_2083 = vector.broadcast %mul3A_1962 : i32 to vector<16xi32>
          %add3A_2084 = arith.addi %add3A_2083, %and3A_2082 : vector<16xi32>
          %gather3A_2085 = tpu.vector_load_idx %arg9[%add3A_1903, %add3A_2084] : memref<256x64xf32, #tpu.memory_space<vmem>>[vector<16xi32>, vector<16xi32>], vector<16xf32>,
          %add3A_2086 = vector.broadcast %add3A_1965 : i32 to vector<16xi32>
          %add3A_2087 = arith.addi %add3A_2086, %and3A_2082 : vector<16xi32>
          %gather3A_2088 = tpu.vector_load_idx %arg11[%add3A_2087, %add3A_1934] : memref<128x128xf32, #tpu.memory_space<vmem>>[vector<16xi32>, vector<16xi32>], vector<16xf32>,
          %mul3A_2089 = arith.mulf %gather3A_2085, %gather3A_2088 : vector<16xf32>
          %add3A_2090 = arith.addf %add3A_2034, %mul3A_2089 : vector<16xf32>
          %add3A_2091 = arith.constant 9 : i32
          %add3A_2092 = vector.broadcast %add3A_2091 : i32 to vector<16xi32>
          %add3A_2093 = arith.addi %iota3A, %add3A_2092 : vector<16xi32>
          %and3A_2094 = arith.constant 15 : i32
          %and3A_2095 = vector.broadcast %and3A_2094 : i32 to vector<16xi32>
          %and3A_2096 = arith.andi %add3A_2093, %and3A_2095 : vector<16xi32>
          %add3A_2097 = vector.broadcast %mul3A_1962 : i32 to vector<16xi32>
          %add3A_2098 = arith.addi %add3A_2097, %and3A_2096 : vector<16xi32>
          %gather3A_2099 = tpu.vector_load_idx %arg9[%add3A_1903, %add3A_2098] : memref<256x64xf32, #tpu.memory_space<vmem>>[vector<16xi32>, vector<16xi32>], vector<16xf32>,
          %add3A_2100 = vector.broadcast %add3A_1965 : i32 to vector<16xi32>
          %add3A_2101 = arith.addi %add3A_2100, %and3A_2096 : vector<16xi32>
          %gather3A_2102 = tpu.vector_load_idx %arg11[%add3A_2101, %add3A_1934] : memref<128x128xf32, #tpu.memory_space<vmem>>[vector<16xi32>, vector<16xi32>], vector<16xf32>,
          %mul3A_2103 = arith.mulf %gather3A_2099, %gather3A_2102 : vector<16xf32>
          %add3A_2104 = arith.addf %add3A_2048, %mul3A_2103 : vector<16xf32>
          %add3A_2105 = arith.constant 10 : i32
          %add3A_2106 = vector.broadcast %add3A_2105 : i32 to vector<16xi32>
          %add3A_2107 = arith.addi %iota3A, %add3A_2106 : vector<16xi32>
          %and3A_2108 = arith.constant 15 : i32
          %and3A_2109 = vector.broadcast %and3A_2108 : i32 to vector<16xi32>
          %and3A_2110 = arith.andi %add3A_2107, %and3A_2109 : vector<16xi32>
          %add3A_2111 = vector.broadcast %mul3A_1962 : i32 to vector<16xi32>
          %add3A_2112 = arith.addi %add3A_2111, %and3A_2110 : vector<16xi32>
          %gather3A_2113 = tpu.vector_load_idx %arg9[%add3A_1903, %add3A_2112] : memref<256x64xf32, #tpu.memory_space<vmem>>[vector<16xi32>, vector<16xi32>], vector<16xf32>,
          %add3A_2114 = vector.broadcast %add3A_1965 : i32 to vector<16xi32>
          %add3A_2115 = arith.addi %add3A_2114, %and3A_2110 : vector<16xi32>
          %gather3A_2116 = tpu.vector_load_idx %arg11[%add3A_2115, %add3A_1934] : memref<128x128xf32, #tpu.memory_space<vmem>>[vector<16xi32>, vector<16xi32>], vector<16xf32>,
          %mul3A_2117 = arith.mulf %gather3A_2113, %gather3A_2116 : vector<16xf32>
          %add3A_2118 = arith.addf %add3A_2062, %mul3A_2117 : vector<16xf32>
          %add3A_2119 = arith.constant 11 : i32
          %add3A_2120 = vector.broadcast %add3A_2119 : i32 to vector<16xi32>
          %add3A_2121 = arith.addi %iota3A, %add3A_2120 : vector<16xi32>
          %and3A_2122 = arith.constant 15 : i32
          %and3A_2123 = vector.broadcast %and3A_2122 : i32 to vector<16xi32>
          %and3A_2124 = arith.andi %add3A_2121, %and3A_2123 : vector<16xi32>
          %add3A_2125 = vector.broadcast %mul3A_1962 : i32 to vector<16xi32>
          %add3A_2126 = arith.addi %add3A_2125, %and3A_2124 : vector<16xi32>
          %gather3A_2127 = tpu.vector_load_idx %arg9[%add3A_1903, %add3A_2126] : memref<256x64xf32, #tpu.memory_space<vmem>>[vector<16xi32>, vector<16xi32>], vector<16xf32>,
          %add3A_2128 = vector.broadcast %add3A_1965 : i32 to vector<16xi32>
          %add3A_2129 = arith.addi %add3A_2128, %and3A_2124 : vector<16xi32>
          %gather3A_2130 = tpu.vector_load_idx %arg11[%add3A_2129, %add3A_1934] : memref<128x128xf32, #tpu.memory_space<vmem>>[vector<16xi32>, vector<16xi32>], vector<16xf32>,
          %mul3A_2131 = arith.mulf %gather3A_2127, %gather3A_2130 : vector<16xf32>
          %add3A_2132 = arith.addf %add3A_2076, %mul3A_2131 : vector<16xf32>
          %add3A_2133 = arith.constant 12 : i32
          %add3A_2134 = vector.broadcast %add3A_2133 : i32 to vector<16xi32>
          %add3A_2135 = arith.addi %iota3A, %add3A_2134 : vector<16xi32>
          %and3A_2136 = arith.constant 15 : i32
          %and3A_2137 = vector.broadcast %and3A_2136 : i32 to vector<16xi32>
          %and3A_2138 = arith.andi %add3A_2135, %and3A_2137 : vector<16xi32>
          %add3A_2139 = vector.broadcast %mul3A_1962 : i32 to vector<16xi32>
          %add3A_2140 = arith.addi %add3A_2139, %and3A_2138 : vector<16xi32>
          %gather3A_2141 = tpu.vector_load_idx %arg9[%add3A_1903, %add3A_2140] : memref<256x64xf32, #tpu.memory_space<vmem>>[vector<16xi32>, vector<16xi32>], vector<16xf32>,
          %add3A_2142 = vector.broadcast %add3A_1965 : i32 to vector<16xi32>
          %add3A_2143 = arith.addi %add3A_2142, %and3A_2138 : vector<16xi32>
          %gather3A_2144 = tpu.vector_load_idx %arg11[%add3A_2143, %add3A_1934] : memref<128x128xf32, #tpu.memory_space<vmem>>[vector<16xi32>, vector<16xi32>], vector<16xf32>,
          %mul3A_2145 = arith.mulf %gather3A_2141, %gather3A_2144 : vector<16xf32>
          %add3A_2146 = arith.addf %add3A_2090, %mul3A_2145 : vector<16xf32>
          %add3A_2147 = arith.constant 13 : i32
          %add3A_2148 = vector.broadcast %add3A_2147 : i32 to vector<16xi32>
          %add3A_2149 = arith.addi %iota3A, %add3A_2148 : vector<16xi32>
          %and3A_2150 = arith.constant 15 : i32
          %and3A_2151 = vector.broadcast %and3A_2150 : i32 to vector<16xi32>
          %and3A_2152 = arith.andi %add3A_2149, %and3A_2151 : vector<16xi32>
          %add3A_2153 = vector.broadcast %mul3A_1962 : i32 to vector<16xi32>
          %add3A_2154 = arith.addi %add3A_2153, %and3A_2152 : vector<16xi32>
          %gather3A_2155 = tpu.vector_load_idx %arg9[%add3A_1903, %add3A_2154] : memref<256x64xf32, #tpu.memory_space<vmem>>[vector<16xi32>, vector<16xi32>], vector<16xf32>,
          %add3A_2156 = vector.broadcast %add3A_1965 : i32 to vector<16xi32>
          %add3A_2157 = arith.addi %add3A_2156, %and3A_2152 : vector<16xi32>
          %gather3A_2158 = tpu.vector_load_idx %arg11[%add3A_2157, %add3A_1934] : memref<128x128xf32, #tpu.memory_space<vmem>>[vector<16xi32>, vector<16xi32>], vector<16xf32>,
          %mul3A_2159 = arith.mulf %gather3A_2155, %gather3A_2158 : vector<16xf32>
          %add3A_2160 = arith.addf %add3A_2104, %mul3A_2159 : vector<16xf32>
          %add3A_2161 = arith.constant 14 : i32
          %add3A_2162 = vector.broadcast %add3A_2161 : i32 to vector<16xi32>
          %add3A_2163 = arith.addi %iota3A, %add3A_2162 : vector<16xi32>
          %and3A_2164 = arith.constant 15 : i32
          %and3A_2165 = vector.broadcast %and3A_2164 : i32 to vector<16xi32>
          %and3A_2166 = arith.andi %add3A_2163, %and3A_2165 : vector<16xi32>
          %add3A_2167 = vector.broadcast %mul3A_1962 : i32 to vector<16xi32>
          %add3A_2168 = arith.addi %add3A_2167, %and3A_2166 : vector<16xi32>
          %gather3A_2169 = tpu.vector_load_idx %arg9[%add3A_1903, %add3A_2168] : memref<256x64xf32, #tpu.memory_space<vmem>>[vector<16xi32>, vector<16xi32>], vector<16xf32>,
          %add3A_2170 = vector.broadcast %add3A_1965 : i32 to vector<16xi32>
          %add3A_2171 = arith.addi %add3A_2170, %and3A_2166 : vector<16xi32>
          %gather3A_2172 = tpu.vector_load_idx %arg11[%add3A_2171, %add3A_1934] : memref<128x128xf32, #tpu.memory_space<vmem>>[vector<16xi32>, vector<16xi32>], vector<16xf32>,
          %mul3A_2173 = arith.mulf %gather3A_2169, %gather3A_2172 : vector<16xf32>
          %add3A_2174 = arith.addf %add3A_2118, %mul3A_2173 : vector<16xf32>
          %add3A_2175 = arith.constant 15 : i32
          %add3A_2176 = vector.broadcast %add3A_2175 : i32 to vector<16xi32>
          %add3A_2177 = arith.addi %iota3A, %add3A_2176 : vector<16xi32>
          %and3A_2178 = arith.constant 15 : i32
          %and3A_2179 = vector.broadcast %and3A_2178 : i32 to vector<16xi32>
          %and3A_2180 = arith.andi %add3A_2177, %and3A_2179 : vector<16xi32>
          %add3A_2181 = vector.broadcast %mul3A_1962 : i32 to vector<16xi32>
          %add3A_2182 = arith.addi %add3A_2181, %and3A_2180 : vector<16xi32>
          %gather3A_2183 = tpu.vector_load_idx %arg9[%add3A_1903, %add3A_2182] : memref<256x64xf32, #tpu.memory_space<vmem>>[vector<16xi32>, vector<16xi32>], vector<16xf32>,
          %add3A_2184 = vector.broadcast %add3A_1965 : i32 to vector<16xi32>
          %add3A_2185 = arith.addi %add3A_2184, %and3A_2180 : vector<16xi32>
          %gather3A_2186 = tpu.vector_load_idx %arg11[%add3A_2185, %add3A_1934] : memref<128x128xf32, #tpu.memory_space<vmem>>[vector<16xi32>, vector<16xi32>], vector<16xf32>,
          %mul3A_2187 = arith.mulf %gather3A_2183, %gather3A_2186 : vector<16xf32>
          %add3A_2188 = arith.addf %add3A_2132, %mul3A_2187 : vector<16xf32>
          scf.yield %add3A_2146, %add3A_2160, %add3A_2174, %add3A_2188 : vector<16xf32>, vector<16xf32>, vector<16xf32>, vector<16xf32>
        }
        %scan3A_1941 = arith.constant 4 : i32
        %add3A_1942 = arith.addf %scan3A_1940#0, %scan3A_1940#1 : vector<16xf32>
        %add3A_1943 = arith.addf %scan3A_1940#2, %scan3A_1940#3 : vector<16xf32>
        %add3A_1944 = arith.addf %add3A_1942, %add3A_1943 : vector<16xf32>
        %mul3A_1945 = arith.constant 16 : i32
        %mul3A_1946 = arith.muli %add3A_1899, %mul3A_1945 : i32
        %get3A = arith.index_cast %mul3A_1946 : i32 to index
        %get3A_1947 = tpu.vector_load %arg13[%get3A] {strides = array<i32>} : memref<256xf32, #tpu.memory_space<vmem>>, vector<16xf32>,
        %add3A_1948 = arith.addf %add3A_1944, %get3A_1947 : vector<16xf32>
        %mul3A_1949 = arith.constant 16 : i32
        %mul3A_1950 = arith.muli %add3A_1899, %mul3A_1949 : i32
        %swap3A = arith.index_cast %mul3A_1950 : i32 to index
        %swap3A_1951 = tpu.vector_load %arg15[%swap3A] {strides = array<i32>} : memref<256xf32, #tpu.memory_space<vmem>>, vector<16xf32>,
        tpu.vector_store %arg15[%swap3A], %add3A_1948 {strides = array<i32>} : memref<256xf32, #tpu.memory_space<vmem>>, vector<16xf32>,
      }
      %scan3A_1491 = arith.constant 16 : i32
      %jit3A_1492 = arith.constant 16 : i32
      %div3A_1493 = arith.divsi %add3A_1163, %jit3A_1492 : i32
      %sign3A_1494 = arith.constant 0 : i32
      %sign3A_1495 = arith.cmpi sgt, %add3A_1163, %sign3A_1494 : i32
      %sign3A_1496 = arith.extui %sign3A_1495 : i1 to i32
      %sign3A_1497 = arith.constant 0 : i32
      %sign3A_1498 = arith.cmpi slt, %add3A_1163, %sign3A_1497 : i32
      %sign3A_1499 = arith.extui %sign3A_1498 : i1 to i32
      %sign3A_1500 = arith.subi %sign3A_1496, %sign3A_1499 : i32
      %sign3A_1501 = arith.constant 0 : i32
      %sign3A_1502 = arith.cmpi sgt, %jit3A_1492, %sign3A_1501 : i32
      %sign3A_1503 = arith.extui %sign3A_1502 : i1 to i32
      %sign3A_1504 = arith.constant 0 : i32
      %sign3A_1505 = arith.cmpi slt, %jit3A_1492, %sign3A_1504 : i32
      %sign3A_1506 = arith.extui %sign3A_1505 : i1 to i32
      %sign3A_1507 = arith.subi %sign3A_1503, %sign3A_1506 : i32
      %ne3A_1508 = arith.cmpi ne, %sign3A_1500, %sign3A_1507 : i32
      %rem3A_1509 = arith.remsi %add3A_1163, %jit3A_1492 : i32
      %ne3A_1510 = arith.constant 0 : i32
      %ne3A_1511 = arith.cmpi ne, %rem3A_1509, %ne3A_1510 : i32
      %and3A_1512 = arith.andi %ne3A_1508, %ne3A_1511 : i1
      %sub3A_1513 = arith.constant 1 : i32
      %sub3A_1514 = arith.subi %div3A_1493, %sub3A_1513 : i32
      %select_n3A_1515 = arith.select %and3A_1512, %sub3A_1514, %div3A_1493 : i32
      %mul3A_1516 = arith.constant 16 : i32
      %mul3A_1517 = arith.muli %select_n3A_1515, %mul3A_1516 : i32
      %sub3A_1518 = arith.subi %add3A_1163, %mul3A_1517 : i32
      %mul3A_1519 = arith.constant 256 : i32
      %mul3A_1520 = arith.muli %sub3A_1518, %mul3A_1519 : i32
      %dma_start3A_1521 = tpu.memref_slice %arg6[%select_n3A_1515, %mul3A_1520] : memref<50x4096xf32, #tpu.memory_space<hbm>> -> memref<1x256xf32, #tpu.memory_space<hbm>>
      %dma_start3A_1522 = tpu.memref_squeeze %dma_start3A_1521 : memref<1x256xf32, #tpu.memory_space<hbm>> -> memref<256xf32, #tpu.memory_space<hbm>>
      %dma_start3A_1523 = tpu.memref_slice %arg6[%select_n3A_1515, %mul3A_1520] : memref<50x4096xf32, #tpu.memory_space<hbm>> -> memref<1x256xf32, #tpu.memory_space<hbm>>
      %dma_start3A_1524 = tpu.memref_squeeze %dma_start3A_1523 : memref<1x256xf32, #tpu.memory_space<hbm>> -> memref<256xf32, #tpu.memory_space<hbm>>
      tpu.enqueue_dma source(%arg15 : memref<256xf32, #tpu.memory_space<vmem>>) target(%dma_start3A_1524 : memref<256xf32, #tpu.memory_space<hbm>>) target_semaphore(%arg21 : memref<!tpu.dma_semaphore, #tpu.memory_space<semaphore_mem>>)
      %add3A_1525 = arith.constant 1 : i32
      %add3A_1526 = arith.addi %add3A_1160, %add3A_1525 : i32
      %mul3A_1527 = arith.constant 32 : i32
      %mul3A_1528 = arith.muli %add3A_1526, %mul3A_1527 : i32
      %add3A_1529 = arith.addi %mul3A_1528, %add3A : i32
      %dma_wait3A_1530 = arith.constant 0 : i32
      %dma_wait3A_1531 = arith.constant 0 : i32
      %dma_wait3A_1532 = tpu.memref_slice %arg10[%dma_wait3A_1530, %dma_wait3A_1531] : memref<256x64xf32, #tpu.memory_space<vmem>> -> memref<128x64xf32, #tpu.memory_space<vmem>>
      %dma_wait3A_1533 = arith.constant 0 : i32
      %dma_wait3A_1534 = arith.constant 0 : i32
      %dma_wait3A_1535 = tpu.memref_slice %arg4[%dma_wait3A_1533, %dma_wait3A_1534] : memref<100000x64xf32, #tpu.memory_space<hbm>> -> memref<128x64xf32, #tpu.memory_space<hbm>>
      %dma_wait3A_1536 = arith.constant 0 : i32
      %dma_wait3A_1537 = arith.constant 0 : i32
      %dma_wait3A_1538 = tpu.memref_slice %arg10[%dma_wait3A_1536, %dma_wait3A_1537] : memref<256x64xf32, #tpu.memory_space<vmem>> -> memref<128x64xf32, #tpu.memory_space<vmem>>
      %dma_wait3A_1539 = arith.constant 0 : i32
      %dma_wait3A_1540 = arith.constant 0 : i32
      %dma_wait3A_1541 = tpu.memref_slice %arg4[%dma_wait3A_1539, %dma_wait3A_1540] : memref<100000x64xf32, #tpu.memory_space<hbm>> -> memref<128x64xf32, #tpu.memory_space<hbm>>
      tpu.wait_dma2 semaphore(%arg20 : memref<!tpu.dma_semaphore, #tpu.memory_space<semaphore_mem>>) src(%dma_wait3A_1541 : memref<128x64xf32, #tpu.memory_space<hbm>>) dst(%dma_wait3A_1538 : memref<128x64xf32, #tpu.memory_space<vmem>>)
      %dma_wait3A_1542 = arith.constant 0 : i32
      %dma_wait3A_1543 = tpu.memref_slice %arg14[%dma_wait3A_1542] : memref<256xf32, #tpu.memory_space<vmem>> -> memref<128xf32, #tpu.memory_space<vmem>>
      %dma_wait3A_1544 = arith.constant 0 : i32
      %dma_wait3A_1545 = tpu.memref_slice %arg5[%dma_wait3A_1544] : memref<100000xf32, #tpu.memory_space<hbm>> -> memref<128xf32, #tpu.memory_space<hbm>>
      %dma_wait3A_1546 = arith.constant 0 : i32
      %dma_wait3A_1547 = tpu.memref_slice %arg14[%dma_wait3A_1546] : memref<256xf32, #tpu.memory_space<vmem>> -> memref<128xf32, #tpu.memory_space<vmem>>
      %dma_wait3A_1548 = arith.constant 0 : i32
      %dma_wait3A_1549 = tpu.memref_slice %arg5[%dma_wait3A_1548] : memref<100000xf32, #tpu.memory_space<hbm>> -> memref<128xf32, #tpu.memory_space<hbm>>
      tpu.wait_dma2 semaphore(%arg20 : memref<!tpu.dma_semaphore, #tpu.memory_space<semaphore_mem>>) src(%dma_wait3A_1549 : memref<128xf32, #tpu.memory_space<hbm>>) dst(%dma_wait3A_1547 : memref<128xf32, #tpu.memory_space<vmem>>)
      %dma_wait3A_1550 = arith.constant 128 : i32
      %dma_wait3A_1551 = arith.constant 0 : i32
      %dma_wait3A_1552 = tpu.memref_slice %arg10[%dma_wait3A_1550, %dma_wait3A_1551] : memref<256x64xf32, #tpu.memory_space<vmem>> -> memref<128x64xf32, #tpu.memory_space<vmem>>
      %dma_wait3A_1553 = arith.constant 0 : i32
      %dma_wait3A_1554 = arith.constant 0 : i32
      %dma_wait3A_1555 = tpu.memref_slice %arg4[%dma_wait3A_1553, %dma_wait3A_1554] : memref<100000x64xf32, #tpu.memory_space<hbm>> -> memref<128x64xf32, #tpu.memory_space<hbm>>
      %dma_wait3A_1556 = arith.constant 128 : i32
      %dma_wait3A_1557 = arith.constant 0 : i32
      %dma_wait3A_1558 = tpu.memref_slice %arg10[%dma_wait3A_1556, %dma_wait3A_1557] : memref<256x64xf32, #tpu.memory_space<vmem>> -> memref<128x64xf32, #tpu.memory_space<vmem>>
      %dma_wait3A_1559 = arith.constant 0 : i32
      %dma_wait3A_1560 = arith.constant 0 : i32
      %dma_wait3A_1561 = tpu.memref_slice %arg4[%dma_wait3A_1559, %dma_wait3A_1560] : memref<100000x64xf32, #tpu.memory_space<hbm>> -> memref<128x64xf32, #tpu.memory_space<hbm>>
      tpu.wait_dma2 semaphore(%arg20 : memref<!tpu.dma_semaphore, #tpu.memory_space<semaphore_mem>>) src(%dma_wait3A_1561 : memref<128x64xf32, #tpu.memory_space<hbm>>) dst(%dma_wait3A_1558 : memref<128x64xf32, #tpu.memory_space<vmem>>)
      %dma_wait3A_1562 = arith.constant 128 : i32
      %dma_wait3A_1563 = tpu.memref_slice %arg14[%dma_wait3A_1562] : memref<256xf32, #tpu.memory_space<vmem>> -> memref<128xf32, #tpu.memory_space<vmem>>
      %dma_wait3A_1564 = arith.constant 0 : i32
      %dma_wait3A_1565 = tpu.memref_slice %arg5[%dma_wait3A_1564] : memref<100000xf32, #tpu.memory_space<hbm>> -> memref<128xf32, #tpu.memory_space<hbm>>
      %dma_wait3A_1566 = arith.constant 128 : i32
      %dma_wait3A_1567 = tpu.memref_slice %arg14[%dma_wait3A_1566] : memref<256xf32, #tpu.memory_space<vmem>> -> memref<128xf32, #tpu.memory_space<vmem>>
      %dma_wait3A_1568 = arith.constant 0 : i32
      %dma_wait3A_1569 = tpu.memref_slice %arg5[%dma_wait3A_1568] : memref<100000xf32, #tpu.memory_space<hbm>> -> memref<128xf32, #tpu.memory_space<hbm>>
      tpu.wait_dma2 semaphore(%arg20 : memref<!tpu.dma_semaphore, #tpu.memory_space<semaphore_mem>>) src(%dma_wait3A_1569 : memref<128xf32, #tpu.memory_space<hbm>>) dst(%dma_wait3A_1567 : memref<128xf32, #tpu.memory_space<vmem>>)
      %dma_wait3A_1570 = arith.constant 0 : i32
      %dma_wait3A_1571 = arith.constant 0 : i32
      %dma_wait3A_1572 = arith.constant 0 : i32
      %dma_wait3A_1573 = arith.constant 0 : i32
      %dma_wait3A_1574 = arith.constant 0 : i32
      %dma_wait3A_1575 = tpu.memref_slice %arg12[%dma_wait3A_1573, %dma_wait3A_1574] : memref<128x128xf32, #tpu.memory_space<vmem>> -> memref<8x128xf32, #tpu.memory_space<vmem>>
      %dma_wait3A_1576 = arith.constant 0 : i32
      %dma_wait3A_1577 = arith.constant 0 : i32
      %dma_wait3A_1578 = tpu.memref_slice %arg2[%dma_wait3A_1570, %dma_wait3A_1571, %dma_wait3A_1572, %dma_wait3A_1576, %dma_wait3A_1577] : memref<50x8x32x8x128xf32, #tpu.memory_space<hbm>> -> memref<1x1x1x8x128xf32, #tpu.memory_space<hbm>>
      %dma_wait3A_1579 = tpu.memref_squeeze %dma_wait3A_1578 : memref<1x1x1x8x128xf32, #tpu.memory_space<hbm>> -> memref<8x128xf32, #tpu.memory_space<hbm>>
      %dma_wait3A_1580 = arith.constant 0 : i32
      %dma_wait3A_1581 = arith.constant 0 : i32
      %dma_wait3A_1582 = tpu.memref_slice %arg12[%dma_wait3A_1580, %dma_wait3A_1581] : memref<128x128xf32, #tpu.memory_space<vmem>> -> memref<8x128xf32, #tpu.memory_space<vmem>>
      %dma_wait3A_1583 = arith.constant 0 : i32
      %dma_wait3A_1584 = arith.constant 0 : i32
      %dma_wait3A_1585 = tpu.memref_slice %arg2[%dma_wait3A_1570, %dma_wait3A_1571, %dma_wait3A_1572, %dma_wait3A_1583, %dma_wait3A_1584] : memref<50x8x32x8x128xf32, #tpu.memory_space<hbm>> -> memref<1x1x1x8x128xf32, #tpu.memory_space<hbm>>
      %dma_wait3A_1586 = tpu.memref_squeeze %dma_wait3A_1585 : memref<1x1x1x8x128xf32, #tpu.memory_space<hbm>> -> memref<8x128xf32, #tpu.memory_space<hbm>>
      tpu.wait_dma2 semaphore(%arg20 : memref<!tpu.dma_semaphore, #tpu.memory_space<semaphore_mem>>) src(%dma_wait3A_1586 : memref<8x128xf32, #tpu.memory_space<hbm>>) dst(%dma_wait3A_1582 : memref<8x128xf32, #tpu.memory_space<vmem>>)
      %dma_wait3A_1587 = arith.constant 0 : i32
      %dma_wait3A_1588 = arith.constant 0 : i32
      %dma_wait3A_1589 = arith.constant 0 : i32
      %dma_wait3A_1590 = arith.constant 0 : i32
      %dma_wait3A_1591 = arith.constant 0 : i32
      %dma_wait3A_1592 = tpu.memref_slice %arg12[%dma_wait3A_1590, %dma_wait3A_1591] : memref<128x128xf32, #tpu.memory_space<vmem>> -> memref<8x128xf32, #tpu.memory_space<vmem>>
      %dma_wait3A_1593 = arith.constant 0 : i32
      %dma_wait3A_1594 = arith.constant 0 : i32
      %dma_wait3A_1595 = tpu.memref_slice %arg2[%dma_wait3A_1587, %dma_wait3A_1588, %dma_wait3A_1589, %dma_wait3A_1593, %dma_wait3A_1594] : memref<50x8x32x8x128xf32, #tpu.memory_space<hbm>> -> memref<1x1x1x8x128xf32, #tpu.memory_space<hbm>>
      %dma_wait3A_1596 = tpu.memref_squeeze %dma_wait3A_1595 : memref<1x1x1x8x128xf32, #tpu.memory_space<hbm>> -> memref<8x128xf32, #tpu.memory_space<hbm>>
      %dma_wait3A_1597 = arith.constant 0 : i32
      %dma_wait3A_1598 = arith.constant 0 : i32
      %dma_wait3A_1599 = tpu.memref_slice %arg12[%dma_wait3A_1597, %dma_wait3A_1598] : memref<128x128xf32, #tpu.memory_space<vmem>> -> memref<8x128xf32, #tpu.memory_space<vmem>>
      %dma_wait3A_1600 = arith.constant 0 : i32
      %dma_wait3A_1601 = arith.constant 0 : i32
      %dma_wait3A_1602 = tpu.memref_slice %arg2[%dma_wait3A_1587, %dma_wait3A_1588, %dma_wait3A_1589, %dma_wait3A_1600, %dma_wait3A_1601] : memref<50x8x32x8x128xf32, #tpu.memory_space<hbm>> -> memref<1x1x1x8x128xf32, #tpu.memory_space<hbm>>
      %dma_wait3A_1603 = tpu.memref_squeeze %dma_wait3A_1602 : memref<1x1x1x8x128xf32, #tpu.memory_space<hbm>> -> memref<8x128xf32, #tpu.memory_space<hbm>>
      tpu.wait_dma2 semaphore(%arg20 : memref<!tpu.dma_semaphore, #tpu.memory_space<semaphore_mem>>) src(%dma_wait3A_1603 : memref<8x128xf32, #tpu.memory_space<hbm>>) dst(%dma_wait3A_1599 : memref<8x128xf32, #tpu.memory_space<vmem>>)
      %dma_wait3A_1604 = arith.constant 0 : i32
      %dma_wait3A_1605 = arith.constant 0 : i32
      %dma_wait3A_1606 = arith.constant 0 : i32
      %dma_wait3A_1607 = arith.constant 0 : i32
      %dma_wait3A_1608 = arith.constant 0 : i32
      %dma_wait3A_1609 = tpu.memref_slice %arg12[%dma_wait3A_1607, %dma_wait3A_1608] : memref<128x128xf32, #tpu.memory_space<vmem>> -> memref<8x128xf32, #tpu.memory_space<vmem>>
      %dma_wait3A_1610 = arith.constant 0 : i32
      %dma_wait3A_1611 = arith.constant 0 : i32
      %dma_wait3A_1612 = tpu.memref_slice %arg2[%dma_wait3A_1604, %dma_wait3A_1605, %dma_wait3A_1606, %dma_wait3A_1610, %dma_wait3A_1611] : memref<50x8x32x8x128xf32, #tpu.memory_space<hbm>> -> memref<1x1x1x8x128xf32, #tpu.memory_space<hbm>>
      %dma_wait3A_1613 = tpu.memref_squeeze %dma_wait3A_1612 : memref<1x1x1x8x128xf32, #tpu.memory_space<hbm>> -> memref<8x128xf32, #tpu.memory_space<hbm>>
      %dma_wait3A_1614 = arith.constant 0 : i32
      %dma_wait3A_1615 = arith.constant 0 : i32
      %dma_wait3A_1616 = tpu.memref_slice %arg12[%dma_wait3A_1614, %dma_wait3A_1615] : memref<128x128xf32, #tpu.memory_space<vmem>> -> memref<8x128xf32, #tpu.memory_space<vmem>>
      %dma_wait3A_1617 = arith.constant 0 : i32
      %dma_wait3A_1618 = arith.constant 0 : i32
      %dma_wait3A_1619 = tpu.memref_slice %arg2[%dma_wait3A_1604, %dma_wait3A_1605, %dma_wait3A_1606, %dma_wait3A_1617, %dma_wait3A_1618] : memref<50x8x32x8x128xf32, #tpu.memory_space<hbm>> -> memref<1x1x1x8x128xf32, #tpu.memory_space<hbm>>
      %dma_wait3A_1620 = tpu.memref_squeeze %dma_wait3A_1619 : memref<1x1x1x8x128xf32, #tpu.memory_space<hbm>> -> memref<8x128xf32, #tpu.memory_space<hbm>>
      tpu.wait_dma2 semaphore(%arg20 : memref<!tpu.dma_semaphore, #tpu.memory_space<semaphore_mem>>) src(%dma_wait3A_1620 : memref<8x128xf32, #tpu.memory_space<hbm>>) dst(%dma_wait3A_1616 : memref<8x128xf32, #tpu.memory_space<vmem>>)
      %dma_wait3A_1621 = arith.constant 0 : i32
      %dma_wait3A_1622 = arith.constant 0 : i32
      %dma_wait3A_1623 = arith.constant 0 : i32
      %dma_wait3A_1624 = arith.constant 0 : i32
      %dma_wait3A_1625 = arith.constant 0 : i32
      %dma_wait3A_1626 = tpu.memref_slice %arg12[%dma_wait3A_1624, %dma_wait3A_1625] : memref<128x128xf32, #tpu.memory_space<vmem>> -> memref<8x128xf32, #tpu.memory_space<vmem>>
      %dma_wait3A_1627 = arith.constant 0 : i32
      %dma_wait3A_1628 = arith.constant 0 : i32
      %dma_wait3A_1629 = tpu.memref_slice %arg2[%dma_wait3A_1621, %dma_wait3A_1622, %dma_wait3A_1623, %dma_wait3A_1627, %dma_wait3A_1628] : memref<50x8x32x8x128xf32, #tpu.memory_space<hbm>> -> memref<1x1x1x8x128xf32, #tpu.memory_space<hbm>>
      %dma_wait3A_1630 = tpu.memref_squeeze %dma_wait3A_1629 : memref<1x1x1x8x128xf32, #tpu.memory_space<hbm>> -> memref<8x128xf32, #tpu.memory_space<hbm>>
      %dma_wait3A_1631 = arith.constant 0 : i32
      %dma_wait3A_1632 = arith.constant 0 : i32
      %dma_wait3A_1633 = tpu.memref_slice %arg12[%dma_wait3A_1631, %dma_wait3A_1632] : memref<128x128xf32, #tpu.memory_space<vmem>> -> memref<8x128xf32, #tpu.memory_space<vmem>>
      %dma_wait3A_1634 = arith.constant 0 : i32
      %dma_wait3A_1635 = arith.constant 0 : i32
      %dma_wait3A_1636 = tpu.memref_slice %arg2[%dma_wait3A_1621, %dma_wait3A_1622, %dma_wait3A_1623, %dma_wait3A_1634, %dma_wait3A_1635] : memref<50x8x32x8x128xf32, #tpu.memory_space<hbm>> -> memref<1x1x1x8x128xf32, #tpu.memory_space<hbm>>
      %dma_wait3A_1637 = tpu.memref_squeeze %dma_wait3A_1636 : memref<1x1x1x8x128xf32, #tpu.memory_space<hbm>> -> memref<8x128xf32, #tpu.memory_space<hbm>>
      tpu.wait_dma2 semaphore(%arg20 : memref<!tpu.dma_semaphore, #tpu.memory_space<semaphore_mem>>) src(%dma_wait3A_1637 : memref<8x128xf32, #tpu.memory_space<hbm>>) dst(%dma_wait3A_1633 : memref<8x128xf32, #tpu.memory_space<vmem>>)
      %dma_wait3A_1638 = arith.constant 0 : i32
      %dma_wait3A_1639 = arith.constant 0 : i32
      %dma_wait3A_1640 = arith.constant 0 : i32
      %dma_wait3A_1641 = arith.constant 0 : i32
      %dma_wait3A_1642 = arith.constant 0 : i32
      %dma_wait3A_1643 = tpu.memref_slice %arg12[%dma_wait3A_1641, %dma_wait3A_1642] : memref<128x128xf32, #tpu.memory_space<vmem>> -> memref<8x128xf32, #tpu.memory_space<vmem>>
      %dma_wait3A_1644 = arith.constant 0 : i32
      %dma_wait3A_1645 = arith.constant 0 : i32
      %dma_wait3A_1646 = tpu.memref_slice %arg2[%dma_wait3A_1638, %dma_wait3A_1639, %dma_wait3A_1640, %dma_wait3A_1644, %dma_wait3A_1645] : memref<50x8x32x8x128xf32, #tpu.memory_space<hbm>> -> memref<1x1x1x8x128xf32, #tpu.memory_space<hbm>>
      %dma_wait3A_1647 = tpu.memref_squeeze %dma_wait3A_1646 : memref<1x1x1x8x128xf32, #tpu.memory_space<hbm>> -> memref<8x128xf32, #tpu.memory_space<hbm>>
      %dma_wait3A_1648 = arith.constant 0 : i32
      %dma_wait3A_1649 = arith.constant 0 : i32
      %dma_wait3A_1650 = tpu.memref_slice %arg12[%dma_wait3A_1648, %dma_wait3A_1649] : memref<128x128xf32, #tpu.memory_space<vmem>> -> memref<8x128xf32, #tpu.memory_space<vmem>>
      %dma_wait3A_1651 = arith.constant 0 : i32
      %dma_wait3A_1652 = arith.constant 0 : i32
      %dma_wait3A_1653 = tpu.memref_slice %arg2[%dma_wait3A_1638, %dma_wait3A_1639, %dma_wait3A_1640, %dma_wait3A_1651, %dma_wait3A_1652] : memref<50x8x32x8x128xf32, #tpu.memory_space<hbm>> -> memref<1x1x1x8x128xf32, #tpu.memory_space<hbm>>
      %dma_wait3A_1654 = tpu.memref_squeeze %dma_wait3A_1653 : memref<1x1x1x8x128xf32, #tpu.memory_space<hbm>> -> memref<8x128xf32, #tpu.memory_space<hbm>>
      tpu.wait_dma2 semaphore(%arg20 : memref<!tpu.dma_semaphore, #tpu.memory_space<semaphore_mem>>) src(%dma_wait3A_1654 : memref<8x128xf32, #tpu.memory_space<hbm>>) dst(%dma_wait3A_1650 : memref<8x128xf32, #tpu.memory_space<vmem>>)
      %dma_wait3A_1655 = arith.constant 0 : i32
      %dma_wait3A_1656 = arith.constant 0 : i32
      %dma_wait3A_1657 = arith.constant 0 : i32
      %dma_wait3A_1658 = arith.constant 0 : i32
      %dma_wait3A_1659 = arith.constant 0 : i32
      %dma_wait3A_1660 = tpu.memref_slice %arg12[%dma_wait3A_1658, %dma_wait3A_1659] : memref<128x128xf32, #tpu.memory_space<vmem>> -> memref<8x128xf32, #tpu.memory_space<vmem>>
      %dma_wait3A_1661 = arith.constant 0 : i32
      %dma_wait3A_1662 = arith.constant 0 : i32
      %dma_wait3A_1663 = tpu.memref_slice %arg2[%dma_wait3A_1655, %dma_wait3A_1656, %dma_wait3A_1657, %dma_wait3A_1661, %dma_wait3A_1662] : memref<50x8x32x8x128xf32, #tpu.memory_space<hbm>> -> memref<1x1x1x8x128xf32, #tpu.memory_space<hbm>>
      %dma_wait3A_1664 = tpu.memref_squeeze %dma_wait3A_1663 : memref<1x1x1x8x128xf32, #tpu.memory_space<hbm>> -> memref<8x128xf32, #tpu.memory_space<hbm>>
      %dma_wait3A_1665 = arith.constant 0 : i32
      %dma_wait3A_1666 = arith.constant 0 : i32
      %dma_wait3A_1667 = tpu.memref_slice %arg12[%dma_wait3A_1665, %dma_wait3A_1666] : memref<128x128xf32, #tpu.memory_space<vmem>> -> memref<8x128xf32, #tpu.memory_space<vmem>>
      %dma_wait3A_1668 = arith.constant 0 : i32
      %dma_wait3A_1669 = arith.constant 0 : i32
      %dma_wait3A_1670 = tpu.memref_slice %arg2[%dma_wait3A_1655, %dma_wait3A_1656, %dma_wait3A_1657, %dma_wait3A_1668, %dma_wait3A_1669] : memref<50x8x32x8x128xf32, #tpu.memory_space<hbm>> -> memref<1x1x1x8x128xf32, #tpu.memory_space<hbm>>
      %dma_wait3A_1671 = tpu.memref_squeeze %dma_wait3A_1670 : memref<1x1x1x8x128xf32, #tpu.memory_space<hbm>> -> memref<8x128xf32, #tpu.memory_space<hbm>>
      tpu.wait_dma2 semaphore(%arg20 : memref<!tpu.dma_semaphore, #tpu.memory_space<semaphore_mem>>) src(%dma_wait3A_1671 : memref<8x128xf32, #tpu.memory_space<hbm>>) dst(%dma_wait3A_1667 : memref<8x128xf32, #tpu.memory_space<vmem>>)
      %dma_wait3A_1672 = arith.constant 0 : i32
      %dma_wait3A_1673 = arith.constant 0 : i32
      %dma_wait3A_1674 = arith.constant 0 : i32
      %dma_wait3A_1675 = arith.constant 0 : i32
      %dma_wait3A_1676 = arith.constant 0 : i32
      %dma_wait3A_1677 = tpu.memref_slice %arg12[%dma_wait3A_1675, %dma_wait3A_1676] : memref<128x128xf32, #tpu.memory_space<vmem>> -> memref<8x128xf32, #tpu.memory_space<vmem>>
      %dma_wait3A_1678 = arith.constant 0 : i32
      %dma_wait3A_1679 = arith.constant 0 : i32
      %dma_wait3A_1680 = tpu.memref_slice %arg2[%dma_wait3A_1672, %dma_wait3A_1673, %dma_wait3A_1674, %dma_wait3A_1678, %dma_wait3A_1679] : memref<50x8x32x8x128xf32, #tpu.memory_space<hbm>> -> memref<1x1x1x8x128xf32, #tpu.memory_space<hbm>>
      %dma_wait3A_1681 = tpu.memref_squeeze %dma_wait3A_1680 : memref<1x1x1x8x128xf32, #tpu.memory_space<hbm>> -> memref<8x128xf32, #tpu.memory_space<hbm>>
      %dma_wait3A_1682 = arith.constant 0 : i32
      %dma_wait3A_1683 = arith.constant 0 : i32
      %dma_wait3A_1684 = tpu.memref_slice %arg12[%dma_wait3A_1682, %dma_wait3A_1683] : memref<128x128xf32, #tpu.memory_space<vmem>> -> memref<8x128xf32, #tpu.memory_space<vmem>>
      %dma_wait3A_1685 = arith.constant 0 : i32
      %dma_wait3A_1686 = arith.constant 0 : i32
      %dma_wait3A_1687 = tpu.memref_slice %arg2[%dma_wait3A_1672, %dma_wait3A_1673, %dma_wait3A_1674, %dma_wait3A_1685, %dma_wait3A_1686] : memref<50x8x32x8x128xf32, #tpu.memory_space<hbm>> -> memref<1x1x1x8x128xf32, #tpu.memory_space<hbm>>
      %dma_wait3A_1688 = tpu.memref_squeeze %dma_wait3A_1687 : memref<1x1x1x8x128xf32, #tpu.memory_space<hbm>> -> memref<8x128xf32, #tpu.memory_space<hbm>>
      tpu.wait_dma2 semaphore(%arg20 : memref<!tpu.dma_semaphore, #tpu.memory_space<semaphore_mem>>) src(%dma_wait3A_1688 : memref<8x128xf32, #tpu.memory_space<hbm>>) dst(%dma_wait3A_1684 : memref<8x128xf32, #tpu.memory_space<vmem>>)
      %dma_wait3A_1689 = arith.constant 0 : i32
      %dma_wait3A_1690 = arith.constant 0 : i32
      %dma_wait3A_1691 = arith.constant 0 : i32
      %dma_wait3A_1692 = arith.constant 0 : i32
      %dma_wait3A_1693 = arith.constant 0 : i32
      %dma_wait3A_1694 = tpu.memref_slice %arg12[%dma_wait3A_1692, %dma_wait3A_1693] : memref<128x128xf32, #tpu.memory_space<vmem>> -> memref<8x128xf32, #tpu.memory_space<vmem>>
      %dma_wait3A_1695 = arith.constant 0 : i32
      %dma_wait3A_1696 = arith.constant 0 : i32
      %dma_wait3A_1697 = tpu.memref_slice %arg2[%dma_wait3A_1689, %dma_wait3A_1690, %dma_wait3A_1691, %dma_wait3A_1695, %dma_wait3A_1696] : memref<50x8x32x8x128xf32, #tpu.memory_space<hbm>> -> memref<1x1x1x8x128xf32, #tpu.memory_space<hbm>>
      %dma_wait3A_1698 = tpu.memref_squeeze %dma_wait3A_1697 : memref<1x1x1x8x128xf32, #tpu.memory_space<hbm>> -> memref<8x128xf32, #tpu.memory_space<hbm>>
      %dma_wait3A_1699 = arith.constant 0 : i32
      %dma_wait3A_1700 = arith.constant 0 : i32
      %dma_wait3A_1701 = tpu.memref_slice %arg12[%dma_wait3A_1699, %dma_wait3A_1700] : memref<128x128xf32, #tpu.memory_space<vmem>> -> memref<8x128xf32, #tpu.memory_space<vmem>>
      %dma_wait3A_1702 = arith.constant 0 : i32
      %dma_wait3A_1703 = arith.constant 0 : i32
      %dma_wait3A_1704 = tpu.memref_slice %arg2[%dma_wait3A_1689, %dma_wait3A_1690, %dma_wait3A_1691, %dma_wait3A_1702, %dma_wait3A_1703] : memref<50x8x32x8x128xf32, #tpu.memory_space<hbm>> -> memref<1x1x1x8x128xf32, #tpu.memory_space<hbm>>
      %dma_wait3A_1705 = tpu.memref_squeeze %dma_wait3A_1704 : memref<1x1x1x8x128xf32, #tpu.memory_space<hbm>> -> memref<8x128xf32, #tpu.memory_space<hbm>>
      tpu.wait_dma2 semaphore(%arg20 : memref<!tpu.dma_semaphore, #tpu.memory_space<semaphore_mem>>) src(%dma_wait3A_1705 : memref<8x128xf32, #tpu.memory_space<hbm>>) dst(%dma_wait3A_1701 : memref<8x128xf32, #tpu.memory_space<vmem>>)
      %dma_wait3A_1706 = arith.constant 0 : i32
      %dma_wait3A_1707 = arith.constant 0 : i32
      %dma_wait3A_1708 = arith.constant 0 : i32
      %dma_wait3A_1709 = arith.constant 0 : i32
      %dma_wait3A_1710 = arith.constant 0 : i32
      %dma_wait3A_1711 = tpu.memref_slice %arg12[%dma_wait3A_1709, %dma_wait3A_1710] : memref<128x128xf32, #tpu.memory_space<vmem>> -> memref<8x128xf32, #tpu.memory_space<vmem>>
      %dma_wait3A_1712 = arith.constant 0 : i32
      %dma_wait3A_1713 = arith.constant 0 : i32
      %dma_wait3A_1714 = tpu.memref_slice %arg2[%dma_wait3A_1706, %dma_wait3A_1707, %dma_wait3A_1708, %dma_wait3A_1712, %dma_wait3A_1713] : memref<50x8x32x8x128xf32, #tpu.memory_space<hbm>> -> memref<1x1x1x8x128xf32, #tpu.memory_space<hbm>>
      %dma_wait3A_1715 = tpu.memref_squeeze %dma_wait3A_1714 : memref<1x1x1x8x128xf32, #tpu.memory_space<hbm>> -> memref<8x128xf32, #tpu.memory_space<hbm>>
      %dma_wait3A_1716 = arith.constant 0 : i32
      %dma_wait3A_1717 = arith.constant 0 : i32
      %dma_wait3A_1718 = tpu.memref_slice %arg12[%dma_wait3A_1716, %dma_wait3A_1717] : memref<128x128xf32, #tpu.memory_space<vmem>> -> memref<8x128xf32, #tpu.memory_space<vmem>>
      %dma_wait3A_1719 = arith.constant 0 : i32
      %dma_wait3A_1720 = arith.constant 0 : i32
      %dma_wait3A_1721 = tpu.memref_slice %arg2[%dma_wait3A_1706, %dma_wait3A_1707, %dma_wait3A_1708, %dma_wait3A_1719, %dma_wait3A_1720] : memref<50x8x32x8x128xf32, #tpu.memory_space<hbm>> -> memref<1x1x1x8x128xf32, #tpu.memory_space<hbm>>
      %dma_wait3A_1722 = tpu.memref_squeeze %dma_wait3A_1721 : memref<1x1x1x8x128xf32, #tpu.memory_space<hbm>> -> memref<8x128xf32, #tpu.memory_space<hbm>>
      tpu.wait_dma2 semaphore(%arg20 : memref<!tpu.dma_semaphore, #tpu.memory_space<semaphore_mem>>) src(%dma_wait3A_1722 : memref<8x128xf32, #tpu.memory_space<hbm>>) dst(%dma_wait3A_1718 : memref<8x128xf32, #tpu.memory_space<vmem>>)
      %dma_wait3A_1723 = arith.constant 0 : i32
      %dma_wait3A_1724 = arith.constant 0 : i32
      %dma_wait3A_1725 = arith.constant 0 : i32
      %dma_wait3A_1726 = arith.constant 0 : i32
      %dma_wait3A_1727 = arith.constant 0 : i32
      %dma_wait3A_1728 = tpu.memref_slice %arg12[%dma_wait3A_1726, %dma_wait3A_1727] : memref<128x128xf32, #tpu.memory_space<vmem>> -> memref<8x128xf32, #tpu.memory_space<vmem>>
      %dma_wait3A_1729 = arith.constant 0 : i32
      %dma_wait3A_1730 = arith.constant 0 : i32
      %dma_wait3A_1731 = tpu.memref_slice %arg2[%dma_wait3A_1723, %dma_wait3A_1724, %dma_wait3A_1725, %dma_wait3A_1729, %dma_wait3A_1730] : memref<50x8x32x8x128xf32, #tpu.memory_space<hbm>> -> memref<1x1x1x8x128xf32, #tpu.memory_space<hbm>>
      %dma_wait3A_1732 = tpu.memref_squeeze %dma_wait3A_1731 : memref<1x1x1x8x128xf32, #tpu.memory_space<hbm>> -> memref<8x128xf32, #tpu.memory_space<hbm>>
      %dma_wait3A_1733 = arith.constant 0 : i32
      %dma_wait3A_1734 = arith.constant 0 : i32
      %dma_wait3A_1735 = tpu.memref_slice %arg12[%dma_wait3A_1733, %dma_wait3A_1734] : memref<128x128xf32, #tpu.memory_space<vmem>> -> memref<8x128xf32, #tpu.memory_space<vmem>>
      %dma_wait3A_1736 = arith.constant 0 : i32
      %dma_wait3A_1737 = arith.constant 0 : i32
      %dma_wait3A_1738 = tpu.memref_slice %arg2[%dma_wait3A_1723, %dma_wait3A_1724, %dma_wait3A_1725, %dma_wait3A_1736, %dma_wait3A_1737] : memref<50x8x32x8x128xf32, #tpu.memory_space<hbm>> -> memref<1x1x1x8x128xf32, #tpu.memory_space<hbm>>
      %dma_wait3A_1739 = tpu.memref_squeeze %dma_wait3A_1738 : memref<1x1x1x8x128xf32, #tpu.memory_space<hbm>> -> memref<8x128xf32, #tpu.memory_space<hbm>>
      tpu.wait_dma2 semaphore(%arg20 : memref<!tpu.dma_semaphore, #tpu.memory_space<semaphore_mem>>) src(%dma_wait3A_1739 : memref<8x128xf32, #tpu.memory_space<hbm>>) dst(%dma_wait3A_1735 : memref<8x128xf32, #tpu.memory_space<vmem>>)
      %dma_wait3A_1740 = arith.constant 0 : i32
      %dma_wait3A_1741 = arith.constant 0 : i32
      %dma_wait3A_1742 = arith.constant 0 : i32
      %dma_wait3A_1743 = arith.constant 0 : i32
      %dma_wait3A_1744 = arith.constant 0 : i32
      %dma_wait3A_1745 = tpu.memref_slice %arg12[%dma_wait3A_1743, %dma_wait3A_1744] : memref<128x128xf32, #tpu.memory_space<vmem>> -> memref<8x128xf32, #tpu.memory_space<vmem>>
      %dma_wait3A_1746 = arith.constant 0 : i32
      %dma_wait3A_1747 = arith.constant 0 : i32
      %dma_wait3A_1748 = tpu.memref_slice %arg2[%dma_wait3A_1740, %dma_wait3A_1741, %dma_wait3A_1742, %dma_wait3A_1746, %dma_wait3A_1747] : memref<50x8x32x8x128xf32, #tpu.memory_space<hbm>> -> memref<1x1x1x8x128xf32, #tpu.memory_space<hbm>>
      %dma_wait3A_1749 = tpu.memref_squeeze %dma_wait3A_1748 : memref<1x1x1x8x128xf32, #tpu.memory_space<hbm>> -> memref<8x128xf32, #tpu.memory_space<hbm>>
      %dma_wait3A_1750 = arith.constant 0 : i32
      %dma_wait3A_1751 = arith.constant 0 : i32
      %dma_wait3A_1752 = tpu.memref_slice %arg12[%dma_wait3A_1750, %dma_wait3A_1751] : memref<128x128xf32, #tpu.memory_space<vmem>> -> memref<8x128xf32, #tpu.memory_space<vmem>>
      %dma_wait3A_1753 = arith.constant 0 : i32
      %dma_wait3A_1754 = arith.constant 0 : i32
      %dma_wait3A_1755 = tpu.memref_slice %arg2[%dma_wait3A_1740, %dma_wait3A_1741, %dma_wait3A_1742, %dma_wait3A_1753, %dma_wait3A_1754] : memref<50x8x32x8x128xf32, #tpu.memory_space<hbm>> -> memref<1x1x1x8x128xf32, #tpu.memory_space<hbm>>
      %dma_wait3A_1756 = tpu.memref_squeeze %dma_wait3A_1755 : memref<1x1x1x8x128xf32, #tpu.memory_space<hbm>> -> memref<8x128xf32, #tpu.memory_space<hbm>>
      tpu.wait_dma2 semaphore(%arg20 : memref<!tpu.dma_semaphore, #tpu.memory_space<semaphore_mem>>) src(%dma_wait3A_1756 : memref<8x128xf32, #tpu.memory_space<hbm>>) dst(%dma_wait3A_1752 : memref<8x128xf32, #tpu.memory_space<vmem>>)
      %dma_wait3A_1757 = arith.constant 0 : i32
      %dma_wait3A_1758 = arith.constant 0 : i32
      %dma_wait3A_1759 = arith.constant 0 : i32
      %dma_wait3A_1760 = arith.constant 0 : i32
      %dma_wait3A_1761 = arith.constant 0 : i32
      %dma_wait3A_1762 = tpu.memref_slice %arg12[%dma_wait3A_1760, %dma_wait3A_1761] : memref<128x128xf32, #tpu.memory_space<vmem>> -> memref<8x128xf32, #tpu.memory_space<vmem>>
      %dma_wait3A_1763 = arith.constant 0 : i32
      %dma_wait3A_1764 = arith.constant 0 : i32
      %dma_wait3A_1765 = tpu.memref_slice %arg2[%dma_wait3A_1757, %dma_wait3A_1758, %dma_wait3A_1759, %dma_wait3A_1763, %dma_wait3A_1764] : memref<50x8x32x8x128xf32, #tpu.memory_space<hbm>> -> memref<1x1x1x8x128xf32, #tpu.memory_space<hbm>>
      %dma_wait3A_1766 = tpu.memref_squeeze %dma_wait3A_1765 : memref<1x1x1x8x128xf32, #tpu.memory_space<hbm>> -> memref<8x128xf32, #tpu.memory_space<hbm>>
      %dma_wait3A_1767 = arith.constant 0 : i32
      %dma_wait3A_1768 = arith.constant 0 : i32
      %dma_wait3A_1769 = tpu.memref_slice %arg12[%dma_wait3A_1767, %dma_wait3A_1768] : memref<128x128xf32, #tpu.memory_space<vmem>> -> memref<8x128xf32, #tpu.memory_space<vmem>>
      %dma_wait3A_1770 = arith.constant 0 : i32
      %dma_wait3A_1771 = arith.constant 0 : i32
      %dma_wait3A_1772 = tpu.memref_slice %arg2[%dma_wait3A_1757, %dma_wait3A_1758, %dma_wait3A_1759, %dma_wait3A_1770, %dma_wait3A_1771] : memref<50x8x32x8x128xf32, #tpu.memory_space<hbm>> -> memref<1x1x1x8x128xf32, #tpu.memory_space<hbm>>
      %dma_wait3A_1773 = tpu.memref_squeeze %dma_wait3A_1772 : memref<1x1x1x8x128xf32, #tpu.memory_space<hbm>> -> memref<8x128xf32, #tpu.memory_space<hbm>>
      tpu.wait_dma2 semaphore(%arg20 : memref<!tpu.dma_semaphore, #tpu.memory_space<semaphore_mem>>) src(%dma_wait3A_1773 : memref<8x128xf32, #tpu.memory_space<hbm>>) dst(%dma_wait3A_1769 : memref<8x128xf32, #tpu.memory_space<vmem>>)
      %dma_wait3A_1774 = arith.constant 0 : i32
      %dma_wait3A_1775 = arith.constant 0 : i32
      %dma_wait3A_1776 = arith.constant 0 : i32
      %dma_wait3A_1777 = arith.constant 0 : i32
      %dma_wait3A_1778 = arith.constant 0 : i32
      %dma_wait3A_1779 = tpu.memref_slice %arg12[%dma_wait3A_1777, %dma_wait3A_1778] : memref<128x128xf32, #tpu.memory_space<vmem>> -> memref<8x128xf32, #tpu.memory_space<vmem>>
      %dma_wait3A_1780 = arith.constant 0 : i32
      %dma_wait3A_1781 = arith.constant 0 : i32
      %dma_wait3A_1782 = tpu.memref_slice %arg2[%dma_wait3A_1774, %dma_wait3A_1775, %dma_wait3A_1776, %dma_wait3A_1780, %dma_wait3A_1781] : memref<50x8x32x8x128xf32, #tpu.memory_space<hbm>> -> memref<1x1x1x8x128xf32, #tpu.memory_space<hbm>>
      %dma_wait3A_1783 = tpu.memref_squeeze %dma_wait3A_1782 : memref<1x1x1x8x128xf32, #tpu.memory_space<hbm>> -> memref<8x128xf32, #tpu.memory_space<hbm>>
      %dma_wait3A_1784 = arith.constant 0 : i32
      %dma_wait3A_1785 = arith.constant 0 : i32
      %dma_wait3A_1786 = tpu.memref_slice %arg12[%dma_wait3A_1784, %dma_wait3A_1785] : memref<128x128xf32, #tpu.memory_space<vmem>> -> memref<8x128xf32, #tpu.memory_space<vmem>>
      %dma_wait3A_1787 = arith.constant 0 : i32
      %dma_wait3A_1788 = arith.constant 0 : i32
      %dma_wait3A_1789 = tpu.memref_slice %arg2[%dma_wait3A_1774, %dma_wait3A_1775, %dma_wait3A_1776, %dma_wait3A_1787, %dma_wait3A_1788] : memref<50x8x32x8x128xf32, #tpu.memory_space<hbm>> -> memref<1x1x1x8x128xf32, #tpu.memory_space<hbm>>
      %dma_wait3A_1790 = tpu.memref_squeeze %dma_wait3A_1789 : memref<1x1x1x8x128xf32, #tpu.memory_space<hbm>> -> memref<8x128xf32, #tpu.memory_space<hbm>>
      tpu.wait_dma2 semaphore(%arg20 : memref<!tpu.dma_semaphore, #tpu.memory_space<semaphore_mem>>) src(%dma_wait3A_1790 : memref<8x128xf32, #tpu.memory_space<hbm>>) dst(%dma_wait3A_1786 : memref<8x128xf32, #tpu.memory_space<vmem>>)
      %dma_wait3A_1791 = arith.constant 0 : i32
      %dma_wait3A_1792 = arith.constant 0 : i32
      %dma_wait3A_1793 = arith.constant 0 : i32
      %dma_wait3A_1794 = arith.constant 0 : i32
      %dma_wait3A_1795 = arith.constant 0 : i32
      %dma_wait3A_1796 = tpu.memref_slice %arg12[%dma_wait3A_1794, %dma_wait3A_1795] : memref<128x128xf32, #tpu.memory_space<vmem>> -> memref<8x128xf32, #tpu.memory_space<vmem>>
      %dma_wait3A_1797 = arith.constant 0 : i32
      %dma_wait3A_1798 = arith.constant 0 : i32
      %dma_wait3A_1799 = tpu.memref_slice %arg2[%dma_wait3A_1791, %dma_wait3A_1792, %dma_wait3A_1793, %dma_wait3A_1797, %dma_wait3A_1798] : memref<50x8x32x8x128xf32, #tpu.memory_space<hbm>> -> memref<1x1x1x8x128xf32, #tpu.memory_space<hbm>>
      %dma_wait3A_1800 = tpu.memref_squeeze %dma_wait3A_1799 : memref<1x1x1x8x128xf32, #tpu.memory_space<hbm>> -> memref<8x128xf32, #tpu.memory_space<hbm>>
      %dma_wait3A_1801 = arith.constant 0 : i32
      %dma_wait3A_1802 = arith.constant 0 : i32
      %dma_wait3A_1803 = tpu.memref_slice %arg12[%dma_wait3A_1801, %dma_wait3A_1802] : memref<128x128xf32, #tpu.memory_space<vmem>> -> memref<8x128xf32, #tpu.memory_space<vmem>>
      %dma_wait3A_1804 = arith.constant 0 : i32
      %dma_wait3A_1805 = arith.constant 0 : i32
      %dma_wait3A_1806 = tpu.memref_slice %arg2[%dma_wait3A_1791, %dma_wait3A_1792, %dma_wait3A_1793, %dma_wait3A_1804, %dma_wait3A_1805] : memref<50x8x32x8x128xf32, #tpu.memory_space<hbm>> -> memref<1x1x1x8x128xf32, #tpu.memory_space<hbm>>
      %dma_wait3A_1807 = tpu.memref_squeeze %dma_wait3A_1806 : memref<1x1x1x8x128xf32, #tpu.memory_space<hbm>> -> memref<8x128xf32, #tpu.memory_space<hbm>>
      tpu.wait_dma2 semaphore(%arg20 : memref<!tpu.dma_semaphore, #tpu.memory_space<semaphore_mem>>) src(%dma_wait3A_1807 : memref<8x128xf32, #tpu.memory_space<hbm>>) dst(%dma_wait3A_1803 : memref<8x128xf32, #tpu.memory_space<vmem>>)
      %dma_wait3A_1808 = arith.constant 0 : i32
      %dma_wait3A_1809 = arith.constant 0 : i32
      %dma_wait3A_1810 = arith.constant 0 : i32
      %dma_wait3A_1811 = arith.constant 0 : i32
      %dma_wait3A_1812 = arith.constant 0 : i32
      %dma_wait3A_1813 = tpu.memref_slice %arg12[%dma_wait3A_1811, %dma_wait3A_1812] : memref<128x128xf32, #tpu.memory_space<vmem>> -> memref<8x128xf32, #tpu.memory_space<vmem>>
      %dma_wait3A_1814 = arith.constant 0 : i32
      %dma_wait3A_1815 = arith.constant 0 : i32
      %dma_wait3A_1816 = tpu.memref_slice %arg2[%dma_wait3A_1808, %dma_wait3A_1809, %dma_wait3A_1810, %dma_wait3A_1814, %dma_wait3A_1815] : memref<50x8x32x8x128xf32, #tpu.memory_space<hbm>> -> memref<1x1x1x8x128xf32, #tpu.memory_space<hbm>>
      %dma_wait3A_1817 = tpu.memref_squeeze %dma_wait3A_1816 : memref<1x1x1x8x128xf32, #tpu.memory_space<hbm>> -> memref<8x128xf32, #tpu.memory_space<hbm>>
      %dma_wait3A_1818 = arith.constant 0 : i32
      %dma_wait3A_1819 = arith.constant 0 : i32
      %dma_wait3A_1820 = tpu.memref_slice %arg12[%dma_wait3A_1818, %dma_wait3A_1819] : memref<128x128xf32, #tpu.memory_space<vmem>> -> memref<8x128xf32, #tpu.memory_space<vmem>>
      %dma_wait3A_1821 = arith.constant 0 : i32
      %dma_wait3A_1822 = arith.constant 0 : i32
      %dma_wait3A_1823 = tpu.memref_slice %arg2[%dma_wait3A_1808, %dma_wait3A_1809, %dma_wait3A_1810, %dma_wait3A_1821, %dma_wait3A_1822] : memref<50x8x32x8x128xf32, #tpu.memory_space<hbm>> -> memref<1x1x1x8x128xf32, #tpu.memory_space<hbm>>
      %dma_wait3A_1824 = tpu.memref_squeeze %dma_wait3A_1823 : memref<1x1x1x8x128xf32, #tpu.memory_space<hbm>> -> memref<8x128xf32, #tpu.memory_space<hbm>>
      tpu.wait_dma2 semaphore(%arg20 : memref<!tpu.dma_semaphore, #tpu.memory_space<semaphore_mem>>) src(%dma_wait3A_1824 : memref<8x128xf32, #tpu.memory_space<hbm>>) dst(%dma_wait3A_1820 : memref<8x128xf32, #tpu.memory_space<vmem>>)
      %dma_wait3A_1825 = arith.constant 0 : i32
      %dma_wait3A_1826 = arith.constant 0 : i32
      %dma_wait3A_1827 = arith.constant 0 : i32
      %dma_wait3A_1828 = arith.constant 0 : i32
      %dma_wait3A_1829 = arith.constant 0 : i32
      %dma_wait3A_1830 = tpu.memref_slice %arg12[%dma_wait3A_1828, %dma_wait3A_1829] : memref<128x128xf32, #tpu.memory_space<vmem>> -> memref<8x128xf32, #tpu.memory_space<vmem>>
      %dma_wait3A_1831 = arith.constant 0 : i32
      %dma_wait3A_1832 = arith.constant 0 : i32
      %dma_wait3A_1833 = tpu.memref_slice %arg2[%dma_wait3A_1825, %dma_wait3A_1826, %dma_wait3A_1827, %dma_wait3A_1831, %dma_wait3A_1832] : memref<50x8x32x8x128xf32, #tpu.memory_space<hbm>> -> memref<1x1x1x8x128xf32, #tpu.memory_space<hbm>>
      %dma_wait3A_1834 = tpu.memref_squeeze %dma_wait3A_1833 : memref<1x1x1x8x128xf32, #tpu.memory_space<hbm>> -> memref<8x128xf32, #tpu.memory_space<hbm>>
      %dma_wait3A_1835 = arith.constant 0 : i32
      %dma_wait3A_1836 = arith.constant 0 : i32
      %dma_wait3A_1837 = tpu.memref_slice %arg12[%dma_wait3A_1835, %dma_wait3A_1836] : memref<128x128xf32, #tpu.memory_space<vmem>> -> memref<8x128xf32, #tpu.memory_space<vmem>>
      %dma_wait3A_1838 = arith.constant 0 : i32
      %dma_wait3A_1839 = arith.constant 0 : i32
      %dma_wait3A_1840 = tpu.memref_slice %arg2[%dma_wait3A_1825, %dma_wait3A_1826, %dma_wait3A_1827, %dma_wait3A_1838, %dma_wait3A_1839] : memref<50x8x32x8x128xf32, #tpu.memory_space<hbm>> -> memref<1x1x1x8x128xf32, #tpu.memory_space<hbm>>
      %dma_wait3A_1841 = tpu.memref_squeeze %dma_wait3A_1840 : memref<1x1x1x8x128xf32, #tpu.memory_space<hbm>> -> memref<8x128xf32, #tpu.memory_space<hbm>>
      tpu.wait_dma2 semaphore(%arg20 : memref<!tpu.dma_semaphore, #tpu.memory_space<semaphore_mem>>) src(%dma_wait3A_1841 : memref<8x128xf32, #tpu.memory_space<hbm>>) dst(%dma_wait3A_1837 : memref<8x128xf32, #tpu.memory_space<vmem>>)
      %lt3A_1842 = arith.constant 23 : i32
      %lt3A_1843 = arith.cmpi slt, %add3A_1526, %lt3A_1842 : i32
      %convert_element_type3A_1844 = arith.extui %lt3A_1843 : i1 to i32
      %cond3A_1845 = arith.constant 0 : i32
      %cond3A_1846 = arith.cmpi ne, %convert_element_type3A_1844, %cond3A_1845 : i32
      scf.if %cond3A_1846 {
        %add3A_1895 = arith.constant 64 : i32
        %add3A_1896 = arith.addi %add3A_1529, %add3A_1895 : i32
        %jit3A_1897 = arith.constant 16 : i32
        %div3A_1898 = arith.divsi %add3A_1896, %jit3A_1897 : i32
        %sign3A_1899 = arith.constant 0 : i32
        %sign3A_1900 = arith.cmpi sgt, %add3A_1896, %sign3A_1899 : i32
        %sign3A_1901 = arith.extui %sign3A_1900 : i1 to i32
        %sign3A_1902 = arith.constant 0 : i32
        %sign3A_1903 = arith.cmpi slt, %add3A_1896, %sign3A_1902 : i32
        %sign3A_1904 = arith.extui %sign3A_1903 : i1 to i32
        %sign3A_1905 = arith.subi %sign3A_1901, %sign3A_1904 : i32
        %sign3A_1906 = arith.constant 0 : i32
        %sign3A_1907 = arith.cmpi sgt, %jit3A_1897, %sign3A_1906 : i32
        %sign3A_1908 = arith.extui %sign3A_1907 : i1 to i32
        %sign3A_1909 = arith.constant 0 : i32
        %sign3A_1910 = arith.cmpi slt, %jit3A_1897, %sign3A_1909 : i32
        %sign3A_1911 = arith.extui %sign3A_1910 : i1 to i32
        %sign3A_1912 = arith.subi %sign3A_1908, %sign3A_1911 : i32
        %ne3A_1913 = arith.cmpi ne, %sign3A_1905, %sign3A_1912 : i32
        %rem3A_1914 = arith.remsi %add3A_1896, %jit3A_1897 : i32
        %ne3A_1915 = arith.constant 0 : i32
        %ne3A_1916 = arith.cmpi ne, %rem3A_1914, %ne3A_1915 : i32
        %and3A_1917 = arith.andi %ne3A_1913, %ne3A_1916 : i1
        %sub3A_1918 = arith.constant 1 : i32
        %sub3A_1919 = arith.subi %div3A_1898, %sub3A_1918 : i32
        %select_n3A_1920 = arith.select %and3A_1917, %sub3A_1919, %div3A_1898 : i32
        %mul3A_1921 = arith.constant 16 : i32
        %mul3A_1922 = arith.muli %select_n3A_1920, %mul3A_1921 : i32
        %sub3A_1923 = arith.subi %add3A_1896, %mul3A_1922 : i32
        %mul3A_1924 = arith.constant 256 : i32
        %mul3A_1925 = arith.muli %sub3A_1923, %mul3A_1924 : i32
        %dma_start3A_1926 = tpu.memref_slice %arg3[%select_n3A_1920, %mul3A_1925] : memref<50x4096xi32, #tpu.memory_space<hbm>> -> memref<1x256xi32, #tpu.memory_space<hbm>>
        %dma_start3A_1927 = tpu.memref_squeeze %dma_start3A_1926 : memref<1x256xi32, #tpu.memory_space<hbm>> -> memref<256xi32, #tpu.memory_space<hbm>>
        %dma_start3A_1928 = tpu.memref_slice %arg3[%select_n3A_1920, %mul3A_1925] : memref<50x4096xi32, #tpu.memory_space<hbm>> -> memref<1x256xi32, #tpu.memory_space<hbm>>
        %dma_start3A_1929 = tpu.memref_squeeze %dma_start3A_1928 : memref<1x256xi32, #tpu.memory_space<hbm>> -> memref<256xi32, #tpu.memory_space<hbm>>
        tpu.enqueue_dma source(%dma_start3A_1929 : memref<256xi32, #tpu.memory_space<hbm>>) target(%arg8 : memref<256xi32, #tpu.memory_space<vmem>>) target_semaphore(%arg18 : memref<!tpu.dma_semaphore, #tpu.memory_space<semaphore_mem>>)
      } else {
      }
      %lt3A_1847 = arith.constant 24 : i32
      %lt3A_1848 = arith.cmpi slt, %add3A_1526, %lt3A_1847 : i32
      %convert_element_type3A_1849 = arith.extui %lt3A_1848 : i1 to i32
      %cond3A_1850 = arith.constant 0 : i32
      %cond3A_1851 = arith.cmpi ne, %convert_element_type3A_1849, %cond3A_1850 : i32
      scf.if %cond3A_1851 {
        %dma_wait3A_1895 = arith.constant 0 : i32
        %dma_wait3A_1896 = arith.constant 0 : i32
        %dma_wait3A_1897 = tpu.memref_slice %arg3[%dma_wait3A_1895, %dma_wait3A_1896] : memref<50x4096xi32, #tpu.memory_space<hbm>> -> memref<1x256xi32, #tpu.memory_space<hbm>>
        %dma_wait3A_1898 = tpu.memref_squeeze %dma_wait3A_1897 : memref<1x256xi32, #tpu.memory_space<hbm>> -> memref<256xi32, #tpu.memory_space<hbm>>
        %dma_wait3A_1899 = arith.constant 0 : i32
        %dma_wait3A_1900 = tpu.memref_slice %arg3[%dma_wait3A_1895, %dma_wait3A_1899] : memref<50x4096xi32, #tpu.memory_space<hbm>> -> memref<1x256xi32, #tpu.memory_space<hbm>>
        %dma_wait3A_1901 = tpu.memref_squeeze %dma_wait3A_1900 : memref<1x256xi32, #tpu.memory_space<hbm>> -> memref<256xi32, #tpu.memory_space<hbm>>
        tpu.wait_dma2 semaphore(%arg17 : memref<!tpu.dma_semaphore, #tpu.memory_space<semaphore_mem>>) src(%dma_wait3A_1901 : memref<256xi32, #tpu.memory_space<hbm>>) dst(%arg7 : memref<256xi32, #tpu.memory_space<vmem>>)
        %add3A_1902 = arith.constant 32 : i32
        %add3A_1903 = arith.addi %add3A_1529, %add3A_1902 : i32
        %jit3A_1904 = arith.constant 16 : i32
        %div3A_1905 = arith.divsi %add3A_1903, %jit3A_1904 : i32
        %sign3A_1906 = arith.constant 0 : i32
        %sign3A_1907 = arith.cmpi sgt, %add3A_1903, %sign3A_1906 : i32
        %sign3A_1908 = arith.extui %sign3A_1907 : i1 to i32
        %sign3A_1909 = arith.constant 0 : i32
        %sign3A_1910 = arith.cmpi slt, %add3A_1903, %sign3A_1909 : i32
        %sign3A_1911 = arith.extui %sign3A_1910 : i1 to i32
        %sign3A_1912 = arith.subi %sign3A_1908, %sign3A_1911 : i32
        %sign3A_1913 = arith.constant 0 : i32
        %sign3A_1914 = arith.cmpi sgt, %jit3A_1904, %sign3A_1913 : i32
        %sign3A_1915 = arith.extui %sign3A_1914 : i1 to i32
        %sign3A_1916 = arith.constant 0 : i32
        %sign3A_1917 = arith.cmpi slt, %jit3A_1904, %sign3A_1916 : i32
        %sign3A_1918 = arith.extui %sign3A_1917 : i1 to i32
        %sign3A_1919 = arith.subi %sign3A_1915, %sign3A_1918 : i32
        %ne3A_1920 = arith.cmpi ne, %sign3A_1912, %sign3A_1919 : i32
        %rem3A_1921 = arith.remsi %add3A_1903, %jit3A_1904 : i32
        %ne3A_1922 = arith.constant 0 : i32
        %ne3A_1923 = arith.cmpi ne, %rem3A_1921, %ne3A_1922 : i32
        %and3A_1924 = arith.andi %ne3A_1920, %ne3A_1923 : i1
        %sub3A_1925 = arith.constant 1 : i32
        %sub3A_1926 = arith.subi %div3A_1905, %sub3A_1925 : i32
        %select_n3A_1927 = arith.select %and3A_1924, %sub3A_1926, %div3A_1905 : i32
        %mul3A_1928 = arith.constant 16 : i32
        %mul3A_1929 = arith.muli %select_n3A_1927, %mul3A_1928 : i32
        %sub3A_1930 = arith.subi %add3A_1903, %mul3A_1929 : i32
        %mul3A_1931 = arith.constant 256 : i32
        %mul3A_1932 = arith.muli %sub3A_1930, %mul3A_1931 : i32
        %dma_start3A_1933 = arith.constant 0 : i32
        %dma_start3A_1934 = arith.constant 0 : i32
        %dma_start3A_1935 = tpu.memref_slice %arg9[%dma_start3A_1933, %dma_start3A_1934] : memref<256x64xf32, #tpu.memory_space<vmem>> -> memref<128x64xf32, #tpu.memory_space<vmem>>
        %dma_start3A_1936 = arith.constant 0 : i32
        %dma_start3A_1937 = tpu.memref_slice %arg7[%dma_start3A_1936] : memref<256xi32, #tpu.memory_space<vmem>> -> memref<128xi32, #tpu.memory_space<vmem>>
        %dma_start3A_1938 = arith.constant 0 : i32
        %dma_start3A_1939 = arith.constant 0 : i32
        %dma_start3A_1940 = tpu.memref_slice %arg4[%dma_start3A_1938, %dma_start3A_1939] : memref<100000x64xf32, #tpu.memory_space<hbm>> -> memref<100000x64xf32, #tpu.memory_space<hbm>>
        tpu.enqueue_indirect_dma source(%dma_start3A_1940 : memref<100000x64xf32, #tpu.memory_space<hbm>>) target(%dma_start3A_1935 : memref<128x64xf32, #tpu.memory_space<vmem>>) offsets(%dma_start3A_1937 : memref<128xi32, #tpu.memory_space<vmem>>) semaphore(%arg19 : memref<!tpu.dma_semaphore, #tpu.memory_space<semaphore_mem>>)
        %dma_start3A_1941 = arith.constant 0 : i32
        %dma_start3A_1942 = tpu.memref_slice %arg13[%dma_start3A_1941] : memref<256xf32, #tpu.memory_space<vmem>> -> memref<128xf32, #tpu.memory_space<vmem>>
        %dma_start3A_1943 = arith.constant 0 : i32
        %dma_start3A_1944 = tpu.memref_slice %arg7[%dma_start3A_1943] : memref<256xi32, #tpu.memory_space<vmem>> -> memref<128xi32, #tpu.memory_space<vmem>>
        %dma_start3A_1945 = arith.constant 0 : i32
        %dma_start3A_1946 = tpu.memref_slice %arg5[%dma_start3A_1945] : memref<100000xf32, #tpu.memory_space<hbm>> -> memref<100000xf32, #tpu.memory_space<hbm>>
        tpu.enqueue_indirect_dma source(%dma_start3A_1946 : memref<100000xf32, #tpu.memory_space<hbm>>) target(%dma_start3A_1942 : memref<128xf32, #tpu.memory_space<vmem>>) offsets(%dma_start3A_1944 : memref<128xi32, #tpu.memory_space<vmem>>) semaphore(%arg19 : memref<!tpu.dma_semaphore, #tpu.memory_space<semaphore_mem>>)
        %dma_start3A_1947 = arith.constant 128 : i32
        %dma_start3A_1948 = arith.constant 0 : i32
        %dma_start3A_1949 = tpu.memref_slice %arg9[%dma_start3A_1947, %dma_start3A_1948] : memref<256x64xf32, #tpu.memory_space<vmem>> -> memref<128x64xf32, #tpu.memory_space<vmem>>
        %dma_start3A_1950 = arith.constant 128 : i32
        %dma_start3A_1951 = tpu.memref_slice %arg7[%dma_start3A_1950] : memref<256xi32, #tpu.memory_space<vmem>> -> memref<128xi32, #tpu.memory_space<vmem>>
        %dma_start3A_1952 = arith.constant 0 : i32
        %dma_start3A_1953 = arith.constant 0 : i32
        %dma_start3A_1954 = tpu.memref_slice %arg4[%dma_start3A_1952, %dma_start3A_1953] : memref<100000x64xf32, #tpu.memory_space<hbm>> -> memref<100000x64xf32, #tpu.memory_space<hbm>>
        tpu.enqueue_indirect_dma source(%dma_start3A_1954 : memref<100000x64xf32, #tpu.memory_space<hbm>>) target(%dma_start3A_1949 : memref<128x64xf32, #tpu.memory_space<vmem>>) offsets(%dma_start3A_1951 : memref<128xi32, #tpu.memory_space<vmem>>) semaphore(%arg19 : memref<!tpu.dma_semaphore, #tpu.memory_space<semaphore_mem>>)
        %dma_start3A_1955 = arith.constant 128 : i32
        %dma_start3A_1956 = tpu.memref_slice %arg13[%dma_start3A_1955] : memref<256xf32, #tpu.memory_space<vmem>> -> memref<128xf32, #tpu.memory_space<vmem>>
        %dma_start3A_1957 = arith.constant 128 : i32
        %dma_start3A_1958 = tpu.memref_slice %arg7[%dma_start3A_1957] : memref<256xi32, #tpu.memory_space<vmem>> -> memref<128xi32, #tpu.memory_space<vmem>>
        %dma_start3A_1959 = arith.constant 0 : i32
        %dma_start3A_1960 = tpu.memref_slice %arg5[%dma_start3A_1959] : memref<100000xf32, #tpu.memory_space<hbm>> -> memref<100000xf32, #tpu.memory_space<hbm>>
        tpu.enqueue_indirect_dma source(%dma_start3A_1960 : memref<100000xf32, #tpu.memory_space<hbm>>) target(%dma_start3A_1956 : memref<128xf32, #tpu.memory_space<vmem>>) offsets(%dma_start3A_1958 : memref<128xi32, #tpu.memory_space<vmem>>) semaphore(%arg19 : memref<!tpu.dma_semaphore, #tpu.memory_space<semaphore_mem>>)
        %jit3A_1961 = arith.constant 128 : i32
        %div3A_1962 = arith.divsi %mul3A_1932, %jit3A_1961 : i32
        %sign3A_1963 = arith.constant 0 : i32
        %sign3A_1964 = arith.cmpi sgt, %mul3A_1932, %sign3A_1963 : i32
        %sign3A_1965 = arith.extui %sign3A_1964 : i1 to i32
        %sign3A_1966 = arith.constant 0 : i32
        %sign3A_1967 = arith.cmpi slt, %mul3A_1932, %sign3A_1966 : i32
        %sign3A_1968 = arith.extui %sign3A_1967 : i1 to i32
        %sign3A_1969 = arith.subi %sign3A_1965, %sign3A_1968 : i32
        %sign3A_1970 = arith.constant 0 : i32
        %sign3A_1971 = arith.cmpi sgt, %jit3A_1961, %sign3A_1970 : i32
        %sign3A_1972 = arith.extui %sign3A_1971 : i1 to i32
        %sign3A_1973 = arith.constant 0 : i32
        %sign3A_1974 = arith.cmpi slt, %jit3A_1961, %sign3A_1973 : i32
        %sign3A_1975 = arith.extui %sign3A_1974 : i1 to i32
        %sign3A_1976 = arith.subi %sign3A_1972, %sign3A_1975 : i32
        %ne3A_1977 = arith.cmpi ne, %sign3A_1969, %sign3A_1976 : i32
        %rem3A_1978 = arith.remsi %mul3A_1932, %jit3A_1961 : i32
        %ne3A_1979 = arith.constant 0 : i32
        %ne3A_1980 = arith.cmpi ne, %rem3A_1978, %ne3A_1979 : i32
        %and3A_1981 = arith.andi %ne3A_1977, %ne3A_1980 : i1
        %sub3A_1982 = arith.constant 1 : i32
        %sub3A_1983 = arith.subi %div3A_1962, %sub3A_1982 : i32
        %select_n3A_1984 = arith.select %and3A_1981, %sub3A_1983, %div3A_1962 : i32
        %add3A_1985 = arith.constant 0 : i32
        %add3A_1986 = arith.addi %select_n3A_1984, %add3A_1985 : i32
        %dma_start3A_1987 = arith.constant 0 : i32
        %dma_start3A_1988 = arith.constant 0 : i32
        %dma_start3A_1989 = arith.constant 0 : i32
        %dma_start3A_1990 = tpu.memref_slice %arg11[%dma_start3A_1988, %dma_start3A_1989] : memref<128x128xf32, #tpu.memory_space<vmem>> -> memref<8x128xf32, #tpu.memory_space<vmem>>
        %dma_start3A_1991 = arith.constant 0 : i32
        %dma_start3A_1992 = arith.constant 0 : i32
        %dma_start3A_1993 = tpu.memref_slice %arg2[%select_n3A_1927, %dma_start3A_1987, %add3A_1986, %dma_start3A_1991, %dma_start3A_1992] : memref<50x8x32x8x128xf32, #tpu.memory_space<hbm>> -> memref<1x1x1x8x128xf32, #tpu.memory_space<hbm>>
        %dma_start3A_1994 = tpu.memref_squeeze %dma_start3A_1993 : memref<1x1x1x8x128xf32, #tpu.memory_space<hbm>> -> memref<8x128xf32, #tpu.memory_space<hbm>>
        %dma_start3A_1995 = arith.constant 0 : i32
        %dma_start3A_1996 = arith.constant 0 : i32
        %dma_start3A_1997 = tpu.memref_slice %arg11[%dma_start3A_1995, %dma_start3A_1996] : memref<128x128xf32, #tpu.memory_space<vmem>> -> memref<8x128xf32, #tpu.memory_space<vmem>>
        %dma_start3A_1998 = arith.constant 0 : i32
        %dma_start3A_1999 = arith.constant 0 : i32
        %dma_start3A_2000 = tpu.memref_slice %arg2[%select_n3A_1927, %dma_start3A_1987, %add3A_1986, %dma_start3A_1998, %dma_start3A_1999] : memref<50x8x32x8x128xf32, #tpu.memory_space<hbm>> -> memref<1x1x1x8x128xf32, #tpu.memory_space<hbm>>
        %dma_start3A_2001 = tpu.memref_squeeze %dma_start3A_2000 : memref<1x1x1x8x128xf32, #tpu.memory_space<hbm>> -> memref<8x128xf32, #tpu.memory_space<hbm>>
        tpu.enqueue_dma source(%dma_start3A_2001 : memref<8x128xf32, #tpu.memory_space<hbm>>) target(%dma_start3A_1997 : memref<8x128xf32, #tpu.memory_space<vmem>>) target_semaphore(%arg19 : memref<!tpu.dma_semaphore, #tpu.memory_space<semaphore_mem>>)
        %jit3A_2002 = arith.constant 128 : i32
        %div3A_2003 = arith.divsi %mul3A_1932, %jit3A_2002 : i32
        %sign3A_2004 = arith.constant 0 : i32
        %sign3A_2005 = arith.cmpi sgt, %mul3A_1932, %sign3A_2004 : i32
        %sign3A_2006 = arith.extui %sign3A_2005 : i1 to i32
        %sign3A_2007 = arith.constant 0 : i32
        %sign3A_2008 = arith.cmpi slt, %mul3A_1932, %sign3A_2007 : i32
        %sign3A_2009 = arith.extui %sign3A_2008 : i1 to i32
        %sign3A_2010 = arith.subi %sign3A_2006, %sign3A_2009 : i32
        %sign3A_2011 = arith.constant 0 : i32
        %sign3A_2012 = arith.cmpi sgt, %jit3A_2002, %sign3A_2011 : i32
        %sign3A_2013 = arith.extui %sign3A_2012 : i1 to i32
        %sign3A_2014 = arith.constant 0 : i32
        %sign3A_2015 = arith.cmpi slt, %jit3A_2002, %sign3A_2014 : i32
        %sign3A_2016 = arith.extui %sign3A_2015 : i1 to i32
        %sign3A_2017 = arith.subi %sign3A_2013, %sign3A_2016 : i32
        %ne3A_2018 = arith.cmpi ne, %sign3A_2010, %sign3A_2017 : i32
        %rem3A_2019 = arith.remsi %mul3A_1932, %jit3A_2002 : i32
        %ne3A_2020 = arith.constant 0 : i32
        %ne3A_2021 = arith.cmpi ne, %rem3A_2019, %ne3A_2020 : i32
        %and3A_2022 = arith.andi %ne3A_2018, %ne3A_2021 : i1
        %sub3A_2023 = arith.constant 1 : i32
        %sub3A_2024 = arith.subi %div3A_2003, %sub3A_2023 : i32
        %select_n3A_2025 = arith.select %and3A_2022, %sub3A_2024, %div3A_2003 : i32
        %add3A_2026 = arith.constant 0 : i32
        %add3A_2027 = arith.addi %select_n3A_2025, %add3A_2026 : i32
        %dma_start3A_2028 = arith.constant 1 : i32
        %dma_start3A_2029 = arith.constant 8 : i32
        %dma_start3A_2030 = arith.constant 0 : i32
        %dma_start3A_2031 = tpu.memref_slice %arg11[%dma_start3A_2029, %dma_start3A_2030] : memref<128x128xf32, #tpu.memory_space<vmem>> -> memref<8x128xf32, #tpu.memory_space<vmem>>
        %dma_start3A_2032 = arith.constant 0 : i32
        %dma_start3A_2033 = arith.constant 0 : i32
        %dma_start3A_2034 = tpu.memref_slice %arg2[%select_n3A_1927, %dma_start3A_2028, %add3A_2027, %dma_start3A_2032, %dma_start3A_2033] : memref<50x8x32x8x128xf32, #tpu.memory_space<hbm>> -> memref<1x1x1x8x128xf32, #tpu.memory_space<hbm>>
        %dma_start3A_2035 = tpu.memref_squeeze %dma_start3A_2034 : memref<1x1x1x8x128xf32, #tpu.memory_space<hbm>> -> memref<8x128xf32, #tpu.memory_space<hbm>>
        %dma_start3A_2036 = arith.constant 8 : i32
        %dma_start3A_2037 = arith.constant 0 : i32
        %dma_start3A_2038 = tpu.memref_slice %arg11[%dma_start3A_2036, %dma_start3A_2037] : memref<128x128xf32, #tpu.memory_space<vmem>> -> memref<8x128xf32, #tpu.memory_space<vmem>>
        %dma_start3A_2039 = arith.constant 0 : i32
        %dma_start3A_2040 = arith.constant 0 : i32
        %dma_start3A_2041 = tpu.memref_slice %arg2[%select_n3A_1927, %dma_start3A_2028, %add3A_2027, %dma_start3A_2039, %dma_start3A_2040] : memref<50x8x32x8x128xf32, #tpu.memory_space<hbm>> -> memref<1x1x1x8x128xf32, #tpu.memory_space<hbm>>
        %dma_start3A_2042 = tpu.memref_squeeze %dma_start3A_2041 : memref<1x1x1x8x128xf32, #tpu.memory_space<hbm>> -> memref<8x128xf32, #tpu.memory_space<hbm>>
        tpu.enqueue_dma source(%dma_start3A_2042 : memref<8x128xf32, #tpu.memory_space<hbm>>) target(%dma_start3A_2038 : memref<8x128xf32, #tpu.memory_space<vmem>>) target_semaphore(%arg19 : memref<!tpu.dma_semaphore, #tpu.memory_space<semaphore_mem>>)
        %jit3A_2043 = arith.constant 128 : i32
        %div3A_2044 = arith.divsi %mul3A_1932, %jit3A_2043 : i32
        %sign3A_2045 = arith.constant 0 : i32
        %sign3A_2046 = arith.cmpi sgt, %mul3A_1932, %sign3A_2045 : i32
        %sign3A_2047 = arith.extui %sign3A_2046 : i1 to i32
        %sign3A_2048 = arith.constant 0 : i32
        %sign3A_2049 = arith.cmpi slt, %mul3A_1932, %sign3A_2048 : i32
        %sign3A_2050 = arith.extui %sign3A_2049 : i1 to i32
        %sign3A_2051 = arith.subi %sign3A_2047, %sign3A_2050 : i32
        %sign3A_2052 = arith.constant 0 : i32
        %sign3A_2053 = arith.cmpi sgt, %jit3A_2043, %sign3A_2052 : i32
        %sign3A_2054 = arith.extui %sign3A_2053 : i1 to i32
        %sign3A_2055 = arith.constant 0 : i32
        %sign3A_2056 = arith.cmpi slt, %jit3A_2043, %sign3A_2055 : i32
        %sign3A_2057 = arith.extui %sign3A_2056 : i1 to i32
        %sign3A_2058 = arith.subi %sign3A_2054, %sign3A_2057 : i32
        %ne3A_2059 = arith.cmpi ne, %sign3A_2051, %sign3A_2058 : i32
        %rem3A_2060 = arith.remsi %mul3A_1932, %jit3A_2043 : i32
        %ne3A_2061 = arith.constant 0 : i32
        %ne3A_2062 = arith.cmpi ne, %rem3A_2060, %ne3A_2061 : i32
        %and3A_2063 = arith.andi %ne3A_2059, %ne3A_2062 : i1
        %sub3A_2064 = arith.constant 1 : i32
        %sub3A_2065 = arith.subi %div3A_2044, %sub3A_2064 : i32
        %select_n3A_2066 = arith.select %and3A_2063, %sub3A_2065, %div3A_2044 : i32
        %add3A_2067 = arith.constant 0 : i32
        %add3A_2068 = arith.addi %select_n3A_2066, %add3A_2067 : i32
        %dma_start3A_2069 = arith.constant 2 : i32
        %dma_start3A_2070 = arith.constant 16 : i32
        %dma_start3A_2071 = arith.constant 0 : i32
        %dma_start3A_2072 = tpu.memref_slice %arg11[%dma_start3A_2070, %dma_start3A_2071] : memref<128x128xf32, #tpu.memory_space<vmem>> -> memref<8x128xf32, #tpu.memory_space<vmem>>
        %dma_start3A_2073 = arith.constant 0 : i32
        %dma_start3A_2074 = arith.constant 0 : i32
        %dma_start3A_2075 = tpu.memref_slice %arg2[%select_n3A_1927, %dma_start3A_2069, %add3A_2068, %dma_start3A_2073, %dma_start3A_2074] : memref<50x8x32x8x128xf32, #tpu.memory_space<hbm>> -> memref<1x1x1x8x128xf32, #tpu.memory_space<hbm>>
        %dma_start3A_2076 = tpu.memref_squeeze %dma_start3A_2075 : memref<1x1x1x8x128xf32, #tpu.memory_space<hbm>> -> memref<8x128xf32, #tpu.memory_space<hbm>>
        %dma_start3A_2077 = arith.constant 16 : i32
        %dma_start3A_2078 = arith.constant 0 : i32
        %dma_start3A_2079 = tpu.memref_slice %arg11[%dma_start3A_2077, %dma_start3A_2078] : memref<128x128xf32, #tpu.memory_space<vmem>> -> memref<8x128xf32, #tpu.memory_space<vmem>>
        %dma_start3A_2080 = arith.constant 0 : i32
        %dma_start3A_2081 = arith.constant 0 : i32
        %dma_start3A_2082 = tpu.memref_slice %arg2[%select_n3A_1927, %dma_start3A_2069, %add3A_2068, %dma_start3A_2080, %dma_start3A_2081] : memref<50x8x32x8x128xf32, #tpu.memory_space<hbm>> -> memref<1x1x1x8x128xf32, #tpu.memory_space<hbm>>
        %dma_start3A_2083 = tpu.memref_squeeze %dma_start3A_2082 : memref<1x1x1x8x128xf32, #tpu.memory_space<hbm>> -> memref<8x128xf32, #tpu.memory_space<hbm>>
        tpu.enqueue_dma source(%dma_start3A_2083 : memref<8x128xf32, #tpu.memory_space<hbm>>) target(%dma_start3A_2079 : memref<8x128xf32, #tpu.memory_space<vmem>>) target_semaphore(%arg19 : memref<!tpu.dma_semaphore, #tpu.memory_space<semaphore_mem>>)
        %jit3A_2084 = arith.constant 128 : i32
        %div3A_2085 = arith.divsi %mul3A_1932, %jit3A_2084 : i32
        %sign3A_2086 = arith.constant 0 : i32
        %sign3A_2087 = arith.cmpi sgt, %mul3A_1932, %sign3A_2086 : i32
        %sign3A_2088 = arith.extui %sign3A_2087 : i1 to i32
        %sign3A_2089 = arith.constant 0 : i32
        %sign3A_2090 = arith.cmpi slt, %mul3A_1932, %sign3A_2089 : i32
        %sign3A_2091 = arith.extui %sign3A_2090 : i1 to i32
        %sign3A_2092 = arith.subi %sign3A_2088, %sign3A_2091 : i32
        %sign3A_2093 = arith.constant 0 : i32
        %sign3A_2094 = arith.cmpi sgt, %jit3A_2084, %sign3A_2093 : i32
        %sign3A_2095 = arith.extui %sign3A_2094 : i1 to i32
        %sign3A_2096 = arith.constant 0 : i32
        %sign3A_2097 = arith.cmpi slt, %jit3A_2084, %sign3A_2096 : i32
        %sign3A_2098 = arith.extui %sign3A_2097 : i1 to i32
        %sign3A_2099 = arith.subi %sign3A_2095, %sign3A_2098 : i32
        %ne3A_2100 = arith.cmpi ne, %sign3A_2092, %sign3A_2099 : i32
        %rem3A_2101 = arith.remsi %mul3A_1932, %jit3A_2084 : i32
        %ne3A_2102 = arith.constant 0 : i32
        %ne3A_2103 = arith.cmpi ne, %rem3A_2101, %ne3A_2102 : i32
        %and3A_2104 = arith.andi %ne3A_2100, %ne3A_2103 : i1
        %sub3A_2105 = arith.constant 1 : i32
        %sub3A_2106 = arith.subi %div3A_2085, %sub3A_2105 : i32
        %select_n3A_2107 = arith.select %and3A_2104, %sub3A_2106, %div3A_2085 : i32
        %add3A_2108 = arith.constant 0 : i32
        %add3A_2109 = arith.addi %select_n3A_2107, %add3A_2108 : i32
        %dma_start3A_2110 = arith.constant 3 : i32
        %dma_start3A_2111 = arith.constant 24 : i32
        %dma_start3A_2112 = arith.constant 0 : i32
        %dma_start3A_2113 = tpu.memref_slice %arg11[%dma_start3A_2111, %dma_start3A_2112] : memref<128x128xf32, #tpu.memory_space<vmem>> -> memref<8x128xf32, #tpu.memory_space<vmem>>
        %dma_start3A_2114 = arith.constant 0 : i32
        %dma_start3A_2115 = arith.constant 0 : i32
        %dma_start3A_2116 = tpu.memref_slice %arg2[%select_n3A_1927, %dma_start3A_2110, %add3A_2109, %dma_start3A_2114, %dma_start3A_2115] : memref<50x8x32x8x128xf32, #tpu.memory_space<hbm>> -> memref<1x1x1x8x128xf32, #tpu.memory_space<hbm>>
        %dma_start3A_2117 = tpu.memref_squeeze %dma_start3A_2116 : memref<1x1x1x8x128xf32, #tpu.memory_space<hbm>> -> memref<8x128xf32, #tpu.memory_space<hbm>>
        %dma_start3A_2118 = arith.constant 24 : i32
        %dma_start3A_2119 = arith.constant 0 : i32
        %dma_start3A_2120 = tpu.memref_slice %arg11[%dma_start3A_2118, %dma_start3A_2119] : memref<128x128xf32, #tpu.memory_space<vmem>> -> memref<8x128xf32, #tpu.memory_space<vmem>>
        %dma_start3A_2121 = arith.constant 0 : i32
        %dma_start3A_2122 = arith.constant 0 : i32
        %dma_start3A_2123 = tpu.memref_slice %arg2[%select_n3A_1927, %dma_start3A_2110, %add3A_2109, %dma_start3A_2121, %dma_start3A_2122] : memref<50x8x32x8x128xf32, #tpu.memory_space<hbm>> -> memref<1x1x1x8x128xf32, #tpu.memory_space<hbm>>
        %dma_start3A_2124 = tpu.memref_squeeze %dma_start3A_2123 : memref<1x1x1x8x128xf32, #tpu.memory_space<hbm>> -> memref<8x128xf32, #tpu.memory_space<hbm>>
        tpu.enqueue_dma source(%dma_start3A_2124 : memref<8x128xf32, #tpu.memory_space<hbm>>) target(%dma_start3A_2120 : memref<8x128xf32, #tpu.memory_space<vmem>>) target_semaphore(%arg19 : memref<!tpu.dma_semaphore, #tpu.memory_space<semaphore_mem>>)
        %jit3A_2125 = arith.constant 128 : i32
        %div3A_2126 = arith.divsi %mul3A_1932, %jit3A_2125 : i32
        %sign3A_2127 = arith.constant 0 : i32
        %sign3A_2128 = arith.cmpi sgt, %mul3A_1932, %sign3A_2127 : i32
        %sign3A_2129 = arith.extui %sign3A_2128 : i1 to i32
        %sign3A_2130 = arith.constant 0 : i32
        %sign3A_2131 = arith.cmpi slt, %mul3A_1932, %sign3A_2130 : i32
        %sign3A_2132 = arith.extui %sign3A_2131 : i1 to i32
        %sign3A_2133 = arith.subi %sign3A_2129, %sign3A_2132 : i32
        %sign3A_2134 = arith.constant 0 : i32
        %sign3A_2135 = arith.cmpi sgt, %jit3A_2125, %sign3A_2134 : i32
        %sign3A_2136 = arith.extui %sign3A_2135 : i1 to i32
        %sign3A_2137 = arith.constant 0 : i32
        %sign3A_2138 = arith.cmpi slt, %jit3A_2125, %sign3A_2137 : i32
        %sign3A_2139 = arith.extui %sign3A_2138 : i1 to i32
        %sign3A_2140 = arith.subi %sign3A_2136, %sign3A_2139 : i32
        %ne3A_2141 = arith.cmpi ne, %sign3A_2133, %sign3A_2140 : i32
        %rem3A_2142 = arith.remsi %mul3A_1932, %jit3A_2125 : i32
        %ne3A_2143 = arith.constant 0 : i32
        %ne3A_2144 = arith.cmpi ne, %rem3A_2142, %ne3A_2143 : i32
        %and3A_2145 = arith.andi %ne3A_2141, %ne3A_2144 : i1
        %sub3A_2146 = arith.constant 1 : i32
        %sub3A_2147 = arith.subi %div3A_2126, %sub3A_2146 : i32
        %select_n3A_2148 = arith.select %and3A_2145, %sub3A_2147, %div3A_2126 : i32
        %add3A_2149 = arith.constant 0 : i32
        %add3A_2150 = arith.addi %select_n3A_2148, %add3A_2149 : i32
        %dma_start3A_2151 = arith.constant 4 : i32
        %dma_start3A_2152 = arith.constant 32 : i32
        %dma_start3A_2153 = arith.constant 0 : i32
        %dma_start3A_2154 = tpu.memref_slice %arg11[%dma_start3A_2152, %dma_start3A_2153] : memref<128x128xf32, #tpu.memory_space<vmem>> -> memref<8x128xf32, #tpu.memory_space<vmem>>
        %dma_start3A_2155 = arith.constant 0 : i32
        %dma_start3A_2156 = arith.constant 0 : i32
        %dma_start3A_2157 = tpu.memref_slice %arg2[%select_n3A_1927, %dma_start3A_2151, %add3A_2150, %dma_start3A_2155, %dma_start3A_2156] : memref<50x8x32x8x128xf32, #tpu.memory_space<hbm>> -> memref<1x1x1x8x128xf32, #tpu.memory_space<hbm>>
        %dma_start3A_2158 = tpu.memref_squeeze %dma_start3A_2157 : memref<1x1x1x8x128xf32, #tpu.memory_space<hbm>> -> memref<8x128xf32, #tpu.memory_space<hbm>>
        %dma_start3A_2159 = arith.constant 32 : i32
        %dma_start3A_2160 = arith.constant 0 : i32
        %dma_start3A_2161 = tpu.memref_slice %arg11[%dma_start3A_2159, %dma_start3A_2160] : memref<128x128xf32, #tpu.memory_space<vmem>> -> memref<8x128xf32, #tpu.memory_space<vmem>>
        %dma_start3A_2162 = arith.constant 0 : i32
        %dma_start3A_2163 = arith.constant 0 : i32
        %dma_start3A_2164 = tpu.memref_slice %arg2[%select_n3A_1927, %dma_start3A_2151, %add3A_2150, %dma_start3A_2162, %dma_start3A_2163] : memref<50x8x32x8x128xf32, #tpu.memory_space<hbm>> -> memref<1x1x1x8x128xf32, #tpu.memory_space<hbm>>
        %dma_start3A_2165 = tpu.memref_squeeze %dma_start3A_2164 : memref<1x1x1x8x128xf32, #tpu.memory_space<hbm>> -> memref<8x128xf32, #tpu.memory_space<hbm>>
        tpu.enqueue_dma source(%dma_start3A_2165 : memref<8x128xf32, #tpu.memory_space<hbm>>) target(%dma_start3A_2161 : memref<8x128xf32, #tpu.memory_space<vmem>>) target_semaphore(%arg19 : memref<!tpu.dma_semaphore, #tpu.memory_space<semaphore_mem>>)
        %jit3A_2166 = arith.constant 128 : i32
        %div3A_2167 = arith.divsi %mul3A_1932, %jit3A_2166 : i32
        %sign3A_2168 = arith.constant 0 : i32
        %sign3A_2169 = arith.cmpi sgt, %mul3A_1932, %sign3A_2168 : i32
        %sign3A_2170 = arith.extui %sign3A_2169 : i1 to i32
        %sign3A_2171 = arith.constant 0 : i32
        %sign3A_2172 = arith.cmpi slt, %mul3A_1932, %sign3A_2171 : i32
        %sign3A_2173 = arith.extui %sign3A_2172 : i1 to i32
        %sign3A_2174 = arith.subi %sign3A_2170, %sign3A_2173 : i32
        %sign3A_2175 = arith.constant 0 : i32
        %sign3A_2176 = arith.cmpi sgt, %jit3A_2166, %sign3A_2175 : i32
        %sign3A_2177 = arith.extui %sign3A_2176 : i1 to i32
        %sign3A_2178 = arith.constant 0 : i32
        %sign3A_2179 = arith.cmpi slt, %jit3A_2166, %sign3A_2178 : i32
        %sign3A_2180 = arith.extui %sign3A_2179 : i1 to i32
        %sign3A_2181 = arith.subi %sign3A_2177, %sign3A_2180 : i32
        %ne3A_2182 = arith.cmpi ne, %sign3A_2174, %sign3A_2181 : i32
        %rem3A_2183 = arith.remsi %mul3A_1932, %jit3A_2166 : i32
        %ne3A_2184 = arith.constant 0 : i32
        %ne3A_2185 = arith.cmpi ne, %rem3A_2183, %ne3A_2184 : i32
        %and3A_2186 = arith.andi %ne3A_2182, %ne3A_2185 : i1
        %sub3A_2187 = arith.constant 1 : i32
        %sub3A_2188 = arith.subi %div3A_2167, %sub3A_2187 : i32
        %select_n3A_2189 = arith.select %and3A_2186, %sub3A_2188, %div3A_2167 : i32
        %add3A_2190 = arith.constant 0 : i32
        %add3A_2191 = arith.addi %select_n3A_2189, %add3A_2190 : i32
        %dma_start3A_2192 = arith.constant 5 : i32
        %dma_start3A_2193 = arith.constant 40 : i32
        %dma_start3A_2194 = arith.constant 0 : i32
        %dma_start3A_2195 = tpu.memref_slice %arg11[%dma_start3A_2193, %dma_start3A_2194] : memref<128x128xf32, #tpu.memory_space<vmem>> -> memref<8x128xf32, #tpu.memory_space<vmem>>
        %dma_start3A_2196 = arith.constant 0 : i32
        %dma_start3A_2197 = arith.constant 0 : i32
        %dma_start3A_2198 = tpu.memref_slice %arg2[%select_n3A_1927, %dma_start3A_2192, %add3A_2191, %dma_start3A_2196, %dma_start3A_2197] : memref<50x8x32x8x128xf32, #tpu.memory_space<hbm>> -> memref<1x1x1x8x128xf32, #tpu.memory_space<hbm>>
        %dma_start3A_2199 = tpu.memref_squeeze %dma_start3A_2198 : memref<1x1x1x8x128xf32, #tpu.memory_space<hbm>> -> memref<8x128xf32, #tpu.memory_space<hbm>>
        %dma_start3A_2200 = arith.constant 40 : i32
        %dma_start3A_2201 = arith.constant 0 : i32
        %dma_start3A_2202 = tpu.memref_slice %arg11[%dma_start3A_2200, %dma_start3A_2201] : memref<128x128xf32, #tpu.memory_space<vmem>> -> memref<8x128xf32, #tpu.memory_space<vmem>>
        %dma_start3A_2203 = arith.constant 0 : i32
        %dma_start3A_2204 = arith.constant 0 : i32
        %dma_start3A_2205 = tpu.memref_slice %arg2[%select_n3A_1927, %dma_start3A_2192, %add3A_2191, %dma_start3A_2203, %dma_start3A_2204] : memref<50x8x32x8x128xf32, #tpu.memory_space<hbm>> -> memref<1x1x1x8x128xf32, #tpu.memory_space<hbm>>
        %dma_start3A_2206 = tpu.memref_squeeze %dma_start3A_2205 : memref<1x1x1x8x128xf32, #tpu.memory_space<hbm>> -> memref<8x128xf32, #tpu.memory_space<hbm>>
        tpu.enqueue_dma source(%dma_start3A_2206 : memref<8x128xf32, #tpu.memory_space<hbm>>) target(%dma_start3A_2202 : memref<8x128xf32, #tpu.memory_space<vmem>>) target_semaphore(%arg19 : memref<!tpu.dma_semaphore, #tpu.memory_space<semaphore_mem>>)
        %jit3A_2207 = arith.constant 128 : i32
        %div3A_2208 = arith.divsi %mul3A_1932, %jit3A_2207 : i32
        %sign3A_2209 = arith.constant 0 : i32
        %sign3A_2210 = arith.cmpi sgt, %mul3A_1932, %sign3A_2209 : i32
        %sign3A_2211 = arith.extui %sign3A_2210 : i1 to i32
        %sign3A_2212 = arith.constant 0 : i32
        %sign3A_2213 = arith.cmpi slt, %mul3A_1932, %sign3A_2212 : i32
        %sign3A_2214 = arith.extui %sign3A_2213 : i1 to i32
        %sign3A_2215 = arith.subi %sign3A_2211, %sign3A_2214 : i32
        %sign3A_2216 = arith.constant 0 : i32
        %sign3A_2217 = arith.cmpi sgt, %jit3A_2207, %sign3A_2216 : i32
        %sign3A_2218 = arith.extui %sign3A_2217 : i1 to i32
        %sign3A_2219 = arith.constant 0 : i32
        %sign3A_2220 = arith.cmpi slt, %jit3A_2207, %sign3A_2219 : i32
        %sign3A_2221 = arith.extui %sign3A_2220 : i1 to i32
        %sign3A_2222 = arith.subi %sign3A_2218, %sign3A_2221 : i32
        %ne3A_2223 = arith.cmpi ne, %sign3A_2215, %sign3A_2222 : i32
        %rem3A_2224 = arith.remsi %mul3A_1932, %jit3A_2207 : i32
        %ne3A_2225 = arith.constant 0 : i32
        %ne3A_2226 = arith.cmpi ne, %rem3A_2224, %ne3A_2225 : i32
        %and3A_2227 = arith.andi %ne3A_2223, %ne3A_2226 : i1
        %sub3A_2228 = arith.constant 1 : i32
        %sub3A_2229 = arith.subi %div3A_2208, %sub3A_2228 : i32
        %select_n3A_2230 = arith.select %and3A_2227, %sub3A_2229, %div3A_2208 : i32
        %add3A_2231 = arith.constant 0 : i32
        %add3A_2232 = arith.addi %select_n3A_2230, %add3A_2231 : i32
        %dma_start3A_2233 = arith.constant 6 : i32
        %dma_start3A_2234 = arith.constant 48 : i32
        %dma_start3A_2235 = arith.constant 0 : i32
        %dma_start3A_2236 = tpu.memref_slice %arg11[%dma_start3A_2234, %dma_start3A_2235] : memref<128x128xf32, #tpu.memory_space<vmem>> -> memref<8x128xf32, #tpu.memory_space<vmem>>
        %dma_start3A_2237 = arith.constant 0 : i32
        %dma_start3A_2238 = arith.constant 0 : i32
        %dma_start3A_2239 = tpu.memref_slice %arg2[%select_n3A_1927, %dma_start3A_2233, %add3A_2232, %dma_start3A_2237, %dma_start3A_2238] : memref<50x8x32x8x128xf32, #tpu.memory_space<hbm>> -> memref<1x1x1x8x128xf32, #tpu.memory_space<hbm>>
        %dma_start3A_2240 = tpu.memref_squeeze %dma_start3A_2239 : memref<1x1x1x8x128xf32, #tpu.memory_space<hbm>> -> memref<8x128xf32, #tpu.memory_space<hbm>>
        %dma_start3A_2241 = arith.constant 48 : i32
        %dma_start3A_2242 = arith.constant 0 : i32
        %dma_start3A_2243 = tpu.memref_slice %arg11[%dma_start3A_2241, %dma_start3A_2242] : memref<128x128xf32, #tpu.memory_space<vmem>> -> memref<8x128xf32, #tpu.memory_space<vmem>>
        %dma_start3A_2244 = arith.constant 0 : i32
        %dma_start3A_2245 = arith.constant 0 : i32
        %dma_start3A_2246 = tpu.memref_slice %arg2[%select_n3A_1927, %dma_start3A_2233, %add3A_2232, %dma_start3A_2244, %dma_start3A_2245] : memref<50x8x32x8x128xf32, #tpu.memory_space<hbm>> -> memref<1x1x1x8x128xf32, #tpu.memory_space<hbm>>
        %dma_start3A_2247 = tpu.memref_squeeze %dma_start3A_2246 : memref<1x1x1x8x128xf32, #tpu.memory_space<hbm>> -> memref<8x128xf32, #tpu.memory_space<hbm>>
        tpu.enqueue_dma source(%dma_start3A_2247 : memref<8x128xf32, #tpu.memory_space<hbm>>) target(%dma_start3A_2243 : memref<8x128xf32, #tpu.memory_space<vmem>>) target_semaphore(%arg19 : memref<!tpu.dma_semaphore, #tpu.memory_space<semaphore_mem>>)
        %jit3A_2248 = arith.constant 128 : i32
        %div3A_2249 = arith.divsi %mul3A_1932, %jit3A_2248 : i32
        %sign3A_2250 = arith.constant 0 : i32
        %sign3A_2251 = arith.cmpi sgt, %mul3A_1932, %sign3A_2250 : i32
        %sign3A_2252 = arith.extui %sign3A_2251 : i1 to i32
        %sign3A_2253 = arith.constant 0 : i32
        %sign3A_2254 = arith.cmpi slt, %mul3A_1932, %sign3A_2253 : i32
        %sign3A_2255 = arith.extui %sign3A_2254 : i1 to i32
        %sign3A_2256 = arith.subi %sign3A_2252, %sign3A_2255 : i32
        %sign3A_2257 = arith.constant 0 : i32
        %sign3A_2258 = arith.cmpi sgt, %jit3A_2248, %sign3A_2257 : i32
        %sign3A_2259 = arith.extui %sign3A_2258 : i1 to i32
        %sign3A_2260 = arith.constant 0 : i32
        %sign3A_2261 = arith.cmpi slt, %jit3A_2248, %sign3A_2260 : i32
        %sign3A_2262 = arith.extui %sign3A_2261 : i1 to i32
        %sign3A_2263 = arith.subi %sign3A_2259, %sign3A_2262 : i32
        %ne3A_2264 = arith.cmpi ne, %sign3A_2256, %sign3A_2263 : i32
        %rem3A_2265 = arith.remsi %mul3A_1932, %jit3A_2248 : i32
        %ne3A_2266 = arith.constant 0 : i32
        %ne3A_2267 = arith.cmpi ne, %rem3A_2265, %ne3A_2266 : i32
        %and3A_2268 = arith.andi %ne3A_2264, %ne3A_2267 : i1
        %sub3A_2269 = arith.constant 1 : i32
        %sub3A_2270 = arith.subi %div3A_2249, %sub3A_2269 : i32
        %select_n3A_2271 = arith.select %and3A_2268, %sub3A_2270, %div3A_2249 : i32
        %add3A_2272 = arith.constant 0 : i32
        %add3A_2273 = arith.addi %select_n3A_2271, %add3A_2272 : i32
        %dma_start3A_2274 = arith.constant 7 : i32
        %dma_start3A_2275 = arith.constant 56 : i32
        %dma_start3A_2276 = arith.constant 0 : i32
        %dma_start3A_2277 = tpu.memref_slice %arg11[%dma_start3A_2275, %dma_start3A_2276] : memref<128x128xf32, #tpu.memory_space<vmem>> -> memref<8x128xf32, #tpu.memory_space<vmem>>
        %dma_start3A_2278 = arith.constant 0 : i32
        %dma_start3A_2279 = arith.constant 0 : i32
        %dma_start3A_2280 = tpu.memref_slice %arg2[%select_n3A_1927, %dma_start3A_2274, %add3A_2273, %dma_start3A_2278, %dma_start3A_2279] : memref<50x8x32x8x128xf32, #tpu.memory_space<hbm>> -> memref<1x1x1x8x128xf32, #tpu.memory_space<hbm>>
        %dma_start3A_2281 = tpu.memref_squeeze %dma_start3A_2280 : memref<1x1x1x8x128xf32, #tpu.memory_space<hbm>> -> memref<8x128xf32, #tpu.memory_space<hbm>>
        %dma_start3A_2282 = arith.constant 56 : i32
        %dma_start3A_2283 = arith.constant 0 : i32
        %dma_start3A_2284 = tpu.memref_slice %arg11[%dma_start3A_2282, %dma_start3A_2283] : memref<128x128xf32, #tpu.memory_space<vmem>> -> memref<8x128xf32, #tpu.memory_space<vmem>>
        %dma_start3A_2285 = arith.constant 0 : i32
        %dma_start3A_2286 = arith.constant 0 : i32
        %dma_start3A_2287 = tpu.memref_slice %arg2[%select_n3A_1927, %dma_start3A_2274, %add3A_2273, %dma_start3A_2285, %dma_start3A_2286] : memref<50x8x32x8x128xf32, #tpu.memory_space<hbm>> -> memref<1x1x1x8x128xf32, #tpu.memory_space<hbm>>
        %dma_start3A_2288 = tpu.memref_squeeze %dma_start3A_2287 : memref<1x1x1x8x128xf32, #tpu.memory_space<hbm>> -> memref<8x128xf32, #tpu.memory_space<hbm>>
        tpu.enqueue_dma source(%dma_start3A_2288 : memref<8x128xf32, #tpu.memory_space<hbm>>) target(%dma_start3A_2284 : memref<8x128xf32, #tpu.memory_space<vmem>>) target_semaphore(%arg19 : memref<!tpu.dma_semaphore, #tpu.memory_space<semaphore_mem>>)
        %jit3A_2289 = arith.constant 128 : i32
        %div3A_2290 = arith.divsi %mul3A_1932, %jit3A_2289 : i32
        %sign3A_2291 = arith.constant 0 : i32
        %sign3A_2292 = arith.cmpi sgt, %mul3A_1932, %sign3A_2291 : i32
        %sign3A_2293 = arith.extui %sign3A_2292 : i1 to i32
        %sign3A_2294 = arith.constant 0 : i32
        %sign3A_2295 = arith.cmpi slt, %mul3A_1932, %sign3A_2294 : i32
        %sign3A_2296 = arith.extui %sign3A_2295 : i1 to i32
        %sign3A_2297 = arith.subi %sign3A_2293, %sign3A_2296 : i32
        %sign3A_2298 = arith.constant 0 : i32
        %sign3A_2299 = arith.cmpi sgt, %jit3A_2289, %sign3A_2298 : i32
        %sign3A_2300 = arith.extui %sign3A_2299 : i1 to i32
        %sign3A_2301 = arith.constant 0 : i32
        %sign3A_2302 = arith.cmpi slt, %jit3A_2289, %sign3A_2301 : i32
        %sign3A_2303 = arith.extui %sign3A_2302 : i1 to i32
        %sign3A_2304 = arith.subi %sign3A_2300, %sign3A_2303 : i32
        %ne3A_2305 = arith.cmpi ne, %sign3A_2297, %sign3A_2304 : i32
        %rem3A_2306 = arith.remsi %mul3A_1932, %jit3A_2289 : i32
        %ne3A_2307 = arith.constant 0 : i32
        %ne3A_2308 = arith.cmpi ne, %rem3A_2306, %ne3A_2307 : i32
        %and3A_2309 = arith.andi %ne3A_2305, %ne3A_2308 : i1
        %sub3A_2310 = arith.constant 1 : i32
        %sub3A_2311 = arith.subi %div3A_2290, %sub3A_2310 : i32
        %select_n3A_2312 = arith.select %and3A_2309, %sub3A_2311, %div3A_2290 : i32
        %add3A_2313 = arith.constant 1 : i32
        %add3A_2314 = arith.addi %select_n3A_2312, %add3A_2313 : i32
        %dma_start3A_2315 = arith.constant 0 : i32
        %dma_start3A_2316 = arith.constant 64 : i32
        %dma_start3A_2317 = arith.constant 0 : i32
        %dma_start3A_2318 = tpu.memref_slice %arg11[%dma_start3A_2316, %dma_start3A_2317] : memref<128x128xf32, #tpu.memory_space<vmem>> -> memref<8x128xf32, #tpu.memory_space<vmem>>
        %dma_start3A_2319 = arith.constant 0 : i32
        %dma_start3A_2320 = arith.constant 0 : i32
        %dma_start3A_2321 = tpu.memref_slice %arg2[%select_n3A_1927, %dma_start3A_2315, %add3A_2314, %dma_start3A_2319, %dma_start3A_2320] : memref<50x8x32x8x128xf32, #tpu.memory_space<hbm>> -> memref<1x1x1x8x128xf32, #tpu.memory_space<hbm>>
        %dma_start3A_2322 = tpu.memref_squeeze %dma_start3A_2321 : memref<1x1x1x8x128xf32, #tpu.memory_space<hbm>> -> memref<8x128xf32, #tpu.memory_space<hbm>>
        %dma_start3A_2323 = arith.constant 64 : i32
        %dma_start3A_2324 = arith.constant 0 : i32
        %dma_start3A_2325 = tpu.memref_slice %arg11[%dma_start3A_2323, %dma_start3A_2324] : memref<128x128xf32, #tpu.memory_space<vmem>> -> memref<8x128xf32, #tpu.memory_space<vmem>>
        %dma_start3A_2326 = arith.constant 0 : i32
        %dma_start3A_2327 = arith.constant 0 : i32
        %dma_start3A_2328 = tpu.memref_slice %arg2[%select_n3A_1927, %dma_start3A_2315, %add3A_2314, %dma_start3A_2326, %dma_start3A_2327] : memref<50x8x32x8x128xf32, #tpu.memory_space<hbm>> -> memref<1x1x1x8x128xf32, #tpu.memory_space<hbm>>
        %dma_start3A_2329 = tpu.memref_squeeze %dma_start3A_2328 : memref<1x1x1x8x128xf32, #tpu.memory_space<hbm>> -> memref<8x128xf32, #tpu.memory_space<hbm>>
        tpu.enqueue_dma source(%dma_start3A_2329 : memref<8x128xf32, #tpu.memory_space<hbm>>) target(%dma_start3A_2325 : memref<8x128xf32, #tpu.memory_space<vmem>>) target_semaphore(%arg19 : memref<!tpu.dma_semaphore, #tpu.memory_space<semaphore_mem>>)
        %jit3A_2330 = arith.constant 128 : i32
        %div3A_2331 = arith.divsi %mul3A_1932, %jit3A_2330 : i32
        %sign3A_2332 = arith.constant 0 : i32
        %sign3A_2333 = arith.cmpi sgt, %mul3A_1932, %sign3A_2332 : i32
        %sign3A_2334 = arith.extui %sign3A_2333 : i1 to i32
        %sign3A_2335 = arith.constant 0 : i32
        %sign3A_2336 = arith.cmpi slt, %mul3A_1932, %sign3A_2335 : i32
        %sign3A_2337 = arith.extui %sign3A_2336 : i1 to i32
        %sign3A_2338 = arith.subi %sign3A_2334, %sign3A_2337 : i32
        %sign3A_2339 = arith.constant 0 : i32
        %sign3A_2340 = arith.cmpi sgt, %jit3A_2330, %sign3A_2339 : i32
        %sign3A_2341 = arith.extui %sign3A_2340 : i1 to i32
        %sign3A_2342 = arith.constant 0 : i32
        %sign3A_2343 = arith.cmpi slt, %jit3A_2330, %sign3A_2342 : i32
        %sign3A_2344 = arith.extui %sign3A_2343 : i1 to i32
        %sign3A_2345 = arith.subi %sign3A_2341, %sign3A_2344 : i32
        %ne3A_2346 = arith.cmpi ne, %sign3A_2338, %sign3A_2345 : i32
        %rem3A_2347 = arith.remsi %mul3A_1932, %jit3A_2330 : i32
        %ne3A_2348 = arith.constant 0 : i32
        %ne3A_2349 = arith.cmpi ne, %rem3A_2347, %ne3A_2348 : i32
        %and3A_2350 = arith.andi %ne3A_2346, %ne3A_2349 : i1
        %sub3A_2351 = arith.constant 1 : i32
        %sub3A_2352 = arith.subi %div3A_2331, %sub3A_2351 : i32
        %select_n3A_2353 = arith.select %and3A_2350, %sub3A_2352, %div3A_2331 : i32
        %add3A_2354 = arith.constant 1 : i32
        %add3A_2355 = arith.addi %select_n3A_2353, %add3A_2354 : i32
        %dma_start3A_2356 = arith.constant 1 : i32
        %dma_start3A_2357 = arith.constant 72 : i32
        %dma_start3A_2358 = arith.constant 0 : i32
        %dma_start3A_2359 = tpu.memref_slice %arg11[%dma_start3A_2357, %dma_start3A_2358] : memref<128x128xf32, #tpu.memory_space<vmem>> -> memref<8x128xf32, #tpu.memory_space<vmem>>
        %dma_start3A_2360 = arith.constant 0 : i32
        %dma_start3A_2361 = arith.constant 0 : i32
        %dma_start3A_2362 = tpu.memref_slice %arg2[%select_n3A_1927, %dma_start3A_2356, %add3A_2355, %dma_start3A_2360, %dma_start3A_2361] : memref<50x8x32x8x128xf32, #tpu.memory_space<hbm>> -> memref<1x1x1x8x128xf32, #tpu.memory_space<hbm>>
        %dma_start3A_2363 = tpu.memref_squeeze %dma_start3A_2362 : memref<1x1x1x8x128xf32, #tpu.memory_space<hbm>> -> memref<8x128xf32, #tpu.memory_space<hbm>>
        %dma_start3A_2364 = arith.constant 72 : i32
        %dma_start3A_2365 = arith.constant 0 : i32
        %dma_start3A_2366 = tpu.memref_slice %arg11[%dma_start3A_2364, %dma_start3A_2365] : memref<128x128xf32, #tpu.memory_space<vmem>> -> memref<8x128xf32, #tpu.memory_space<vmem>>
        %dma_start3A_2367 = arith.constant 0 : i32
        %dma_start3A_2368 = arith.constant 0 : i32
        %dma_start3A_2369 = tpu.memref_slice %arg2[%select_n3A_1927, %dma_start3A_2356, %add3A_2355, %dma_start3A_2367, %dma_start3A_2368] : memref<50x8x32x8x128xf32, #tpu.memory_space<hbm>> -> memref<1x1x1x8x128xf32, #tpu.memory_space<hbm>>
        %dma_start3A_2370 = tpu.memref_squeeze %dma_start3A_2369 : memref<1x1x1x8x128xf32, #tpu.memory_space<hbm>> -> memref<8x128xf32, #tpu.memory_space<hbm>>
        tpu.enqueue_dma source(%dma_start3A_2370 : memref<8x128xf32, #tpu.memory_space<hbm>>) target(%dma_start3A_2366 : memref<8x128xf32, #tpu.memory_space<vmem>>) target_semaphore(%arg19 : memref<!tpu.dma_semaphore, #tpu.memory_space<semaphore_mem>>)
        %jit3A_2371 = arith.constant 128 : i32
        %div3A_2372 = arith.divsi %mul3A_1932, %jit3A_2371 : i32
        %sign3A_2373 = arith.constant 0 : i32
        %sign3A_2374 = arith.cmpi sgt, %mul3A_1932, %sign3A_2373 : i32
        %sign3A_2375 = arith.extui %sign3A_2374 : i1 to i32
        %sign3A_2376 = arith.constant 0 : i32
        %sign3A_2377 = arith.cmpi slt, %mul3A_1932, %sign3A_2376 : i32
        %sign3A_2378 = arith.extui %sign3A_2377 : i1 to i32
        %sign3A_2379 = arith.subi %sign3A_2375, %sign3A_2378 : i32
        %sign3A_2380 = arith.constant 0 : i32
        %sign3A_2381 = arith.cmpi sgt, %jit3A_2371, %sign3A_2380 : i32
        %sign3A_2382 = arith.extui %sign3A_2381 : i1 to i32
        %sign3A_2383 = arith.constant 0 : i32
        %sign3A_2384 = arith.cmpi slt, %jit3A_2371, %sign3A_2383 : i32
        %sign3A_2385 = arith.extui %sign3A_2384 : i1 to i32
        %sign3A_2386 = arith.subi %sign3A_2382, %sign3A_2385 : i32
        %ne3A_2387 = arith.cmpi ne, %sign3A_2379, %sign3A_2386 : i32
        %rem3A_2388 = arith.remsi %mul3A_1932, %jit3A_2371 : i32
        %ne3A_2389 = arith.constant 0 : i32
        %ne3A_2390 = arith.cmpi ne, %rem3A_2388, %ne3A_2389 : i32
        %and3A_2391 = arith.andi %ne3A_2387, %ne3A_2390 : i1
        %sub3A_2392 = arith.constant 1 : i32
        %sub3A_2393 = arith.subi %div3A_2372, %sub3A_2392 : i32
        %select_n3A_2394 = arith.select %and3A_2391, %sub3A_2393, %div3A_2372 : i32
        %add3A_2395 = arith.constant 1 : i32
        %add3A_2396 = arith.addi %select_n3A_2394, %add3A_2395 : i32
        %dma_start3A_2397 = arith.constant 2 : i32
        %dma_start3A_2398 = arith.constant 80 : i32
        %dma_start3A_2399 = arith.constant 0 : i32
        %dma_start3A_2400 = tpu.memref_slice %arg11[%dma_start3A_2398, %dma_start3A_2399] : memref<128x128xf32, #tpu.memory_space<vmem>> -> memref<8x128xf32, #tpu.memory_space<vmem>>
        %dma_start3A_2401 = arith.constant 0 : i32
        %dma_start3A_2402 = arith.constant 0 : i32
        %dma_start3A_2403 = tpu.memref_slice %arg2[%select_n3A_1927, %dma_start3A_2397, %add3A_2396, %dma_start3A_2401, %dma_start3A_2402] : memref<50x8x32x8x128xf32, #tpu.memory_space<hbm>> -> memref<1x1x1x8x128xf32, #tpu.memory_space<hbm>>
        %dma_start3A_2404 = tpu.memref_squeeze %dma_start3A_2403 : memref<1x1x1x8x128xf32, #tpu.memory_space<hbm>> -> memref<8x128xf32, #tpu.memory_space<hbm>>
        %dma_start3A_2405 = arith.constant 80 : i32
        %dma_start3A_2406 = arith.constant 0 : i32
        %dma_start3A_2407 = tpu.memref_slice %arg11[%dma_start3A_2405, %dma_start3A_2406] : memref<128x128xf32, #tpu.memory_space<vmem>> -> memref<8x128xf32, #tpu.memory_space<vmem>>
        %dma_start3A_2408 = arith.constant 0 : i32
        %dma_start3A_2409 = arith.constant 0 : i32
        %dma_start3A_2410 = tpu.memref_slice %arg2[%select_n3A_1927, %dma_start3A_2397, %add3A_2396, %dma_start3A_2408, %dma_start3A_2409] : memref<50x8x32x8x128xf32, #tpu.memory_space<hbm>> -> memref<1x1x1x8x128xf32, #tpu.memory_space<hbm>>
        %dma_start3A_2411 = tpu.memref_squeeze %dma_start3A_2410 : memref<1x1x1x8x128xf32, #tpu.memory_space<hbm>> -> memref<8x128xf32, #tpu.memory_space<hbm>>
        tpu.enqueue_dma source(%dma_start3A_2411 : memref<8x128xf32, #tpu.memory_space<hbm>>) target(%dma_start3A_2407 : memref<8x128xf32, #tpu.memory_space<vmem>>) target_semaphore(%arg19 : memref<!tpu.dma_semaphore, #tpu.memory_space<semaphore_mem>>)
        %jit3A_2412 = arith.constant 128 : i32
        %div3A_2413 = arith.divsi %mul3A_1932, %jit3A_2412 : i32
        %sign3A_2414 = arith.constant 0 : i32
        %sign3A_2415 = arith.cmpi sgt, %mul3A_1932, %sign3A_2414 : i32
        %sign3A_2416 = arith.extui %sign3A_2415 : i1 to i32
        %sign3A_2417 = arith.constant 0 : i32
        %sign3A_2418 = arith.cmpi slt, %mul3A_1932, %sign3A_2417 : i32
        %sign3A_2419 = arith.extui %sign3A_2418 : i1 to i32
        %sign3A_2420 = arith.subi %sign3A_2416, %sign3A_2419 : i32
        %sign3A_2421 = arith.constant 0 : i32
        %sign3A_2422 = arith.cmpi sgt, %jit3A_2412, %sign3A_2421 : i32
        %sign3A_2423 = arith.extui %sign3A_2422 : i1 to i32
        %sign3A_2424 = arith.constant 0 : i32
        %sign3A_2425 = arith.cmpi slt, %jit3A_2412, %sign3A_2424 : i32
        %sign3A_2426 = arith.extui %sign3A_2425 : i1 to i32
        %sign3A_2427 = arith.subi %sign3A_2423, %sign3A_2426 : i32
        %ne3A_2428 = arith.cmpi ne, %sign3A_2420, %sign3A_2427 : i32
        %rem3A_2429 = arith.remsi %mul3A_1932, %jit3A_2412 : i32
        %ne3A_2430 = arith.constant 0 : i32
        %ne3A_2431 = arith.cmpi ne, %rem3A_2429, %ne3A_2430 : i32
        %and3A_2432 = arith.andi %ne3A_2428, %ne3A_2431 : i1
        %sub3A_2433 = arith.constant 1 : i32
        %sub3A_2434 = arith.subi %div3A_2413, %sub3A_2433 : i32
        %select_n3A_2435 = arith.select %and3A_2432, %sub3A_2434, %div3A_2413 : i32
        %add3A_2436 = arith.constant 1 : i32
        %add3A_2437 = arith.addi %select_n3A_2435, %add3A_2436 : i32
        %dma_start3A_2438 = arith.constant 3 : i32
        %dma_start3A_2439 = arith.constant 88 : i32
        %dma_start3A_2440 = arith.constant 0 : i32
        %dma_start3A_2441 = tpu.memref_slice %arg11[%dma_start3A_2439, %dma_start3A_2440] : memref<128x128xf32, #tpu.memory_space<vmem>> -> memref<8x128xf32, #tpu.memory_space<vmem>>
        %dma_start3A_2442 = arith.constant 0 : i32
        %dma_start3A_2443 = arith.constant 0 : i32
        %dma_start3A_2444 = tpu.memref_slice %arg2[%select_n3A_1927, %dma_start3A_2438, %add3A_2437, %dma_start3A_2442, %dma_start3A_2443] : memref<50x8x32x8x128xf32, #tpu.memory_space<hbm>> -> memref<1x1x1x8x128xf32, #tpu.memory_space<hbm>>
        %dma_start3A_2445 = tpu.memref_squeeze %dma_start3A_2444 : memref<1x1x1x8x128xf32, #tpu.memory_space<hbm>> -> memref<8x128xf32, #tpu.memory_space<hbm>>
        %dma_start3A_2446 = arith.constant 88 : i32
        %dma_start3A_2447 = arith.constant 0 : i32
        %dma_start3A_2448 = tpu.memref_slice %arg11[%dma_start3A_2446, %dma_start3A_2447] : memref<128x128xf32, #tpu.memory_space<vmem>> -> memref<8x128xf32, #tpu.memory_space<vmem>>
        %dma_start3A_2449 = arith.constant 0 : i32
        %dma_start3A_2450 = arith.constant 0 : i32
        %dma_start3A_2451 = tpu.memref_slice %arg2[%select_n3A_1927, %dma_start3A_2438, %add3A_2437, %dma_start3A_2449, %dma_start3A_2450] : memref<50x8x32x8x128xf32, #tpu.memory_space<hbm>> -> memref<1x1x1x8x128xf32, #tpu.memory_space<hbm>>
        %dma_start3A_2452 = tpu.memref_squeeze %dma_start3A_2451 : memref<1x1x1x8x128xf32, #tpu.memory_space<hbm>> -> memref<8x128xf32, #tpu.memory_space<hbm>>
        tpu.enqueue_dma source(%dma_start3A_2452 : memref<8x128xf32, #tpu.memory_space<hbm>>) target(%dma_start3A_2448 : memref<8x128xf32, #tpu.memory_space<vmem>>) target_semaphore(%arg19 : memref<!tpu.dma_semaphore, #tpu.memory_space<semaphore_mem>>)
        %jit3A_2453 = arith.constant 128 : i32
        %div3A_2454 = arith.divsi %mul3A_1932, %jit3A_2453 : i32
        %sign3A_2455 = arith.constant 0 : i32
        %sign3A_2456 = arith.cmpi sgt, %mul3A_1932, %sign3A_2455 : i32
        %sign3A_2457 = arith.extui %sign3A_2456 : i1 to i32
        %sign3A_2458 = arith.constant 0 : i32
        %sign3A_2459 = arith.cmpi slt, %mul3A_1932, %sign3A_2458 : i32
        %sign3A_2460 = arith.extui %sign3A_2459 : i1 to i32
        %sign3A_2461 = arith.subi %sign3A_2457, %sign3A_2460 : i32
        %sign3A_2462 = arith.constant 0 : i32
        %sign3A_2463 = arith.cmpi sgt, %jit3A_2453, %sign3A_2462 : i32
        %sign3A_2464 = arith.extui %sign3A_2463 : i1 to i32
        %sign3A_2465 = arith.constant 0 : i32
        %sign3A_2466 = arith.cmpi slt, %jit3A_2453, %sign3A_2465 : i32
        %sign3A_2467 = arith.extui %sign3A_2466 : i1 to i32
        %sign3A_2468 = arith.subi %sign3A_2464, %sign3A_2467 : i32
        %ne3A_2469 = arith.cmpi ne, %sign3A_2461, %sign3A_2468 : i32
        %rem3A_2470 = arith.remsi %mul3A_1932, %jit3A_2453 : i32
        %ne3A_2471 = arith.constant 0 : i32
        %ne3A_2472 = arith.cmpi ne, %rem3A_2470, %ne3A_2471 : i32
        %and3A_2473 = arith.andi %ne3A_2469, %ne3A_2472 : i1
        %sub3A_2474 = arith.constant 1 : i32
        %sub3A_2475 = arith.subi %div3A_2454, %sub3A_2474 : i32
        %select_n3A_2476 = arith.select %and3A_2473, %sub3A_2475, %div3A_2454 : i32
        %add3A_2477 = arith.constant 1 : i32
        %add3A_2478 = arith.addi %select_n3A_2476, %add3A_2477 : i32
        %dma_start3A_2479 = arith.constant 4 : i32
        %dma_start3A_2480 = arith.constant 96 : i32
        %dma_start3A_2481 = arith.constant 0 : i32
        %dma_start3A_2482 = tpu.memref_slice %arg11[%dma_start3A_2480, %dma_start3A_2481] : memref<128x128xf32, #tpu.memory_space<vmem>> -> memref<8x128xf32, #tpu.memory_space<vmem>>
        %dma_start3A_2483 = arith.constant 0 : i32
        %dma_start3A_2484 = arith.constant 0 : i32
        %dma_start3A_2485 = tpu.memref_slice %arg2[%select_n3A_1927, %dma_start3A_2479, %add3A_2478, %dma_start3A_2483, %dma_start3A_2484] : memref<50x8x32x8x128xf32, #tpu.memory_space<hbm>> -> memref<1x1x1x8x128xf32, #tpu.memory_space<hbm>>
        %dma_start3A_2486 = tpu.memref_squeeze %dma_start3A_2485 : memref<1x1x1x8x128xf32, #tpu.memory_space<hbm>> -> memref<8x128xf32, #tpu.memory_space<hbm>>
        %dma_start3A_2487 = arith.constant 96 : i32
        %dma_start3A_2488 = arith.constant 0 : i32
        %dma_start3A_2489 = tpu.memref_slice %arg11[%dma_start3A_2487, %dma_start3A_2488] : memref<128x128xf32, #tpu.memory_space<vmem>> -> memref<8x128xf32, #tpu.memory_space<vmem>>
        %dma_start3A_2490 = arith.constant 0 : i32
        %dma_start3A_2491 = arith.constant 0 : i32
        %dma_start3A_2492 = tpu.memref_slice %arg2[%select_n3A_1927, %dma_start3A_2479, %add3A_2478, %dma_start3A_2490, %dma_start3A_2491] : memref<50x8x32x8x128xf32, #tpu.memory_space<hbm>> -> memref<1x1x1x8x128xf32, #tpu.memory_space<hbm>>
        %dma_start3A_2493 = tpu.memref_squeeze %dma_start3A_2492 : memref<1x1x1x8x128xf32, #tpu.memory_space<hbm>> -> memref<8x128xf32, #tpu.memory_space<hbm>>
        tpu.enqueue_dma source(%dma_start3A_2493 : memref<8x128xf32, #tpu.memory_space<hbm>>) target(%dma_start3A_2489 : memref<8x128xf32, #tpu.memory_space<vmem>>) target_semaphore(%arg19 : memref<!tpu.dma_semaphore, #tpu.memory_space<semaphore_mem>>)
        %jit3A_2494 = arith.constant 128 : i32
        %div3A_2495 = arith.divsi %mul3A_1932, %jit3A_2494 : i32
        %sign3A_2496 = arith.constant 0 : i32
        %sign3A_2497 = arith.cmpi sgt, %mul3A_1932, %sign3A_2496 : i32
        %sign3A_2498 = arith.extui %sign3A_2497 : i1 to i32
        %sign3A_2499 = arith.constant 0 : i32
        %sign3A_2500 = arith.cmpi slt, %mul3A_1932, %sign3A_2499 : i32
        %sign3A_2501 = arith.extui %sign3A_2500 : i1 to i32
        %sign3A_2502 = arith.subi %sign3A_2498, %sign3A_2501 : i32
        %sign3A_2503 = arith.constant 0 : i32
        %sign3A_2504 = arith.cmpi sgt, %jit3A_2494, %sign3A_2503 : i32
        %sign3A_2505 = arith.extui %sign3A_2504 : i1 to i32
        %sign3A_2506 = arith.constant 0 : i32
        %sign3A_2507 = arith.cmpi slt, %jit3A_2494, %sign3A_2506 : i32
        %sign3A_2508 = arith.extui %sign3A_2507 : i1 to i32
        %sign3A_2509 = arith.subi %sign3A_2505, %sign3A_2508 : i32
        %ne3A_2510 = arith.cmpi ne, %sign3A_2502, %sign3A_2509 : i32
        %rem3A_2511 = arith.remsi %mul3A_1932, %jit3A_2494 : i32
        %ne3A_2512 = arith.constant 0 : i32
        %ne3A_2513 = arith.cmpi ne, %rem3A_2511, %ne3A_2512 : i32
        %and3A_2514 = arith.andi %ne3A_2510, %ne3A_2513 : i1
        %sub3A_2515 = arith.constant 1 : i32
        %sub3A_2516 = arith.subi %div3A_2495, %sub3A_2515 : i32
        %select_n3A_2517 = arith.select %and3A_2514, %sub3A_2516, %div3A_2495 : i32
        %add3A_2518 = arith.constant 1 : i32
        %add3A_2519 = arith.addi %select_n3A_2517, %add3A_2518 : i32
        %dma_start3A_2520 = arith.constant 5 : i32
        %dma_start3A_2521 = arith.constant 104 : i32
        %dma_start3A_2522 = arith.constant 0 : i32
        %dma_start3A_2523 = tpu.memref_slice %arg11[%dma_start3A_2521, %dma_start3A_2522] : memref<128x128xf32, #tpu.memory_space<vmem>> -> memref<8x128xf32, #tpu.memory_space<vmem>>
        %dma_start3A_2524 = arith.constant 0 : i32
        %dma_start3A_2525 = arith.constant 0 : i32
        %dma_start3A_2526 = tpu.memref_slice %arg2[%select_n3A_1927, %dma_start3A_2520, %add3A_2519, %dma_start3A_2524, %dma_start3A_2525] : memref<50x8x32x8x128xf32, #tpu.memory_space<hbm>> -> memref<1x1x1x8x128xf32, #tpu.memory_space<hbm>>
        %dma_start3A_2527 = tpu.memref_squeeze %dma_start3A_2526 : memref<1x1x1x8x128xf32, #tpu.memory_space<hbm>> -> memref<8x128xf32, #tpu.memory_space<hbm>>
        %dma_start3A_2528 = arith.constant 104 : i32
        %dma_start3A_2529 = arith.constant 0 : i32
        %dma_start3A_2530 = tpu.memref_slice %arg11[%dma_start3A_2528, %dma_start3A_2529] : memref<128x128xf32, #tpu.memory_space<vmem>> -> memref<8x128xf32, #tpu.memory_space<vmem>>
        %dma_start3A_2531 = arith.constant 0 : i32
        %dma_start3A_2532 = arith.constant 0 : i32
        %dma_start3A_2533 = tpu.memref_slice %arg2[%select_n3A_1927, %dma_start3A_2520, %add3A_2519, %dma_start3A_2531, %dma_start3A_2532] : memref<50x8x32x8x128xf32, #tpu.memory_space<hbm>> -> memref<1x1x1x8x128xf32, #tpu.memory_space<hbm>>
        %dma_start3A_2534 = tpu.memref_squeeze %dma_start3A_2533 : memref<1x1x1x8x128xf32, #tpu.memory_space<hbm>> -> memref<8x128xf32, #tpu.memory_space<hbm>>
        tpu.enqueue_dma source(%dma_start3A_2534 : memref<8x128xf32, #tpu.memory_space<hbm>>) target(%dma_start3A_2530 : memref<8x128xf32, #tpu.memory_space<vmem>>) target_semaphore(%arg19 : memref<!tpu.dma_semaphore, #tpu.memory_space<semaphore_mem>>)
        %jit3A_2535 = arith.constant 128 : i32
        %div3A_2536 = arith.divsi %mul3A_1932, %jit3A_2535 : i32
        %sign3A_2537 = arith.constant 0 : i32
        %sign3A_2538 = arith.cmpi sgt, %mul3A_1932, %sign3A_2537 : i32
        %sign3A_2539 = arith.extui %sign3A_2538 : i1 to i32
        %sign3A_2540 = arith.constant 0 : i32
        %sign3A_2541 = arith.cmpi slt, %mul3A_1932, %sign3A_2540 : i32
        %sign3A_2542 = arith.extui %sign3A_2541 : i1 to i32
        %sign3A_2543 = arith.subi %sign3A_2539, %sign3A_2542 : i32
        %sign3A_2544 = arith.constant 0 : i32
        %sign3A_2545 = arith.cmpi sgt, %jit3A_2535, %sign3A_2544 : i32
        %sign3A_2546 = arith.extui %sign3A_2545 : i1 to i32
        %sign3A_2547 = arith.constant 0 : i32
        %sign3A_2548 = arith.cmpi slt, %jit3A_2535, %sign3A_2547 : i32
        %sign3A_2549 = arith.extui %sign3A_2548 : i1 to i32
        %sign3A_2550 = arith.subi %sign3A_2546, %sign3A_2549 : i32
        %ne3A_2551 = arith.cmpi ne, %sign3A_2543, %sign3A_2550 : i32
        %rem3A_2552 = arith.remsi %mul3A_1932, %jit3A_2535 : i32
        %ne3A_2553 = arith.constant 0 : i32
        %ne3A_2554 = arith.cmpi ne, %rem3A_2552, %ne3A_2553 : i32
        %and3A_2555 = arith.andi %ne3A_2551, %ne3A_2554 : i1
        %sub3A_2556 = arith.constant 1 : i32
        %sub3A_2557 = arith.subi %div3A_2536, %sub3A_2556 : i32
        %select_n3A_2558 = arith.select %and3A_2555, %sub3A_2557, %div3A_2536 : i32
        %add3A_2559 = arith.constant 1 : i32
        %add3A_2560 = arith.addi %select_n3A_2558, %add3A_2559 : i32
        %dma_start3A_2561 = arith.constant 6 : i32
        %dma_start3A_2562 = arith.constant 112 : i32
        %dma_start3A_2563 = arith.constant 0 : i32
        %dma_start3A_2564 = tpu.memref_slice %arg11[%dma_start3A_2562, %dma_start3A_2563] : memref<128x128xf32, #tpu.memory_space<vmem>> -> memref<8x128xf32, #tpu.memory_space<vmem>>
        %dma_start3A_2565 = arith.constant 0 : i32
        %dma_start3A_2566 = arith.constant 0 : i32
        %dma_start3A_2567 = tpu.memref_slice %arg2[%select_n3A_1927, %dma_start3A_2561, %add3A_2560, %dma_start3A_2565, %dma_start3A_2566] : memref<50x8x32x8x128xf32, #tpu.memory_space<hbm>> -> memref<1x1x1x8x128xf32, #tpu.memory_space<hbm>>
        %dma_start3A_2568 = tpu.memref_squeeze %dma_start3A_2567 : memref<1x1x1x8x128xf32, #tpu.memory_space<hbm>> -> memref<8x128xf32, #tpu.memory_space<hbm>>
        %dma_start3A_2569 = arith.constant 112 : i32
        %dma_start3A_2570 = arith.constant 0 : i32
        %dma_start3A_2571 = tpu.memref_slice %arg11[%dma_start3A_2569, %dma_start3A_2570] : memref<128x128xf32, #tpu.memory_space<vmem>> -> memref<8x128xf32, #tpu.memory_space<vmem>>
        %dma_start3A_2572 = arith.constant 0 : i32
        %dma_start3A_2573 = arith.constant 0 : i32
        %dma_start3A_2574 = tpu.memref_slice %arg2[%select_n3A_1927, %dma_start3A_2561, %add3A_2560, %dma_start3A_2572, %dma_start3A_2573] : memref<50x8x32x8x128xf32, #tpu.memory_space<hbm>> -> memref<1x1x1x8x128xf32, #tpu.memory_space<hbm>>
        %dma_start3A_2575 = tpu.memref_squeeze %dma_start3A_2574 : memref<1x1x1x8x128xf32, #tpu.memory_space<hbm>> -> memref<8x128xf32, #tpu.memory_space<hbm>>
        tpu.enqueue_dma source(%dma_start3A_2575 : memref<8x128xf32, #tpu.memory_space<hbm>>) target(%dma_start3A_2571 : memref<8x128xf32, #tpu.memory_space<vmem>>) target_semaphore(%arg19 : memref<!tpu.dma_semaphore, #tpu.memory_space<semaphore_mem>>)
        %jit3A_2576 = arith.constant 128 : i32
        %div3A_2577 = arith.divsi %mul3A_1932, %jit3A_2576 : i32
        %sign3A_2578 = arith.constant 0 : i32
        %sign3A_2579 = arith.cmpi sgt, %mul3A_1932, %sign3A_2578 : i32
        %sign3A_2580 = arith.extui %sign3A_2579 : i1 to i32
        %sign3A_2581 = arith.constant 0 : i32
        %sign3A_2582 = arith.cmpi slt, %mul3A_1932, %sign3A_2581 : i32
        %sign3A_2583 = arith.extui %sign3A_2582 : i1 to i32
        %sign3A_2584 = arith.subi %sign3A_2580, %sign3A_2583 : i32
        %sign3A_2585 = arith.constant 0 : i32
        %sign3A_2586 = arith.cmpi sgt, %jit3A_2576, %sign3A_2585 : i32
        %sign3A_2587 = arith.extui %sign3A_2586 : i1 to i32
        %sign3A_2588 = arith.constant 0 : i32
        %sign3A_2589 = arith.cmpi slt, %jit3A_2576, %sign3A_2588 : i32
        %sign3A_2590 = arith.extui %sign3A_2589 : i1 to i32
        %sign3A_2591 = arith.subi %sign3A_2587, %sign3A_2590 : i32
        %ne3A_2592 = arith.cmpi ne, %sign3A_2584, %sign3A_2591 : i32
        %rem3A_2593 = arith.remsi %mul3A_1932, %jit3A_2576 : i32
        %ne3A_2594 = arith.constant 0 : i32
        %ne3A_2595 = arith.cmpi ne, %rem3A_2593, %ne3A_2594 : i32
        %and3A_2596 = arith.andi %ne3A_2592, %ne3A_2595 : i1
        %sub3A_2597 = arith.constant 1 : i32
        %sub3A_2598 = arith.subi %div3A_2577, %sub3A_2597 : i32
        %select_n3A_2599 = arith.select %and3A_2596, %sub3A_2598, %div3A_2577 : i32
        %add3A_2600 = arith.constant 1 : i32
        %add3A_2601 = arith.addi %select_n3A_2599, %add3A_2600 : i32
        %dma_start3A_2602 = arith.constant 7 : i32
        %dma_start3A_2603 = arith.constant 120 : i32
        %dma_start3A_2604 = arith.constant 0 : i32
        %dma_start3A_2605 = tpu.memref_slice %arg11[%dma_start3A_2603, %dma_start3A_2604] : memref<128x128xf32, #tpu.memory_space<vmem>> -> memref<8x128xf32, #tpu.memory_space<vmem>>
        %dma_start3A_2606 = arith.constant 0 : i32
        %dma_start3A_2607 = arith.constant 0 : i32
        %dma_start3A_2608 = tpu.memref_slice %arg2[%select_n3A_1927, %dma_start3A_2602, %add3A_2601, %dma_start3A_2606, %dma_start3A_2607] : memref<50x8x32x8x128xf32, #tpu.memory_space<hbm>> -> memref<1x1x1x8x128xf32, #tpu.memory_space<hbm>>
        %dma_start3A_2609 = tpu.memref_squeeze %dma_start3A_2608 : memref<1x1x1x8x128xf32, #tpu.memory_space<hbm>> -> memref<8x128xf32, #tpu.memory_space<hbm>>
        %dma_start3A_2610 = arith.constant 120 : i32
        %dma_start3A_2611 = arith.constant 0 : i32
        %dma_start3A_2612 = tpu.memref_slice %arg11[%dma_start3A_2610, %dma_start3A_2611] : memref<128x128xf32, #tpu.memory_space<vmem>> -> memref<8x128xf32, #tpu.memory_space<vmem>>
        %dma_start3A_2613 = arith.constant 0 : i32
        %dma_start3A_2614 = arith.constant 0 : i32
        %dma_start3A_2615 = tpu.memref_slice %arg2[%select_n3A_1927, %dma_start3A_2602, %add3A_2601, %dma_start3A_2613, %dma_start3A_2614] : memref<50x8x32x8x128xf32, #tpu.memory_space<hbm>> -> memref<1x1x1x8x128xf32, #tpu.memory_space<hbm>>
        %dma_start3A_2616 = tpu.memref_squeeze %dma_start3A_2615 : memref<1x1x1x8x128xf32, #tpu.memory_space<hbm>> -> memref<8x128xf32, #tpu.memory_space<hbm>>
        tpu.enqueue_dma source(%dma_start3A_2616 : memref<8x128xf32, #tpu.memory_space<hbm>>) target(%dma_start3A_2612 : memref<8x128xf32, #tpu.memory_space<vmem>>) target_semaphore(%arg19 : memref<!tpu.dma_semaphore, #tpu.memory_space<semaphore_mem>>)
      } else {
      }
      %ge3A_1852 = arith.constant 2 : i32
      %ge3A_1853 = arith.cmpi sge, %add3A_1526, %ge3A_1852 : i32
      %convert_element_type3A_1854 = arith.extui %ge3A_1853 : i1 to i32
      %cond3A_1855 = arith.constant 0 : i32
      %cond3A_1856 = arith.cmpi ne, %convert_element_type3A_1854, %cond3A_1855 : i32
      scf.if %cond3A_1856 {
        %dma_wait3A_1895 = arith.constant 0 : i32
        %dma_wait3A_1896 = arith.constant 0 : i32
        %dma_wait3A_1897 = tpu.memref_slice %arg6[%dma_wait3A_1895, %dma_wait3A_1896] : memref<50x4096xf32, #tpu.memory_space<hbm>> -> memref<1x256xf32, #tpu.memory_space<hbm>>
        %dma_wait3A_1898 = tpu.memref_squeeze %dma_wait3A_1897 : memref<1x256xf32, #tpu.memory_space<hbm>> -> memref<256xf32, #tpu.memory_space<hbm>>
        %dma_wait3A_1899 = arith.constant 0 : i32
        %dma_wait3A_1900 = tpu.memref_slice %arg6[%dma_wait3A_1895, %dma_wait3A_1899] : memref<50x4096xf32, #tpu.memory_space<hbm>> -> memref<1x256xf32, #tpu.memory_space<hbm>>
        %dma_wait3A_1901 = tpu.memref_squeeze %dma_wait3A_1900 : memref<1x256xf32, #tpu.memory_space<hbm>> -> memref<256xf32, #tpu.memory_space<hbm>>
        tpu.wait_dma2 semaphore(%arg22 : memref<!tpu.dma_semaphore, #tpu.memory_space<semaphore_mem>>) src(%arg16 : memref<256xf32, #tpu.memory_space<vmem>>) dst(%dma_wait3A_1901 : memref<256xf32, #tpu.memory_space<hbm>>)
      } else {
      }
      %scan3A_1857 = arith.constant 0 : i32
      %scan3A_1858 = arith.constant 16 : i32
      %scan3A_1859 = arith.addi %scan3A_1857, %scan3A_1858 : i32
      %scan3A_1860 = arith.constant 1 : i32
      scf.for %scan3A_1895 = %scan3A_1857 to %scan3A_1859 step %scan3A_1860  : i32 {
        %mul3A_1896 = arith.constant 1 : i32
        %mul3A_1897 = arith.muli %scan3A_1895, %mul3A_1896 : i32
        %add3A_1898 = arith.constant 0 : i32
        %add3A_1899 = arith.addi %add3A_1898, %mul3A_1897 : i32
        %iota3A = tpu.iota {dimensions = array<i32: 0>} : vector<16xi32>
        %mul3A_1900 = arith.constant 16 : i32
        %mul3A_1901 = arith.muli %add3A_1899, %mul3A_1900 : i32
        %add3A_1902 = vector.broadcast %mul3A_1901 : i32 to vector<16xi32>
        %add3A_1903 = arith.addi %iota3A, %add3A_1902 : vector<16xi32>
        %jit3A_1904 = arith.constant 8 : i32
        %div3A_1905 = arith.divsi %add3A_1899, %jit3A_1904 : i32
        %sign3A_1906 = arith.constant 0 : i32
        %sign3A_1907 = arith.cmpi sgt, %add3A_1899, %sign3A_1906 : i32
        %sign3A_1908 = arith.extui %sign3A_1907 : i1 to i32
        %sign3A_1909 = arith.constant 0 : i32
        %sign3A_1910 = arith.cmpi slt, %add3A_1899, %sign3A_1909 : i32
        %sign3A_1911 = arith.extui %sign3A_1910 : i1 to i32
        %sign3A_1912 = arith.subi %sign3A_1908, %sign3A_1911 : i32
        %sign3A_1913 = arith.constant 0 : i32
        %sign3A_1914 = arith.cmpi sgt, %jit3A_1904, %sign3A_1913 : i32
        %sign3A_1915 = arith.extui %sign3A_1914 : i1 to i32
        %sign3A_1916 = arith.constant 0 : i32
        %sign3A_1917 = arith.cmpi slt, %jit3A_1904, %sign3A_1916 : i32
        %sign3A_1918 = arith.extui %sign3A_1917 : i1 to i32
        %sign3A_1919 = arith.subi %sign3A_1915, %sign3A_1918 : i32
        %ne3A_1920 = arith.cmpi ne, %sign3A_1912, %sign3A_1919 : i32
        %rem3A_1921 = arith.remsi %add3A_1899, %jit3A_1904 : i32
        %ne3A_1922 = arith.constant 0 : i32
        %ne3A_1923 = arith.cmpi ne, %rem3A_1921, %ne3A_1922 : i32
        %and3A_1924 = arith.andi %ne3A_1920, %ne3A_1923 : i1
        %sub3A_1925 = arith.constant 1 : i32
        %sub3A_1926 = arith.subi %div3A_1905, %sub3A_1925 : i32
        %select_n3A_1927 = arith.select %and3A_1924, %sub3A_1926, %div3A_1905 : i32
        %mul3A_1928 = arith.constant 8 : i32
        %mul3A_1929 = arith.muli %select_n3A_1927, %mul3A_1928 : i32
        %sub3A_1930 = arith.subi %add3A_1899, %mul3A_1929 : i32
        %mul3A_1931 = arith.constant 16 : i32
        %mul3A_1932 = arith.muli %sub3A_1930, %mul3A_1931 : i32
        %add3A_1933 = vector.broadcast %mul3A_1932 : i32 to vector<16xi32>
        %add3A_1934 = arith.addi %iota3A, %add3A_1933 : vector<16xi32>
        %broadcast_in_dim3A = arith.constant 0.000000e+00 : f32
        %broadcast_in_dim3A_1935 = vector.broadcast %broadcast_in_dim3A : f32 to vector<16xf32>
        %scan3A_1936 = arith.constant 0 : i32
        %scan3A_1937 = arith.constant 4 : i32
        %scan3A_1938 = arith.addi %scan3A_1936, %scan3A_1937 : i32
        %scan3A_1939 = arith.constant 1 : i32
        %scan3A_1940:4 = scf.for %scan3A_1952 = %scan3A_1936 to %scan3A_1938 step %scan3A_1939 iter_args(%scan3A_1953 = %broadcast_in_dim3A_1935, %scan3A_1954 = %broadcast_in_dim3A_1935, %scan3A_1955 = %broadcast_in_dim3A_1935, %scan3A_1956 = %broadcast_in_dim3A_1935) -> (vector<16xf32>, vector<16xf32>, vector<16xf32>, vector<16xf32>)  : i32 {
          %mul3A_1957 = arith.constant 1 : i32
          %mul3A_1958 = arith.muli %scan3A_1952, %mul3A_1957 : i32
          %add3A_1959 = arith.constant 0 : i32
          %add3A_1960 = arith.addi %add3A_1959, %mul3A_1958 : i32
          %mul3A_1961 = arith.constant 16 : i32
          %mul3A_1962 = arith.muli %add3A_1960, %mul3A_1961 : i32
          %mul3A_1963 = arith.constant 64 : i32
          %mul3A_1964 = arith.muli %select_n3A_1927, %mul3A_1963 : i32
          %add3A_1965 = arith.addi %mul3A_1964, %mul3A_1962 : i32
          %add3A_1966 = arith.constant 0 : i32
          %add3A_1967 = vector.broadcast %add3A_1966 : i32 to vector<16xi32>
          %add3A_1968 = arith.addi %iota3A, %add3A_1967 : vector<16xi32>
          %and3A_1969 = arith.constant 15 : i32
          %and3A_1970 = vector.broadcast %and3A_1969 : i32 to vector<16xi32>
          %and3A_1971 = arith.andi %add3A_1968, %and3A_1970 : vector<16xi32>
          %add3A_1972 = vector.broadcast %mul3A_1962 : i32 to vector<16xi32>
          %add3A_1973 = arith.addi %add3A_1972, %and3A_1971 : vector<16xi32>
          %gather3A = tpu.vector_load_idx %arg10[%add3A_1903, %add3A_1973] : memref<256x64xf32, #tpu.memory_space<vmem>>[vector<16xi32>, vector<16xi32>], vector<16xf32>,
          %add3A_1974 = vector.broadcast %add3A_1965 : i32 to vector<16xi32>
          %add3A_1975 = arith.addi %add3A_1974, %and3A_1971 : vector<16xi32>
          %gather3A_1976 = tpu.vector_load_idx %arg12[%add3A_1975, %add3A_1934] : memref<128x128xf32, #tpu.memory_space<vmem>>[vector<16xi32>, vector<16xi32>], vector<16xf32>,
          %mul3A_1977 = arith.mulf %gather3A, %gather3A_1976 : vector<16xf32>
          %add3A_1978 = arith.addf %scan3A_1953, %mul3A_1977 : vector<16xf32>
          %add3A_1979 = arith.constant 1 : i32
          %add3A_1980 = vector.broadcast %add3A_1979 : i32 to vector<16xi32>
          %add3A_1981 = arith.addi %iota3A, %add3A_1980 : vector<16xi32>
          %and3A_1982 = arith.constant 15 : i32
          %and3A_1983 = vector.broadcast %and3A_1982 : i32 to vector<16xi32>
          %and3A_1984 = arith.andi %add3A_1981, %and3A_1983 : vector<16xi32>
          %add3A_1985 = vector.broadcast %mul3A_1962 : i32 to vector<16xi32>
          %add3A_1986 = arith.addi %add3A_1985, %and3A_1984 : vector<16xi32>
          %gather3A_1987 = tpu.vector_load_idx %arg10[%add3A_1903, %add3A_1986] : memref<256x64xf32, #tpu.memory_space<vmem>>[vector<16xi32>, vector<16xi32>], vector<16xf32>,
          %add3A_1988 = vector.broadcast %add3A_1965 : i32 to vector<16xi32>
          %add3A_1989 = arith.addi %add3A_1988, %and3A_1984 : vector<16xi32>
          %gather3A_1990 = tpu.vector_load_idx %arg12[%add3A_1989, %add3A_1934] : memref<128x128xf32, #tpu.memory_space<vmem>>[vector<16xi32>, vector<16xi32>], vector<16xf32>,
          %mul3A_1991 = arith.mulf %gather3A_1987, %gather3A_1990 : vector<16xf32>
          %add3A_1992 = arith.addf %scan3A_1954, %mul3A_1991 : vector<16xf32>
          %add3A_1993 = arith.constant 2 : i32
          %add3A_1994 = vector.broadcast %add3A_1993 : i32 to vector<16xi32>
          %add3A_1995 = arith.addi %iota3A, %add3A_1994 : vector<16xi32>
          %and3A_1996 = arith.constant 15 : i32
          %and3A_1997 = vector.broadcast %and3A_1996 : i32 to vector<16xi32>
          %and3A_1998 = arith.andi %add3A_1995, %and3A_1997 : vector<16xi32>
          %add3A_1999 = vector.broadcast %mul3A_1962 : i32 to vector<16xi32>
          %add3A_2000 = arith.addi %add3A_1999, %and3A_1998 : vector<16xi32>
          %gather3A_2001 = tpu.vector_load_idx %arg10[%add3A_1903, %add3A_2000] : memref<256x64xf32, #tpu.memory_space<vmem>>[vector<16xi32>, vector<16xi32>], vector<16xf32>,
          %add3A_2002 = vector.broadcast %add3A_1965 : i32 to vector<16xi32>
          %add3A_2003 = arith.addi %add3A_2002, %and3A_1998 : vector<16xi32>
          %gather3A_2004 = tpu.vector_load_idx %arg12[%add3A_2003, %add3A_1934] : memref<128x128xf32, #tpu.memory_space<vmem>>[vector<16xi32>, vector<16xi32>], vector<16xf32>,
          %mul3A_2005 = arith.mulf %gather3A_2001, %gather3A_2004 : vector<16xf32>
          %add3A_2006 = arith.addf %scan3A_1955, %mul3A_2005 : vector<16xf32>
          %add3A_2007 = arith.constant 3 : i32
          %add3A_2008 = vector.broadcast %add3A_2007 : i32 to vector<16xi32>
          %add3A_2009 = arith.addi %iota3A, %add3A_2008 : vector<16xi32>
          %and3A_2010 = arith.constant 15 : i32
          %and3A_2011 = vector.broadcast %and3A_2010 : i32 to vector<16xi32>
          %and3A_2012 = arith.andi %add3A_2009, %and3A_2011 : vector<16xi32>
          %add3A_2013 = vector.broadcast %mul3A_1962 : i32 to vector<16xi32>
          %add3A_2014 = arith.addi %add3A_2013, %and3A_2012 : vector<16xi32>
          %gather3A_2015 = tpu.vector_load_idx %arg10[%add3A_1903, %add3A_2014] : memref<256x64xf32, #tpu.memory_space<vmem>>[vector<16xi32>, vector<16xi32>], vector<16xf32>,
          %add3A_2016 = vector.broadcast %add3A_1965 : i32 to vector<16xi32>
          %add3A_2017 = arith.addi %add3A_2016, %and3A_2012 : vector<16xi32>
          %gather3A_2018 = tpu.vector_load_idx %arg12[%add3A_2017, %add3A_1934] : memref<128x128xf32, #tpu.memory_space<vmem>>[vector<16xi32>, vector<16xi32>], vector<16xf32>,
          %mul3A_2019 = arith.mulf %gather3A_2015, %gather3A_2018 : vector<16xf32>
          %add3A_2020 = arith.addf %scan3A_1956, %mul3A_2019 : vector<16xf32>
          %add3A_2021 = arith.constant 4 : i32
          %add3A_2022 = vector.broadcast %add3A_2021 : i32 to vector<16xi32>
          %add3A_2023 = arith.addi %iota3A, %add3A_2022 : vector<16xi32>
          %and3A_2024 = arith.constant 15 : i32
          %and3A_2025 = vector.broadcast %and3A_2024 : i32 to vector<16xi32>
          %and3A_2026 = arith.andi %add3A_2023, %and3A_2025 : vector<16xi32>
          %add3A_2027 = vector.broadcast %mul3A_1962 : i32 to vector<16xi32>
          %add3A_2028 = arith.addi %add3A_2027, %and3A_2026 : vector<16xi32>
          %gather3A_2029 = tpu.vector_load_idx %arg10[%add3A_1903, %add3A_2028] : memref<256x64xf32, #tpu.memory_space<vmem>>[vector<16xi32>, vector<16xi32>], vector<16xf32>,
          %add3A_2030 = vector.broadcast %add3A_1965 : i32 to vector<16xi32>
          %add3A_2031 = arith.addi %add3A_2030, %and3A_2026 : vector<16xi32>
          %gather3A_2032 = tpu.vector_load_idx %arg12[%add3A_2031, %add3A_1934] : memref<128x128xf32, #tpu.memory_space<vmem>>[vector<16xi32>, vector<16xi32>], vector<16xf32>,
          %mul3A_2033 = arith.mulf %gather3A_2029, %gather3A_2032 : vector<16xf32>
          %add3A_2034 = arith.addf %add3A_1978, %mul3A_2033 : vector<16xf32>
          %add3A_2035 = arith.constant 5 : i32
          %add3A_2036 = vector.broadcast %add3A_2035 : i32 to vector<16xi32>
          %add3A_2037 = arith.addi %iota3A, %add3A_2036 : vector<16xi32>
          %and3A_2038 = arith.constant 15 : i32
          %and3A_2039 = vector.broadcast %and3A_2038 : i32 to vector<16xi32>
          %and3A_2040 = arith.andi %add3A_2037, %and3A_2039 : vector<16xi32>
          %add3A_2041 = vector.broadcast %mul3A_1962 : i32 to vector<16xi32>
          %add3A_2042 = arith.addi %add3A_2041, %and3A_2040 : vector<16xi32>
          %gather3A_2043 = tpu.vector_load_idx %arg10[%add3A_1903, %add3A_2042] : memref<256x64xf32, #tpu.memory_space<vmem>>[vector<16xi32>, vector<16xi32>], vector<16xf32>,
          %add3A_2044 = vector.broadcast %add3A_1965 : i32 to vector<16xi32>
          %add3A_2045 = arith.addi %add3A_2044, %and3A_2040 : vector<16xi32>
          %gather3A_2046 = tpu.vector_load_idx %arg12[%add3A_2045, %add3A_1934] : memref<128x128xf32, #tpu.memory_space<vmem>>[vector<16xi32>, vector<16xi32>], vector<16xf32>,
          %mul3A_2047 = arith.mulf %gather3A_2043, %gather3A_2046 : vector<16xf32>
          %add3A_2048 = arith.addf %add3A_1992, %mul3A_2047 : vector<16xf32>
          %add3A_2049 = arith.constant 6 : i32
          %add3A_2050 = vector.broadcast %add3A_2049 : i32 to vector<16xi32>
          %add3A_2051 = arith.addi %iota3A, %add3A_2050 : vector<16xi32>
          %and3A_2052 = arith.constant 15 : i32
          %and3A_2053 = vector.broadcast %and3A_2052 : i32 to vector<16xi32>
          %and3A_2054 = arith.andi %add3A_2051, %and3A_2053 : vector<16xi32>
          %add3A_2055 = vector.broadcast %mul3A_1962 : i32 to vector<16xi32>
          %add3A_2056 = arith.addi %add3A_2055, %and3A_2054 : vector<16xi32>
          %gather3A_2057 = tpu.vector_load_idx %arg10[%add3A_1903, %add3A_2056] : memref<256x64xf32, #tpu.memory_space<vmem>>[vector<16xi32>, vector<16xi32>], vector<16xf32>,
          %add3A_2058 = vector.broadcast %add3A_1965 : i32 to vector<16xi32>
          %add3A_2059 = arith.addi %add3A_2058, %and3A_2054 : vector<16xi32>
          %gather3A_2060 = tpu.vector_load_idx %arg12[%add3A_2059, %add3A_1934] : memref<128x128xf32, #tpu.memory_space<vmem>>[vector<16xi32>, vector<16xi32>], vector<16xf32>,
          %mul3A_2061 = arith.mulf %gather3A_2057, %gather3A_2060 : vector<16xf32>
          %add3A_2062 = arith.addf %add3A_2006, %mul3A_2061 : vector<16xf32>
          %add3A_2063 = arith.constant 7 : i32
          %add3A_2064 = vector.broadcast %add3A_2063 : i32 to vector<16xi32>
          %add3A_2065 = arith.addi %iota3A, %add3A_2064 : vector<16xi32>
          %and3A_2066 = arith.constant 15 : i32
          %and3A_2067 = vector.broadcast %and3A_2066 : i32 to vector<16xi32>
          %and3A_2068 = arith.andi %add3A_2065, %and3A_2067 : vector<16xi32>
          %add3A_2069 = vector.broadcast %mul3A_1962 : i32 to vector<16xi32>
          %add3A_2070 = arith.addi %add3A_2069, %and3A_2068 : vector<16xi32>
          %gather3A_2071 = tpu.vector_load_idx %arg10[%add3A_1903, %add3A_2070] : memref<256x64xf32, #tpu.memory_space<vmem>>[vector<16xi32>, vector<16xi32>], vector<16xf32>,
          %add3A_2072 = vector.broadcast %add3A_1965 : i32 to vector<16xi32>
          %add3A_2073 = arith.addi %add3A_2072, %and3A_2068 : vector<16xi32>
          %gather3A_2074 = tpu.vector_load_idx %arg12[%add3A_2073, %add3A_1934] : memref<128x128xf32, #tpu.memory_space<vmem>>[vector<16xi32>, vector<16xi32>], vector<16xf32>,
          %mul3A_2075 = arith.mulf %gather3A_2071, %gather3A_2074 : vector<16xf32>
          %add3A_2076 = arith.addf %add3A_2020, %mul3A_2075 : vector<16xf32>
          %add3A_2077 = arith.constant 8 : i32
          %add3A_2078 = vector.broadcast %add3A_2077 : i32 to vector<16xi32>
          %add3A_2079 = arith.addi %iota3A, %add3A_2078 : vector<16xi32>
          %and3A_2080 = arith.constant 15 : i32
          %and3A_2081 = vector.broadcast %and3A_2080 : i32 to vector<16xi32>
          %and3A_2082 = arith.andi %add3A_2079, %and3A_2081 : vector<16xi32>
          %add3A_2083 = vector.broadcast %mul3A_1962 : i32 to vector<16xi32>
          %add3A_2084 = arith.addi %add3A_2083, %and3A_2082 : vector<16xi32>
          %gather3A_2085 = tpu.vector_load_idx %arg10[%add3A_1903, %add3A_2084] : memref<256x64xf32, #tpu.memory_space<vmem>>[vector<16xi32>, vector<16xi32>], vector<16xf32>,
          %add3A_2086 = vector.broadcast %add3A_1965 : i32 to vector<16xi32>
          %add3A_2087 = arith.addi %add3A_2086, %and3A_2082 : vector<16xi32>
          %gather3A_2088 = tpu.vector_load_idx %arg12[%add3A_2087, %add3A_1934] : memref<128x128xf32, #tpu.memory_space<vmem>>[vector<16xi32>, vector<16xi32>], vector<16xf32>,
          %mul3A_2089 = arith.mulf %gather3A_2085, %gather3A_2088 : vector<16xf32>
          %add3A_2090 = arith.addf %add3A_2034, %mul3A_2089 : vector<16xf32>
          %add3A_2091 = arith.constant 9 : i32
          %add3A_2092 = vector.broadcast %add3A_2091 : i32 to vector<16xi32>
          %add3A_2093 = arith.addi %iota3A, %add3A_2092 : vector<16xi32>
          %and3A_2094 = arith.constant 15 : i32
          %and3A_2095 = vector.broadcast %and3A_2094 : i32 to vector<16xi32>
          %and3A_2096 = arith.andi %add3A_2093, %and3A_2095 : vector<16xi32>
          %add3A_2097 = vector.broadcast %mul3A_1962 : i32 to vector<16xi32>
          %add3A_2098 = arith.addi %add3A_2097, %and3A_2096 : vector<16xi32>
          %gather3A_2099 = tpu.vector_load_idx %arg10[%add3A_1903, %add3A_2098] : memref<256x64xf32, #tpu.memory_space<vmem>>[vector<16xi32>, vector<16xi32>], vector<16xf32>,
          %add3A_2100 = vector.broadcast %add3A_1965 : i32 to vector<16xi32>
          %add3A_2101 = arith.addi %add3A_2100, %and3A_2096 : vector<16xi32>
          %gather3A_2102 = tpu.vector_load_idx %arg12[%add3A_2101, %add3A_1934] : memref<128x128xf32, #tpu.memory_space<vmem>>[vector<16xi32>, vector<16xi32>], vector<16xf32>,
          %mul3A_2103 = arith.mulf %gather3A_2099, %gather3A_2102 : vector<16xf32>
          %add3A_2104 = arith.addf %add3A_2048, %mul3A_2103 : vector<16xf32>
          %add3A_2105 = arith.constant 10 : i32
          %add3A_2106 = vector.broadcast %add3A_2105 : i32 to vector<16xi32>
          %add3A_2107 = arith.addi %iota3A, %add3A_2106 : vector<16xi32>
          %and3A_2108 = arith.constant 15 : i32
          %and3A_2109 = vector.broadcast %and3A_2108 : i32 to vector<16xi32>
          %and3A_2110 = arith.andi %add3A_2107, %and3A_2109 : vector<16xi32>
          %add3A_2111 = vector.broadcast %mul3A_1962 : i32 to vector<16xi32>
          %add3A_2112 = arith.addi %add3A_2111, %and3A_2110 : vector<16xi32>
          %gather3A_2113 = tpu.vector_load_idx %arg10[%add3A_1903, %add3A_2112] : memref<256x64xf32, #tpu.memory_space<vmem>>[vector<16xi32>, vector<16xi32>], vector<16xf32>,
          %add3A_2114 = vector.broadcast %add3A_1965 : i32 to vector<16xi32>
          %add3A_2115 = arith.addi %add3A_2114, %and3A_2110 : vector<16xi32>
          %gather3A_2116 = tpu.vector_load_idx %arg12[%add3A_2115, %add3A_1934] : memref<128x128xf32, #tpu.memory_space<vmem>>[vector<16xi32>, vector<16xi32>], vector<16xf32>,
          %mul3A_2117 = arith.mulf %gather3A_2113, %gather3A_2116 : vector<16xf32>
          %add3A_2118 = arith.addf %add3A_2062, %mul3A_2117 : vector<16xf32>
          %add3A_2119 = arith.constant 11 : i32
          %add3A_2120 = vector.broadcast %add3A_2119 : i32 to vector<16xi32>
          %add3A_2121 = arith.addi %iota3A, %add3A_2120 : vector<16xi32>
          %and3A_2122 = arith.constant 15 : i32
          %and3A_2123 = vector.broadcast %and3A_2122 : i32 to vector<16xi32>
          %and3A_2124 = arith.andi %add3A_2121, %and3A_2123 : vector<16xi32>
          %add3A_2125 = vector.broadcast %mul3A_1962 : i32 to vector<16xi32>
          %add3A_2126 = arith.addi %add3A_2125, %and3A_2124 : vector<16xi32>
          %gather3A_2127 = tpu.vector_load_idx %arg10[%add3A_1903, %add3A_2126] : memref<256x64xf32, #tpu.memory_space<vmem>>[vector<16xi32>, vector<16xi32>], vector<16xf32>,
          %add3A_2128 = vector.broadcast %add3A_1965 : i32 to vector<16xi32>
          %add3A_2129 = arith.addi %add3A_2128, %and3A_2124 : vector<16xi32>
          %gather3A_2130 = tpu.vector_load_idx %arg12[%add3A_2129, %add3A_1934] : memref<128x128xf32, #tpu.memory_space<vmem>>[vector<16xi32>, vector<16xi32>], vector<16xf32>,
          %mul3A_2131 = arith.mulf %gather3A_2127, %gather3A_2130 : vector<16xf32>
          %add3A_2132 = arith.addf %add3A_2076, %mul3A_2131 : vector<16xf32>
          %add3A_2133 = arith.constant 12 : i32
          %add3A_2134 = vector.broadcast %add3A_2133 : i32 to vector<16xi32>
          %add3A_2135 = arith.addi %iota3A, %add3A_2134 : vector<16xi32>
          %and3A_2136 = arith.constant 15 : i32
          %and3A_2137 = vector.broadcast %and3A_2136 : i32 to vector<16xi32>
          %and3A_2138 = arith.andi %add3A_2135, %and3A_2137 : vector<16xi32>
          %add3A_2139 = vector.broadcast %mul3A_1962 : i32 to vector<16xi32>
          %add3A_2140 = arith.addi %add3A_2139, %and3A_2138 : vector<16xi32>
          %gather3A_2141 = tpu.vector_load_idx %arg10[%add3A_1903, %add3A_2140] : memref<256x64xf32, #tpu.memory_space<vmem>>[vector<16xi32>, vector<16xi32>], vector<16xf32>,
          %add3A_2142 = vector.broadcast %add3A_1965 : i32 to vector<16xi32>
          %add3A_2143 = arith.addi %add3A_2142, %and3A_2138 : vector<16xi32>
          %gather3A_2144 = tpu.vector_load_idx %arg12[%add3A_2143, %add3A_1934] : memref<128x128xf32, #tpu.memory_space<vmem>>[vector<16xi32>, vector<16xi32>], vector<16xf32>,
          %mul3A_2145 = arith.mulf %gather3A_2141, %gather3A_2144 : vector<16xf32>
          %add3A_2146 = arith.addf %add3A_2090, %mul3A_2145 : vector<16xf32>
          %add3A_2147 = arith.constant 13 : i32
          %add3A_2148 = vector.broadcast %add3A_2147 : i32 to vector<16xi32>
          %add3A_2149 = arith.addi %iota3A, %add3A_2148 : vector<16xi32>
          %and3A_2150 = arith.constant 15 : i32
          %and3A_2151 = vector.broadcast %and3A_2150 : i32 to vector<16xi32>
          %and3A_2152 = arith.andi %add3A_2149, %and3A_2151 : vector<16xi32>
          %add3A_2153 = vector.broadcast %mul3A_1962 : i32 to vector<16xi32>
          %add3A_2154 = arith.addi %add3A_2153, %and3A_2152 : vector<16xi32>
          %gather3A_2155 = tpu.vector_load_idx %arg10[%add3A_1903, %add3A_2154] : memref<256x64xf32, #tpu.memory_space<vmem>>[vector<16xi32>, vector<16xi32>], vector<16xf32>,
          %add3A_2156 = vector.broadcast %add3A_1965 : i32 to vector<16xi32>
          %add3A_2157 = arith.addi %add3A_2156, %and3A_2152 : vector<16xi32>
          %gather3A_2158 = tpu.vector_load_idx %arg12[%add3A_2157, %add3A_1934] : memref<128x128xf32, #tpu.memory_space<vmem>>[vector<16xi32>, vector<16xi32>], vector<16xf32>,
          %mul3A_2159 = arith.mulf %gather3A_2155, %gather3A_2158 : vector<16xf32>
          %add3A_2160 = arith.addf %add3A_2104, %mul3A_2159 : vector<16xf32>
          %add3A_2161 = arith.constant 14 : i32
          %add3A_2162 = vector.broadcast %add3A_2161 : i32 to vector<16xi32>
          %add3A_2163 = arith.addi %iota3A, %add3A_2162 : vector<16xi32>
          %and3A_2164 = arith.constant 15 : i32
          %and3A_2165 = vector.broadcast %and3A_2164 : i32 to vector<16xi32>
          %and3A_2166 = arith.andi %add3A_2163, %and3A_2165 : vector<16xi32>
          %add3A_2167 = vector.broadcast %mul3A_1962 : i32 to vector<16xi32>
          %add3A_2168 = arith.addi %add3A_2167, %and3A_2166 : vector<16xi32>
          %gather3A_2169 = tpu.vector_load_idx %arg10[%add3A_1903, %add3A_2168] : memref<256x64xf32, #tpu.memory_space<vmem>>[vector<16xi32>, vector<16xi32>], vector<16xf32>,
          %add3A_2170 = vector.broadcast %add3A_1965 : i32 to vector<16xi32>
          %add3A_2171 = arith.addi %add3A_2170, %and3A_2166 : vector<16xi32>
          %gather3A_2172 = tpu.vector_load_idx %arg12[%add3A_2171, %add3A_1934] : memref<128x128xf32, #tpu.memory_space<vmem>>[vector<16xi32>, vector<16xi32>], vector<16xf32>,
          %mul3A_2173 = arith.mulf %gather3A_2169, %gather3A_2172 : vector<16xf32>
          %add3A_2174 = arith.addf %add3A_2118, %mul3A_2173 : vector<16xf32>
          %add3A_2175 = arith.constant 15 : i32
          %add3A_2176 = vector.broadcast %add3A_2175 : i32 to vector<16xi32>
          %add3A_2177 = arith.addi %iota3A, %add3A_2176 : vector<16xi32>
          %and3A_2178 = arith.constant 15 : i32
          %and3A_2179 = vector.broadcast %and3A_2178 : i32 to vector<16xi32>
          %and3A_2180 = arith.andi %add3A_2177, %and3A_2179 : vector<16xi32>
          %add3A_2181 = vector.broadcast %mul3A_1962 : i32 to vector<16xi32>
          %add3A_2182 = arith.addi %add3A_2181, %and3A_2180 : vector<16xi32>
          %gather3A_2183 = tpu.vector_load_idx %arg10[%add3A_1903, %add3A_2182] : memref<256x64xf32, #tpu.memory_space<vmem>>[vector<16xi32>, vector<16xi32>], vector<16xf32>,
          %add3A_2184 = vector.broadcast %add3A_1965 : i32 to vector<16xi32>
          %add3A_2185 = arith.addi %add3A_2184, %and3A_2180 : vector<16xi32>
          %gather3A_2186 = tpu.vector_load_idx %arg12[%add3A_2185, %add3A_1934] : memref<128x128xf32, #tpu.memory_space<vmem>>[vector<16xi32>, vector<16xi32>], vector<16xf32>,
          %mul3A_2187 = arith.mulf %gather3A_2183, %gather3A_2186 : vector<16xf32>
          %add3A_2188 = arith.addf %add3A_2132, %mul3A_2187 : vector<16xf32>
          scf.yield %add3A_2146, %add3A_2160, %add3A_2174, %add3A_2188 : vector<16xf32>, vector<16xf32>, vector<16xf32>, vector<16xf32>
        }
        %scan3A_1941 = arith.constant 4 : i32
        %add3A_1942 = arith.addf %scan3A_1940#0, %scan3A_1940#1 : vector<16xf32>
        %add3A_1943 = arith.addf %scan3A_1940#2, %scan3A_1940#3 : vector<16xf32>
        %add3A_1944 = arith.addf %add3A_1942, %add3A_1943 : vector<16xf32>
        %mul3A_1945 = arith.constant 16 : i32
        %mul3A_1946 = arith.muli %add3A_1899, %mul3A_1945 : i32
        %get3A = arith.index_cast %mul3A_1946 : i32 to index
        %get3A_1947 = tpu.vector_load %arg14[%get3A] {strides = array<i32>} : memref<256xf32, #tpu.memory_space<vmem>>, vector<16xf32>,
        %add3A_1948 = arith.addf %add3A_1944, %get3A_1947 : vector<16xf32>
        %mul3A_1949 = arith.constant 16 : i32
        %mul3A_1950 = arith.muli %add3A_1899, %mul3A_1949 : i32
        %swap3A = arith.index_cast %mul3A_1950 : i32 to index
        %swap3A_1951 = tpu.vector_load %arg16[%swap3A] {strides = array<i32>} : memref<256xf32, #tpu.memory_space<vmem>>, vector<16xf32>,
        tpu.vector_store %arg16[%swap3A], %add3A_1948 {strides = array<i32>} : memref<256xf32, #tpu.memory_space<vmem>>, vector<16xf32>,
      }
      %scan3A_1861 = arith.constant 16 : i32
      %jit3A_1862 = arith.constant 16 : i32
      %div3A_1863 = arith.divsi %add3A_1529, %jit3A_1862 : i32
      %sign3A_1864 = arith.constant 0 : i32
      %sign3A_1865 = arith.cmpi sgt, %add3A_1529, %sign3A_1864 : i32
      %sign3A_1866 = arith.extui %sign3A_1865 : i1 to i32
      %sign3A_1867 = arith.constant 0 : i32
      %sign3A_1868 = arith.cmpi slt, %add3A_1529, %sign3A_1867 : i32
      %sign3A_1869 = arith.extui %sign3A_1868 : i1 to i32
      %sign3A_1870 = arith.subi %sign3A_1866, %sign3A_1869 : i32
      %sign3A_1871 = arith.constant 0 : i32
      %sign3A_1872 = arith.cmpi sgt, %jit3A_1862, %sign3A_1871 : i32
      %sign3A_1873 = arith.extui %sign3A_1872 : i1 to i32
      %sign3A_1874 = arith.constant 0 : i32
      %sign3A_1875 = arith.cmpi slt, %jit3A_1862, %sign3A_1874 : i32
      %sign3A_1876 = arith.extui %sign3A_1875 : i1 to i32
      %sign3A_1877 = arith.subi %sign3A_1873, %sign3A_1876 : i32
      %ne3A_1878 = arith.cmpi ne, %sign3A_1870, %sign3A_1877 : i32
      %rem3A_1879 = arith.remsi %add3A_1529, %jit3A_1862 : i32
      %ne3A_1880 = arith.constant 0 : i32
      %ne3A_1881 = arith.cmpi ne, %rem3A_1879, %ne3A_1880 : i32
      %and3A_1882 = arith.andi %ne3A_1878, %ne3A_1881 : i1
      %sub3A_1883 = arith.constant 1 : i32
      %sub3A_1884 = arith.subi %div3A_1863, %sub3A_1883 : i32
      %select_n3A_1885 = arith.select %and3A_1882, %sub3A_1884, %div3A_1863 : i32
      %mul3A_1886 = arith.constant 16 : i32
      %mul3A_1887 = arith.muli %select_n3A_1885, %mul3A_1886 : i32
      %sub3A_1888 = arith.subi %add3A_1529, %mul3A_1887 : i32
      %mul3A_1889 = arith.constant 256 : i32
      %mul3A_1890 = arith.muli %sub3A_1888, %mul3A_1889 : i32
      %dma_start3A_1891 = tpu.memref_slice %arg6[%select_n3A_1885, %mul3A_1890] : memref<50x4096xf32, #tpu.memory_space<hbm>> -> memref<1x256xf32, #tpu.memory_space<hbm>>
      %dma_start3A_1892 = tpu.memref_squeeze %dma_start3A_1891 : memref<1x256xf32, #tpu.memory_space<hbm>> -> memref<256xf32, #tpu.memory_space<hbm>>
      %dma_start3A_1893 = tpu.memref_slice %arg6[%select_n3A_1885, %mul3A_1890] : memref<50x4096xf32, #tpu.memory_space<hbm>> -> memref<1x256xf32, #tpu.memory_space<hbm>>
      %dma_start3A_1894 = tpu.memref_squeeze %dma_start3A_1893 : memref<1x256xf32, #tpu.memory_space<hbm>> -> memref<256xf32, #tpu.memory_space<hbm>>
      tpu.enqueue_dma source(%arg16 : memref<256xf32, #tpu.memory_space<vmem>>) target(%dma_start3A_1894 : memref<256xf32, #tpu.memory_space<hbm>>) target_semaphore(%arg22 : memref<!tpu.dma_semaphore, #tpu.memory_space<semaphore_mem>>)
    }
    %scan3A_782 = arith.constant 12 : i32
    %add3A_783 = arith.constant 768 : i32
    %add3A_784 = arith.addi %add3A_783, %add3A : i32
    %dma_wait3A_785 = arith.constant 0 : i32
    %dma_wait3A_786 = arith.constant 0 : i32
    %dma_wait3A_787 = tpu.memref_slice %arg9[%dma_wait3A_785, %dma_wait3A_786] : memref<256x64xf32, #tpu.memory_space<vmem>> -> memref<128x64xf32, #tpu.memory_space<vmem>>
    %dma_wait3A_788 = arith.constant 0 : i32
    %dma_wait3A_789 = arith.constant 0 : i32
    %dma_wait3A_790 = tpu.memref_slice %arg4[%dma_wait3A_788, %dma_wait3A_789] : memref<100000x64xf32, #tpu.memory_space<hbm>> -> memref<128x64xf32, #tpu.memory_space<hbm>>
    %dma_wait3A_791 = arith.constant 0 : i32
    %dma_wait3A_792 = arith.constant 0 : i32
    %dma_wait3A_793 = tpu.memref_slice %arg9[%dma_wait3A_791, %dma_wait3A_792] : memref<256x64xf32, #tpu.memory_space<vmem>> -> memref<128x64xf32, #tpu.memory_space<vmem>>
    %dma_wait3A_794 = arith.constant 0 : i32
    %dma_wait3A_795 = arith.constant 0 : i32
    %dma_wait3A_796 = tpu.memref_slice %arg4[%dma_wait3A_794, %dma_wait3A_795] : memref<100000x64xf32, #tpu.memory_space<hbm>> -> memref<128x64xf32, #tpu.memory_space<hbm>>
    tpu.wait_dma2 semaphore(%arg19 : memref<!tpu.dma_semaphore, #tpu.memory_space<semaphore_mem>>) src(%dma_wait3A_796 : memref<128x64xf32, #tpu.memory_space<hbm>>) dst(%dma_wait3A_793 : memref<128x64xf32, #tpu.memory_space<vmem>>)
    %dma_wait3A_797 = arith.constant 0 : i32
    %dma_wait3A_798 = tpu.memref_slice %arg13[%dma_wait3A_797] : memref<256xf32, #tpu.memory_space<vmem>> -> memref<128xf32, #tpu.memory_space<vmem>>
    %dma_wait3A_799 = arith.constant 0 : i32
    %dma_wait3A_800 = tpu.memref_slice %arg5[%dma_wait3A_799] : memref<100000xf32, #tpu.memory_space<hbm>> -> memref<128xf32, #tpu.memory_space<hbm>>
    %dma_wait3A_801 = arith.constant 0 : i32
    %dma_wait3A_802 = tpu.memref_slice %arg13[%dma_wait3A_801] : memref<256xf32, #tpu.memory_space<vmem>> -> memref<128xf32, #tpu.memory_space<vmem>>
    %dma_wait3A_803 = arith.constant 0 : i32
    %dma_wait3A_804 = tpu.memref_slice %arg5[%dma_wait3A_803] : memref<100000xf32, #tpu.memory_space<hbm>> -> memref<128xf32, #tpu.memory_space<hbm>>
    tpu.wait_dma2 semaphore(%arg19 : memref<!tpu.dma_semaphore, #tpu.memory_space<semaphore_mem>>) src(%dma_wait3A_804 : memref<128xf32, #tpu.memory_space<hbm>>) dst(%dma_wait3A_802 : memref<128xf32, #tpu.memory_space<vmem>>)
    %dma_wait3A_805 = arith.constant 128 : i32
    %dma_wait3A_806 = arith.constant 0 : i32
    %dma_wait3A_807 = tpu.memref_slice %arg9[%dma_wait3A_805, %dma_wait3A_806] : memref<256x64xf32, #tpu.memory_space<vmem>> -> memref<128x64xf32, #tpu.memory_space<vmem>>
    %dma_wait3A_808 = arith.constant 0 : i32
    %dma_wait3A_809 = arith.constant 0 : i32
    %dma_wait3A_810 = tpu.memref_slice %arg4[%dma_wait3A_808, %dma_wait3A_809] : memref<100000x64xf32, #tpu.memory_space<hbm>> -> memref<128x64xf32, #tpu.memory_space<hbm>>
    %dma_wait3A_811 = arith.constant 128 : i32
    %dma_wait3A_812 = arith.constant 0 : i32
    %dma_wait3A_813 = tpu.memref_slice %arg9[%dma_wait3A_811, %dma_wait3A_812] : memref<256x64xf32, #tpu.memory_space<vmem>> -> memref<128x64xf32, #tpu.memory_space<vmem>>
    %dma_wait3A_814 = arith.constant 0 : i32
    %dma_wait3A_815 = arith.constant 0 : i32
    %dma_wait3A_816 = tpu.memref_slice %arg4[%dma_wait3A_814, %dma_wait3A_815] : memref<100000x64xf32, #tpu.memory_space<hbm>> -> memref<128x64xf32, #tpu.memory_space<hbm>>
    tpu.wait_dma2 semaphore(%arg19 : memref<!tpu.dma_semaphore, #tpu.memory_space<semaphore_mem>>) src(%dma_wait3A_816 : memref<128x64xf32, #tpu.memory_space<hbm>>) dst(%dma_wait3A_813 : memref<128x64xf32, #tpu.memory_space<vmem>>)
    %dma_wait3A_817 = arith.constant 128 : i32
    %dma_wait3A_818 = tpu.memref_slice %arg13[%dma_wait3A_817] : memref<256xf32, #tpu.memory_space<vmem>> -> memref<128xf32, #tpu.memory_space<vmem>>
    %dma_wait3A_819 = arith.constant 0 : i32
    %dma_wait3A_820 = tpu.memref_slice %arg5[%dma_wait3A_819] : memref<100000xf32, #tpu.memory_space<hbm>> -> memref<128xf32, #tpu.memory_space<hbm>>
    %dma_wait3A_821 = arith.constant 128 : i32
    %dma_wait3A_822 = tpu.memref_slice %arg13[%dma_wait3A_821] : memref<256xf32, #tpu.memory_space<vmem>> -> memref<128xf32, #tpu.memory_space<vmem>>
    %dma_wait3A_823 = arith.constant 0 : i32
    %dma_wait3A_824 = tpu.memref_slice %arg5[%dma_wait3A_823] : memref<100000xf32, #tpu.memory_space<hbm>> -> memref<128xf32, #tpu.memory_space<hbm>>
    tpu.wait_dma2 semaphore(%arg19 : memref<!tpu.dma_semaphore, #tpu.memory_space<semaphore_mem>>) src(%dma_wait3A_824 : memref<128xf32, #tpu.memory_space<hbm>>) dst(%dma_wait3A_822 : memref<128xf32, #tpu.memory_space<vmem>>)
    %dma_wait3A_825 = arith.constant 0 : i32
    %dma_wait3A_826 = arith.constant 0 : i32
    %dma_wait3A_827 = arith.constant 0 : i32
    %dma_wait3A_828 = arith.constant 0 : i32
    %dma_wait3A_829 = arith.constant 0 : i32
    %dma_wait3A_830 = tpu.memref_slice %arg11[%dma_wait3A_828, %dma_wait3A_829] : memref<128x128xf32, #tpu.memory_space<vmem>> -> memref<8x128xf32, #tpu.memory_space<vmem>>
    %dma_wait3A_831 = arith.constant 0 : i32
    %dma_wait3A_832 = arith.constant 0 : i32
    %dma_wait3A_833 = tpu.memref_slice %arg2[%dma_wait3A_825, %dma_wait3A_826, %dma_wait3A_827, %dma_wait3A_831, %dma_wait3A_832] : memref<50x8x32x8x128xf32, #tpu.memory_space<hbm>> -> memref<1x1x1x8x128xf32, #tpu.memory_space<hbm>>
    %dma_wait3A_834 = tpu.memref_squeeze %dma_wait3A_833 : memref<1x1x1x8x128xf32, #tpu.memory_space<hbm>> -> memref<8x128xf32, #tpu.memory_space<hbm>>
    %dma_wait3A_835 = arith.constant 0 : i32
    %dma_wait3A_836 = arith.constant 0 : i32
    %dma_wait3A_837 = tpu.memref_slice %arg11[%dma_wait3A_835, %dma_wait3A_836] : memref<128x128xf32, #tpu.memory_space<vmem>> -> memref<8x128xf32, #tpu.memory_space<vmem>>
    %dma_wait3A_838 = arith.constant 0 : i32
    %dma_wait3A_839 = arith.constant 0 : i32
    %dma_wait3A_840 = tpu.memref_slice %arg2[%dma_wait3A_825, %dma_wait3A_826, %dma_wait3A_827, %dma_wait3A_838, %dma_wait3A_839] : memref<50x8x32x8x128xf32, #tpu.memory_space<hbm>> -> memref<1x1x1x8x128xf32, #tpu.memory_space<hbm>>
    %dma_wait3A_841 = tpu.memref_squeeze %dma_wait3A_840 : memref<1x1x1x8x128xf32, #tpu.memory_space<hbm>> -> memref<8x128xf32, #tpu.memory_space<hbm>>
    tpu.wait_dma2 semaphore(%arg19 : memref<!tpu.dma_semaphore, #tpu.memory_space<semaphore_mem>>) src(%dma_wait3A_841 : memref<8x128xf32, #tpu.memory_space<hbm>>) dst(%dma_wait3A_837 : memref<8x128xf32, #tpu.memory_space<vmem>>)
    %dma_wait3A_842 = arith.constant 0 : i32
    %dma_wait3A_843 = arith.constant 0 : i32
    %dma_wait3A_844 = arith.constant 0 : i32
    %dma_wait3A_845 = arith.constant 0 : i32
    %dma_wait3A_846 = arith.constant 0 : i32
    %dma_wait3A_847 = tpu.memref_slice %arg11[%dma_wait3A_845, %dma_wait3A_846] : memref<128x128xf32, #tpu.memory_space<vmem>> -> memref<8x128xf32, #tpu.memory_space<vmem>>
    %dma_wait3A_848 = arith.constant 0 : i32
    %dma_wait3A_849 = arith.constant 0 : i32
    %dma_wait3A_850 = tpu.memref_slice %arg2[%dma_wait3A_842, %dma_wait3A_843, %dma_wait3A_844, %dma_wait3A_848, %dma_wait3A_849] : memref<50x8x32x8x128xf32, #tpu.memory_space<hbm>> -> memref<1x1x1x8x128xf32, #tpu.memory_space<hbm>>
    %dma_wait3A_851 = tpu.memref_squeeze %dma_wait3A_850 : memref<1x1x1x8x128xf32, #tpu.memory_space<hbm>> -> memref<8x128xf32, #tpu.memory_space<hbm>>
    %dma_wait3A_852 = arith.constant 0 : i32
    %dma_wait3A_853 = arith.constant 0 : i32
    %dma_wait3A_854 = tpu.memref_slice %arg11[%dma_wait3A_852, %dma_wait3A_853] : memref<128x128xf32, #tpu.memory_space<vmem>> -> memref<8x128xf32, #tpu.memory_space<vmem>>
    %dma_wait3A_855 = arith.constant 0 : i32
    %dma_wait3A_856 = arith.constant 0 : i32
    %dma_wait3A_857 = tpu.memref_slice %arg2[%dma_wait3A_842, %dma_wait3A_843, %dma_wait3A_844, %dma_wait3A_855, %dma_wait3A_856] : memref<50x8x32x8x128xf32, #tpu.memory_space<hbm>> -> memref<1x1x1x8x128xf32, #tpu.memory_space<hbm>>
    %dma_wait3A_858 = tpu.memref_squeeze %dma_wait3A_857 : memref<1x1x1x8x128xf32, #tpu.memory_space<hbm>> -> memref<8x128xf32, #tpu.memory_space<hbm>>
    tpu.wait_dma2 semaphore(%arg19 : memref<!tpu.dma_semaphore, #tpu.memory_space<semaphore_mem>>) src(%dma_wait3A_858 : memref<8x128xf32, #tpu.memory_space<hbm>>) dst(%dma_wait3A_854 : memref<8x128xf32, #tpu.memory_space<vmem>>)
    %dma_wait3A_859 = arith.constant 0 : i32
    %dma_wait3A_860 = arith.constant 0 : i32
    %dma_wait3A_861 = arith.constant 0 : i32
    %dma_wait3A_862 = arith.constant 0 : i32
    %dma_wait3A_863 = arith.constant 0 : i32
    %dma_wait3A_864 = tpu.memref_slice %arg11[%dma_wait3A_862, %dma_wait3A_863] : memref<128x128xf32, #tpu.memory_space<vmem>> -> memref<8x128xf32, #tpu.memory_space<vmem>>
    %dma_wait3A_865 = arith.constant 0 : i32
    %dma_wait3A_866 = arith.constant 0 : i32
    %dma_wait3A_867 = tpu.memref_slice %arg2[%dma_wait3A_859, %dma_wait3A_860, %dma_wait3A_861, %dma_wait3A_865, %dma_wait3A_866] : memref<50x8x32x8x128xf32, #tpu.memory_space<hbm>> -> memref<1x1x1x8x128xf32, #tpu.memory_space<hbm>>
    %dma_wait3A_868 = tpu.memref_squeeze %dma_wait3A_867 : memref<1x1x1x8x128xf32, #tpu.memory_space<hbm>> -> memref<8x128xf32, #tpu.memory_space<hbm>>
    %dma_wait3A_869 = arith.constant 0 : i32
    %dma_wait3A_870 = arith.constant 0 : i32
    %dma_wait3A_871 = tpu.memref_slice %arg11[%dma_wait3A_869, %dma_wait3A_870] : memref<128x128xf32, #tpu.memory_space<vmem>> -> memref<8x128xf32, #tpu.memory_space<vmem>>
    %dma_wait3A_872 = arith.constant 0 : i32
    %dma_wait3A_873 = arith.constant 0 : i32
    %dma_wait3A_874 = tpu.memref_slice %arg2[%dma_wait3A_859, %dma_wait3A_860, %dma_wait3A_861, %dma_wait3A_872, %dma_wait3A_873] : memref<50x8x32x8x128xf32, #tpu.memory_space<hbm>> -> memref<1x1x1x8x128xf32, #tpu.memory_space<hbm>>
    %dma_wait3A_875 = tpu.memref_squeeze %dma_wait3A_874 : memref<1x1x1x8x128xf32, #tpu.memory_space<hbm>> -> memref<8x128xf32, #tpu.memory_space<hbm>>
    tpu.wait_dma2 semaphore(%arg19 : memref<!tpu.dma_semaphore, #tpu.memory_space<semaphore_mem>>) src(%dma_wait3A_875 : memref<8x128xf32, #tpu.memory_space<hbm>>) dst(%dma_wait3A_871 : memref<8x128xf32, #tpu.memory_space<vmem>>)
    %dma_wait3A_876 = arith.constant 0 : i32
    %dma_wait3A_877 = arith.constant 0 : i32
    %dma_wait3A_878 = arith.constant 0 : i32
    %dma_wait3A_879 = arith.constant 0 : i32
    %dma_wait3A_880 = arith.constant 0 : i32
    %dma_wait3A_881 = tpu.memref_slice %arg11[%dma_wait3A_879, %dma_wait3A_880] : memref<128x128xf32, #tpu.memory_space<vmem>> -> memref<8x128xf32, #tpu.memory_space<vmem>>
    %dma_wait3A_882 = arith.constant 0 : i32
    %dma_wait3A_883 = arith.constant 0 : i32
    %dma_wait3A_884 = tpu.memref_slice %arg2[%dma_wait3A_876, %dma_wait3A_877, %dma_wait3A_878, %dma_wait3A_882, %dma_wait3A_883] : memref<50x8x32x8x128xf32, #tpu.memory_space<hbm>> -> memref<1x1x1x8x128xf32, #tpu.memory_space<hbm>>
    %dma_wait3A_885 = tpu.memref_squeeze %dma_wait3A_884 : memref<1x1x1x8x128xf32, #tpu.memory_space<hbm>> -> memref<8x128xf32, #tpu.memory_space<hbm>>
    %dma_wait3A_886 = arith.constant 0 : i32
    %dma_wait3A_887 = arith.constant 0 : i32
    %dma_wait3A_888 = tpu.memref_slice %arg11[%dma_wait3A_886, %dma_wait3A_887] : memref<128x128xf32, #tpu.memory_space<vmem>> -> memref<8x128xf32, #tpu.memory_space<vmem>>
    %dma_wait3A_889 = arith.constant 0 : i32
    %dma_wait3A_890 = arith.constant 0 : i32
    %dma_wait3A_891 = tpu.memref_slice %arg2[%dma_wait3A_876, %dma_wait3A_877, %dma_wait3A_878, %dma_wait3A_889, %dma_wait3A_890] : memref<50x8x32x8x128xf32, #tpu.memory_space<hbm>> -> memref<1x1x1x8x128xf32, #tpu.memory_space<hbm>>
    %dma_wait3A_892 = tpu.memref_squeeze %dma_wait3A_891 : memref<1x1x1x8x128xf32, #tpu.memory_space<hbm>> -> memref<8x128xf32, #tpu.memory_space<hbm>>
    tpu.wait_dma2 semaphore(%arg19 : memref<!tpu.dma_semaphore, #tpu.memory_space<semaphore_mem>>) src(%dma_wait3A_892 : memref<8x128xf32, #tpu.memory_space<hbm>>) dst(%dma_wait3A_888 : memref<8x128xf32, #tpu.memory_space<vmem>>)
    %dma_wait3A_893 = arith.constant 0 : i32
    %dma_wait3A_894 = arith.constant 0 : i32
    %dma_wait3A_895 = arith.constant 0 : i32
    %dma_wait3A_896 = arith.constant 0 : i32
    %dma_wait3A_897 = arith.constant 0 : i32
    %dma_wait3A_898 = tpu.memref_slice %arg11[%dma_wait3A_896, %dma_wait3A_897] : memref<128x128xf32, #tpu.memory_space<vmem>> -> memref<8x128xf32, #tpu.memory_space<vmem>>
    %dma_wait3A_899 = arith.constant 0 : i32
    %dma_wait3A_900 = arith.constant 0 : i32
    %dma_wait3A_901 = tpu.memref_slice %arg2[%dma_wait3A_893, %dma_wait3A_894, %dma_wait3A_895, %dma_wait3A_899, %dma_wait3A_900] : memref<50x8x32x8x128xf32, #tpu.memory_space<hbm>> -> memref<1x1x1x8x128xf32, #tpu.memory_space<hbm>>
    %dma_wait3A_902 = tpu.memref_squeeze %dma_wait3A_901 : memref<1x1x1x8x128xf32, #tpu.memory_space<hbm>> -> memref<8x128xf32, #tpu.memory_space<hbm>>
    %dma_wait3A_903 = arith.constant 0 : i32
    %dma_wait3A_904 = arith.constant 0 : i32
    %dma_wait3A_905 = tpu.memref_slice %arg11[%dma_wait3A_903, %dma_wait3A_904] : memref<128x128xf32, #tpu.memory_space<vmem>> -> memref<8x128xf32, #tpu.memory_space<vmem>>
    %dma_wait3A_906 = arith.constant 0 : i32
    %dma_wait3A_907 = arith.constant 0 : i32
    %dma_wait3A_908 = tpu.memref_slice %arg2[%dma_wait3A_893, %dma_wait3A_894, %dma_wait3A_895, %dma_wait3A_906, %dma_wait3A_907] : memref<50x8x32x8x128xf32, #tpu.memory_space<hbm>> -> memref<1x1x1x8x128xf32, #tpu.memory_space<hbm>>
    %dma_wait3A_909 = tpu.memref_squeeze %dma_wait3A_908 : memref<1x1x1x8x128xf32, #tpu.memory_space<hbm>> -> memref<8x128xf32, #tpu.memory_space<hbm>>
    tpu.wait_dma2 semaphore(%arg19 : memref<!tpu.dma_semaphore, #tpu.memory_space<semaphore_mem>>) src(%dma_wait3A_909 : memref<8x128xf32, #tpu.memory_space<hbm>>) dst(%dma_wait3A_905 : memref<8x128xf32, #tpu.memory_space<vmem>>)
    %dma_wait3A_910 = arith.constant 0 : i32
    %dma_wait3A_911 = arith.constant 0 : i32
    %dma_wait3A_912 = arith.constant 0 : i32
    %dma_wait3A_913 = arith.constant 0 : i32
    %dma_wait3A_914 = arith.constant 0 : i32
    %dma_wait3A_915 = tpu.memref_slice %arg11[%dma_wait3A_913, %dma_wait3A_914] : memref<128x128xf32, #tpu.memory_space<vmem>> -> memref<8x128xf32, #tpu.memory_space<vmem>>
    %dma_wait3A_916 = arith.constant 0 : i32
    %dma_wait3A_917 = arith.constant 0 : i32
    %dma_wait3A_918 = tpu.memref_slice %arg2[%dma_wait3A_910, %dma_wait3A_911, %dma_wait3A_912, %dma_wait3A_916, %dma_wait3A_917] : memref<50x8x32x8x128xf32, #tpu.memory_space<hbm>> -> memref<1x1x1x8x128xf32, #tpu.memory_space<hbm>>
    %dma_wait3A_919 = tpu.memref_squeeze %dma_wait3A_918 : memref<1x1x1x8x128xf32, #tpu.memory_space<hbm>> -> memref<8x128xf32, #tpu.memory_space<hbm>>
    %dma_wait3A_920 = arith.constant 0 : i32
    %dma_wait3A_921 = arith.constant 0 : i32
    %dma_wait3A_922 = tpu.memref_slice %arg11[%dma_wait3A_920, %dma_wait3A_921] : memref<128x128xf32, #tpu.memory_space<vmem>> -> memref<8x128xf32, #tpu.memory_space<vmem>>
    %dma_wait3A_923 = arith.constant 0 : i32
    %dma_wait3A_924 = arith.constant 0 : i32
    %dma_wait3A_925 = tpu.memref_slice %arg2[%dma_wait3A_910, %dma_wait3A_911, %dma_wait3A_912, %dma_wait3A_923, %dma_wait3A_924] : memref<50x8x32x8x128xf32, #tpu.memory_space<hbm>> -> memref<1x1x1x8x128xf32, #tpu.memory_space<hbm>>
    %dma_wait3A_926 = tpu.memref_squeeze %dma_wait3A_925 : memref<1x1x1x8x128xf32, #tpu.memory_space<hbm>> -> memref<8x128xf32, #tpu.memory_space<hbm>>
    tpu.wait_dma2 semaphore(%arg19 : memref<!tpu.dma_semaphore, #tpu.memory_space<semaphore_mem>>) src(%dma_wait3A_926 : memref<8x128xf32, #tpu.memory_space<hbm>>) dst(%dma_wait3A_922 : memref<8x128xf32, #tpu.memory_space<vmem>>)
    %dma_wait3A_927 = arith.constant 0 : i32
    %dma_wait3A_928 = arith.constant 0 : i32
    %dma_wait3A_929 = arith.constant 0 : i32
    %dma_wait3A_930 = arith.constant 0 : i32
    %dma_wait3A_931 = arith.constant 0 : i32
    %dma_wait3A_932 = tpu.memref_slice %arg11[%dma_wait3A_930, %dma_wait3A_931] : memref<128x128xf32, #tpu.memory_space<vmem>> -> memref<8x128xf32, #tpu.memory_space<vmem>>
    %dma_wait3A_933 = arith.constant 0 : i32
    %dma_wait3A_934 = arith.constant 0 : i32
    %dma_wait3A_935 = tpu.memref_slice %arg2[%dma_wait3A_927, %dma_wait3A_928, %dma_wait3A_929, %dma_wait3A_933, %dma_wait3A_934] : memref<50x8x32x8x128xf32, #tpu.memory_space<hbm>> -> memref<1x1x1x8x128xf32, #tpu.memory_space<hbm>>
    %dma_wait3A_936 = tpu.memref_squeeze %dma_wait3A_935 : memref<1x1x1x8x128xf32, #tpu.memory_space<hbm>> -> memref<8x128xf32, #tpu.memory_space<hbm>>
    %dma_wait3A_937 = arith.constant 0 : i32
    %dma_wait3A_938 = arith.constant 0 : i32
    %dma_wait3A_939 = tpu.memref_slice %arg11[%dma_wait3A_937, %dma_wait3A_938] : memref<128x128xf32, #tpu.memory_space<vmem>> -> memref<8x128xf32, #tpu.memory_space<vmem>>
    %dma_wait3A_940 = arith.constant 0 : i32
    %dma_wait3A_941 = arith.constant 0 : i32
    %dma_wait3A_942 = tpu.memref_slice %arg2[%dma_wait3A_927, %dma_wait3A_928, %dma_wait3A_929, %dma_wait3A_940, %dma_wait3A_941] : memref<50x8x32x8x128xf32, #tpu.memory_space<hbm>> -> memref<1x1x1x8x128xf32, #tpu.memory_space<hbm>>
    %dma_wait3A_943 = tpu.memref_squeeze %dma_wait3A_942 : memref<1x1x1x8x128xf32, #tpu.memory_space<hbm>> -> memref<8x128xf32, #tpu.memory_space<hbm>>
    tpu.wait_dma2 semaphore(%arg19 : memref<!tpu.dma_semaphore, #tpu.memory_space<semaphore_mem>>) src(%dma_wait3A_943 : memref<8x128xf32, #tpu.memory_space<hbm>>) dst(%dma_wait3A_939 : memref<8x128xf32, #tpu.memory_space<vmem>>)
    %dma_wait3A_944 = arith.constant 0 : i32
    %dma_wait3A_945 = arith.constant 0 : i32
    %dma_wait3A_946 = arith.constant 0 : i32
    %dma_wait3A_947 = arith.constant 0 : i32
    %dma_wait3A_948 = arith.constant 0 : i32
    %dma_wait3A_949 = tpu.memref_slice %arg11[%dma_wait3A_947, %dma_wait3A_948] : memref<128x128xf32, #tpu.memory_space<vmem>> -> memref<8x128xf32, #tpu.memory_space<vmem>>
    %dma_wait3A_950 = arith.constant 0 : i32
    %dma_wait3A_951 = arith.constant 0 : i32
    %dma_wait3A_952 = tpu.memref_slice %arg2[%dma_wait3A_944, %dma_wait3A_945, %dma_wait3A_946, %dma_wait3A_950, %dma_wait3A_951] : memref<50x8x32x8x128xf32, #tpu.memory_space<hbm>> -> memref<1x1x1x8x128xf32, #tpu.memory_space<hbm>>
    %dma_wait3A_953 = tpu.memref_squeeze %dma_wait3A_952 : memref<1x1x1x8x128xf32, #tpu.memory_space<hbm>> -> memref<8x128xf32, #tpu.memory_space<hbm>>
    %dma_wait3A_954 = arith.constant 0 : i32
    %dma_wait3A_955 = arith.constant 0 : i32
    %dma_wait3A_956 = tpu.memref_slice %arg11[%dma_wait3A_954, %dma_wait3A_955] : memref<128x128xf32, #tpu.memory_space<vmem>> -> memref<8x128xf32, #tpu.memory_space<vmem>>
    %dma_wait3A_957 = arith.constant 0 : i32
    %dma_wait3A_958 = arith.constant 0 : i32
    %dma_wait3A_959 = tpu.memref_slice %arg2[%dma_wait3A_944, %dma_wait3A_945, %dma_wait3A_946, %dma_wait3A_957, %dma_wait3A_958] : memref<50x8x32x8x128xf32, #tpu.memory_space<hbm>> -> memref<1x1x1x8x128xf32, #tpu.memory_space<hbm>>
    %dma_wait3A_960 = tpu.memref_squeeze %dma_wait3A_959 : memref<1x1x1x8x128xf32, #tpu.memory_space<hbm>> -> memref<8x128xf32, #tpu.memory_space<hbm>>
    tpu.wait_dma2 semaphore(%arg19 : memref<!tpu.dma_semaphore, #tpu.memory_space<semaphore_mem>>) src(%dma_wait3A_960 : memref<8x128xf32, #tpu.memory_space<hbm>>) dst(%dma_wait3A_956 : memref<8x128xf32, #tpu.memory_space<vmem>>)
    %dma_wait3A_961 = arith.constant 0 : i32
    %dma_wait3A_962 = arith.constant 0 : i32
    %dma_wait3A_963 = arith.constant 0 : i32
    %dma_wait3A_964 = arith.constant 0 : i32
    %dma_wait3A_965 = arith.constant 0 : i32
    %dma_wait3A_966 = tpu.memref_slice %arg11[%dma_wait3A_964, %dma_wait3A_965] : memref<128x128xf32, #tpu.memory_space<vmem>> -> memref<8x128xf32, #tpu.memory_space<vmem>>
    %dma_wait3A_967 = arith.constant 0 : i32
    %dma_wait3A_968 = arith.constant 0 : i32
    %dma_wait3A_969 = tpu.memref_slice %arg2[%dma_wait3A_961, %dma_wait3A_962, %dma_wait3A_963, %dma_wait3A_967, %dma_wait3A_968] : memref<50x8x32x8x128xf32, #tpu.memory_space<hbm>> -> memref<1x1x1x8x128xf32, #tpu.memory_space<hbm>>
    %dma_wait3A_970 = tpu.memref_squeeze %dma_wait3A_969 : memref<1x1x1x8x128xf32, #tpu.memory_space<hbm>> -> memref<8x128xf32, #tpu.memory_space<hbm>>
    %dma_wait3A_971 = arith.constant 0 : i32
    %dma_wait3A_972 = arith.constant 0 : i32
    %dma_wait3A_973 = tpu.memref_slice %arg11[%dma_wait3A_971, %dma_wait3A_972] : memref<128x128xf32, #tpu.memory_space<vmem>> -> memref<8x128xf32, #tpu.memory_space<vmem>>
    %dma_wait3A_974 = arith.constant 0 : i32
    %dma_wait3A_975 = arith.constant 0 : i32
    %dma_wait3A_976 = tpu.memref_slice %arg2[%dma_wait3A_961, %dma_wait3A_962, %dma_wait3A_963, %dma_wait3A_974, %dma_wait3A_975] : memref<50x8x32x8x128xf32, #tpu.memory_space<hbm>> -> memref<1x1x1x8x128xf32, #tpu.memory_space<hbm>>
    %dma_wait3A_977 = tpu.memref_squeeze %dma_wait3A_976 : memref<1x1x1x8x128xf32, #tpu.memory_space<hbm>> -> memref<8x128xf32, #tpu.memory_space<hbm>>
    tpu.wait_dma2 semaphore(%arg19 : memref<!tpu.dma_semaphore, #tpu.memory_space<semaphore_mem>>) src(%dma_wait3A_977 : memref<8x128xf32, #tpu.memory_space<hbm>>) dst(%dma_wait3A_973 : memref<8x128xf32, #tpu.memory_space<vmem>>)
    %dma_wait3A_978 = arith.constant 0 : i32
    %dma_wait3A_979 = arith.constant 0 : i32
    %dma_wait3A_980 = arith.constant 0 : i32
    %dma_wait3A_981 = arith.constant 0 : i32
    %dma_wait3A_982 = arith.constant 0 : i32
    %dma_wait3A_983 = tpu.memref_slice %arg11[%dma_wait3A_981, %dma_wait3A_982] : memref<128x128xf32, #tpu.memory_space<vmem>> -> memref<8x128xf32, #tpu.memory_space<vmem>>
    %dma_wait3A_984 = arith.constant 0 : i32
    %dma_wait3A_985 = arith.constant 0 : i32
    %dma_wait3A_986 = tpu.memref_slice %arg2[%dma_wait3A_978, %dma_wait3A_979, %dma_wait3A_980, %dma_wait3A_984, %dma_wait3A_985] : memref<50x8x32x8x128xf32, #tpu.memory_space<hbm>> -> memref<1x1x1x8x128xf32, #tpu.memory_space<hbm>>
    %dma_wait3A_987 = tpu.memref_squeeze %dma_wait3A_986 : memref<1x1x1x8x128xf32, #tpu.memory_space<hbm>> -> memref<8x128xf32, #tpu.memory_space<hbm>>
    %dma_wait3A_988 = arith.constant 0 : i32
    %dma_wait3A_989 = arith.constant 0 : i32
    %dma_wait3A_990 = tpu.memref_slice %arg11[%dma_wait3A_988, %dma_wait3A_989] : memref<128x128xf32, #tpu.memory_space<vmem>> -> memref<8x128xf32, #tpu.memory_space<vmem>>
    %dma_wait3A_991 = arith.constant 0 : i32
    %dma_wait3A_992 = arith.constant 0 : i32
    %dma_wait3A_993 = tpu.memref_slice %arg2[%dma_wait3A_978, %dma_wait3A_979, %dma_wait3A_980, %dma_wait3A_991, %dma_wait3A_992] : memref<50x8x32x8x128xf32, #tpu.memory_space<hbm>> -> memref<1x1x1x8x128xf32, #tpu.memory_space<hbm>>
    %dma_wait3A_994 = tpu.memref_squeeze %dma_wait3A_993 : memref<1x1x1x8x128xf32, #tpu.memory_space<hbm>> -> memref<8x128xf32, #tpu.memory_space<hbm>>
    tpu.wait_dma2 semaphore(%arg19 : memref<!tpu.dma_semaphore, #tpu.memory_space<semaphore_mem>>) src(%dma_wait3A_994 : memref<8x128xf32, #tpu.memory_space<hbm>>) dst(%dma_wait3A_990 : memref<8x128xf32, #tpu.memory_space<vmem>>)
    %dma_wait3A_995 = arith.constant 0 : i32
    %dma_wait3A_996 = arith.constant 0 : i32
    %dma_wait3A_997 = arith.constant 0 : i32
    %dma_wait3A_998 = arith.constant 0 : i32
    %dma_wait3A_999 = arith.constant 0 : i32
    %dma_wait3A_1000 = tpu.memref_slice %arg11[%dma_wait3A_998, %dma_wait3A_999] : memref<128x128xf32, #tpu.memory_space<vmem>> -> memref<8x128xf32, #tpu.memory_space<vmem>>
    %dma_wait3A_1001 = arith.constant 0 : i32
    %dma_wait3A_1002 = arith.constant 0 : i32
    %dma_wait3A_1003 = tpu.memref_slice %arg2[%dma_wait3A_995, %dma_wait3A_996, %dma_wait3A_997, %dma_wait3A_1001, %dma_wait3A_1002] : memref<50x8x32x8x128xf32, #tpu.memory_space<hbm>> -> memref<1x1x1x8x128xf32, #tpu.memory_space<hbm>>
    %dma_wait3A_1004 = tpu.memref_squeeze %dma_wait3A_1003 : memref<1x1x1x8x128xf32, #tpu.memory_space<hbm>> -> memref<8x128xf32, #tpu.memory_space<hbm>>
    %dma_wait3A_1005 = arith.constant 0 : i32
    %dma_wait3A_1006 = arith.constant 0 : i32
    %dma_wait3A_1007 = tpu.memref_slice %arg11[%dma_wait3A_1005, %dma_wait3A_1006] : memref<128x128xf32, #tpu.memory_space<vmem>> -> memref<8x128xf32, #tpu.memory_space<vmem>>
    %dma_wait3A_1008 = arith.constant 0 : i32
    %dma_wait3A_1009 = arith.constant 0 : i32
    %dma_wait3A_1010 = tpu.memref_slice %arg2[%dma_wait3A_995, %dma_wait3A_996, %dma_wait3A_997, %dma_wait3A_1008, %dma_wait3A_1009] : memref<50x8x32x8x128xf32, #tpu.memory_space<hbm>> -> memref<1x1x1x8x128xf32, #tpu.memory_space<hbm>>
    %dma_wait3A_1011 = tpu.memref_squeeze %dma_wait3A_1010 : memref<1x1x1x8x128xf32, #tpu.memory_space<hbm>> -> memref<8x128xf32, #tpu.memory_space<hbm>>
    tpu.wait_dma2 semaphore(%arg19 : memref<!tpu.dma_semaphore, #tpu.memory_space<semaphore_mem>>) src(%dma_wait3A_1011 : memref<8x128xf32, #tpu.memory_space<hbm>>) dst(%dma_wait3A_1007 : memref<8x128xf32, #tpu.memory_space<vmem>>)
    %dma_wait3A_1012 = arith.constant 0 : i32
    %dma_wait3A_1013 = arith.constant 0 : i32
    %dma_wait3A_1014 = arith.constant 0 : i32
    %dma_wait3A_1015 = arith.constant 0 : i32
    %dma_wait3A_1016 = arith.constant 0 : i32
    %dma_wait3A_1017 = tpu.memref_slice %arg11[%dma_wait3A_1015, %dma_wait3A_1016] : memref<128x128xf32, #tpu.memory_space<vmem>> -> memref<8x128xf32, #tpu.memory_space<vmem>>
    %dma_wait3A_1018 = arith.constant 0 : i32
    %dma_wait3A_1019 = arith.constant 0 : i32
    %dma_wait3A_1020 = tpu.memref_slice %arg2[%dma_wait3A_1012, %dma_wait3A_1013, %dma_wait3A_1014, %dma_wait3A_1018, %dma_wait3A_1019] : memref<50x8x32x8x128xf32, #tpu.memory_space<hbm>> -> memref<1x1x1x8x128xf32, #tpu.memory_space<hbm>>
    %dma_wait3A_1021 = tpu.memref_squeeze %dma_wait3A_1020 : memref<1x1x1x8x128xf32, #tpu.memory_space<hbm>> -> memref<8x128xf32, #tpu.memory_space<hbm>>
    %dma_wait3A_1022 = arith.constant 0 : i32
    %dma_wait3A_1023 = arith.constant 0 : i32
    %dma_wait3A_1024 = tpu.memref_slice %arg11[%dma_wait3A_1022, %dma_wait3A_1023] : memref<128x128xf32, #tpu.memory_space<vmem>> -> memref<8x128xf32, #tpu.memory_space<vmem>>
    %dma_wait3A_1025 = arith.constant 0 : i32
    %dma_wait3A_1026 = arith.constant 0 : i32
    %dma_wait3A_1027 = tpu.memref_slice %arg2[%dma_wait3A_1012, %dma_wait3A_1013, %dma_wait3A_1014, %dma_wait3A_1025, %dma_wait3A_1026] : memref<50x8x32x8x128xf32, #tpu.memory_space<hbm>> -> memref<1x1x1x8x128xf32, #tpu.memory_space<hbm>>
    %dma_wait3A_1028 = tpu.memref_squeeze %dma_wait3A_1027 : memref<1x1x1x8x128xf32, #tpu.memory_space<hbm>> -> memref<8x128xf32, #tpu.memory_space<hbm>>
    tpu.wait_dma2 semaphore(%arg19 : memref<!tpu.dma_semaphore, #tpu.memory_space<semaphore_mem>>) src(%dma_wait3A_1028 : memref<8x128xf32, #tpu.memory_space<hbm>>) dst(%dma_wait3A_1024 : memref<8x128xf32, #tpu.memory_space<vmem>>)
    %dma_wait3A_1029 = arith.constant 0 : i32
    %dma_wait3A_1030 = arith.constant 0 : i32
    %dma_wait3A_1031 = arith.constant 0 : i32
    %dma_wait3A_1032 = arith.constant 0 : i32
    %dma_wait3A_1033 = arith.constant 0 : i32
    %dma_wait3A_1034 = tpu.memref_slice %arg11[%dma_wait3A_1032, %dma_wait3A_1033] : memref<128x128xf32, #tpu.memory_space<vmem>> -> memref<8x128xf32, #tpu.memory_space<vmem>>
    %dma_wait3A_1035 = arith.constant 0 : i32
    %dma_wait3A_1036 = arith.constant 0 : i32
    %dma_wait3A_1037 = tpu.memref_slice %arg2[%dma_wait3A_1029, %dma_wait3A_1030, %dma_wait3A_1031, %dma_wait3A_1035, %dma_wait3A_1036] : memref<50x8x32x8x128xf32, #tpu.memory_space<hbm>> -> memref<1x1x1x8x128xf32, #tpu.memory_space<hbm>>
    %dma_wait3A_1038 = tpu.memref_squeeze %dma_wait3A_1037 : memref<1x1x1x8x128xf32, #tpu.memory_space<hbm>> -> memref<8x128xf32, #tpu.memory_space<hbm>>
    %dma_wait3A_1039 = arith.constant 0 : i32
    %dma_wait3A_1040 = arith.constant 0 : i32
    %dma_wait3A_1041 = tpu.memref_slice %arg11[%dma_wait3A_1039, %dma_wait3A_1040] : memref<128x128xf32, #tpu.memory_space<vmem>> -> memref<8x128xf32, #tpu.memory_space<vmem>>
    %dma_wait3A_1042 = arith.constant 0 : i32
    %dma_wait3A_1043 = arith.constant 0 : i32
    %dma_wait3A_1044 = tpu.memref_slice %arg2[%dma_wait3A_1029, %dma_wait3A_1030, %dma_wait3A_1031, %dma_wait3A_1042, %dma_wait3A_1043] : memref<50x8x32x8x128xf32, #tpu.memory_space<hbm>> -> memref<1x1x1x8x128xf32, #tpu.memory_space<hbm>>
    %dma_wait3A_1045 = tpu.memref_squeeze %dma_wait3A_1044 : memref<1x1x1x8x128xf32, #tpu.memory_space<hbm>> -> memref<8x128xf32, #tpu.memory_space<hbm>>
    tpu.wait_dma2 semaphore(%arg19 : memref<!tpu.dma_semaphore, #tpu.memory_space<semaphore_mem>>) src(%dma_wait3A_1045 : memref<8x128xf32, #tpu.memory_space<hbm>>) dst(%dma_wait3A_1041 : memref<8x128xf32, #tpu.memory_space<vmem>>)
    %dma_wait3A_1046 = arith.constant 0 : i32
    %dma_wait3A_1047 = arith.constant 0 : i32
    %dma_wait3A_1048 = arith.constant 0 : i32
    %dma_wait3A_1049 = arith.constant 0 : i32
    %dma_wait3A_1050 = arith.constant 0 : i32
    %dma_wait3A_1051 = tpu.memref_slice %arg11[%dma_wait3A_1049, %dma_wait3A_1050] : memref<128x128xf32, #tpu.memory_space<vmem>> -> memref<8x128xf32, #tpu.memory_space<vmem>>
    %dma_wait3A_1052 = arith.constant 0 : i32
    %dma_wait3A_1053 = arith.constant 0 : i32
    %dma_wait3A_1054 = tpu.memref_slice %arg2[%dma_wait3A_1046, %dma_wait3A_1047, %dma_wait3A_1048, %dma_wait3A_1052, %dma_wait3A_1053] : memref<50x8x32x8x128xf32, #tpu.memory_space<hbm>> -> memref<1x1x1x8x128xf32, #tpu.memory_space<hbm>>
    %dma_wait3A_1055 = tpu.memref_squeeze %dma_wait3A_1054 : memref<1x1x1x8x128xf32, #tpu.memory_space<hbm>> -> memref<8x128xf32, #tpu.memory_space<hbm>>
    %dma_wait3A_1056 = arith.constant 0 : i32
    %dma_wait3A_1057 = arith.constant 0 : i32
    %dma_wait3A_1058 = tpu.memref_slice %arg11[%dma_wait3A_1056, %dma_wait3A_1057] : memref<128x128xf32, #tpu.memory_space<vmem>> -> memref<8x128xf32, #tpu.memory_space<vmem>>
    %dma_wait3A_1059 = arith.constant 0 : i32
    %dma_wait3A_1060 = arith.constant 0 : i32
    %dma_wait3A_1061 = tpu.memref_slice %arg2[%dma_wait3A_1046, %dma_wait3A_1047, %dma_wait3A_1048, %dma_wait3A_1059, %dma_wait3A_1060] : memref<50x8x32x8x128xf32, #tpu.memory_space<hbm>> -> memref<1x1x1x8x128xf32, #tpu.memory_space<hbm>>
    %dma_wait3A_1062 = tpu.memref_squeeze %dma_wait3A_1061 : memref<1x1x1x8x128xf32, #tpu.memory_space<hbm>> -> memref<8x128xf32, #tpu.memory_space<hbm>>
    tpu.wait_dma2 semaphore(%arg19 : memref<!tpu.dma_semaphore, #tpu.memory_space<semaphore_mem>>) src(%dma_wait3A_1062 : memref<8x128xf32, #tpu.memory_space<hbm>>) dst(%dma_wait3A_1058 : memref<8x128xf32, #tpu.memory_space<vmem>>)
    %dma_wait3A_1063 = arith.constant 0 : i32
    %dma_wait3A_1064 = arith.constant 0 : i32
    %dma_wait3A_1065 = arith.constant 0 : i32
    %dma_wait3A_1066 = arith.constant 0 : i32
    %dma_wait3A_1067 = arith.constant 0 : i32
    %dma_wait3A_1068 = tpu.memref_slice %arg11[%dma_wait3A_1066, %dma_wait3A_1067] : memref<128x128xf32, #tpu.memory_space<vmem>> -> memref<8x128xf32, #tpu.memory_space<vmem>>
    %dma_wait3A_1069 = arith.constant 0 : i32
    %dma_wait3A_1070 = arith.constant 0 : i32
    %dma_wait3A_1071 = tpu.memref_slice %arg2[%dma_wait3A_1063, %dma_wait3A_1064, %dma_wait3A_1065, %dma_wait3A_1069, %dma_wait3A_1070] : memref<50x8x32x8x128xf32, #tpu.memory_space<hbm>> -> memref<1x1x1x8x128xf32, #tpu.memory_space<hbm>>
    %dma_wait3A_1072 = tpu.memref_squeeze %dma_wait3A_1071 : memref<1x1x1x8x128xf32, #tpu.memory_space<hbm>> -> memref<8x128xf32, #tpu.memory_space<hbm>>
    %dma_wait3A_1073 = arith.constant 0 : i32
    %dma_wait3A_1074 = arith.constant 0 : i32
    %dma_wait3A_1075 = tpu.memref_slice %arg11[%dma_wait3A_1073, %dma_wait3A_1074] : memref<128x128xf32, #tpu.memory_space<vmem>> -> memref<8x128xf32, #tpu.memory_space<vmem>>
    %dma_wait3A_1076 = arith.constant 0 : i32
    %dma_wait3A_1077 = arith.constant 0 : i32
    %dma_wait3A_1078 = tpu.memref_slice %arg2[%dma_wait3A_1063, %dma_wait3A_1064, %dma_wait3A_1065, %dma_wait3A_1076, %dma_wait3A_1077] : memref<50x8x32x8x128xf32, #tpu.memory_space<hbm>> -> memref<1x1x1x8x128xf32, #tpu.memory_space<hbm>>
    %dma_wait3A_1079 = tpu.memref_squeeze %dma_wait3A_1078 : memref<1x1x1x8x128xf32, #tpu.memory_space<hbm>> -> memref<8x128xf32, #tpu.memory_space<hbm>>
    tpu.wait_dma2 semaphore(%arg19 : memref<!tpu.dma_semaphore, #tpu.memory_space<semaphore_mem>>) src(%dma_wait3A_1079 : memref<8x128xf32, #tpu.memory_space<hbm>>) dst(%dma_wait3A_1075 : memref<8x128xf32, #tpu.memory_space<vmem>>)
    %dma_wait3A_1080 = arith.constant 0 : i32
    %dma_wait3A_1081 = arith.constant 0 : i32
    %dma_wait3A_1082 = arith.constant 0 : i32
    %dma_wait3A_1083 = arith.constant 0 : i32
    %dma_wait3A_1084 = arith.constant 0 : i32
    %dma_wait3A_1085 = tpu.memref_slice %arg11[%dma_wait3A_1083, %dma_wait3A_1084] : memref<128x128xf32, #tpu.memory_space<vmem>> -> memref<8x128xf32, #tpu.memory_space<vmem>>
    %dma_wait3A_1086 = arith.constant 0 : i32
    %dma_wait3A_1087 = arith.constant 0 : i32
    %dma_wait3A_1088 = tpu.memref_slice %arg2[%dma_wait3A_1080, %dma_wait3A_1081, %dma_wait3A_1082, %dma_wait3A_1086, %dma_wait3A_1087] : memref<50x8x32x8x128xf32, #tpu.memory_space<hbm>> -> memref<1x1x1x8x128xf32, #tpu.memory_space<hbm>>
    %dma_wait3A_1089 = tpu.memref_squeeze %dma_wait3A_1088 : memref<1x1x1x8x128xf32, #tpu.memory_space<hbm>> -> memref<8x128xf32, #tpu.memory_space<hbm>>
    %dma_wait3A_1090 = arith.constant 0 : i32
    %dma_wait3A_1091 = arith.constant 0 : i32
    %dma_wait3A_1092 = tpu.memref_slice %arg11[%dma_wait3A_1090, %dma_wait3A_1091] : memref<128x128xf32, #tpu.memory_space<vmem>> -> memref<8x128xf32, #tpu.memory_space<vmem>>
    %dma_wait3A_1093 = arith.constant 0 : i32
    %dma_wait3A_1094 = arith.constant 0 : i32
    %dma_wait3A_1095 = tpu.memref_slice %arg2[%dma_wait3A_1080, %dma_wait3A_1081, %dma_wait3A_1082, %dma_wait3A_1093, %dma_wait3A_1094] : memref<50x8x32x8x128xf32, #tpu.memory_space<hbm>> -> memref<1x1x1x8x128xf32, #tpu.memory_space<hbm>>
    %dma_wait3A_1096 = tpu.memref_squeeze %dma_wait3A_1095 : memref<1x1x1x8x128xf32, #tpu.memory_space<hbm>> -> memref<8x128xf32, #tpu.memory_space<hbm>>
    tpu.wait_dma2 semaphore(%arg19 : memref<!tpu.dma_semaphore, #tpu.memory_space<semaphore_mem>>) src(%dma_wait3A_1096 : memref<8x128xf32, #tpu.memory_space<hbm>>) dst(%dma_wait3A_1092 : memref<8x128xf32, #tpu.memory_space<vmem>>)
    %dma_wait3A_1097 = arith.constant 0 : i32
    %dma_wait3A_1098 = arith.constant 0 : i32
    %dma_wait3A_1099 = tpu.memref_slice %arg6[%dma_wait3A_1097, %dma_wait3A_1098] : memref<50x4096xf32, #tpu.memory_space<hbm>> -> memref<1x256xf32, #tpu.memory_space<hbm>>
    %dma_wait3A_1100 = tpu.memref_squeeze %dma_wait3A_1099 : memref<1x256xf32, #tpu.memory_space<hbm>> -> memref<256xf32, #tpu.memory_space<hbm>>
    %dma_wait3A_1101 = arith.constant 0 : i32
    %dma_wait3A_1102 = tpu.memref_slice %arg6[%dma_wait3A_1097, %dma_wait3A_1101] : memref<50x4096xf32, #tpu.memory_space<hbm>> -> memref<1x256xf32, #tpu.memory_space<hbm>>
    %dma_wait3A_1103 = tpu.memref_squeeze %dma_wait3A_1102 : memref<1x256xf32, #tpu.memory_space<hbm>> -> memref<256xf32, #tpu.memory_space<hbm>>
    tpu.wait_dma2 semaphore(%arg21 : memref<!tpu.dma_semaphore, #tpu.memory_space<semaphore_mem>>) src(%arg15 : memref<256xf32, #tpu.memory_space<vmem>>) dst(%dma_wait3A_1103 : memref<256xf32, #tpu.memory_space<hbm>>)
    %scan3A_1104 = arith.constant 0 : i32
    %scan3A_1105 = arith.constant 16 : i32
    %scan3A_1106 = arith.addi %scan3A_1104, %scan3A_1105 : i32
    %scan3A_1107 = arith.constant 1 : i32
    scf.for %scan3A_1156 = %scan3A_1104 to %scan3A_1106 step %scan3A_1107  : i32 {
      %mul3A_1157 = arith.constant 1 : i32
      %mul3A_1158 = arith.muli %scan3A_1156, %mul3A_1157 : i32
      %add3A_1159 = arith.constant 0 : i32
      %add3A_1160 = arith.addi %add3A_1159, %mul3A_1158 : i32
      %iota3A = tpu.iota {dimensions = array<i32: 0>} : vector<16xi32>
      %mul3A_1161 = arith.constant 16 : i32
      %mul3A_1162 = arith.muli %add3A_1160, %mul3A_1161 : i32
      %add3A_1163 = vector.broadcast %mul3A_1162 : i32 to vector<16xi32>
      %add3A_1164 = arith.addi %iota3A, %add3A_1163 : vector<16xi32>
      %jit3A_1165 = arith.constant 8 : i32
      %div3A_1166 = arith.divsi %add3A_1160, %jit3A_1165 : i32
      %sign3A_1167 = arith.constant 0 : i32
      %sign3A_1168 = arith.cmpi sgt, %add3A_1160, %sign3A_1167 : i32
      %sign3A_1169 = arith.extui %sign3A_1168 : i1 to i32
      %sign3A_1170 = arith.constant 0 : i32
      %sign3A_1171 = arith.cmpi slt, %add3A_1160, %sign3A_1170 : i32
      %sign3A_1172 = arith.extui %sign3A_1171 : i1 to i32
      %sign3A_1173 = arith.subi %sign3A_1169, %sign3A_1172 : i32
      %sign3A_1174 = arith.constant 0 : i32
      %sign3A_1175 = arith.cmpi sgt, %jit3A_1165, %sign3A_1174 : i32
      %sign3A_1176 = arith.extui %sign3A_1175 : i1 to i32
      %sign3A_1177 = arith.constant 0 : i32
      %sign3A_1178 = arith.cmpi slt, %jit3A_1165, %sign3A_1177 : i32
      %sign3A_1179 = arith.extui %sign3A_1178 : i1 to i32
      %sign3A_1180 = arith.subi %sign3A_1176, %sign3A_1179 : i32
      %ne3A_1181 = arith.cmpi ne, %sign3A_1173, %sign3A_1180 : i32
      %rem3A_1182 = arith.remsi %add3A_1160, %jit3A_1165 : i32
      %ne3A_1183 = arith.constant 0 : i32
      %ne3A_1184 = arith.cmpi ne, %rem3A_1182, %ne3A_1183 : i32
      %and3A_1185 = arith.andi %ne3A_1181, %ne3A_1184 : i1
      %sub3A_1186 = arith.constant 1 : i32
      %sub3A_1187 = arith.subi %div3A_1166, %sub3A_1186 : i32
      %select_n3A_1188 = arith.select %and3A_1185, %sub3A_1187, %div3A_1166 : i32
      %mul3A_1189 = arith.constant 8 : i32
      %mul3A_1190 = arith.muli %select_n3A_1188, %mul3A_1189 : i32
      %sub3A_1191 = arith.subi %add3A_1160, %mul3A_1190 : i32
      %mul3A_1192 = arith.constant 16 : i32
      %mul3A_1193 = arith.muli %sub3A_1191, %mul3A_1192 : i32
      %add3A_1194 = vector.broadcast %mul3A_1193 : i32 to vector<16xi32>
      %add3A_1195 = arith.addi %iota3A, %add3A_1194 : vector<16xi32>
      %broadcast_in_dim3A = arith.constant 0.000000e+00 : f32
      %broadcast_in_dim3A_1196 = vector.broadcast %broadcast_in_dim3A : f32 to vector<16xf32>
      %scan3A_1197 = arith.constant 0 : i32
      %scan3A_1198 = arith.constant 4 : i32
      %scan3A_1199 = arith.addi %scan3A_1197, %scan3A_1198 : i32
      %scan3A_1200 = arith.constant 1 : i32
      %scan3A_1201:4 = scf.for %scan3A_1213 = %scan3A_1197 to %scan3A_1199 step %scan3A_1200 iter_args(%scan3A_1214 = %broadcast_in_dim3A_1196, %scan3A_1215 = %broadcast_in_dim3A_1196, %scan3A_1216 = %broadcast_in_dim3A_1196, %scan3A_1217 = %broadcast_in_dim3A_1196) -> (vector<16xf32>, vector<16xf32>, vector<16xf32>, vector<16xf32>)  : i32 {
        %mul3A_1218 = arith.constant 1 : i32
        %mul3A_1219 = arith.muli %scan3A_1213, %mul3A_1218 : i32
        %add3A_1220 = arith.constant 0 : i32
        %add3A_1221 = arith.addi %add3A_1220, %mul3A_1219 : i32
        %mul3A_1222 = arith.constant 16 : i32
        %mul3A_1223 = arith.muli %add3A_1221, %mul3A_1222 : i32
        %mul3A_1224 = arith.constant 64 : i32
        %mul3A_1225 = arith.muli %select_n3A_1188, %mul3A_1224 : i32
        %add3A_1226 = arith.addi %mul3A_1225, %mul3A_1223 : i32
        %add3A_1227 = arith.constant 0 : i32
        %add3A_1228 = vector.broadcast %add3A_1227 : i32 to vector<16xi32>
        %add3A_1229 = arith.addi %iota3A, %add3A_1228 : vector<16xi32>
        %and3A_1230 = arith.constant 15 : i32
        %and3A_1231 = vector.broadcast %and3A_1230 : i32 to vector<16xi32>
        %and3A_1232 = arith.andi %add3A_1229, %and3A_1231 : vector<16xi32>
        %add3A_1233 = vector.broadcast %mul3A_1223 : i32 to vector<16xi32>
        %add3A_1234 = arith.addi %add3A_1233, %and3A_1232 : vector<16xi32>
        %gather3A = tpu.vector_load_idx %arg9[%add3A_1164, %add3A_1234] : memref<256x64xf32, #tpu.memory_space<vmem>>[vector<16xi32>, vector<16xi32>], vector<16xf32>,
        %add3A_1235 = vector.broadcast %add3A_1226 : i32 to vector<16xi32>
        %add3A_1236 = arith.addi %add3A_1235, %and3A_1232 : vector<16xi32>
        %gather3A_1237 = tpu.vector_load_idx %arg11[%add3A_1236, %add3A_1195] : memref<128x128xf32, #tpu.memory_space<vmem>>[vector<16xi32>, vector<16xi32>], vector<16xf32>,
        %mul3A_1238 = arith.mulf %gather3A, %gather3A_1237 : vector<16xf32>
        %add3A_1239 = arith.addf %scan3A_1214, %mul3A_1238 : vector<16xf32>
        %add3A_1240 = arith.constant 1 : i32
        %add3A_1241 = vector.broadcast %add3A_1240 : i32 to vector<16xi32>
        %add3A_1242 = arith.addi %iota3A, %add3A_1241 : vector<16xi32>
        %and3A_1243 = arith.constant 15 : i32
        %and3A_1244 = vector.broadcast %and3A_1243 : i32 to vector<16xi32>
        %and3A_1245 = arith.andi %add3A_1242, %and3A_1244 : vector<16xi32>
        %add3A_1246 = vector.broadcast %mul3A_1223 : i32 to vector<16xi32>
        %add3A_1247 = arith.addi %add3A_1246, %and3A_1245 : vector<16xi32>
        %gather3A_1248 = tpu.vector_load_idx %arg9[%add3A_1164, %add3A_1247] : memref<256x64xf32, #tpu.memory_space<vmem>>[vector<16xi32>, vector<16xi32>], vector<16xf32>,
        %add3A_1249 = vector.broadcast %add3A_1226 : i32 to vector<16xi32>
        %add3A_1250 = arith.addi %add3A_1249, %and3A_1245 : vector<16xi32>
        %gather3A_1251 = tpu.vector_load_idx %arg11[%add3A_1250, %add3A_1195] : memref<128x128xf32, #tpu.memory_space<vmem>>[vector<16xi32>, vector<16xi32>], vector<16xf32>,
        %mul3A_1252 = arith.mulf %gather3A_1248, %gather3A_1251 : vector<16xf32>
        %add3A_1253 = arith.addf %scan3A_1215, %mul3A_1252 : vector<16xf32>
        %add3A_1254 = arith.constant 2 : i32
        %add3A_1255 = vector.broadcast %add3A_1254 : i32 to vector<16xi32>
        %add3A_1256 = arith.addi %iota3A, %add3A_1255 : vector<16xi32>
        %and3A_1257 = arith.constant 15 : i32
        %and3A_1258 = vector.broadcast %and3A_1257 : i32 to vector<16xi32>
        %and3A_1259 = arith.andi %add3A_1256, %and3A_1258 : vector<16xi32>
        %add3A_1260 = vector.broadcast %mul3A_1223 : i32 to vector<16xi32>
        %add3A_1261 = arith.addi %add3A_1260, %and3A_1259 : vector<16xi32>
        %gather3A_1262 = tpu.vector_load_idx %arg9[%add3A_1164, %add3A_1261] : memref<256x64xf32, #tpu.memory_space<vmem>>[vector<16xi32>, vector<16xi32>], vector<16xf32>,
        %add3A_1263 = vector.broadcast %add3A_1226 : i32 to vector<16xi32>
        %add3A_1264 = arith.addi %add3A_1263, %and3A_1259 : vector<16xi32>
        %gather3A_1265 = tpu.vector_load_idx %arg11[%add3A_1264, %add3A_1195] : memref<128x128xf32, #tpu.memory_space<vmem>>[vector<16xi32>, vector<16xi32>], vector<16xf32>,
        %mul3A_1266 = arith.mulf %gather3A_1262, %gather3A_1265 : vector<16xf32>
        %add3A_1267 = arith.addf %scan3A_1216, %mul3A_1266 : vector<16xf32>
        %add3A_1268 = arith.constant 3 : i32
        %add3A_1269 = vector.broadcast %add3A_1268 : i32 to vector<16xi32>
        %add3A_1270 = arith.addi %iota3A, %add3A_1269 : vector<16xi32>
        %and3A_1271 = arith.constant 15 : i32
        %and3A_1272 = vector.broadcast %and3A_1271 : i32 to vector<16xi32>
        %and3A_1273 = arith.andi %add3A_1270, %and3A_1272 : vector<16xi32>
        %add3A_1274 = vector.broadcast %mul3A_1223 : i32 to vector<16xi32>
        %add3A_1275 = arith.addi %add3A_1274, %and3A_1273 : vector<16xi32>
        %gather3A_1276 = tpu.vector_load_idx %arg9[%add3A_1164, %add3A_1275] : memref<256x64xf32, #tpu.memory_space<vmem>>[vector<16xi32>, vector<16xi32>], vector<16xf32>,
        %add3A_1277 = vector.broadcast %add3A_1226 : i32 to vector<16xi32>
        %add3A_1278 = arith.addi %add3A_1277, %and3A_1273 : vector<16xi32>
        %gather3A_1279 = tpu.vector_load_idx %arg11[%add3A_1278, %add3A_1195] : memref<128x128xf32, #tpu.memory_space<vmem>>[vector<16xi32>, vector<16xi32>], vector<16xf32>,
        %mul3A_1280 = arith.mulf %gather3A_1276, %gather3A_1279 : vector<16xf32>
        %add3A_1281 = arith.addf %scan3A_1217, %mul3A_1280 : vector<16xf32>
        %add3A_1282 = arith.constant 4 : i32
        %add3A_1283 = vector.broadcast %add3A_1282 : i32 to vector<16xi32>
        %add3A_1284 = arith.addi %iota3A, %add3A_1283 : vector<16xi32>
        %and3A_1285 = arith.constant 15 : i32
        %and3A_1286 = vector.broadcast %and3A_1285 : i32 to vector<16xi32>
        %and3A_1287 = arith.andi %add3A_1284, %and3A_1286 : vector<16xi32>
        %add3A_1288 = vector.broadcast %mul3A_1223 : i32 to vector<16xi32>
        %add3A_1289 = arith.addi %add3A_1288, %and3A_1287 : vector<16xi32>
        %gather3A_1290 = tpu.vector_load_idx %arg9[%add3A_1164, %add3A_1289] : memref<256x64xf32, #tpu.memory_space<vmem>>[vector<16xi32>, vector<16xi32>], vector<16xf32>,
        %add3A_1291 = vector.broadcast %add3A_1226 : i32 to vector<16xi32>
        %add3A_1292 = arith.addi %add3A_1291, %and3A_1287 : vector<16xi32>
        %gather3A_1293 = tpu.vector_load_idx %arg11[%add3A_1292, %add3A_1195] : memref<128x128xf32, #tpu.memory_space<vmem>>[vector<16xi32>, vector<16xi32>], vector<16xf32>,
        %mul3A_1294 = arith.mulf %gather3A_1290, %gather3A_1293 : vector<16xf32>
        %add3A_1295 = arith.addf %add3A_1239, %mul3A_1294 : vector<16xf32>
        %add3A_1296 = arith.constant 5 : i32
        %add3A_1297 = vector.broadcast %add3A_1296 : i32 to vector<16xi32>
        %add3A_1298 = arith.addi %iota3A, %add3A_1297 : vector<16xi32>
        %and3A_1299 = arith.constant 15 : i32
        %and3A_1300 = vector.broadcast %and3A_1299 : i32 to vector<16xi32>
        %and3A_1301 = arith.andi %add3A_1298, %and3A_1300 : vector<16xi32>
        %add3A_1302 = vector.broadcast %mul3A_1223 : i32 to vector<16xi32>
        %add3A_1303 = arith.addi %add3A_1302, %and3A_1301 : vector<16xi32>
        %gather3A_1304 = tpu.vector_load_idx %arg9[%add3A_1164, %add3A_1303] : memref<256x64xf32, #tpu.memory_space<vmem>>[vector<16xi32>, vector<16xi32>], vector<16xf32>,
        %add3A_1305 = vector.broadcast %add3A_1226 : i32 to vector<16xi32>
        %add3A_1306 = arith.addi %add3A_1305, %and3A_1301 : vector<16xi32>
        %gather3A_1307 = tpu.vector_load_idx %arg11[%add3A_1306, %add3A_1195] : memref<128x128xf32, #tpu.memory_space<vmem>>[vector<16xi32>, vector<16xi32>], vector<16xf32>,
        %mul3A_1308 = arith.mulf %gather3A_1304, %gather3A_1307 : vector<16xf32>
        %add3A_1309 = arith.addf %add3A_1253, %mul3A_1308 : vector<16xf32>
        %add3A_1310 = arith.constant 6 : i32
        %add3A_1311 = vector.broadcast %add3A_1310 : i32 to vector<16xi32>
        %add3A_1312 = arith.addi %iota3A, %add3A_1311 : vector<16xi32>
        %and3A_1313 = arith.constant 15 : i32
        %and3A_1314 = vector.broadcast %and3A_1313 : i32 to vector<16xi32>
        %and3A_1315 = arith.andi %add3A_1312, %and3A_1314 : vector<16xi32>
        %add3A_1316 = vector.broadcast %mul3A_1223 : i32 to vector<16xi32>
        %add3A_1317 = arith.addi %add3A_1316, %and3A_1315 : vector<16xi32>
        %gather3A_1318 = tpu.vector_load_idx %arg9[%add3A_1164, %add3A_1317] : memref<256x64xf32, #tpu.memory_space<vmem>>[vector<16xi32>, vector<16xi32>], vector<16xf32>,
        %add3A_1319 = vector.broadcast %add3A_1226 : i32 to vector<16xi32>
        %add3A_1320 = arith.addi %add3A_1319, %and3A_1315 : vector<16xi32>
        %gather3A_1321 = tpu.vector_load_idx %arg11[%add3A_1320, %add3A_1195] : memref<128x128xf32, #tpu.memory_space<vmem>>[vector<16xi32>, vector<16xi32>], vector<16xf32>,
        %mul3A_1322 = arith.mulf %gather3A_1318, %gather3A_1321 : vector<16xf32>
        %add3A_1323 = arith.addf %add3A_1267, %mul3A_1322 : vector<16xf32>
        %add3A_1324 = arith.constant 7 : i32
        %add3A_1325 = vector.broadcast %add3A_1324 : i32 to vector<16xi32>
        %add3A_1326 = arith.addi %iota3A, %add3A_1325 : vector<16xi32>
        %and3A_1327 = arith.constant 15 : i32
        %and3A_1328 = vector.broadcast %and3A_1327 : i32 to vector<16xi32>
        %and3A_1329 = arith.andi %add3A_1326, %and3A_1328 : vector<16xi32>
        %add3A_1330 = vector.broadcast %mul3A_1223 : i32 to vector<16xi32>
        %add3A_1331 = arith.addi %add3A_1330, %and3A_1329 : vector<16xi32>
        %gather3A_1332 = tpu.vector_load_idx %arg9[%add3A_1164, %add3A_1331] : memref<256x64xf32, #tpu.memory_space<vmem>>[vector<16xi32>, vector<16xi32>], vector<16xf32>,
        %add3A_1333 = vector.broadcast %add3A_1226 : i32 to vector<16xi32>
        %add3A_1334 = arith.addi %add3A_1333, %and3A_1329 : vector<16xi32>
        %gather3A_1335 = tpu.vector_load_idx %arg11[%add3A_1334, %add3A_1195] : memref<128x128xf32, #tpu.memory_space<vmem>>[vector<16xi32>, vector<16xi32>], vector<16xf32>,
        %mul3A_1336 = arith.mulf %gather3A_1332, %gather3A_1335 : vector<16xf32>
        %add3A_1337 = arith.addf %add3A_1281, %mul3A_1336 : vector<16xf32>
        %add3A_1338 = arith.constant 8 : i32
        %add3A_1339 = vector.broadcast %add3A_1338 : i32 to vector<16xi32>
        %add3A_1340 = arith.addi %iota3A, %add3A_1339 : vector<16xi32>
        %and3A_1341 = arith.constant 15 : i32
        %and3A_1342 = vector.broadcast %and3A_1341 : i32 to vector<16xi32>
        %and3A_1343 = arith.andi %add3A_1340, %and3A_1342 : vector<16xi32>
        %add3A_1344 = vector.broadcast %mul3A_1223 : i32 to vector<16xi32>
        %add3A_1345 = arith.addi %add3A_1344, %and3A_1343 : vector<16xi32>
        %gather3A_1346 = tpu.vector_load_idx %arg9[%add3A_1164, %add3A_1345] : memref<256x64xf32, #tpu.memory_space<vmem>>[vector<16xi32>, vector<16xi32>], vector<16xf32>,
        %add3A_1347 = vector.broadcast %add3A_1226 : i32 to vector<16xi32>
        %add3A_1348 = arith.addi %add3A_1347, %and3A_1343 : vector<16xi32>
        %gather3A_1349 = tpu.vector_load_idx %arg11[%add3A_1348, %add3A_1195] : memref<128x128xf32, #tpu.memory_space<vmem>>[vector<16xi32>, vector<16xi32>], vector<16xf32>,
        %mul3A_1350 = arith.mulf %gather3A_1346, %gather3A_1349 : vector<16xf32>
        %add3A_1351 = arith.addf %add3A_1295, %mul3A_1350 : vector<16xf32>
        %add3A_1352 = arith.constant 9 : i32
        %add3A_1353 = vector.broadcast %add3A_1352 : i32 to vector<16xi32>
        %add3A_1354 = arith.addi %iota3A, %add3A_1353 : vector<16xi32>
        %and3A_1355 = arith.constant 15 : i32
        %and3A_1356 = vector.broadcast %and3A_1355 : i32 to vector<16xi32>
        %and3A_1357 = arith.andi %add3A_1354, %and3A_1356 : vector<16xi32>
        %add3A_1358 = vector.broadcast %mul3A_1223 : i32 to vector<16xi32>
        %add3A_1359 = arith.addi %add3A_1358, %and3A_1357 : vector<16xi32>
        %gather3A_1360 = tpu.vector_load_idx %arg9[%add3A_1164, %add3A_1359] : memref<256x64xf32, #tpu.memory_space<vmem>>[vector<16xi32>, vector<16xi32>], vector<16xf32>,
        %add3A_1361 = vector.broadcast %add3A_1226 : i32 to vector<16xi32>
        %add3A_1362 = arith.addi %add3A_1361, %and3A_1357 : vector<16xi32>
        %gather3A_1363 = tpu.vector_load_idx %arg11[%add3A_1362, %add3A_1195] : memref<128x128xf32, #tpu.memory_space<vmem>>[vector<16xi32>, vector<16xi32>], vector<16xf32>,
        %mul3A_1364 = arith.mulf %gather3A_1360, %gather3A_1363 : vector<16xf32>
        %add3A_1365 = arith.addf %add3A_1309, %mul3A_1364 : vector<16xf32>
        %add3A_1366 = arith.constant 10 : i32
        %add3A_1367 = vector.broadcast %add3A_1366 : i32 to vector<16xi32>
        %add3A_1368 = arith.addi %iota3A, %add3A_1367 : vector<16xi32>
        %and3A_1369 = arith.constant 15 : i32
        %and3A_1370 = vector.broadcast %and3A_1369 : i32 to vector<16xi32>
        %and3A_1371 = arith.andi %add3A_1368, %and3A_1370 : vector<16xi32>
        %add3A_1372 = vector.broadcast %mul3A_1223 : i32 to vector<16xi32>
        %add3A_1373 = arith.addi %add3A_1372, %and3A_1371 : vector<16xi32>
        %gather3A_1374 = tpu.vector_load_idx %arg9[%add3A_1164, %add3A_1373] : memref<256x64xf32, #tpu.memory_space<vmem>>[vector<16xi32>, vector<16xi32>], vector<16xf32>,
        %add3A_1375 = vector.broadcast %add3A_1226 : i32 to vector<16xi32>
        %add3A_1376 = arith.addi %add3A_1375, %and3A_1371 : vector<16xi32>
        %gather3A_1377 = tpu.vector_load_idx %arg11[%add3A_1376, %add3A_1195] : memref<128x128xf32, #tpu.memory_space<vmem>>[vector<16xi32>, vector<16xi32>], vector<16xf32>,
        %mul3A_1378 = arith.mulf %gather3A_1374, %gather3A_1377 : vector<16xf32>
        %add3A_1379 = arith.addf %add3A_1323, %mul3A_1378 : vector<16xf32>
        %add3A_1380 = arith.constant 11 : i32
        %add3A_1381 = vector.broadcast %add3A_1380 : i32 to vector<16xi32>
        %add3A_1382 = arith.addi %iota3A, %add3A_1381 : vector<16xi32>
        %and3A_1383 = arith.constant 15 : i32
        %and3A_1384 = vector.broadcast %and3A_1383 : i32 to vector<16xi32>
        %and3A_1385 = arith.andi %add3A_1382, %and3A_1384 : vector<16xi32>
        %add3A_1386 = vector.broadcast %mul3A_1223 : i32 to vector<16xi32>
        %add3A_1387 = arith.addi %add3A_1386, %and3A_1385 : vector<16xi32>
        %gather3A_1388 = tpu.vector_load_idx %arg9[%add3A_1164, %add3A_1387] : memref<256x64xf32, #tpu.memory_space<vmem>>[vector<16xi32>, vector<16xi32>], vector<16xf32>,
        %add3A_1389 = vector.broadcast %add3A_1226 : i32 to vector<16xi32>
        %add3A_1390 = arith.addi %add3A_1389, %and3A_1385 : vector<16xi32>
        %gather3A_1391 = tpu.vector_load_idx %arg11[%add3A_1390, %add3A_1195] : memref<128x128xf32, #tpu.memory_space<vmem>>[vector<16xi32>, vector<16xi32>], vector<16xf32>,
        %mul3A_1392 = arith.mulf %gather3A_1388, %gather3A_1391 : vector<16xf32>
        %add3A_1393 = arith.addf %add3A_1337, %mul3A_1392 : vector<16xf32>
        %add3A_1394 = arith.constant 12 : i32
        %add3A_1395 = vector.broadcast %add3A_1394 : i32 to vector<16xi32>
        %add3A_1396 = arith.addi %iota3A, %add3A_1395 : vector<16xi32>
        %and3A_1397 = arith.constant 15 : i32
        %and3A_1398 = vector.broadcast %and3A_1397 : i32 to vector<16xi32>
        %and3A_1399 = arith.andi %add3A_1396, %and3A_1398 : vector<16xi32>
        %add3A_1400 = vector.broadcast %mul3A_1223 : i32 to vector<16xi32>
        %add3A_1401 = arith.addi %add3A_1400, %and3A_1399 : vector<16xi32>
        %gather3A_1402 = tpu.vector_load_idx %arg9[%add3A_1164, %add3A_1401] : memref<256x64xf32, #tpu.memory_space<vmem>>[vector<16xi32>, vector<16xi32>], vector<16xf32>,
        %add3A_1403 = vector.broadcast %add3A_1226 : i32 to vector<16xi32>
        %add3A_1404 = arith.addi %add3A_1403, %and3A_1399 : vector<16xi32>
        %gather3A_1405 = tpu.vector_load_idx %arg11[%add3A_1404, %add3A_1195] : memref<128x128xf32, #tpu.memory_space<vmem>>[vector<16xi32>, vector<16xi32>], vector<16xf32>,
        %mul3A_1406 = arith.mulf %gather3A_1402, %gather3A_1405 : vector<16xf32>
        %add3A_1407 = arith.addf %add3A_1351, %mul3A_1406 : vector<16xf32>
        %add3A_1408 = arith.constant 13 : i32
        %add3A_1409 = vector.broadcast %add3A_1408 : i32 to vector<16xi32>
        %add3A_1410 = arith.addi %iota3A, %add3A_1409 : vector<16xi32>
        %and3A_1411 = arith.constant 15 : i32
        %and3A_1412 = vector.broadcast %and3A_1411 : i32 to vector<16xi32>
        %and3A_1413 = arith.andi %add3A_1410, %and3A_1412 : vector<16xi32>
        %add3A_1414 = vector.broadcast %mul3A_1223 : i32 to vector<16xi32>
        %add3A_1415 = arith.addi %add3A_1414, %and3A_1413 : vector<16xi32>
        %gather3A_1416 = tpu.vector_load_idx %arg9[%add3A_1164, %add3A_1415] : memref<256x64xf32, #tpu.memory_space<vmem>>[vector<16xi32>, vector<16xi32>], vector<16xf32>,
        %add3A_1417 = vector.broadcast %add3A_1226 : i32 to vector<16xi32>
        %add3A_1418 = arith.addi %add3A_1417, %and3A_1413 : vector<16xi32>
        %gather3A_1419 = tpu.vector_load_idx %arg11[%add3A_1418, %add3A_1195] : memref<128x128xf32, #tpu.memory_space<vmem>>[vector<16xi32>, vector<16xi32>], vector<16xf32>,
        %mul3A_1420 = arith.mulf %gather3A_1416, %gather3A_1419 : vector<16xf32>
        %add3A_1421 = arith.addf %add3A_1365, %mul3A_1420 : vector<16xf32>
        %add3A_1422 = arith.constant 14 : i32
        %add3A_1423 = vector.broadcast %add3A_1422 : i32 to vector<16xi32>
        %add3A_1424 = arith.addi %iota3A, %add3A_1423 : vector<16xi32>
        %and3A_1425 = arith.constant 15 : i32
        %and3A_1426 = vector.broadcast %and3A_1425 : i32 to vector<16xi32>
        %and3A_1427 = arith.andi %add3A_1424, %and3A_1426 : vector<16xi32>
        %add3A_1428 = vector.broadcast %mul3A_1223 : i32 to vector<16xi32>
        %add3A_1429 = arith.addi %add3A_1428, %and3A_1427 : vector<16xi32>
        %gather3A_1430 = tpu.vector_load_idx %arg9[%add3A_1164, %add3A_1429] : memref<256x64xf32, #tpu.memory_space<vmem>>[vector<16xi32>, vector<16xi32>], vector<16xf32>,
        %add3A_1431 = vector.broadcast %add3A_1226 : i32 to vector<16xi32>
        %add3A_1432 = arith.addi %add3A_1431, %and3A_1427 : vector<16xi32>
        %gather3A_1433 = tpu.vector_load_idx %arg11[%add3A_1432, %add3A_1195] : memref<128x128xf32, #tpu.memory_space<vmem>>[vector<16xi32>, vector<16xi32>], vector<16xf32>,
        %mul3A_1434 = arith.mulf %gather3A_1430, %gather3A_1433 : vector<16xf32>
        %add3A_1435 = arith.addf %add3A_1379, %mul3A_1434 : vector<16xf32>
        %add3A_1436 = arith.constant 15 : i32
        %add3A_1437 = vector.broadcast %add3A_1436 : i32 to vector<16xi32>
        %add3A_1438 = arith.addi %iota3A, %add3A_1437 : vector<16xi32>
        %and3A_1439 = arith.constant 15 : i32
        %and3A_1440 = vector.broadcast %and3A_1439 : i32 to vector<16xi32>
        %and3A_1441 = arith.andi %add3A_1438, %and3A_1440 : vector<16xi32>
        %add3A_1442 = vector.broadcast %mul3A_1223 : i32 to vector<16xi32>
        %add3A_1443 = arith.addi %add3A_1442, %and3A_1441 : vector<16xi32>
        %gather3A_1444 = tpu.vector_load_idx %arg9[%add3A_1164, %add3A_1443] : memref<256x64xf32, #tpu.memory_space<vmem>>[vector<16xi32>, vector<16xi32>], vector<16xf32>,
        %add3A_1445 = vector.broadcast %add3A_1226 : i32 to vector<16xi32>
        %add3A_1446 = arith.addi %add3A_1445, %and3A_1441 : vector<16xi32>
        %gather3A_1447 = tpu.vector_load_idx %arg11[%add3A_1446, %add3A_1195] : memref<128x128xf32, #tpu.memory_space<vmem>>[vector<16xi32>, vector<16xi32>], vector<16xf32>,
        %mul3A_1448 = arith.mulf %gather3A_1444, %gather3A_1447 : vector<16xf32>
        %add3A_1449 = arith.addf %add3A_1393, %mul3A_1448 : vector<16xf32>
        scf.yield %add3A_1407, %add3A_1421, %add3A_1435, %add3A_1449 : vector<16xf32>, vector<16xf32>, vector<16xf32>, vector<16xf32>
      }
      %scan3A_1202 = arith.constant 4 : i32
      %add3A_1203 = arith.addf %scan3A_1201#0, %scan3A_1201#1 : vector<16xf32>
      %add3A_1204 = arith.addf %scan3A_1201#2, %scan3A_1201#3 : vector<16xf32>
      %add3A_1205 = arith.addf %add3A_1203, %add3A_1204 : vector<16xf32>
      %mul3A_1206 = arith.constant 16 : i32
      %mul3A_1207 = arith.muli %add3A_1160, %mul3A_1206 : i32
      %get3A = arith.index_cast %mul3A_1207 : i32 to index
      %get3A_1208 = tpu.vector_load %arg13[%get3A] {strides = array<i32>} : memref<256xf32, #tpu.memory_space<vmem>>, vector<16xf32>,
      %add3A_1209 = arith.addf %add3A_1205, %get3A_1208 : vector<16xf32>
      %mul3A_1210 = arith.constant 16 : i32
      %mul3A_1211 = arith.muli %add3A_1160, %mul3A_1210 : i32
      %swap3A = arith.index_cast %mul3A_1211 : i32 to index
      %swap3A_1212 = tpu.vector_load %arg15[%swap3A] {strides = array<i32>} : memref<256xf32, #tpu.memory_space<vmem>>, vector<16xf32>,
      tpu.vector_store %arg15[%swap3A], %add3A_1209 {strides = array<i32>} : memref<256xf32, #tpu.memory_space<vmem>>, vector<16xf32>,
    }
    %scan3A_1108 = arith.constant 16 : i32
    %jit3A_1109 = arith.constant 16 : i32
    %div3A_1110 = arith.divsi %add3A_784, %jit3A_1109 : i32
    %sign3A_1111 = arith.constant 0 : i32
    %sign3A_1112 = arith.cmpi sgt, %add3A_784, %sign3A_1111 : i32
    %sign3A_1113 = arith.extui %sign3A_1112 : i1 to i32
    %sign3A_1114 = arith.constant 0 : i32
    %sign3A_1115 = arith.cmpi slt, %add3A_784, %sign3A_1114 : i32
    %sign3A_1116 = arith.extui %sign3A_1115 : i1 to i32
    %sign3A_1117 = arith.subi %sign3A_1113, %sign3A_1116 : i32
    %sign3A_1118 = arith.constant 0 : i32
    %sign3A_1119 = arith.cmpi sgt, %jit3A_1109, %sign3A_1118 : i32
    %sign3A_1120 = arith.extui %sign3A_1119 : i1 to i32
    %sign3A_1121 = arith.constant 0 : i32
    %sign3A_1122 = arith.cmpi slt, %jit3A_1109, %sign3A_1121 : i32
    %sign3A_1123 = arith.extui %sign3A_1122 : i1 to i32
    %sign3A_1124 = arith.subi %sign3A_1120, %sign3A_1123 : i32
    %ne3A_1125 = arith.cmpi ne, %sign3A_1117, %sign3A_1124 : i32
    %rem3A_1126 = arith.remsi %add3A_784, %jit3A_1109 : i32
    %ne3A_1127 = arith.constant 0 : i32
    %ne3A_1128 = arith.cmpi ne, %rem3A_1126, %ne3A_1127 : i32
    %and3A_1129 = arith.andi %ne3A_1125, %ne3A_1128 : i1
    %sub3A_1130 = arith.constant 1 : i32
    %sub3A_1131 = arith.subi %div3A_1110, %sub3A_1130 : i32
    %select_n3A_1132 = arith.select %and3A_1129, %sub3A_1131, %div3A_1110 : i32
    %mul3A_1133 = arith.constant 16 : i32
    %mul3A_1134 = arith.muli %select_n3A_1132, %mul3A_1133 : i32
    %sub3A_1135 = arith.subi %add3A_784, %mul3A_1134 : i32
    %mul3A_1136 = arith.constant 256 : i32
    %mul3A_1137 = arith.muli %sub3A_1135, %mul3A_1136 : i32
    %dma_start3A_1138 = tpu.memref_slice %arg6[%select_n3A_1132, %mul3A_1137] : memref<50x4096xf32, #tpu.memory_space<hbm>> -> memref<1x256xf32, #tpu.memory_space<hbm>>
    %dma_start3A_1139 = tpu.memref_squeeze %dma_start3A_1138 : memref<1x256xf32, #tpu.memory_space<hbm>> -> memref<256xf32, #tpu.memory_space<hbm>>
    %dma_start3A_1140 = tpu.memref_slice %arg6[%select_n3A_1132, %mul3A_1137] : memref<50x4096xf32, #tpu.memory_space<hbm>> -> memref<1x256xf32, #tpu.memory_space<hbm>>
    %dma_start3A_1141 = tpu.memref_squeeze %dma_start3A_1140 : memref<1x256xf32, #tpu.memory_space<hbm>> -> memref<256xf32, #tpu.memory_space<hbm>>
    tpu.enqueue_dma source(%arg15 : memref<256xf32, #tpu.memory_space<vmem>>) target(%dma_start3A_1141 : memref<256xf32, #tpu.memory_space<hbm>>) target_semaphore(%arg21 : memref<!tpu.dma_semaphore, #tpu.memory_space<semaphore_mem>>)
    %dma_wait3A_1142 = arith.constant 0 : i32
    %dma_wait3A_1143 = arith.constant 0 : i32
    %dma_wait3A_1144 = tpu.memref_slice %arg6[%dma_wait3A_1142, %dma_wait3A_1143] : memref<50x4096xf32, #tpu.memory_space<hbm>> -> memref<1x256xf32, #tpu.memory_space<hbm>>
    %dma_wait3A_1145 = tpu.memref_squeeze %dma_wait3A_1144 : memref<1x256xf32, #tpu.memory_space<hbm>> -> memref<256xf32, #tpu.memory_space<hbm>>
    %dma_wait3A_1146 = arith.constant 0 : i32
    %dma_wait3A_1147 = tpu.memref_slice %arg6[%dma_wait3A_1142, %dma_wait3A_1146] : memref<50x4096xf32, #tpu.memory_space<hbm>> -> memref<1x256xf32, #tpu.memory_space<hbm>>
    %dma_wait3A_1148 = tpu.memref_squeeze %dma_wait3A_1147 : memref<1x256xf32, #tpu.memory_space<hbm>> -> memref<256xf32, #tpu.memory_space<hbm>>
    tpu.wait_dma2 semaphore(%arg21 : memref<!tpu.dma_semaphore, #tpu.memory_space<semaphore_mem>>) src(%arg15 : memref<256xf32, #tpu.memory_space<vmem>>) dst(%dma_wait3A_1148 : memref<256xf32, #tpu.memory_space<hbm>>)
    %dma_wait3A_1149 = arith.constant 0 : i32
    %dma_wait3A_1150 = arith.constant 0 : i32
    %dma_wait3A_1151 = tpu.memref_slice %arg6[%dma_wait3A_1149, %dma_wait3A_1150] : memref<50x4096xf32, #tpu.memory_space<hbm>> -> memref<1x256xf32, #tpu.memory_space<hbm>>
    %dma_wait3A_1152 = tpu.memref_squeeze %dma_wait3A_1151 : memref<1x256xf32, #tpu.memory_space<hbm>> -> memref<256xf32, #tpu.memory_space<hbm>>
    %dma_wait3A_1153 = arith.constant 0 : i32
    %dma_wait3A_1154 = tpu.memref_slice %arg6[%dma_wait3A_1149, %dma_wait3A_1153] : memref<50x4096xf32, #tpu.memory_space<hbm>> -> memref<1x256xf32, #tpu.memory_space<hbm>>
    %dma_wait3A_1155 = tpu.memref_squeeze %dma_wait3A_1154 : memref<1x256xf32, #tpu.memory_space<hbm>> -> memref<256xf32, #tpu.memory_space<hbm>>
    tpu.wait_dma2 semaphore(%arg22 : memref<!tpu.dma_semaphore, #tpu.memory_space<semaphore_mem>>) src(%arg16 : memref<256xf32, #tpu.memory_space<vmem>>) dst(%dma_wait3A_1155 : memref<256xf32, #tpu.memory_space<hbm>>)
    return
  }
}

</mosaic_0001>

<sc_bundles>
// kernel: kernel.3.cloned.1.call-start
scs
__scs_entry_jumppad:
0x0: {  	(pc) =	sbr.rel $0x88, $3  }
0x1: {  	(tag) =	ssettag $0x0;
	lr =	simm.s32 $0x1  }
0x2: {  	[smem:$0x3F9D] =	sst lr;
	_ =	strace $0xD0000000  }
0x3: {  	_ = 	snop  }
0x4: {  	_ = 	snop  }
0x5: {  	_ = 	snop  }
0x6: {  	_ = 	snop  }
0x7: {  	_ = 	snop  }
__scs_overlays_trampoline_lowered:
0x8: {  	[smem:$0x3FAC] =	sst s0  }
0x9: {  	[smem:$0x3FAD] =	sst s1  }
0xa: {  	[smem:$0x3FAE] =	sst s2  }
0xb: {  	[smem:$0x3FAF] =	sst s3  }
0xc: {  	[smem:$0x3FB0] =	sst s4  }
0xd: {  	[smem:$0x3FB1] =	sst s5  }
0xe: {  	[smem:$0x3FB2] =	sst s6  }
0xf: {  	[smem:$0x3FB3] =	sst s7  }
0x10: {  	[smem:$0x3FB4] =	sst s8  }
0x11: {  	[smem:$0x3FB5] =	sst s9;
	s0 =	simm.s32 @!p0 $0x0  }
0x12: {  	s1 =	sld [smem:$0x3F9B];
	s0 =	simm.s32 @p0 $0x1  }
0x13: {  	[smem:$0x3FB6] =	sst s0;
	s0 =	simm.s32 @!p1 $0x0  }
0x14: {  	s2 =	sld [smem:$0x3F9A];
	s0 =	simm.s32 @p1 $0x1  }
0x15: {  	[smem:$0x3FB7] =	sst s0;
	s0 =	simm.s32 @!p2 $0x0  }
0x16: {  	s3 =	sld [smem:$0x3FDB];
	s0 =	simm.s32 @p2 $0x1  }
0x17: {  	s4 =	simm.s32 $0x1BF5;
	[smem:$0x3FB9] =	sst s0  }
0x18: {  	s0 =	sld [smem:$0x3F9C];
	_ =	swait.ge [sflag:s4], $0x0  }
0x19: {  	s7 =	sld [smem:$0x3F9D]  }
0x1a: {  	s8 =	sadd.s32 $0xFFFFE003, lr  }
0x1b: {  	s9 =	sadd.s32 $0xFFFFFEF7, lr;
	s5 =	simm.s32 $0xFFFFFFFF;
	p2 =	slt.u32 s8, $0xFFFFF086  }
0x1c: {  	p1 =	slt.u32 s9, $0xF7A;
	s5 =	simm.s32 @!p2 $0x0  }
0x1d: {  	s5 =	simm.s32 @p1 $0x1;
	p0 =	seq.s32 s7, s2  }
0x1e: {  	s7 =	smul.u32 @!p0 $0xF7A, s2;
	p2 =	seq.s32 @!p0 s5, $0x0  }
0x1f: {  	s9 =	smul.u32 $0xF7A, s1;
	s8 =	simm.s32 @!p0 $0x1BF5;
	p2 =	por !p2, p0  }
0x20: {  	[sflag:s8] =	ssyncset.s32 @!p0 $0xFFFFF086;
	s6 =	sadd.s32 @!p0 s3, s7;
	s7 =	simm.s32 @!p0 $0x108  }
0x21: {  	s3 =	sadd.s32 s3, s9;
	s6 =	sadd.s32 @!p0 $0x88, s6;
	s7 =	simm.s32 @p2 $0x1082  }
0x22: {  	[simem:s7], [sflag:s8] =	dma.local @!p0 [hbm:s6], $0xF7A  }
0x23: {  	s9 =	sor.u32 $0xD0000000, s2;
	s6 =	simm.s32 $0x108;
	_ =	swait.ge @!p0 [sflag:s8], $0x0  }
0x24: {  	s3 =	sadd.s32 $0x88, s3;
	s6 =	simm.s32 @!p1 $0x1082;
	[sflag:s4] =	ssyncset.s32 $0xFFFFF086  }
0x25: {  	[simem:s6], [sflag:s4] =	dma.local [hbm:s3], $0xF7A  }
0x26: {  	[smem:$0x3F9D] =	sst s1;
	(tag) =	ssettag s2;
	_ =	strace s9  }
0x27: {  	s1 =	sld [smem:$0x3FAD]  }
0x28: {  	s2 =	sld [smem:$0x3FAE]  }
0x29: {  	s4 =	sld [smem:$0x3FB0]  }
0x2a: {  	p0 =	seq.s32 s5, $0x0;
	s5 =	sld [smem:$0x3FB1]  }
0x2b: {  	s6 =	sld [smem:$0x3FB2]  }
0x2c: {  	s7 =	sld [smem:$0x3FB3]  }
0x2d: {  	s3 =	simm.s32 $0x108;
	s8 =	sld [smem:$0x3FB4]  }
0x2e: {  	s3 =	simm.s32 @!p0 $0x1082;
	s9 =	sld [smem:$0x3FB5]  }
0x2f: {  	lr =	sadd.s32 s0, s3;
	s0 =	sld [smem:$0x3FAC]  }
0x30: {  	s3 =	sld [smem:$0x3FAF]  }
0x31: {  	[smem:$0x3FB8] =	sst s10  }
0x32: {  	s10 =	sld [smem:$0x3FB6];
	_ =	sdelay $0x3  }
0x33: {  	p0 =	seq.s32 s10, $0x1;
	s10 =	sld [smem:$0x3FB8];
	_ =	sdelay $0x3  }
0x34: {  	[smem:$0x3FB8] =	sst s10  }
0x35: {  	s10 =	sld [smem:$0x3FB7];
	_ =	sdelay $0x3  }
0x36: {  	p1 =	seq.s32 s10, $0x1;
	s10 =	sld [smem:$0x3FB8];
	_ =	sdelay $0x3  }
0x37: {  	[smem:$0x3FB8] =	sst s10  }
0x38: {  	s10 =	sld [smem:$0x3FB9]  }
0x39: {  	_ = 	snop;
	(pc) =	sbr.ind lr, $3  }
0x3a: {  	_ = 	snop  }
0x3b: {  	_ = 	snop  }
0x3c: {  	p2 =	seq.s32 s10, $0x1;
	s10 =	sld [smem:$0x3FB8]  }
0x3d: {  	_ =	shalt  }
0x3e: {  	_ =	shalt  }
0x3f: {  	_ =	shalt  }
0x40: {  	_ =	shalt  }
0x41: {  	_ =	shalt  }
0x42: {  	_ =	shalt  }
0x43: {  	_ =	shalt  }
0x44: {  	_ =	shalt  }
0x45: {  	_ =	shalt  }
0x46: {  	_ =	shalt  }
0x47: {  	_ =	shalt  }
0x48: {  	_ =	shalt  }
0x49: {  	_ =	shalt  }
0x4a: {  	_ =	shalt  }
0x4b: {  	_ =	shalt  }
0x4c: {  	_ =	shalt  }
0x4d: {  	_ =	shalt  }
0x4e: {  	_ =	shalt  }
0x4f: {  	_ =	shalt  }
0x50: {  	_ =	shalt  }
0x51: {  	_ =	shalt  }
0x52: {  	_ =	shalt  }
0x53: {  	_ =	shalt  }
0x54: {  	_ =	shalt  }
0x55: {  	_ =	shalt  }
0x56: {  	_ =	shalt  }
0x57: {  	_ =	shalt  }
0x58: {  	_ =	shalt  }
0x59: {  	_ =	shalt  }
0x5a: {  	_ =	shalt  }
0x5b: {  	_ =	shalt  }
0x5c: {  	_ =	shalt  }
0x5d: {  	_ =	shalt  }
0x5e: {  	_ =	shalt  }
0x5f: {  	_ =	shalt  }
0x60: {  	_ =	shalt  }
0x61: {  	_ =	shalt  }
0x62: {  	_ =	shalt  }
0x63: {  	_ =	shalt  }
0x64: {  	_ =	shalt  }
0x65: {  	_ =	shalt  }
0x66: {  	_ =	shalt  }
0x67: {  	_ =	shalt  }
0x68: {  	_ =	shalt  }
0x69: {  	_ =	shalt  }
0x6a: {  	_ =	shalt  }
0x6b: {  	_ =	shalt  }
0x6c: {  	_ =	shalt  }
0x6d: {  	_ =	shalt  }
0x6e: {  	_ =	shalt  }
0x6f: {  	_ =	shalt  }
0x70: {  	_ =	shalt  }
0x71: {  	_ =	shalt  }
0x72: {  	_ =	shalt  }
0x73: {  	_ =	shalt  }
0x74: {  	_ =	shalt  }
0x75: {  	_ =	shalt  }
0x76: {  	_ =	shalt  }
0x77: {  	_ =	shalt  }
0x78: {  	_ =	shalt  }
0x79: {  	_ =	shalt  }
0x7a: {  	_ =	shalt  }
0x7b: {  	_ =	shalt  }
0x7c: {  	_ =	shalt  }
0x7d: {  	_ =	shalt  }
0x7e: {  	_ =	shalt  }
0x7f: {  	_ =	shalt  }
0x80: {  	_ =	shalt  }
0x81: {  	_ =	shalt  }
0x82: {  	_ =	shalt  }
0x83: {  	_ =	shalt  }
0x84: {  	_ =	shalt  }
0x85: {  	_ =	shalt  }
0x86: {  	_ =	shalt  }
0x87: {  	_ =	shalt  }
.Lfunc_end0:
.L_simem_size_0:
called_computation_lowered:
.L_overlay_start_0:
0x88: {  	s2 =	sld [smem:$0x3FD9]  }
0x89: {  	s3 =	sld [smem:$0x3FFE];
	_ =	sdelay $0x1  }
0x8a: {  	s1 =	srdreg.scid  }
0x8b: {  	s0 =	sand.u32 $0x1, s1  }
0x8c: {  	s17 =	sshll.u32 s0, $0xA;
	s2 =	sadd.s32 s3, s2  }
0x8d: {  	s2 =	sadd.s32 s2, s17  }
0x8e: {  	[smem:$0x3FC4] =	sst s2  }
0x8f: {  	_ = 	snop  }
0x90: {  	s2 =	sld [smem:$0x3FC9]  }
0x91: {  	s18 =	sld [smem:$0x3FD0];
	(tm) =	ssettm $0x1  }
0x92: {  	s4 =	sld [smem:$0x3FFB];
	_ =	sdelay $0x3  }
0x93: {  	_ =	strace s4  }
0x94: {  	s4 =	sld [smem:$0x3FFC];
	_ =	sdelay $0x3  }
0x95: {  	_ =	strace s4  }
0x96: {  	s4 =	sld [smem:$0x3FFD];
	_ =	sdelay $0x3  }
0x97: {  	_ =	strace s4  }
0x98: {  	_ =	strace $0x8FFFFFFF  }
0x99: {  	s19 =	sld [smem:$0x3FDB];
	_ =	sdelay $0x1  }
0x9a: {  	s5 =	simm.s32 $_scs_section_size  }
0x9b: {  	s6 =	simm.s32 $_size__tile_overlayer_lowered;
	s7 =	simm.s32 $_tile_overlayer_lowered  }
0x9c: {  	s22 =	simm.s32 $0x1BFF;
	s21 =	sshll.u32 s7, $0x1;
	s4 =	sadd.s32 s5, s19  }
0x9d: {  	s8 =	simm.s32 $0x0;
	s20 =	sshll.u32 s6, $0x1;
	s6 =	sadd.s32 s21, s4  }
0x9e: {  	[timem:s8], [sflag:s22] =	dma.local [hbm:s6], s20  }
0x9f: {  	_ =	swait.ge [sflag:s22], s20  }
0xa0: {  	s5 =	ssub.s32 $0x0, s20;
	[sflag:s22] =	ssyncset.done $0x0  }
0xa1: {  	[sflag:s22] =	ssyncadd.s32 s5;
	_ =	sdelay $0x1  }
0xa2: {  	s23 =	simm.s32 $0x1B8B  }
0xa3: {  	_ =	swait.ge [sflag:s23], $0x1  }
0xa4: {  	[sflag:s23] =	ssyncset.done $0x0  }
0xa5: {  	s25 =	simm.s32 $0x1B8E;
	s24 =	sld [smem:$0x3FFE];
	[sflag:s23] =	ssyncadd.s32 $0xFFFFFFFF  }
0xa6: {  	s26 =	simm.s32 $execute0_lowered;
	[smem:$0x3FD2] =	sst s25  }
0xa7: {  	s6 =	sshll.u32 s26, $0x1;
	_ =	strace $0x80000046;
	[dreg:$0x1] =	wrdreg $0xFFFFFFFF  }
0xa8: {  	s28 =	simm.s32 $_size_execute0_lowered;
	s4 =	sadd.s32 s4, s6;
	[dreg:$0x0] =	wrdreg $0x0  }
0xa9: {  	s6 =	sshll.u32 s28, $0x1;
	[dreg:$0x2] =	wrdreg s4  }
0xaa: {  	[dreg:$0x3] =	wrdreg s6  }
0xab: {  	[dreg:$0x4] =	wrdreg $0xC0  }
0xac: {  	_ =	task [dreg:s8], $0x5FFFF  }
0xad: {  	[dreg:$0x1] =	wrdreg $0xFFFFFFFF  }
0xae: {  	[dreg:$0x0] =	wrdreg $0x60  }
0xaf: {  	[dreg:$0x2] =	wrdreg s2  }
0xb0: {  	[dreg:$0x3] =	wrdreg s18  }
0xb1: {  	[dreg:$0x4] =	wrdreg s24  }
0xb2: {  	[dreg:$0x5] =	wrdreg $0x9  }
0xb3: {  	_ =	task.clear_ibuf [dreg:s8], $0x6FFFF;
	_ =	strace $0x90000046  }
0xb4: {  	s29 =	simm.s32 $0x9;
	_ =	strace $0x80000048  }
0xb5: {  	_ =	swait.ge [sflag:s29], $0x1  }
0xb6: {  	[sflag:s29] =	ssyncadd.s32 $0xFFFFFFFF  }
0xb7: {  	_ =	strace $0x90000048  }
0xb8: {  	_ =	sfence  }
0xb9: {  	s30 =	sld [smem:$0x0];
	_ =	sdelay $0x2  }
0xba: {  	s31 =	sshll.u32 s1, $0xD;
	s1 =	sshrl.u32 s1, $0x2  }
0xbb: {  	s3 =	sand.u32 $0x4000, s31;
	s1 =	sadd.s32 s1, s30  }
0xbc: {  	s0 =	sor.u32 s3, s0;
	s1 =	sshll.u32 s1, $0x11  }
0xbd: {  	s0 =	sor.u32 s1, s0  }
0xbe: {  	s0 =	sadd.s32 $0x8F2B, s0  }
0xbf: {  	[sflag:s0] =	ssyncadd.remote.s32 $0x1  }
0xc0: {  	_ =	sfence.sel $0xFFFF  }
0xc1: {  	[dreg:$0x0] =	wrdreg $0xFFFFFFFF;
	(pc) =	sbr.abs _section_cstart, $3  }
0xc2: {  	[dreg:$0x1] =	wrdreg $0xFFFFFFFF  }
0xc3: {  	_ =	task.clear_ibuf [dreg:s8], $0x2FFFF;
	_ =	strace $0x9FFFFFFF  }
0xc4: {  	(tm) =	ssettm $0x7FFFFFFF  }
0xc5: {  	_ =	shalt  }
tec
execute0_lowered:
.L_overlay_start_1:
0x0: {  	(tag) =	ssettag $0x1  }
0x1: {  	v0 =	vimm.s32 $0xFEDCBA9;
	v1 =	vimm.s32 $0x87654321;
	v18 =	vlaneseq.u32  }
0x2: {  	v53 =	vimm.s32 $0x10FEDCBA;
	v54 =	vimm.s32 $0x98765432;
	v4 =	vimm.s32 $0x210FEDCB  }
0x3: {  	v5 =	vimm.s32 $0xA9876543;
	v6 =	vimm.s32 $0x3210FEDC;
	v7 =	vimm.s32 $0xBA987654  }
0x4: {  	v8 =	vimm.s32 $0x43210FED;
	v9 =	vimm.s32 $0xCBA98765;
	v13 =	vimm.s32 $0x543210FE  }
0x5: {  	v14 =	vimm.s32 $0xEDCBA987;
	v15 =	vimm.s32 $0xFEDCBA98;
	v16 =	vimm.s32 $0x76543210  }
0x6: {  	v33 =	vimm.s32 $0x700;
	vm14 =	vcmask $0x300;
	vm13 =	vcmask $0x704  }
0x7: {  	vm12 =	vcmask $0xB08;
	vm11 =	vcmask $0xF0C;
	vm10 =	vcmask $0x1310  }
0x8: {  	vm9 =	vcmask $0x1714;
	vm8 =	vcmask $0x1B18;
	vm7 =	vcmask $0x1F1C  }
0x9: {  	v40 =	vimm.s32 $0x680;
	v41 =	vimm.s32 $0x600;
	vm0 =	vcmask $0x2320  }
0xa: {  	vm1 =	vcmask $0x2724;
	vm2 =	vcmask $0x2B28;
	vm3 =	vcmask $0x2F2C  }
0xb: {  	vm4 =	vcmask $0x3330;
	vm5 =	vcmask $0x3734;
	vm6 =	vcmask $0x3B38  }
0xc: {  	v44 =	vimm.s32 $0x580;
	v45 =	vimm.s32 $0x500;
	v46 =	vimm.s32 $0x480  }
0xd: {  	v49 =	vimm.s32 $0x400;
	v50 =	vimm.s32 $0x380;
	v51 =	vimm.s32 $0x300  }
0xe: {  	v0 =	vunpack.c.l.s4.s8 v0;
	v1 =	vunpack.c.l.s4.s8 v1;
	v3 =	vmul.u32 $0x40, v18  }
0xf: {  	v4 =	vunpack.c.l.s4.s8 v4;
	v5 =	vunpack.c.l.s4.s8 v5;
	v6 =	vunpack.c.l.s4.s8 v6  }
0x10: {  	v7 =	vunpack.c.l.s4.s8 v7;
	v8 =	vunpack.c.l.s4.s8 v8;
	v9 =	vunpack.c.l.s4.s8 v9  }
0x11: {  	v13 =	vunpack.c.l.s4.s8 v13;
	v14 =	vunpack.c.l.s4.s8 v14;
	v15 =	vunpack.c.l.s4.s8 v15  }
0x12: {  	v18 =	vmul.u32 $0x80, v18;
	v0 =	vunpack.c.0.s8.s32 v0;
	v1 =	vunpack.c.0.s8.s32 v1  }
0x13: {  	[tilespmem:$0x1FED0] =	vst v3;
	v3 =	vunpack.c.l.s4.s8 v54;
	v4 =	vunpack.c.0.s8.s32 v4;
	v5 =	vunpack.c.0.s8.s32 v5  }
0x14: {  	v6 =	vunpack.c.0.s8.s32 v6;
	v7 =	vunpack.c.0.s8.s32 v7;
	v8 =	vunpack.c.0.s8.s32 v8  }
0x15: {  	v9 =	vunpack.c.0.s8.s32 v9;
	v58 =	vunpack.c.0.s8.s32 v13;
	v13 =	vimm.s32 $0x6543210F  }
0x16: {  	v17 =	vunpack.c.0.s8.s32 v14;
	v14 =	vunpack.c.l.s4.s8 v16;
	v15 =	vunpack.c.0.s8.s32 v15  }
0x17: {  	v54 =	vimm.s32 $0x280;
	v13 =	vunpack.c.l.s4.s8 v13;
	v2 =	vcombine.low v1, v0  }
0x18: {  	v3 =	vunpack.c.0.s8.s32 v3;
	v11 =	vcombine.low v5, v4;
	v12 =	vcombine.low v7, v6  }
0x19: {  	v57 =	vcombine.low v9, v8;
	v14 =	vunpack.c.0.s8.s32 v14;
	v0 =	vcombine.low v0, v1  }
0x1a: {  	v60 =	vand.u32 $0xF, v15;
	v61 =	vcombine.low v4, v5;
	v32 =	vcombine.low v6, v7  }
0x1b: {  	v34 =	vcombine.low v8, v9;
	v13 =	vunpack.c.0.s8.s32 v13;
	v2 =	vand.u32 $0xF, v2  }
0x1c: {  	v55 =	vand.u32 $0xF, v11;
	v56 =	vand.u32 $0xF, v12;
	v12 =	vimm.s32 $0xDCBA9876  }
0x1d: {  	v1 =	vcombine.low v60, v14;
	v0 =	vand.u32 $0xF, v0;
	v36 =	vand.u32 $0xF, v34;
	[tilespmem:$0x1FEE0] =	vst v2  }
0x1e: {  	v60 =	vimm.s32 $0x80;
	v2 =	vunpack.c.l.s4.s8 v53;
	[tilespmem:$0x1FF00] =	vst v55;
	v12 =	vunpack.c.l.s4.s8 v12  }
0x1f: {  	v16 =	vcombine.low v17, v13;
	[tilespmem:$0x1FF60] =	vst v0;
	v0 =	vand.u32 $0xF, v32;
	v38 =	vcombine.low v13, v17  }
0x20: {  	v55 =	vimm.s32 $0x200;
	[tilespmem:$0x1FF50] =	vst v1;
	v1 =	vsel vm14, $0x780, v33;
	v2 =	vunpack.c.0.s8.s32 v2  }
0x21: {  	[tilespmem:$0x1FF10] =	vst v56;
	v56 =	vimm.s32 $0x180;
	v12 =	vunpack.c.0.s8.s32 v12;
	v35 =	vsel vm13, $0x0, v1  }
0x22: {  	[tilespmem:$0x1FF90] =	vst v0;
	v63 =	vand.u32 $0xF, v16;
	v0 =	vsel vm12, $0x80, v35;
	v10 =	vcombine.low v3, v2  }
0x23: {  	v59 =	vcombine.low v12, v58;
	v2 =	vcombine.low v2, v3;
	v0 =	vsel vm11, $0x100, v0  }
0x24: {  	v39 =	vand.u32 $0xF, v38;
	v37 =	vcombine.low v58, v12;
	v0 =	vsel vm10, $0x180, v0  }
0x25: {  	v10 =	vand.u32 $0xF, v10;
	v62 =	vand.u32 $0xF, v59;
	v5 =	vand.u32 $0xF, v2  }
0x26: {  	v1 =	vand.u32 $0xF, v37;
	v0 =	vsel vm9, $0x200, v0;
	v2 =	vsel vm14, $0x680, v41;
	[tilespmem:$0x1FEF0] =	vst v10  }
0x27: {  	v59 =	vimm.s32 $0x100;
	v10 =	vand.u32 $0xF, v57;
	[tilespmem:$0x1FFB0] =	vst v1;
	v0 =	vsel vm8, $0x280, v0  }
0x28: {  	v1 =	vsel vm14, $0x700, v40;
	v2 =	vsel vm13, $0x700, v2;
	[tilespmem:$0x1FF20] =	vst v10;
	v10 =	vand.u32 $0xF, v61  }
0x29: {  	v0 =	vsel vm7, $0x300, v0;
	v1 =	vsel vm13, $0x780, v1;
	v2 =	vsel vm12, $0x780, v2  }
0x2a: {  	v61 =	vimm.s32 $0x0;
	v1 =	vsel vm12, $0x0, v1;
	v2 =	vsel vm11, $0x0, v2  }
0x2b: {  	v0 =	vsel vm0, $0x380, v0;
	v1 =	vsel vm11, $0x80, v1;
	v2 =	vsel vm10, $0x80, v2  }
0x2c: {  	v0 =	vsel vm1, $0x400, v0;
	v1 =	vsel vm10, $0x100, v1;
	v2 =	vsel vm9, $0x100, v2  }
0x2d: {  	v0 =	vsel vm2, $0x480, v0;
	v1 =	vsel vm9, $0x180, v1;
	v2 =	vsel vm8, $0x180, v2  }
0x2e: {  	v0 =	vsel vm3, $0x500, v0;
	v1 =	vsel vm8, $0x200, v1;
	v2 =	vsel vm7, $0x200, v2  }
0x2f: {  	v0 =	vsel vm4, $0x580, v0;
	v1 =	vsel vm7, $0x280, v1;
	v2 =	vsel vm0, $0x280, v2  }
0x30: {  	v0 =	vsel vm5, $0x600, v0;
	v1 =	vsel vm0, $0x300, v1;
	v2 =	vsel vm1, $0x300, v2  }
0x31: {  	v26 =	vsel vm6, $0x680, v0;
	v0 =	vsel vm14, $0x600, v44;
	v1 =	vsel vm1, $0x380, v1  }
0x32: {  	v2 =	vsel vm2, $0x380, v2;
	v0 =	vsel vm13, $0x680, v0;
	v1 =	vsel vm2, $0x400, v1  }
0x33: {  	v2 =	vsel vm3, $0x400, v2;
	v0 =	vsel vm12, $0x700, v0;
	v1 =	vsel vm3, $0x480, v1  }
0x34: {  	v2 =	vsel vm4, $0x480, v2;
	v0 =	vsel vm11, $0x780, v0;
	v1 =	vsel vm4, $0x500, v1  }
0x35: {  	v43 =	vsel vm5, $0x500, v2;
	v2 =	vsel vm14, $0x500, v46;
	v0 =	vsel vm10, $0x0, v0  }
0x36: {  	v42 =	vsel vm5, $0x580, v1;
	v22 =	vsel vm6, $0x580, v43;
	v1 =	vsel vm14, $0x580, v45  }
0x37: {  	v2 =	vsel vm13, $0x580, v2;
	v0 =	vsel vm9, $0x80, v0;
	v24 =	vsel vm6, $0x600, v42  }
0x38: {  	v1 =	vsel vm13, $0x600, v1;
	v2 =	vsel vm12, $0x600, v2;
	v0 =	vsel vm8, $0x100, v0  }
0x39: {  	v1 =	vsel vm12, $0x680, v1;
	v2 =	vsel vm11, $0x680, v2;
	v0 =	vsel vm7, $0x180, v0  }
0x3a: {  	v1 =	vsel vm11, $0x700, v1;
	v2 =	vsel vm10, $0x700, v2;
	v0 =	vsel vm0, $0x200, v0  }
0x3b: {  	v1 =	vsel vm10, $0x780, v1;
	v2 =	vsel vm9, $0x780, v2;
	v0 =	vsel vm1, $0x280, v0  }
0x3c: {  	v1 =	vsel vm9, $0x0, v1;
	v2 =	vsel vm8, $0x0, v2;
	v0 =	vsel vm2, $0x300, v0  }
0x3d: {  	v1 =	vsel vm8, $0x80, v1;
	v2 =	vsel vm7, $0x80, v2;
	v0 =	vsel vm3, $0x380, v0  }
0x3e: {  	v1 =	vsel vm7, $0x100, v1;
	v2 =	vsel vm0, $0x100, v2;
	v0 =	vsel vm4, $0x400, v0  }
0x3f: {  	v1 =	vsel vm0, $0x180, v1;
	v2 =	vsel vm1, $0x180, v2;
	v0 =	vsel vm5, $0x480, v0  }
0x40: {  	v1 =	vsel vm1, $0x200, v1;
	v2 =	vsel vm2, $0x200, v2;
	v23 =	vsel vm6, $0x500, v0  }
0x41: {  	v0 =	vsel vm14, $0x480, v49;
	v1 =	vsel vm2, $0x280, v1;
	v2 =	vsel vm3, $0x280, v2  }
0x42: {  	v0 =	vsel vm13, $0x500, v0;
	v1 =	vsel vm3, $0x300, v1;
	v2 =	vsel vm4, $0x300, v2  }
0x43: {  	v0 =	vsel vm12, $0x580, v0;
	v1 =	vsel vm4, $0x380, v1;
	v48 =	vsel vm5, $0x380, v2  }
0x44: {  	v2 =	vsel vm14, $0x380, v51;
	v0 =	vsel vm11, $0x600, v0;
	v47 =	vsel vm5, $0x400, v1  }
0x45: {  	v27 =	vsel vm6, $0x400, v48;
	v1 =	vsel vm14, $0x400, v50;
	v2 =	vsel vm13, $0x400, v2  }
0x46: {  	v0 =	vsel vm10, $0x680, v0;
	v25 =	vsel vm6, $0x480, v47;
	v1 =	vsel vm13, $0x480, v1  }
0x47: {  	v2 =	vsel vm12, $0x480, v2;
	v0 =	vsel vm9, $0x700, v0;
	v1 =	vsel vm12, $0x500, v1  }
0x48: {  	v2 =	vsel vm11, $0x500, v2;
	v0 =	vsel vm8, $0x780, v0;
	v1 =	vsel vm11, $0x580, v1  }
0x49: {  	v2 =	vsel vm10, $0x580, v2;
	v0 =	vsel vm7, $0x0, v0;
	v1 =	vsel vm10, $0x600, v1  }
0x4a: {  	s0 =	rddreg [dreg:$0x0];
	v2 =	vsel vm9, $0x600, v2;
	v0 =	vsel vm0, $0x80, v0;
	v1 =	vsel vm9, $0x680, v1  }
0x4b: {  	s1 =	rddreg [dreg:$0x1];
	v2 =	vsel vm8, $0x680, v2;
	v0 =	vsel vm1, $0x100, v0;
	v1 =	vsel vm8, $0x700, v1  }
0x4c: {  	s2 =	rddreg [dreg:$0x2];
	s3 =	simm.s32 $0x0;
	s4 =	srdreg.scid;
	v2 =	vsel vm7, $0x700, v2;
	v0 =	vsel vm2, $0x180, v0;
	v1 =	vsel vm7, $0x780, v1  }
0x4d: {  	s5 =	stileid.u32;
	s30 =	simm.s32 $0x100;
	s31 =	simm.s32 $0x1;
	v2 =	vsel vm0, $0x780, v2;
	v0 =	vsel vm3, $0x200, v0;
	v1 =	vsel vm0, $0x0, v1  }
0x4e: {  	[smem:$0x7FF] =	sst s3;
	s6 =	sand.u32 $0x1, s4;
	s16 =	sshll.u32 s5, $0x1;
	v2 =	vsel vm1, $0x0, v2;
	v0 =	vsel vm4, $0x280, v0;
	v1 =	vsel vm1, $0x80, v1  }
0x4f: {  	s7 =	sshrl.u32 s5, $0x3;
	s5 =	sadd.s32 $0x186E00, s2;
	s4 =	sor.u32 s6, s16;
	v2 =	vsel vm2, $0x80, v2;
	v0 =	vsel vm5, $0x300, v0;
	v1 =	vsel vm2, $0x100, v1  }
0x50: {  	s8 =	sshll.u32 s7, $0xF;
	s10 =	ssub.s32 $0x2, s6;
	s9 =	sshll.u32 s4, $0xB;
	v2 =	vsel vm3, $0x100, v2;
	v28 =	vsel vm6, $0x380, v0;
	v0 =	vsel vm14, $0x300, v54  }
0x51: {  	s7 =	sshll.u32 s7, $0x12;
	s6 =	sadd.s32 $0x400, s2;
	s8 =	ssub.s32 s9, s8;
	v1 =	vsel vm3, $0x180, v1;
	v2 =	vsel vm4, $0x180, v2;
	v0 =	vsel vm13, $0x380, v0  }
0x52: {  	s17 =	sshrl.u32 s10, $0x1;
	s8 =	sadd.s32 s7, s8;
	s7 =	sadd.s32 $0x3600, s2;
	v1 =	vsel vm4, $0x200, v1;
	v53 =	vsel vm5, $0x200, v2;
	v2 =	vsel vm14, $0x200, v56  }
0x53: {  	s2 =	ssub.s32 s10, s17;
	s18 =	sadd.s32 $0x8000, s8;
	s19 =	sshrl.u32 s8, $0x3;
	v0 =	vsel vm12, $0x400, v0;
	v52 =	vsel vm5, $0x280, v1;
	v30 =	vsel vm6, $0x280, v53  }
0x54: {  	s11 =	sadd.s32 $0x10000, s8;
	s21 =	sadd.s32 $0x18000, s8;
	s22 =	sadd.s32 $0x20000, s8;
	[tilespmem:$0x1FFA0] =	vst v36;
	v1 =	vsel vm14, $0x280, v55;
	v2 =	vsel vm13, $0x280, v2;
	v0 =	vsel vm11, $0x480, v0  }
0x55: {  	s23 =	sadd.s32 $0x28000, s8;
	s26 =	sadd.s32 $0x30000, s8;
	s28 =	sadd.s32 $0x38000, s8;
	[tilespmem:$0x1FF40] =	vst v63;
	v29 =	vsel vm6, $0x300, v52;
	v1 =	vsel vm13, $0x300, v1;
	v2 =	vsel vm12, $0x300, v2  }
0x56: {  	s29 =	sor.u32 $0x400, s8;
	s13 =	sadd.s32 $0x8400, s8;
	s14 =	sadd.s32 $0x10400, s8;
	[tilespmem:$0x1FFC0] =	vst v39;
	v0 =	vsel vm10, $0x500, v0;
	v1 =	vsel vm12, $0x380, v1;
	v2 =	vsel vm11, $0x380, v2  }
0x57: {  	s15 =	sadd.s32 $0x18400, s8;
	s9 =	sshrl.u32 s18, $0x3;
	s10 =	sadd.s32 s0, s19;
	[tilespmem:$0x1FF30] =	vst v62;
	v0 =	vsel vm9, $0x580, v0;
	v1 =	vsel vm11, $0x400, v1;
	v2 =	vsel vm10, $0x400, v2  }
0x58: {  	s20 =	sshrl.u32 s11, $0x3;
	s25 =	sshrl.u32 s23, $0x3;
	s12 =	sshrl.u32 s29, $0x3;
	[tilespmem:$0x1FF70] =	vst v5;
	v0 =	vsel vm8, $0x600, v0;
	v1 =	vsel vm10, $0x480, v1;
	v2 =	vsel vm9, $0x480, v2  }
0x59: {  	s17 =	sshrl.u32 s15, $0x3;
	s18 =	sadd.s32 $0x20400, s8;
	s19 =	sadd.s32 $0x28400, s8;
	[tilespmem:$0x1FF80] =	vst v10;
	v0 =	vsel vm7, $0x680, v0;
	v1 =	vsel vm9, $0x500, v1;
	v2 =	vsel vm8, $0x500, v2  }
0x5a: {  	s9 =	sadd.s32 s0, s9;
	_ =	strace $0x80000047;
	[dreg:$0x4] =	wrdreg s10;
	v0 =	vsel vm0, $0x700, v0;
	v1 =	vsel vm8, $0x580, v1;
	v2 =	vsel vm7, $0x580, v2  }
0x5b: {  	s23 =	sshll.u32 s4, $0x5;
	s11 =	simm.s32 $0x8200;
	[dreg:$0x5] =	wrdreg s9;
	v0 =	vsel vm1, $0x780, v0;
	v1 =	vsel vm7, $0x600, v1;
	v2 =	vsel vm0, $0x600, v2  }
0x5c: {  	s9 =	sadd.s32 s0, s20;
	s10 =	sshrl.u32 s22, $0x3;
	s20 =	sadd.s32 $0x30400, s8;
	v0 =	vsel vm2, $0x0, v0;
	v1 =	vsel vm0, $0x680, v1;
	v2 =	vsel vm1, $0x680, v2  }
0x5d: {  	s8 =	sadd.s32 $0x38400, s8;
	[dreg:$0x6] =	wrdreg s9;
	s9 =	sshrl.u32 s21, $0x3;
	v0 =	vsel vm3, $0x80, v0;
	v1 =	vsel vm1, $0x700, v1;
	v2 =	vsel vm2, $0x700, v2  }
0x5e: {  	s24 =	sadd.s32 s0, s10;
	s10 =	sshrl.u32 s28, $0x3;
	s22 =	sshrl.u32 s20, $0x3;
	v0 =	vsel vm4, $0x100, v0;
	v1 =	vsel vm2, $0x780, v1;
	v2 =	vsel vm3, $0x780, v2  }
0x5f: {  	s8 =	sshrl.u32 s8, $0x3;
	s28 =	smax.u32 s2, $0x1;
	[dreg:$0x8] =	wrdreg s24;
	v0 =	vsel vm5, $0x180, v0;
	v1 =	vsel vm3, $0x0, v1;
	v2 =	vsel vm4, $0x0, v2  }
0x60: {  	s2 =	simm.s32 $0x200;
	s9 =	sadd.s32 s0, s9;
	[dreg:$0x16] =	wrdreg s28;
	v17 =	vsel vm6, $0x200, v0;
	v0 =	vsel vm14, $0x180, v59;
	v1 =	vsel vm4, $0x80, v1  }
0x61: {  	s20 =	simm.s32 $0xFE00;
	s10 =	sadd.s32 s0, s10;
	[dreg:$0x7] =	wrdreg s9;
	v58 =	vsel vm5, $0x80, v2;
	v0 =	vsel vm13, $0x200, v0;
	v2 =	vsel vm14, $0x80, v61  }
0x62: {  	s24 =	sadd.s32 s1, s23;
	s8 =	sadd.s32 s0, s8;
	[dreg:$0xb] =	wrdreg s10;
	v57 =	vsel vm5, $0x100, v1;
	v14 =	vsel vm6, $0x100, v58;
	v1 =	vsel vm14, $0x100, v60  }
0x63: {  	s9 =	sadd.s32 s0, s25;
	s10 =	sshrl.u32 s14, $0x3;
	[dreg:$0x14] =	wrdreg s8;
	v0 =	vsel vm12, $0x280, v0;
	v2 =	vsel vm13, $0x100, v2;
	v1 =	vsel vm13, $0x180, v1  }
0x64: {  	s25 =	sadd.s32 $0x800, s1;
	[dreg:$0x13] =	wrdreg s24;
	s29 =	sadd.s32 $0x400, s24;
	v13 =	vsel vm6, $0x180, v57;
	v2 =	vsel vm12, $0x180, v2;
	v1 =	vsel vm12, $0x200, v1  }
0x65: {  	s1 =	simm.s32 $0x80;
	[dreg:$0x9] =	wrdreg s9;
	s9 =	sshrl.u32 s26, $0x3;
	v0 =	vsel vm11, $0x300, v0;
	v2 =	vsel vm11, $0x200, v2;
	v1 =	vsel vm11, $0x280, v1  }
0x66: {  	s8 =	simm.s32 $0x2;
	[dreg:$0x17] =	wrdreg s29;
	s9 =	sadd.s32 s0, s9;
	v0 =	vsel vm10, $0x380, v0;
	v2 =	vsel vm10, $0x280, v2;
	v1 =	vsel vm10, $0x300, v1  }
0x67: {  	s14 =	simm.s32 $0x10400;
	[dreg:$0xa] =	wrdreg s9;
	s9 =	sadd.s32 s0, s12;
	v0 =	vsel vm9, $0x400, v0;
	v2 =	vsel vm9, $0x300, v2;
	v1 =	vsel vm9, $0x380, v1  }
0x68: {  	s16 =	sadd.s32 s0, s10;
	[dreg:$0xc] =	wrdreg s9;
	s9 =	sshrl.u32 s13, $0x3;
	v0 =	vsel vm8, $0x480, v0;
	v2 =	vsel vm8, $0x380, v2;
	v1 =	vsel vm8, $0x400, v1  }
0x69: {  	s10 =	sshrl.u32 s19, $0x3;
	[dreg:$0xe] =	wrdreg s16;
	s9 =	sadd.s32 s0, s9;
	v0 =	vsel vm7, $0x500, v0;
	v2 =	vsel vm7, $0x400, v2;
	v1 =	vsel vm7, $0x480, v1  }
0x6a: {  	s21 =	sadd.s32 s0, s10;
	[dreg:$0xd] =	wrdreg s9;
	s9 =	sadd.s32 s0, s17;
	v0 =	vsel vm0, $0x580, v0;
	v2 =	vsel vm0, $0x480, v2;
	v1 =	vsel vm0, $0x500, v1  }
0x6b: {  	s10 =	simm.s32 $0x180;
	[dreg:$0xf] =	wrdreg s9;
	s9 =	sshrl.u32 s18, $0x3;
	v0 =	vsel vm1, $0x600, v0;
	v2 =	vsel vm1, $0x500, v2;
	v1 =	vsel vm1, $0x580, v1  }
0x6c: {  	s16 =	simm.s32 $0xFA00;
	[dreg:$0x11] =	wrdreg s21;
	s9 =	sadd.s32 s0, s9;
	v0 =	vsel vm2, $0x680, v0;
	v2 =	vsel vm2, $0x580, v2;
	v1 =	vsel vm2, $0x600, v1  }
0x6d: {  	s12 =	simm.s32 $0xC200;
	[dreg:$0x10] =	wrdreg s9;
	s9 =	sadd.s32 s0, s22;
	v0 =	vsel vm3, $0x700, v0;
	v2 =	vsel vm3, $0x600, v2;
	v1 =	vsel vm3, $0x680, v1  }
0x6e: {  	[tilespmem:$0x1FFF0] =	vst v18;
	s21 =	simm.s32 $0x4;
	[dreg:$0x12] =	wrdreg s9;
	s9 =	sadd.s32 s23, s7;
	v0 =	vsel vm4, $0x780, v0;
	v2 =	vsel vm4, $0x680, v2;
	v1 =	vsel vm4, $0x700, v1  }
0x6f: {  	s13 =	simm.s32 $0x10500;
	s18 =	simm.s32 $0x0;
	s26 =	sadd.s32 $0x6000, s9;
	[tilespmem:$0x1FFD0] =	vst v14;
	v0 =	vsel vm5, $0x0, v0;
	v63 =	vsel vm5, $0x700, v2;
	v62 =	vsel vm5, $0x780, v1  }
0x70: {  	s23 =	simm.s32 $0x3;
	s9 =	simm.s32 $0x4200;
	[dreg:$0x15] =	wrdreg s26;
	[tilespmem:$0x1FFE0] =	vst v13;
	v16 =	vsel vm6, $0x80, v0;
	v19 =	vsel vm6, $0x780, v63;
	v15 =	vsel vm6, $0x0, v62  }
.LBB2_1:
0x71: {  	[dreg:$0x18] =	wrdreg s18  }
0x72: {  	s15 =	rddreg [dreg:$0x13]  }
0x73: {  	[tilespmem:s3], [sflag:$0x1] =	stream.linear.gather [hbm4b:s15+s3], $0x100, $0x38;
	[tilespmem:$0x10600] =	vst v63  }
0x74: {  	s28 =	rddreg [dreg:$0x17]  }
0x75: {  	[tilespmem:s30], [sflag:$0x2] =	stream.linear.gather [hbm4b:s28+s3], $0x100, $0x38;
	[tilespmem:$0x10600] =	vst v63  }
0x76: {  	_ =	swait.ge [sflag:s31], $0x100  }
0x77: {  	[sflag:s31] =	ssyncset.done $0x0  }
0x78: {  	[sflag:s31] =	ssyncadd.s32 $0xFFFFFF00  }
0x79: {  	[tilespmem:s2], [sflag:$0x3] =	stream.indirect.gather [hbm4b:s5+s1], $0x40, s3, s1, $0xb8;
	[tilespmem:$0x10600] =	vst v63  }
0x7a: {  	s29 =	simm.s32 $0x10200  }
0x7b: {  	[tilespmem:s29], [sflag:$0x3] =	stream.indirect.gather [hbm4b:s6+s1], $0x1, s3, s1, $0xb8;
	[tilespmem:$0x10600] =	vst v63  }
0x7c: {  	s17 =	simm.s32 $0x2200  }
0x7d: {  	[tilespmem:s17], [sflag:$0x3] =	stream.indirect.gather [hbm4b:s5+s1], $0x40, s1, s1, $0xb8;
	[tilespmem:$0x10600] =	vst v63  }
0x7e: {  	s18 =	simm.s32 $0x10280  }
0x7f: {  	[tilespmem:s18], [sflag:$0x3] =	stream.indirect.gather [hbm4b:s6+s1], $0x1, s1, s1, $0xb8;
	[tilespmem:$0x10600] =	vst v63  }
0x80: {  	s19 =	rddreg [dreg:$0x4]  }
0x81: {  	[tilespmem:s11], [sflag:$0x3] =	stream.linear.gather [hbm4b:s19+s3], $0x400, $0x38;
	[tilespmem:$0x10600] =	vst v63  }
0x82: {  	s22 =	rddreg [dreg:$0x5];
	s17 =	simm.s32 $0x8600  }
0x83: {  	[tilespmem:s17], [sflag:$0x3] =	stream.linear.gather [hbm4b:s22+s3], $0x400, $0x38;
	[tilespmem:$0x10600] =	vst v63  }
0x84: {  	s26 =	simm.s32 $0x8A00;
	s24 =	rddreg [dreg:$0x6]  }
0x85: {  	[tilespmem:s26], [sflag:$0x3] =	stream.linear.gather [hbm4b:s24+s3], $0x400, $0x38;
	[tilespmem:$0x10600] =	vst v63  }
0x86: {  	s28 =	rddreg [dreg:$0x7];
	s29 =	simm.s32 $0x8E00  }
0x87: {  	[tilespmem:s29], [sflag:$0x3] =	stream.linear.gather [hbm4b:s28+s3], $0x400, $0x38;
	[tilespmem:$0x10600] =	vst v63  }
0x88: {  	s18 =	simm.s32 $0x9200;
	s17 =	rddreg [dreg:$0x8]  }
0x89: {  	[tilespmem:s18], [sflag:$0x3] =	stream.linear.gather [hbm4b:s17+s3], $0x400, $0x38;
	[tilespmem:$0x10600] =	vst v63  }
0x8a: {  	s19 =	rddreg [dreg:$0x9];
	s22 =	simm.s32 $0x9600  }
0x8b: {  	[tilespmem:s22], [sflag:$0x3] =	stream.linear.gather [hbm4b:s19+s3], $0x400, $0x38;
	[tilespmem:$0x10600] =	vst v63  }
0x8c: {  	s24 =	rddreg [dreg:$0xa];
	s26 =	simm.s32 $0x9A00  }
0x8d: {  	[tilespmem:s26], [sflag:$0x3] =	stream.linear.gather [hbm4b:s24+s3], $0x400, $0x38;
	[tilespmem:$0x10600] =	vst v63  }
0x8e: {  	s28 =	rddreg [dreg:$0xb];
	s29 =	simm.s32 $0x9E00  }
0x8f: {  	[tilespmem:s29], [sflag:$0x3] =	stream.linear.gather [hbm4b:s28+s3], $0x400, $0x38;
	[tilespmem:$0x10600] =	vst v63  }
0x90: {  	s17 =	rddreg [dreg:$0xc];
	s18 =	simm.s32 $0xA200  }
0x91: {  	[tilespmem:s18], [sflag:$0x3] =	stream.linear.gather [hbm4b:s17+s3], $0x400, $0x38;
	[tilespmem:$0x10600] =	vst v63  }
0x92: {  	s19 =	rddreg [dreg:$0xd];
	s22 =	simm.s32 $0xA600  }
0x93: {  	[tilespmem:s22], [sflag:$0x3] =	stream.linear.gather [hbm4b:s19+s3], $0x400, $0x38;
	[tilespmem:$0x10600] =	vst v63  }
0x94: {  	s24 =	rddreg [dreg:$0xe];
	s26 =	simm.s32 $0xAA00  }
0x95: {  	[tilespmem:s26], [sflag:$0x3] =	stream.linear.gather [hbm4b:s24+s3], $0x400, $0x38;
	[tilespmem:$0x10600] =	vst v63  }
0x96: {  	s28 =	rddreg [dreg:$0xf];
	s29 =	simm.s32 $0xAE00  }
0x97: {  	[tilespmem:s29], [sflag:$0x3] =	stream.linear.gather [hbm4b:s28+s3], $0x400, $0x38;
	[tilespmem:$0x10600] =	vst v63  }
0x98: {  	s17 =	rddreg [dreg:$0x10];
	s18 =	simm.s32 $0xB200  }
0x99: {  	[tilespmem:s18], [sflag:$0x3] =	stream.linear.gather [hbm4b:s17+s3], $0x400, $0x38;
	[tilespmem:$0x10600] =	vst v63  }
0x9a: {  	s19 =	rddreg [dreg:$0x11];
	s22 =	simm.s32 $0xB600  }
0x9b: {  	[tilespmem:s22], [sflag:$0x3] =	stream.linear.gather [hbm4b:s19+s3], $0x400, $0x38;
	[tilespmem:$0x10600] =	vst v63  }
0x9c: {  	s24 =	rddreg [dreg:$0x12];
	s26 =	simm.s32 $0xBA00  }
0x9d: {  	[tilespmem:s26], [sflag:$0x3] =	stream.linear.gather [hbm4b:s24+s3], $0x400, $0x38;
	[tilespmem:$0x10600] =	vst v63  }
0x9e: {  	s28 =	rddreg [dreg:$0x14];
	s29 =	simm.s32 $0xBE00;
	s22 =	simm.s32 $0x0  }
0x9f: {  	[tilespmem:s29], [sflag:$0x3] =	stream.linear.gather [hbm4b:s28+s3], $0x400, $0x38;
	[tilespmem:$0x10600] =	vst v63  }
.LBB2_2:
0xa0: {  	_ =	swait.ge [sflag:s23], $0x2000  }
0xa1: {  	[sflag:s23] =	ssyncset.done $0x0  }
0xa2: {  	[sflag:s23] =	ssyncadd.s32 $0xFFFFE000  }
0xa3: {  	_ =	swait.ge [sflag:s23], $0x80  }
0xa4: {  	[sflag:s23] =	ssyncset.done $0x0  }
0xa5: {  	[sflag:s23] =	ssyncadd.s32 $0xFFFFFF80  }
0xa6: {  	_ =	swait.ge [sflag:s23], $0x2000  }
0xa7: {  	[sflag:s23] =	ssyncset.done $0x0  }
0xa8: {  	[sflag:s23] =	ssyncadd.s32 $0xFFFFE000  }
0xa9: {  	_ =	swait.ge [sflag:s23], $0x80  }
0xaa: {  	[sflag:s23] =	ssyncset.done $0x0  }
0xab: {  	[sflag:s23] =	ssyncadd.s32 $0xFFFFFF80  }
0xac: {  	_ =	swait.ge [sflag:s23], $0x400  }
0xad: {  	[sflag:s23] =	ssyncset.done $0x0  }
0xae: {  	[sflag:s23] =	ssyncadd.s32 $0xFFFFFC00  }
0xaf: {  	_ =	swait.ge [sflag:s23], $0x400  }
0xb0: {  	[sflag:s23] =	ssyncset.done $0x0  }
0xb1: {  	[sflag:s23] =	ssyncadd.s32 $0xFFFFFC00  }
0xb2: {  	_ =	swait.ge [sflag:s23], $0x400  }
0xb3: {  	[sflag:s23] =	ssyncset.done $0x0  }
0xb4: {  	[sflag:s23] =	ssyncadd.s32 $0xFFFFFC00  }
0xb5: {  	_ =	swait.ge [sflag:s23], $0x400  }
0xb6: {  	[sflag:s23] =	ssyncset.done $0x0  }
0xb7: {  	[sflag:s23] =	ssyncadd.s32 $0xFFFFFC00  }
0xb8: {  	_ =	swait.ge [sflag:s23], $0x400  }
0xb9: {  	[sflag:s23] =	ssyncset.done $0x0  }
0xba: {  	[sflag:s23] =	ssyncadd.s32 $0xFFFFFC00  }
0xbb: {  	_ =	swait.ge [sflag:s23], $0x400  }
0xbc: {  	[sflag:s23] =	ssyncset.done $0x0  }
0xbd: {  	[sflag:s23] =	ssyncadd.s32 $0xFFFFFC00  }
0xbe: {  	_ =	swait.ge [sflag:s23], $0x400  }
0xbf: {  	[sflag:s23] =	ssyncset.done $0x0  }
0xc0: {  	[sflag:s23] =	ssyncadd.s32 $0xFFFFFC00  }
0xc1: {  	_ =	swait.ge [sflag:s23], $0x400  }
0xc2: {  	[sflag:s23] =	ssyncset.done $0x0  }
0xc3: {  	[sflag:s23] =	ssyncadd.s32 $0xFFFFFC00  }
0xc4: {  	_ =	swait.ge [sflag:s23], $0x400  }
0xc5: {  	[sflag:s23] =	ssyncset.done $0x0  }
0xc6: {  	[sflag:s23] =	ssyncadd.s32 $0xFFFFFC00  }
0xc7: {  	_ =	swait.ge [sflag:s23], $0x400  }
0xc8: {  	[sflag:s23] =	ssyncset.done $0x0  }
0xc9: {  	[sflag:s23] =	ssyncadd.s32 $0xFFFFFC00  }
0xca: {  	_ =	swait.ge [sflag:s23], $0x400  }
0xcb: {  	[sflag:s23] =	ssyncset.done $0x0  }
0xcc: {  	[sflag:s23] =	ssyncadd.s32 $0xFFFFFC00  }
0xcd: {  	_ =	swait.ge [sflag:s23], $0x400  }
0xce: {  	[sflag:s23] =	ssyncset.done $0x0  }
0xcf: {  	[sflag:s23] =	ssyncadd.s32 $0xFFFFFC00  }
0xd0: {  	_ =	swait.ge [sflag:s23], $0x400  }
0xd1: {  	[sflag:s23] =	ssyncset.done $0x0  }
0xd2: {  	[sflag:s23] =	ssyncadd.s32 $0xFFFFFC00  }
0xd3: {  	_ =	swait.ge [sflag:s23], $0x400  }
0xd4: {  	[sflag:s23] =	ssyncset.done $0x0  }
0xd5: {  	[sflag:s23] =	ssyncadd.s32 $0xFFFFFC00  }
0xd6: {  	_ =	swait.ge [sflag:s23], $0x400  }
0xd7: {  	[sflag:s23] =	ssyncset.done $0x0  }
0xd8: {  	s15 =	sshll.u32 s22, $0x6;
	[sflag:s23] =	ssyncadd.s32 $0xFFFFFC00  }
0xd9: {  	s15 =	sor.u32 s4, s15;
	_ =	swait.ge [sflag:s23], $0x400  }
0xda: {  	s24 =	sshll.u32 s15, $0x5;
	[sflag:s23] =	ssyncset.done $0x0  }
0xdb: {  	s17 =	sadd.s32 s24, s25;
	[sflag:s23] =	ssyncadd.s32 $0xFFFFFC00  }
0xdc: {  	[tilespmem:s3], [sflag:$0x1] =	stream.linear.gather [hbm4b:s17+s3], $0x100, $0x38;
	[tilespmem:$0x10600] =	vst v63  }
0xdd: {  	s15 =	sor.u32 $0x20, s15;
	_ =	swait.ge [sflag:s8], $0x100  }
0xde: {  	s29 =	sshrl.u32 s15, $0x4;
	[sflag:s8] =	ssyncset.done $0x0  }
0xdf: {  	s15 =	sshll.u32 s15, $0xB;
	s19 =	sshll.u32 s29, $0xF;
	[sflag:s8] =	ssyncadd.s32 $0xFFFFFF00  }
0xe0: {  	[tilespmem:s9], [sflag:$0x4] =	stream.indirect.gather [hbm4b:s5+s1], $0x40, s30, s1, $0xb8;
	[tilespmem:$0x10600] =	vst v63  }
0xe1: {  	s26 =	simm.s32 $0x10300;
	s15 =	ssub.s32 s15, s19;
	s17 =	sshll.u32 s29, $0x12  }
0xe2: {  	[tilespmem:s26], [sflag:$0x4] =	stream.indirect.gather [hbm4b:s6+s1], $0x1, s30, s1, $0xb8;
	[tilespmem:$0x10600] =	vst v63  }
0xe3: {  	s28 =	simm.s32 $0x6200;
	s15 =	sadd.s32 s17, s15  }
0xe4: {  	[tilespmem:s28], [sflag:$0x4] =	stream.indirect.gather [hbm4b:s5+s1], $0x40, s10, s1, $0xb8;
	[tilespmem:$0x10600] =	vst v63  }
0xe5: {  	s18 =	simm.s32 $0x10380;
	s17 =	sshrl.u32 s15, $0x3  }
0xe6: {  	[tilespmem:s18], [sflag:$0x4] =	stream.indirect.gather [hbm4b:s6+s1], $0x1, s10, s1, $0xb8;
	[tilespmem:$0x10600] =	vst v63  }
0xe7: {  	s17 =	sadd.s32 s0, s17  }
0xe8: {  	[tilespmem:s12], [sflag:$0x4] =	stream.linear.gather [hbm4b:s17+s3], $0x400, $0x38;
	[tilespmem:$0x10600] =	vst v63  }
0xe9: {  	s19 =	simm.s32 $0xC600;
	s26 =	sadd.s32 $0x1000, s17  }
0xea: {  	[tilespmem:s19], [sflag:$0x4] =	stream.linear.gather [hbm4b:s26+s3], $0x400, $0x38;
	[tilespmem:$0x10600] =	vst v63  }
0xeb: {  	s29 =	simm.s32 $0xCA00;
	s28 =	sadd.s32 $0x2000, s17  }
0xec: {  	[tilespmem:s29], [sflag:$0x4] =	stream.linear.gather [hbm4b:s28+s3], $0x400, $0x38;
	[tilespmem:$0x10600] =	vst v63  }
0xed: {  	s19 =	sadd.s32 $0x3000, s17;
	s26 =	simm.s32 $0xCE00  }
0xee: {  	[tilespmem:s26], [sflag:$0x4] =	stream.linear.gather [hbm4b:s19+s3], $0x400, $0x38;
	[tilespmem:$0x10600] =	vst v63  }
0xef: {  	s28 =	sadd.s32 $0x4000, s17;
	s29 =	simm.s32 $0xD200  }
0xf0: {  	[tilespmem:s29], [sflag:$0x4] =	stream.linear.gather [hbm4b:s28+s3], $0x400, $0x38;
	[tilespmem:$0x10600] =	vst v63  }
0xf1: {  	s19 =	sadd.s32 $0x5000, s17;
	s26 =	simm.s32 $0xD600  }
0xf2: {  	[tilespmem:s26], [sflag:$0x4] =	stream.linear.gather [hbm4b:s19+s3], $0x400, $0x38;
	[tilespmem:$0x10600] =	vst v63  }
0xf3: {  	s15 =	sor.u32 $0x400, s15;
	s28 =	sadd.s32 $0x6000, s17;
	s29 =	simm.s32 $0xDA00  }
0xf4: {  	[tilespmem:s29], [sflag:$0x4] =	stream.linear.gather [hbm4b:s28+s3], $0x400, $0x38;
	[tilespmem:$0x10600] =	vst v63  }
0xf5: {  	s15 =	sshrl.u32 s15, $0x3;
	s17 =	sadd.s32 $0x7000, s17;
	s19 =	simm.s32 $0xDE00  }
0xf6: {  	[tilespmem:s19], [sflag:$0x4] =	stream.linear.gather [hbm4b:s17+s3], $0x400, $0x38;
	[tilespmem:$0x10600] =	vst v63  }
0xf7: {  	s15 =	sadd.s32 s0, s15;
	s26 =	simm.s32 $0xE200  }
0xf8: {  	[tilespmem:s26], [sflag:$0x4] =	stream.linear.gather [hbm4b:s15+s3], $0x400, $0x38;
	[tilespmem:$0x10600] =	vst v63  }
0xf9: {  	s28 =	sadd.s32 $0x1000, s15;
	s29 =	simm.s32 $0xE600  }
0xfa: {  	[tilespmem:s29], [sflag:$0x4] =	stream.linear.gather [hbm4b:s28+s3], $0x400, $0x38;
	[tilespmem:$0x10600] =	vst v63  }
0xfb: {  	s19 =	sadd.s32 $0x2000, s15;
	s26 =	simm.s32 $0xEA00  }
0xfc: {  	[tilespmem:s26], [sflag:$0x4] =	stream.linear.gather [hbm4b:s19+s3], $0x400, $0x38;
	[tilespmem:$0x10600] =	vst v63  }
0xfd: {  	s28 =	sadd.s32 $0x3000, s15;
	s29 =	simm.s32 $0xEE00  }
0xfe: {  	[tilespmem:s29], [sflag:$0x4] =	stream.linear.gather [hbm4b:s28+s3], $0x400, $0x38;
	[tilespmem:$0x10600] =	vst v63  }
0xff: {  	s18 =	sadd.s32 $0x4000, s15;
	s19 =	simm.s32 $0xF200  }
0x100: {  	[tilespmem:s19], [sflag:$0x4] =	stream.linear.gather [hbm4b:s18+s3], $0x400, $0x38;
	[tilespmem:$0x10600] =	vst v63  }
0x101: {  	s26 =	sadd.s32 $0x5000, s15;
	s28 =	simm.s32 $0xF600  }
0x102: {  	[tilespmem:s28], [sflag:$0x4] =	stream.linear.gather [hbm4b:s26+s3], $0x400, $0x38;
	[tilespmem:$0x10600] =	vst v63  }
0x103: {  	s29 =	sadd.s32 $0x6000, s15  }
0x104: {  	[tilespmem:s16], [sflag:$0x4] =	stream.linear.gather [hbm4b:s29+s3], $0x400, $0x38;
	[tilespmem:$0x10600] =	vst v63  }
0x105: {  	p0 =	seq.s32 s22, $0x0;
	s15 =	sadd.s32 $0x7000, s15  }
0x106: {  	[tilespmem:s20], [sflag:$0x4] =	stream.linear.gather [hbm4b:s15+s3], $0x400, $0x38;
	[tilespmem:$0x10600] =	vst v63  }
0x107: {  	s15 =	simm.s32 @!p0 $0x5  }
0x108: {  	_ =	swait.ge @!p0 [sflag:s15], $0x100  }
0x109: {  	s17 =	sshll.u32 s22, $0x1;
	[sflag:s15] =	ssyncset.done @!p0 $0x0  }
0x10a: {  	s26 =	simm.s32 $0x0;
	[sflag:s15] =	ssyncadd.s32 @!p0 $0xFFFFFF00;
	s15 =	simm.s32 $0x0  }
.LBB2_3:
0x10b: {  	v1 =	vld [tilespmem:$0x1FED0];
	_ =	sdelay $0x1  }
0x10c: {  	s18 =	sshll.u32 s26, $0x4  }
0x10d: {  	v0 =	vmov s18  }
0x10e: {  	v0 =	vshll.u32 v0, $0x6  }
0x10f: {  	v1 =	vor.u32 v1, v0;
	v0 =	vld [tilespmem:$0x1FF90];
	_ =	sdelay $0x4  }
0x110: {  	v2 =	vor.u32 v0, v1;
	v0 =	vld [tilespmem:$0x1FFA0];
	_ =	sdelay $0x4  }
0x111: {  	[tilespmem:$0x1FE20] =	vst v2;
	v3 =	vor.u32 v0, v1;
	v0 =	vor.u32 s15, v2;
	v2 =	vld [tilespmem:$0x1FFB0];
	_ =	sdelay $0x4  }
0x112: {  	[tilespmem:$0x1FE30] =	vst v3;
	v4 =	vor.u32 v2, v1;
	v2 =	vor.u32 s15, v3;
	v3 =	vld [tilespmem:$0x1FFC0];
	_ =	sdelay $0x4  }
0x113: {  	[tilespmem:$0x1FE40] =	vst v4;
	v5 =	vor.u32 v3, v1;
	v3 =	vor.u32 s15, v4;
	v4 =	vld [tilespmem:$0x1FF50];
	_ =	sdelay $0x4  }
0x114: {  	[tilespmem:$0x1FE50] =	vst v5;
	v6 =	vor.u32 v4, v1;
	v4 =	vor.u32 s15, v5;
	v5 =	vld [tilespmem:$0x1FF60];
	_ =	sdelay $0x3  }
0x115: {  	v41 =	vld.idx.msk [tilespmem:v0+s2+$0x0], $0xffff  }
0x116: {  	[tilespmem:$0x1FE60] =	vst v6;
	v7 =	vor.u32 v5, v1;
	v5 =	vor.u32 s15, v6;
	v6 =	vld [tilespmem:$0x1FF70]  }
0x117: {  	v0 =	vld [tilespmem:$0x1FF80];
	_ =	sdelay $0x3  }
0x118: {  	v8 =	vor.u32 v6, v1  }
0x119: {  	[tilespmem:$0x1FE70] =	vst v7;
	v6 =	vor.u32 s15, v7;
	v7 =	vor.u32 v0, v1;
	v0 =	vor.u32 s15, v8  }
0x11a: {  	v45 =	vld.idx.msk [tilespmem:v2+s2+$0x0], $0xffff  }
0x11b: {  	v2 =	vld [tilespmem:$0x1FF10]  }
0x11c: {  	v33 =	vld.idx.msk [tilespmem:v3+s2+$0x0], $0xffff  }
0x11d: {  	v3 =	vld [tilespmem:$0x1FF20]  }
0x11e: {  	v35 =	vld.idx.msk [tilespmem:v0+s2+$0x0], $0xffff  }
0x11f: {  	v0 =	vld [tilespmem:$0x1FEE0];
	_ =	sdelay $0x1  }
0x120: {  	v34 =	vld.idx.msk [tilespmem:v4+s2+$0x0], $0xffff  }
0x121: {  	v4 =	vld [tilespmem:$0x1FF30]  }
0x122: {  	v52 =	vld.idx.msk [tilespmem:v5+s2+$0x0], $0xffff;
	[tilespmem:$0x1FE80] =	vst v8;
	v8 =	vor.u32 v2, v1;
	v2 =	vor.u32 s15, v7  }
0x123: {  	[tilespmem:$0x1FE90] =	vst v7;
	v7 =	vor.u32 v3, v1;
	v3 =	vor.u32 s15, v8;
	v54 =	vor.u32 v0, v1;
	v0 =	vld [tilespmem:$0x1FEF0]  }
0x124: {  	v5 =	vld [tilespmem:$0x1FF40];
	_ =	sdelay $0x1  }
0x125: {  	v9 =	vlaneseq.u32  }
0x126: {  	v53 =	vor.u32 v9, v1;
	[tilespmem:$0x1FEA0] =	vst v8;
	v8 =	vor.u32 v4, v1  }
0x127: {  	s19 =	sshrl.u32 s26, $0x3;
	[tilespmem:$0x1FEB0] =	vst v7;
	v4 =	vor.u32 s15, v7;
	v7 =	vor.u32 s15, v8;
	v57 =	vor.u32 v0, v1;
	v0 =	vld.idx.msk [tilespmem:v3+s2+$0x0], $0xffff  }
0x128: {  	s28 =	sshll.u32 s19, $0x6;
	[tilespmem:$0x1FEC0] =	vst v8;
	v8 =	vor.u32 s15, v53;
	v5 =	vor.u32 v5, v1;
	v3 =	vld [tilespmem:$0x1FF00]  }
0x129: {  	s29 =	sadd.s32 $0x0, s28;
	v55 =	vld.idx.msk [tilespmem:v6+s2+$0x0], $0xffff;
	v6 =	vor.u32 s15, v5  }
0x12a: {  	s19 =	sshll.u32 s19, $0x7;
	v36 =	vld.idx.msk [tilespmem:v2+s2+$0x0], $0xffff;
	v2 =	vmov s29  }
0x12b: {  	s19 =	ssub.s32 s18, s19;
	v51 =	vmov v5;
	v5 =	vshll.u32 v2, $0x7;
	v10 =	vor.u32 s15, v54  }
0x12c: {  	v48 =	vor.u32 s19, v9;
	v60 =	vld.idx.msk [tilespmem:v7+s2+$0x0], $0xffff;
	v2 =	vor.u32 v23, v5;
	v11 =	vor.u32 s15, v57  }
0x12d: {  	v7 =	vadd.s32 v48, v2;
	v2 =	vld.idx.msk [tilespmem:v8+s2+$0x0], $0xffff;
	v58 =	vor.u32 v3, v1  }
0x12e: {  	v59 =	vld.idx.msk [tilespmem:v6+s2+$0x0], $0xffff;
	v3 =	vor.u32 v22, v5;
	v12 =	vor.u32 s15, v58  }
0x12f: {  	v1 =	vld.idx.msk [tilespmem:v4+s2+$0x0], $0xffff;
	v4 =	vor.u32 v29, v5;
	v9 =	vadd.s32 v48, v3  }
0x130: {  	v56 =	vimm.f32 $0.0e+00;
	v6 =	vor.u32 v28, v5;
	v3 =	vld.idx.msk [tilespmem:v10+s2+$0x0], $0xffff;
	v8 =	vadd.s32 v48, v4  }
0x131: {  	v62 =	vimm.f32 $0.0e+00;
	v4 =	vld.idx.msk [tilespmem:v11+s2+$0x0], $0xffff;
	v11 =	vor.u32 v14, v5;
	v10 =	vadd.s32 v48, v6  }
0x132: {  	v63 =	vimm.f32 $0.0e+00;
	v61 =	vor.u32 v13, v5;
	v7 =	vld.idx.msk [tilespmem:v7+s11+$0x0], $0xffff;
	v11 =	vadd.s32 v48, v11  }
0x133: {  	s19 =	simm.s32 $0x10;
	v13 =	vor.u32 v18, v5;
	v6 =	vld.idx.msk [tilespmem:v12+s2+$0x0], $0xffff;
	v12 =	vadd.s32 v48, v61;
	v61 =	vimm.f32 $0.0e+00  }
.LBB2_4:
0x134: {  	v9 =	vld.idx.msk [tilespmem:v9+s11+$0x0], $0xffff  }
0x135: {  	v8 =	vld.idx.msk [tilespmem:v8+s11+$0x0], $0xffff  }
0x136: {  	v10 =	vld.idx.msk [tilespmem:v10+s11+$0x0], $0xffff  }
0x137: {  	v11 =	vld.idx.msk [tilespmem:v11+s11+$0x0], $0xffff  }
0x138: {  	v12 =	vld.idx.msk [tilespmem:v12+s11+$0x0], $0xffff  }
0x139: {  	v13 =	vadd.s32 v48, v13;
	v14 =	vor.u32 v19, v5;
	v50 =	vmov v19;
	v19 =	vld [tilespmem:$0x1FE20]  }
0x13a: {  	v49 =	vmovc v15;
	v15 =	vor.u32 v15, v5;
	v47 =	vmov v16;
	v16 =	vor.u32 v16, v5;
	v21 =	vld [tilespmem:$0x1FE30]  }
0x13b: {  	v46 =	vmovc v17;
	v17 =	vor.u32 v17, v5;
	v18 =	vor.u32 v30, v5;
	v38 =	vmov v23;
	v23 =	vld [tilespmem:$0x1FE40]  }
0x13c: {  	v20 =	vor.u32 v27, v5;
	v37 =	vmovc v22;
	v22 =	vor.u32 v25, v5;
	v32 =	vmovc v24;
	v39 =	vmov v25;
	v25 =	vld [tilespmem:$0x1FE50]  }
0x13d: {  	v24 =	vor.u32 v24, v5;
	v5 =	vor.u32 v26, v5;
	v31 =	vmovc v26;
	v26 =	vld [tilespmem:$0x1FE60];
	v14 =	vadd.s32 v48, v14  }
0x13e: {  	v40 =	vmov v27;
	v27 =	vld [tilespmem:$0x1FE70];
	v15 =	vadd.s32 v48, v15  }
0x13f: {  	v42 =	vmov v28;
	v28 =	vld [tilespmem:$0x1FE80];
	v16 =	vadd.s32 v48, v16  }
0x140: {  	v18 =	vadd.s32 v48, v18;
	v13 =	vld.idx.msk [tilespmem:v13+s11+$0x0], $0xffff  }
0x141: {  	v22 =	vadd.s32 v48, v22;
	v1 =	vmul.f32 v12, v1;
	v12 =	vld [tilespmem:$0x1FEB0]  }
0x142: {  	v17 =	vadd.s32 v48, v17;
	v14 =	vld.idx.msk [tilespmem:v14+s11+$0x0], $0xffff  }
0x143: {  	v20 =	vadd.s32 v48, v20;
	v15 =	vld.idx.msk [tilespmem:v15+s11+$0x0], $0xffff  }
0x144: {  	v24 =	vadd.s32 v48, v24;
	v16 =	vld.idx.msk [tilespmem:v16+s11+$0x0], $0xffff  }
0x145: {  	v5 =	vadd.s32 v48, v5;
	v7 =	vmul.f32 v7, v41;
	v19 =	vor.u32 s19, v19;
	v18 =	vld.idx.msk [tilespmem:v18+s11+$0x0], $0xffff  }
0x146: {  	v21 =	vor.u32 s19, v21;
	v23 =	vor.u32 s19, v23;
	v0 =	vmul.f32 v11, v0;
	v11 =	vld.idx.msk [tilespmem:v22+s11+$0x0], $0xffff  }
0x147: {  	v25 =	vor.u32 s19, v25;
	v9 =	vmul.f32 v9, v45;
	v17 =	vld.idx.msk [tilespmem:v17+s11+$0x0], $0xffff;
	v2 =	vmul.f32 v13, v2  }
0x148: {  	v26 =	vor.u32 s19, v26;
	v8 =	vmul.f32 v8, v52;
	v10 =	vmul.f32 v10, v55;
	v20 =	vld.idx.msk [tilespmem:v20+s11+$0x0], $0xffff  }
0x149: {  	v3 =	vmul.f32 v14, v3;
	v14 =	vld [tilespmem:$0x1FEC0];
	v4 =	vmul.f32 v15, v4;
	v2 =	vadd.f32 v2, v56  }
0x14a: {  	v43 =	vmovc v29;
	v29 =	vld [tilespmem:$0x1FE90];
	v12 =	vor.u32 s19, v12;
	v6 =	vmul.f32 v16, v6;
	v18 =	vmul.f32 v18, v59  }
0x14b: {  	v5 =	vld.idx.msk [tilespmem:v5+s11+$0x0], $0xffff;
	v11 =	vmul.f32 v11, v36;
	v3 =	vadd.f32 v3, v61;
	v0 =	vadd.f32 v0, v2  }
0x14c: {  	v13 =	vld.idx.msk [tilespmem:v24+s11+$0x0], $0xffff;
	v61 =	vmul.f32 v17, v60;
	v4 =	vadd.f32 v4, v62;
	v6 =	vadd.f32 v6, v63  }
0x14d: {  	v44 =	vmovc v30;
	v30 =	vld [tilespmem:$0x1FEA0];
	v2 =	vmul.f32 v20, v35;
	v1 =	vadd.f32 v1, v3;
	v0 =	vadd.f32 v8, v0  }
0x14e: {  	v41 =	vld.idx.msk [tilespmem:v19+s2+$0x0], $0xffff;
	v4 =	vadd.f32 v61, v4;
	v6 =	vadd.f32 v18, v6;
	v14 =	vor.u32 s19, v14  }
0x14f: {  	v45 =	vld.idx.msk [tilespmem:v21+s2+$0x0], $0xffff;
	v1 =	vadd.f32 v10, v1;
	v56 =	vadd.f32 v7, v0;
	v7 =	vor.u32 s19, v53  }
0x150: {  	s29 =	sadd.s32 s19, s28;
	v52 =	vld.idx.msk [tilespmem:v26+s2+$0x0], $0xffff;
	v5 =	vmul.f32 v5, v34;
	v2 =	vadd.f32 v2, v4;
	v4 =	vadd.f32 v11, v6  }
0x151: {  	v17 =	vld.idx.msk [tilespmem:v23+s2+$0x0], $0xffff;
	v8 =	vmul.f32 v13, v33;
	v61 =	vadd.f32 v9, v1;
	v1 =	vmov s29  }
0x152: {  	v3 =	vld.idx.msk [tilespmem:v25+s2+$0x0], $0xffff;
	v6 =	vor.u32 s19, v51;
	v63 =	vadd.f32 v5, v4;
	v5 =	vshll.u32 v1, $0x7  }
0x153: {  	v62 =	vadd.f32 v8, v2;
	v4 =	vor.u32 s19, v54;
	v60 =	vld.idx.msk [tilespmem:v14+s2+$0x0], $0xffff;
	v2 =	vor.u32 v38, v5  }
0x154: {  	v10 =	vor.u32 s19, v57;
	v14 =	vadd.s32 v48, v2;
	v2 =	vld.idx.msk [tilespmem:v7+s2+$0x0], $0xffff  }
0x155: {  	v11 =	vor.u32 s19, v58;
	v7 =	vld [tilespmem:$0x1FFD0]  }
0x156: {  	v1 =	vld.idx.msk [tilespmem:v12+s2+$0x0], $0xffff  }
0x157: {  	v34 =	vmov v3;
	v3 =	vor.u32 v37, v5;
	v59 =	vld.idx.msk [tilespmem:v6+s2+$0x0], $0xffff  }
0x158: {  	v27 =	vor.u32 s19, v27;
	v6 =	vor.u32 v43, v5;
	v9 =	vadd.s32 v48, v3;
	v3 =	vld.idx.msk [tilespmem:v4+s2+$0x0], $0xffff  }
0x159: {  	v29 =	vor.u32 s19, v29;
	v8 =	vadd.s32 v48, v6;
	v6 =	vor.u32 v42, v5;
	v4 =	vld.idx.msk [tilespmem:v10+s2+$0x0], $0xffff  }
0x15a: {  	v28 =	vor.u32 s19, v28;
	v10 =	vadd.s32 v48, v6;
	v6 =	vld.idx.msk [tilespmem:v11+s2+$0x0], $0xffff;
	v7 =	vor.u32 v7, v5  }
0x15b: {  	v30 =	vor.u32 s19, v30;
	v11 =	vadd.s32 v48, v7;
	v7 =	vld [tilespmem:$0x1FFE0]  }
0x15c: {  	p1 =	sne.s32 s19, $0x30;
	v12 =	vld [tilespmem:$0x1FFF0]  }
.Ltmp0:
0x15d: {  	v55 =	vld.idx.msk [tilespmem:v27+s2+$0x0], $0xffff;
	(pc) =	sbr.rel @p1 .LBB2_4-.Ltmp0, $4  }
0x15e: {  	v22 =	vmov v37;
	v24 =	vmov v32;
	v19 =	vmov v50;
	v36 =	vld.idx.msk [tilespmem:v29+s2+$0x0], $0xffff  }
0x15f: {  	v26 =	vmovc v31;
	v27 =	vmovc v40;
	v15 =	vmov v49;
	v16 =	vmov v47;
	v29 =	vmov v43;
	v35 =	vld.idx.msk [tilespmem:v28+s2+$0x0], $0xffff  }
0x160: {  	v23 =	vmovc v38;
	v28 =	vmovc v42;
	v25 =	vmov v39;
	v0 =	vld.idx.msk [tilespmem:v30+s2+$0x0], $0xffff;
	v30 =	vmov v44;
	v7 =	vor.u32 v7, v5  }
0x161: {  	v33 =	vmovc v17;
	v17 =	vmov v46;
	s19 =	sadd.s32 $0x10, s19;
	v13 =	vor.u32 v12, v5;
	v12 =	vadd.s32 v48, v7;
	v7 =	vld.idx.msk [tilespmem:v14+s11+$0x0], $0xffff  }
0x162: {  	_ =	sdelay $0x3  }
0x163: {  	v13 =	vadd.s32 v48, v13;
	v14 =	vor.u32 v19, v5;
	v9 =	vld.idx.msk [tilespmem:v9+s11+$0x0], $0xffff  }
0x164: {  	v15 =	vor.u32 v49, v5;
	v8 =	vld.idx.msk [tilespmem:v8+s11+$0x0], $0xffff;
	v14 =	vadd.s32 v48, v14  }
0x165: {  	v16 =	vor.u32 v47, v5;
	v10 =	vld.idx.msk [tilespmem:v10+s11+$0x0], $0xffff;
	v15 =	vadd.s32 v48, v15  }
0x166: {  	v11 =	vld.idx.msk [tilespmem:v11+s11+$0x0], $0xffff;
	v17 =	vor.u32 v46, v5;
	v16 =	vadd.s32 v48, v16  }
0x167: {  	v12 =	vld.idx.msk [tilespmem:v12+s11+$0x0], $0xffff;
	v18 =	vor.u32 v30, v5;
	v17 =	vadd.s32 v48, v17  }
0x168: {  	v19 =	vor.u32 v27, v5;
	v18 =	vadd.s32 v48, v18;
	v13 =	vld.idx.msk [tilespmem:v13+s11+$0x0], $0xffff  }
0x169: {  	v20 =	vor.u32 v25, v5;
	v19 =	vadd.s32 v48, v19;
	v14 =	vld.idx.msk [tilespmem:v14+s11+$0x0], $0xffff  }
0x16a: {  	v21 =	vor.u32 v24, v5;
	v20 =	vadd.s32 v48, v20;
	v15 =	vld.idx.msk [tilespmem:v15+s11+$0x0], $0xffff  }
0x16b: {  	v53 =	vor.u32 v26, v5;
	v21 =	vadd.s32 v48, v21;
	v16 =	vld.idx.msk [tilespmem:v16+s11+$0x0], $0xffff  }
0x16c: {  	v5 =	vadd.s32 v48, v53;
	v7 =	vmul.f32 v7, v41;
	v9 =	vmul.f32 v9, v45;
	v17 =	vld.idx.msk [tilespmem:v17+s11+$0x0], $0xffff  }
0x16d: {  	v8 =	vmul.f32 v8, v52;
	v10 =	vmul.f32 v10, v55;
	v18 =	vld.idx.msk [tilespmem:v18+s11+$0x0], $0xffff  }
0x16e: {  	v0 =	vmul.f32 v11, v0;
	v1 =	vmul.f32 v12, v1;
	v19 =	vld.idx.msk [tilespmem:v19+s11+$0x0], $0xffff  }
0x16f: {  	v54 =	vld.idx.msk [tilespmem:v20+s11+$0x0], $0xffff;
	v2 =	vmul.f32 v13, v2;
	v3 =	vmul.f32 v14, v3  }
0x170: {  	v12 =	vld.idx.msk [tilespmem:v21+s11+$0x0], $0xffff;
	v4 =	vmul.f32 v15, v4;
	v6 =	vmul.f32 v16, v6  }
0x171: {  	v5 =	vld.idx.msk [tilespmem:v5+s11+$0x0], $0xffff;
	v13 =	vmul.f32 v17, v60;
	v2 =	vadd.f32 v2, v56;
	v3 =	vadd.f32 v3, v61  }
0x172: {  	v14 =	vmul.f32 v18, v59;
	v4 =	vadd.f32 v4, v62;
	v6 =	vadd.f32 v6, v63  }
0x173: {  	v55 =	vmul.f32 v19, v35;
	v0 =	vadd.f32 v0, v2;
	v1 =	vadd.f32 v1, v3  }
0x174: {  	v58 =	vmul.f32 v54, v36;
	v56 =	vadd.f32 v13, v4;
	v57 =	vadd.f32 v14, v6  }
0x175: {  	v59 =	vmul.f32 v12, v33;
	v0 =	vadd.f32 v8, v0;
	v1 =	vadd.f32 v10, v1  }
0x176: {  	v61 =	vmul.f32 v5, v34;
	v2 =	vadd.f32 v55, v56;
	v60 =	vadd.f32 v58, v57  }
0x177: {  	v0 =	vadd.f32 v7, v0;
	v1 =	vadd.f32 v9, v1  }
0x178: {  	v2 =	vadd.f32 v59, v2;
	v3 =	vadd.f32 v61, v60  }
0x179: {  	v62 =	vld [tilespmem:s18+$0x10200]  }
0x17a: {  	s26 =	sadd.s32 $0x1, s26;
	v0 =	vadd.f32 v1, v0;
	v63 =	vadd.f32 v3, v2  }
0x17b: {  	p1 =	sne.s32 s26, $0x10  }
.Ltmp1:
0x17c: {  	v0 =	vadd.f32 v63, v0;
	(pc) =	sbr.rel @p1 .LBB2_3-.Ltmp1, $4  }
0x17d: {  	_ = 	snop  }
0x17e: {  	v18 =	vld [tilespmem:$0x1FFF0];
	v0 =	vadd.f32 v62, v0  }
0x17f: {  	v13 =	vld [tilespmem:$0x1FFE0]  }
0x180: {  	v15 =	vmovc v49;
	v16 =	vmov v47;
	v17 =	vmov v46;
	v19 =	vmov v50;
	v14 =	vld [tilespmem:$0x1FFD0];
	[tilespmem:s18+$0x10400] =	vst v0  }
0x181: {  	s15 =	sadd.s32 s7, s24  }
0x182: {  	[hbm4b:s15+s3] =	stream.linear.scatter [tilespmem:s14], [sflag:$0x5], $0x100, $0x38;
	[tilespmem:$0x10600] =	vst v63  }
0x183: {  	_ =	swait.ge [sflag:s21], $0x2000  }
0x184: {  	[sflag:s21] =	ssyncset.done $0x0  }
0x185: {  	[sflag:s21] =	ssyncadd.s32 $0xFFFFE000  }
0x186: {  	_ =	swait.ge [sflag:s21], $0x80  }
0x187: {  	[sflag:s21] =	ssyncset.done $0x0  }
0x188: {  	[sflag:s21] =	ssyncadd.s32 $0xFFFFFF80  }
0x189: {  	_ =	swait.ge [sflag:s21], $0x2000  }
0x18a: {  	[sflag:s21] =	ssyncset.done $0x0  }
0x18b: {  	[sflag:s21] =	ssyncadd.s32 $0xFFFFE000  }
0x18c: {  	_ =	swait.ge [sflag:s21], $0x80  }
0x18d: {  	[sflag:s21] =	ssyncset.done $0x0  }
0x18e: {  	[sflag:s21] =	ssyncadd.s32 $0xFFFFFF80  }
0x18f: {  	_ =	swait.ge [sflag:s21], $0x400  }
0x190: {  	[sflag:s21] =	ssyncset.done $0x0  }
0x191: {  	[sflag:s21] =	ssyncadd.s32 $0xFFFFFC00  }
0x192: {  	_ =	swait.ge [sflag:s21], $0x400  }
0x193: {  	[sflag:s21] =	ssyncset.done $0x0  }
0x194: {  	[sflag:s21] =	ssyncadd.s32 $0xFFFFFC00  }
0x195: {  	_ =	swait.ge [sflag:s21], $0x400  }
0x196: {  	[sflag:s21] =	ssyncset.done $0x0  }
0x197: {  	[sflag:s21] =	ssyncadd.s32 $0xFFFFFC00  }
0x198: {  	_ =	swait.ge [sflag:s21], $0x400  }
0x199: {  	[sflag:s21] =	ssyncset.done $0x0  }
0x19a: {  	[sflag:s21] =	ssyncadd.s32 $0xFFFFFC00  }
0x19b: {  	_ =	swait.ge [sflag:s21], $0x400  }
0x19c: {  	[sflag:s21] =	ssyncset.done $0x0  }
0x19d: {  	[sflag:s21] =	ssyncadd.s32 $0xFFFFFC00  }
0x19e: {  	_ =	swait.ge [sflag:s21], $0x400  }
0x19f: {  	[sflag:s21] =	ssyncset.done $0x0  }
0x1a0: {  	[sflag:s21] =	ssyncadd.s32 $0xFFFFFC00  }
0x1a1: {  	_ =	swait.ge [sflag:s21], $0x400  }
0x1a2: {  	[sflag:s21] =	ssyncset.done $0x0  }
0x1a3: {  	[sflag:s21] =	ssyncadd.s32 $0xFFFFFC00  }
0x1a4: {  	_ =	swait.ge [sflag:s21], $0x400  }
0x1a5: {  	[sflag:s21] =	ssyncset.done $0x0  }
0x1a6: {  	[sflag:s21] =	ssyncadd.s32 $0xFFFFFC00  }
0x1a7: {  	_ =	swait.ge [sflag:s21], $0x400  }
0x1a8: {  	[sflag:s21] =	ssyncset.done $0x0  }
0x1a9: {  	[sflag:s21] =	ssyncadd.s32 $0xFFFFFC00  }
0x1aa: {  	_ =	swait.ge [sflag:s21], $0x400  }
0x1ab: {  	[sflag:s21] =	ssyncset.done $0x0  }
0x1ac: {  	[sflag:s21] =	ssyncadd.s32 $0xFFFFFC00  }
0x1ad: {  	_ =	swait.ge [sflag:s21], $0x400  }
0x1ae: {  	[sflag:s21] =	ssyncset.done $0x0  }
0x1af: {  	[sflag:s21] =	ssyncadd.s32 $0xFFFFFC00  }
0x1b0: {  	_ =	swait.ge [sflag:s21], $0x400  }
0x1b1: {  	[sflag:s21] =	ssyncset.done $0x0  }
0x1b2: {  	[sflag:s21] =	ssyncadd.s32 $0xFFFFFC00  }
0x1b3: {  	_ =	swait.ge [sflag:s21], $0x400  }
0x1b4: {  	[sflag:s21] =	ssyncset.done $0x0  }
0x1b5: {  	[sflag:s21] =	ssyncadd.s32 $0xFFFFFC00  }
0x1b6: {  	_ =	swait.ge [sflag:s21], $0x400  }
0x1b7: {  	[sflag:s21] =	ssyncset.done $0x0  }
0x1b8: {  	[sflag:s21] =	ssyncadd.s32 $0xFFFFFC00  }
0x1b9: {  	_ =	swait.ge [sflag:s21], $0x400  }
0x1ba: {  	s18 =	sor.u32 $0x1, s17;
	[sflag:s21] =	ssyncset.done $0x0  }
0x1bb: {  	s17 =	sshll.u32 s18, $0x5;
	[sflag:s21] =	ssyncadd.s32 $0xFFFFFC00  }
0x1bc: {  	p1 =	sgt.u32 s18, $0x16;
	s17 =	sor.u32 s4, s17;
	_ =	swait.ge [sflag:s21], $0x400  }
0x1bd: {  	s18 =	simm.s32 @!p1 $0x0;
	s15 =	sshll.u32 @!p1 s17, $0x5;
	[sflag:s21] =	ssyncset.done $0x0  }
0x1be: {  	s19 =	simm.s32 @!p1 $0x100;
	s15 =	sadd.s32 @!p1 s15, s25;
	[sflag:s21] =	ssyncadd.s32 $0xFFFFFC00  }
0x1bf: {  	[tilespmem:s19], [sflag:$0x2] =	stream.linear.gather @!p1 [hbm4b:s15+s18], $0x100, $0x38;
	[tilespmem:$0x10600] =	vst v63  }
0x1c0: {  	s15 =	sadd.s32 $0x20, s17;
	_ =	swait.ge [sflag:s31], $0x100  }
0x1c1: {  	s26 =	sshrl.u32 s15, $0x4;
	[sflag:s31] =	ssyncset.done $0x0  }
0x1c2: {  	s15 =	sshll.u32 s15, $0xB;
	s29 =	sshll.u32 s26, $0xF;
	[sflag:s31] =	ssyncadd.s32 $0xFFFFFF00  }
0x1c3: {  	[tilespmem:s2], [sflag:$0x3] =	stream.indirect.gather [hbm4b:s5+s1], $0x40, s3, s1, $0xb8;
	[tilespmem:$0x10600] =	vst v63  }
0x1c4: {  	s19 =	simm.s32 $0x10200;
	s18 =	sshll.u32 s26, $0x12;
	s15 =	ssub.s32 s15, s29  }
0x1c5: {  	[tilespmem:s19], [sflag:$0x3] =	stream.indirect.gather [hbm4b:s6+s1], $0x1, s3, s1, $0xb8;
	[tilespmem:$0x10600] =	vst v63  }
0x1c6: {  	s24 =	simm.s32 $0x2200;
	s15 =	sadd.s32 s18, s15  }
0x1c7: {  	[tilespmem:s24], [sflag:$0x3] =	stream.indirect.gather [hbm4b:s5+s1], $0x40, s1, s1, $0xb8;
	[tilespmem:$0x10600] =	vst v63  }
0x1c8: {  	s28 =	simm.s32 $0x10280;
	s18 =	sshrl.u32 s15, $0x3  }
0x1c9: {  	[tilespmem:s28], [sflag:$0x3] =	stream.indirect.gather [hbm4b:s6+s1], $0x1, s1, s1, $0xb8;
	[tilespmem:$0x10600] =	vst v63  }
0x1ca: {  	s18 =	sadd.s32 s0, s18;
	s24 =	sadd.s32 $0x8000, s15  }
0x1cb: {  	[tilespmem:s11], [sflag:$0x3] =	stream.linear.gather [hbm4b:s18+s3], $0x400, $0x38;
	[tilespmem:$0x10600] =	vst v63  }
0x1cc: {  	s18 =	sshrl.u32 s24, $0x3  }
0x1cd: {  	s26 =	simm.s32 $0x8600;
	s28 =	sadd.s32 $0x10000, s15;
	s18 =	sadd.s32 s0, s18  }
0x1ce: {  	[tilespmem:s26], [sflag:$0x3] =	stream.linear.gather [hbm4b:s18+s3], $0x400, $0x38;
	[tilespmem:$0x10600] =	vst v63  }
0x1cf: {  	s18 =	sshrl.u32 s28, $0x3  }
0x1d0: {  	s29 =	simm.s32 $0x8A00;
	s24 =	sadd.s32 $0x18000, s15;
	s18 =	sadd.s32 s0, s18  }
0x1d1: {  	[tilespmem:s29], [sflag:$0x3] =	stream.linear.gather [hbm4b:s18+s3], $0x400, $0x38;
	[tilespmem:$0x10600] =	vst v63  }
0x1d2: {  	s18 =	sshrl.u32 s24, $0x3  }
0x1d3: {  	s26 =	simm.s32 $0x8E00;
	s28 =	sadd.s32 $0x20000, s15;
	s18 =	sadd.s32 s0, s18  }
0x1d4: {  	[tilespmem:s26], [sflag:$0x3] =	stream.linear.gather [hbm4b:s18+s3], $0x400, $0x38;
	[tilespmem:$0x10600] =	vst v63  }
0x1d5: {  	s18 =	sshrl.u32 s28, $0x3  }
0x1d6: {  	s29 =	simm.s32 $0x9200;
	s24 =	sadd.s32 $0x28000, s15;
	s18 =	sadd.s32 s0, s18  }
0x1d7: {  	[tilespmem:s29], [sflag:$0x3] =	stream.linear.gather [hbm4b:s18+s3], $0x400, $0x38;
	[tilespmem:$0x10600] =	vst v63  }
0x1d8: {  	s18 =	sshrl.u32 s24, $0x3  }
0x1d9: {  	s26 =	simm.s32 $0x9600;
	s28 =	sadd.s32 $0x30000, s15;
	s18 =	sadd.s32 s0, s18  }
0x1da: {  	[tilespmem:s26], [sflag:$0x3] =	stream.linear.gather [hbm4b:s18+s3], $0x400, $0x38;
	[tilespmem:$0x10600] =	vst v63  }
0x1db: {  	s18 =	sshrl.u32 s28, $0x3  }
0x1dc: {  	s29 =	simm.s32 $0x9A00;
	s24 =	sadd.s32 $0x38000, s15;
	s18 =	sadd.s32 s0, s18  }
0x1dd: {  	[tilespmem:s29], [sflag:$0x3] =	stream.linear.gather [hbm4b:s18+s3], $0x400, $0x38;
	[tilespmem:$0x10600] =	vst v63  }
0x1de: {  	s18 =	sshrl.u32 s24, $0x3  }
0x1df: {  	s26 =	simm.s32 $0x9E00;
	s28 =	sor.u32 $0x400, s15;
	s18 =	sadd.s32 s0, s18  }
0x1e0: {  	[tilespmem:s26], [sflag:$0x3] =	stream.linear.gather [hbm4b:s18+s3], $0x400, $0x38;
	[tilespmem:$0x10600] =	vst v63  }
0x1e1: {  	s18 =	sshrl.u32 s28, $0x3  }
0x1e2: {  	s29 =	simm.s32 $0xA200;
	s24 =	sadd.s32 $0x8400, s15;
	s18 =	sadd.s32 s0, s18  }
0x1e3: {  	[tilespmem:s29], [sflag:$0x3] =	stream.linear.gather [hbm4b:s18+s3], $0x400, $0x38;
	[tilespmem:$0x10600] =	vst v63  }
0x1e4: {  	s18 =	sshrl.u32 s24, $0x3  }
0x1e5: {  	s26 =	simm.s32 $0xA600;
	s28 =	sadd.s32 $0x10400, s15;
	s18 =	sadd.s32 s0, s18  }
0x1e6: {  	[tilespmem:s26], [sflag:$0x3] =	stream.linear.gather [hbm4b:s18+s3], $0x400, $0x38;
	[tilespmem:$0x10600] =	vst v63  }
0x1e7: {  	s18 =	sshrl.u32 s28, $0x3  }
0x1e8: {  	s29 =	simm.s32 $0xAA00;
	s24 =	sadd.s32 $0x18400, s15;
	s18 =	sadd.s32 s0, s18  }
0x1e9: {  	[tilespmem:s29], [sflag:$0x3] =	stream.linear.gather [hbm4b:s18+s3], $0x400, $0x38;
	[tilespmem:$0x10600] =	vst v63  }
0x1ea: {  	s18 =	sshrl.u32 s24, $0x3  }
0x1eb: {  	s26 =	simm.s32 $0xAE00;
	s28 =	sadd.s32 $0x20400, s15;
	s18 =	sadd.s32 s0, s18  }
0x1ec: {  	[tilespmem:s26], [sflag:$0x3] =	stream.linear.gather [hbm4b:s18+s3], $0x400, $0x38;
	[tilespmem:$0x10600] =	vst v63  }
0x1ed: {  	s18 =	sshrl.u32 s28, $0x3  }
0x1ee: {  	s19 =	sadd.s32 $0x28400, s15;
	s29 =	simm.s32 $0xB200;
	s18 =	sadd.s32 s0, s18  }
0x1ef: {  	[tilespmem:s29], [sflag:$0x3] =	stream.linear.gather [hbm4b:s18+s3], $0x400, $0x38;
	[tilespmem:$0x10600] =	vst v63  }
0x1f0: {  	s18 =	sshrl.u32 s19, $0x3  }
0x1f1: {  	s24 =	simm.s32 $0xB600;
	s26 =	sadd.s32 $0x30400, s15;
	s18 =	sadd.s32 s0, s18  }
0x1f2: {  	[tilespmem:s24], [sflag:$0x3] =	stream.linear.gather [hbm4b:s18+s3], $0x400, $0x38;
	[tilespmem:$0x10600] =	vst v63  }
0x1f3: {  	s15 =	sadd.s32 $0x38400, s15;
	s18 =	sshrl.u32 s26, $0x3  }
0x1f4: {  	s28 =	simm.s32 $0xBA00;
	s15 =	sshrl.u32 s15, $0x3;
	s18 =	sadd.s32 s0, s18  }
0x1f5: {  	[tilespmem:s28], [sflag:$0x3] =	stream.linear.gather [hbm4b:s18+s3], $0x400, $0x38;
	[tilespmem:$0x10600] =	vst v63  }
0x1f6: {  	s15 =	sadd.s32 s0, s15;
	s29 =	simm.s32 $0xBE00  }
0x1f7: {  	[tilespmem:s29], [sflag:$0x3] =	stream.linear.gather [hbm4b:s15+s3], $0x400, $0x38;
	[tilespmem:$0x10600] =	vst v63  }
0x1f8: {  	s15 =	simm.s32 @!p0 $0x6  }
0x1f9: {  	_ =	swait.ge @!p0 [sflag:s15], $0x100  }
0x1fa: {  	[sflag:s15] =	ssyncset.done @!p0 $0x0  }
0x1fb: {  	s24 =	simm.s32 $0x0;
	[sflag:s15] =	ssyncadd.s32 @!p0 $0xFFFFFF00;
	s15 =	simm.s32 $0x0  }
.LBB2_7:
0x1fc: {  	v1 =	vld [tilespmem:$0x1FED0];
	_ =	sdelay $0x1  }
0x1fd: {  	s18 =	sshll.u32 s24, $0x4  }
0x1fe: {  	v0 =	vmov s18  }
0x1ff: {  	v0 =	vshll.u32 v0, $0x6  }
0x200: {  	v1 =	vor.u32 v1, v0;
	v0 =	vld [tilespmem:$0x1FF90];
	_ =	sdelay $0x4  }
0x201: {  	v2 =	vor.u32 v0, v1;
	v0 =	vld [tilespmem:$0x1FFA0];
	_ =	sdelay $0x4  }
0x202: {  	[tilespmem:$0x1FD70] =	vst v2;
	v3 =	vor.u32 v0, v1;
	v0 =	vor.u32 s15, v2;
	v2 =	vld [tilespmem:$0x1FFB0];
	_ =	sdelay $0x4  }
0x203: {  	[tilespmem:$0x1FD80] =	vst v3;
	v4 =	vor.u32 v2, v1;
	v2 =	vor.u32 s15, v3;
	v3 =	vld [tilespmem:$0x1FFC0];
	_ =	sdelay $0x4  }
0x204: {  	[tilespmem:$0x1FD90] =	vst v4;
	v5 =	vor.u32 v3, v1;
	v3 =	vor.u32 s15, v4;
	v4 =	vld [tilespmem:$0x1FF50];
	_ =	sdelay $0x4  }
0x205: {  	[tilespmem:$0x1FDA0] =	vst v5;
	v6 =	vor.u32 v4, v1;
	v4 =	vor.u32 s15, v5;
	v5 =	vld [tilespmem:$0x1FF60];
	_ =	sdelay $0x3  }
0x206: {  	v41 =	vld.idx.msk [tilespmem:v0+s9+$0x0], $0xffff  }
0x207: {  	[tilespmem:$0x1FDB0] =	vst v6;
	v7 =	vor.u32 v5, v1;
	v5 =	vor.u32 s15, v6;
	v6 =	vld [tilespmem:$0x1FF70]  }
0x208: {  	v0 =	vld [tilespmem:$0x1FF80];
	_ =	sdelay $0x3  }
0x209: {  	v8 =	vor.u32 v6, v1  }
0x20a: {  	[tilespmem:$0x1FDC0] =	vst v7;
	v6 =	vor.u32 s15, v7;
	v7 =	vor.u32 v0, v1;
	v0 =	vor.u32 s15, v8  }
0x20b: {  	v45 =	vld.idx.msk [tilespmem:v2+s9+$0x0], $0xffff  }
0x20c: {  	v2 =	vld [tilespmem:$0x1FF10]  }
0x20d: {  	v33 =	vld.idx.msk [tilespmem:v3+s9+$0x0], $0xffff  }
0x20e: {  	v3 =	vld [tilespmem:$0x1FF20]  }
0x20f: {  	v35 =	vld.idx.msk [tilespmem:v0+s9+$0x0], $0xffff  }
0x210: {  	v0 =	vld [tilespmem:$0x1FEE0];
	_ =	sdelay $0x1  }
0x211: {  	v34 =	vld.idx.msk [tilespmem:v4+s9+$0x0], $0xffff  }
0x212: {  	v4 =	vld [tilespmem:$0x1FF30]  }
0x213: {  	v52 =	vld.idx.msk [tilespmem:v5+s9+$0x0], $0xffff;
	[tilespmem:$0x1FDD0] =	vst v8;
	v8 =	vor.u32 v2, v1;
	v2 =	vor.u32 s15, v7  }
0x214: {  	[tilespmem:$0x1FDE0] =	vst v7;
	v7 =	vor.u32 v3, v1;
	v3 =	vor.u32 s15, v8;
	v54 =	vor.u32 v0, v1;
	v0 =	vld [tilespmem:$0x1FEF0]  }
0x215: {  	v5 =	vld [tilespmem:$0x1FF40];
	_ =	sdelay $0x1  }
0x216: {  	v9 =	vlaneseq.u32  }
0x217: {  	v53 =	vor.u32 v9, v1;
	[tilespmem:$0x1FDF0] =	vst v8;
	v8 =	vor.u32 v4, v1  }
0x218: {  	s19 =	sshrl.u32 s24, $0x3;
	[tilespmem:$0x1FE00] =	vst v7;
	v4 =	vor.u32 s15, v7;
	v7 =	vor.u32 s15, v8;
	v57 =	vor.u32 v0, v1;
	v0 =	vld.idx.msk [tilespmem:v3+s9+$0x0], $0xffff  }
0x219: {  	s26 =	sshll.u32 s19, $0x6;
	[tilespmem:$0x1FE10] =	vst v8;
	v8 =	vor.u32 s15, v53;
	v5 =	vor.u32 v5, v1;
	v3 =	vld [tilespmem:$0x1FF00]  }
0x21a: {  	s28 =	sadd.s32 $0x0, s26;
	v55 =	vld.idx.msk [tilespmem:v6+s9+$0x0], $0xffff;
	v6 =	vor.u32 s15, v5  }
0x21b: {  	s19 =	sshll.u32 s19, $0x7;
	v36 =	vld.idx.msk [tilespmem:v2+s9+$0x0], $0xffff;
	v2 =	vmov s28  }
0x21c: {  	s19 =	ssub.s32 s18, s19;
	v51 =	vmov v5;
	v5 =	vshll.u32 v2, $0x7;
	v10 =	vor.u32 s15, v54  }
0x21d: {  	v48 =	vor.u32 s19, v9;
	v60 =	vld.idx.msk [tilespmem:v7+s9+$0x0], $0xffff;
	v2 =	vor.u32 v23, v5;
	v11 =	vor.u32 s15, v57  }
0x21e: {  	v7 =	vadd.s32 v48, v2;
	v2 =	vld.idx.msk [tilespmem:v8+s9+$0x0], $0xffff;
	v58 =	vor.u32 v3, v1  }
0x21f: {  	v59 =	vld.idx.msk [tilespmem:v6+s9+$0x0], $0xffff;
	v3 =	vor.u32 v22, v5;
	v12 =	vor.u32 s15, v58  }
0x220: {  	v1 =	vld.idx.msk [tilespmem:v4+s9+$0x0], $0xffff;
	v4 =	vor.u32 v29, v5;
	v9 =	vadd.s32 v48, v3  }
0x221: {  	v56 =	vimm.f32 $0.0e+00;
	v6 =	vor.u32 v28, v5;
	v3 =	vld.idx.msk [tilespmem:v10+s9+$0x0], $0xffff;
	v8 =	vadd.s32 v48, v4  }
0x222: {  	v61 =	vimm.f32 $0.0e+00;
	v4 =	vld.idx.msk [tilespmem:v11+s9+$0x0], $0xffff;
	v11 =	vor.u32 v14, v5;
	v10 =	vadd.s32 v48, v6  }
0x223: {  	v62 =	vimm.f32 $0.0e+00;
	v7 =	vld.idx.msk [tilespmem:v7+s12+$0x0], $0xffff;
	v14 =	vor.u32 v13, v5;
	v11 =	vadd.s32 v48, v11  }
0x224: {  	v63 =	vimm.f32 $0.0e+00;
	s19 =	simm.s32 $0x10;
	v13 =	vor.u32 v18, v5;
	v6 =	vld.idx.msk [tilespmem:v12+s9+$0x0], $0xffff;
	v12 =	vadd.s32 v48, v14  }
.LBB2_8:
0x225: {  	v9 =	vld.idx.msk [tilespmem:v9+s12+$0x0], $0xffff  }
0x226: {  	v8 =	vld.idx.msk [tilespmem:v8+s12+$0x0], $0xffff  }
0x227: {  	v10 =	vld.idx.msk [tilespmem:v10+s12+$0x0], $0xffff  }
0x228: {  	v11 =	vld.idx.msk [tilespmem:v11+s12+$0x0], $0xffff  }
0x229: {  	v12 =	vld.idx.msk [tilespmem:v12+s12+$0x0], $0xffff  }
0x22a: {  	v14 =	vor.u32 v19, v5;
	v19 =	vld [tilespmem:$0x1FD70]  }
0x22b: {  	v13 =	vadd.s32 v48, v13;
	v21 =	vld [tilespmem:$0x1FD80]  }
0x22c: {  	v15 =	vor.u32 v49, v5;
	v16 =	vor.u32 v47, v5;
	v17 =	vor.u32 v46, v5;
	v23 =	vld [tilespmem:$0x1FD90]  }
0x22d: {  	v18 =	vor.u32 v30, v5;
	v20 =	vor.u32 v27, v5;
	v22 =	vor.u32 v25, v5;
	v25 =	vld [tilespmem:$0x1FDA0]  }
0x22e: {  	v24 =	vor.u32 v32, v5;
	v5 =	vor.u32 v26, v5;
	v26 =	vld [tilespmem:$0x1FDB0];
	v14 =	vadd.s32 v48, v14  }
0x22f: {  	v27 =	vld [tilespmem:$0x1FDC0];
	v15 =	vadd.s32 v48, v15  }
0x230: {  	v28 =	vld [tilespmem:$0x1FDD0];
	v16 =	vadd.s32 v48, v16  }
0x231: {  	v17 =	vadd.s32 v48, v17;
	v13 =	vld.idx.msk [tilespmem:v13+s12+$0x0], $0xffff  }
0x232: {  	v18 =	vadd.s32 v48, v18;
	v1 =	vmul.f32 v12, v1;
	v12 =	vld [tilespmem:$0x1FE00]  }
0x233: {  	v22 =	vadd.s32 v48, v22;
	v14 =	vld.idx.msk [tilespmem:v14+s12+$0x0], $0xffff  }
0x234: {  	v20 =	vadd.s32 v48, v20;
	v15 =	vld.idx.msk [tilespmem:v15+s12+$0x0], $0xffff  }
0x235: {  	v24 =	vadd.s32 v48, v24;
	v16 =	vld.idx.msk [tilespmem:v16+s12+$0x0], $0xffff  }
0x236: {  	v5 =	vadd.s32 v48, v5;
	v7 =	vmul.f32 v7, v41;
	v19 =	vor.u32 s19, v19;
	v17 =	vld.idx.msk [tilespmem:v17+s12+$0x0], $0xffff  }
0x237: {  	v21 =	vor.u32 s19, v21;
	v23 =	vor.u32 s19, v23;
	v9 =	vmul.f32 v9, v45;
	v18 =	vld.idx.msk [tilespmem:v18+s12+$0x0], $0xffff  }
0x238: {  	v25 =	vor.u32 s19, v25;
	v0 =	vmul.f32 v11, v0;
	v11 =	vld.idx.msk [tilespmem:v22+s12+$0x0], $0xffff;
	v2 =	vmul.f32 v13, v2  }
0x239: {  	v26 =	vor.u32 s19, v26;
	v8 =	vmul.f32 v8, v52;
	v10 =	vmul.f32 v10, v55;
	v20 =	vld.idx.msk [tilespmem:v20+s12+$0x0], $0xffff  }
0x23a: {  	v3 =	vmul.f32 v14, v3;
	v14 =	vld [tilespmem:$0x1FE10];
	v4 =	vmul.f32 v15, v4;
	v2 =	vadd.f32 v2, v56  }
0x23b: {  	v29 =	vld [tilespmem:$0x1FDE0];
	v12 =	vor.u32 s19, v12;
	v6 =	vmul.f32 v16, v6;
	v15 =	vmul.f32 v17, v60  }
0x23c: {  	v5 =	vld.idx.msk [tilespmem:v5+s12+$0x0], $0xffff;
	v16 =	vmul.f32 v18, v59;
	v3 =	vadd.f32 v3, v61;
	v0 =	vadd.f32 v0, v2  }
0x23d: {  	v13 =	vld.idx.msk [tilespmem:v24+s12+$0x0], $0xffff;
	v11 =	vmul.f32 v11, v36;
	v4 =	vadd.f32 v4, v62;
	v6 =	vadd.f32 v6, v63  }
0x23e: {  	v30 =	vld [tilespmem:$0x1FDF0];
	v2 =	vmul.f32 v20, v35;
	v1 =	vadd.f32 v1, v3;
	v0 =	vadd.f32 v8, v0  }
0x23f: {  	v41 =	vld.idx.msk [tilespmem:v19+s9+$0x0], $0xffff;
	v4 =	vadd.f32 v15, v4;
	v6 =	vadd.f32 v16, v6;
	v14 =	vor.u32 s19, v14  }
0x240: {  	v45 =	vld.idx.msk [tilespmem:v21+s9+$0x0], $0xffff;
	v1 =	vadd.f32 v10, v1;
	v56 =	vadd.f32 v7, v0;
	v7 =	vor.u32 s19, v53  }
0x241: {  	s28 =	sadd.s32 s19, s26;
	v52 =	vld.idx.msk [tilespmem:v26+s9+$0x0], $0xffff;
	v5 =	vmul.f32 v5, v34;
	v2 =	vadd.f32 v2, v4;
	v4 =	vadd.f32 v11, v6  }
0x242: {  	v17 =	vld.idx.msk [tilespmem:v23+s9+$0x0], $0xffff;
	v8 =	vmul.f32 v13, v33;
	v61 =	vadd.f32 v9, v1;
	v1 =	vmov s28  }
0x243: {  	v3 =	vld.idx.msk [tilespmem:v25+s9+$0x0], $0xffff;
	v6 =	vor.u32 s19, v51;
	v63 =	vadd.f32 v5, v4;
	v5 =	vshll.u32 v1, $0x7  }
0x244: {  	v62 =	vadd.f32 v8, v2;
	v4 =	vor.u32 s19, v54;
	v60 =	vld.idx.msk [tilespmem:v14+s9+$0x0], $0xffff;
	v2 =	vor.u32 v38, v5  }
0x245: {  	v10 =	vor.u32 s19, v57;
	v14 =	vadd.s32 v48, v2;
	v2 =	vld.idx.msk [tilespmem:v7+s9+$0x0], $0xffff  }
0x246: {  	v11 =	vor.u32 s19, v58;
	v7 =	vld [tilespmem:$0x1FFD0]  }
0x247: {  	v1 =	vld.idx.msk [tilespmem:v12+s9+$0x0], $0xffff  }
0x248: {  	v34 =	vmov v3;
	v3 =	vor.u32 v37, v5;
	v59 =	vld.idx.msk [tilespmem:v6+s9+$0x0], $0xffff  }
0x249: {  	v27 =	vor.u32 s19, v27;
	v6 =	vor.u32 v43, v5;
	v9 =	vadd.s32 v48, v3;
	v3 =	vld.idx.msk [tilespmem:v4+s9+$0x0], $0xffff  }
0x24a: {  	v29 =	vor.u32 s19, v29;
	v8 =	vadd.s32 v48, v6;
	v6 =	vor.u32 v42, v5;
	v4 =	vld.idx.msk [tilespmem:v10+s9+$0x0], $0xffff  }
0x24b: {  	v28 =	vor.u32 s19, v28;
	v10 =	vadd.s32 v48, v6;
	v6 =	vld.idx.msk [tilespmem:v11+s9+$0x0], $0xffff;
	v7 =	vor.u32 v7, v5  }
0x24c: {  	v30 =	vor.u32 s19, v30;
	v11 =	vadd.s32 v48, v7;
	v7 =	vld [tilespmem:$0x1FFE0]  }
0x24d: {  	p0 =	sne.s32 s19, $0x30;
	v12 =	vld [tilespmem:$0x1FFF0]  }
.Ltmp2:
0x24e: {  	v55 =	vld.idx.msk [tilespmem:v27+s9+$0x0], $0xffff;
	(pc) =	sbr.rel @p0 .LBB2_8-.Ltmp2, $4  }
0x24f: {  	v36 =	vld.idx.msk [tilespmem:v29+s9+$0x0], $0xffff  }
0x250: {  	v35 =	vld.idx.msk [tilespmem:v28+s9+$0x0], $0xffff  }
0x251: {  	v19 =	vmovc v50;
	v26 =	vmovc v31;
	v27 =	vmov v40;
	v25 =	vmov v39;
	v0 =	vld.idx.msk [tilespmem:v30+s9+$0x0], $0xffff;
	v7 =	vor.u32 v7, v5  }
0x252: {  	v33 =	vmovc v17;
	v30 =	vmov v44;
	s19 =	sadd.s32 $0x10, s19;
	v13 =	vor.u32 v12, v5;
	v12 =	vadd.s32 v48, v7;
	v7 =	vld.idx.msk [tilespmem:v14+s12+$0x0], $0xffff  }
0x253: {  	_ =	sdelay $0x3  }
0x254: {  	v13 =	vadd.s32 v48, v13;
	v14 =	vor.u32 v19, v5;
	v9 =	vld.idx.msk [tilespmem:v9+s12+$0x0], $0xffff  }
0x255: {  	v15 =	vor.u32 v49, v5;
	v8 =	vld.idx.msk [tilespmem:v8+s12+$0x0], $0xffff;
	v14 =	vadd.s32 v48, v14  }
0x256: {  	v16 =	vor.u32 v47, v5;
	v10 =	vld.idx.msk [tilespmem:v10+s12+$0x0], $0xffff;
	v15 =	vadd.s32 v48, v15  }
0x257: {  	v11 =	vld.idx.msk [tilespmem:v11+s12+$0x0], $0xffff;
	v17 =	vor.u32 v46, v5;
	v16 =	vadd.s32 v48, v16  }
0x258: {  	v12 =	vld.idx.msk [tilespmem:v12+s12+$0x0], $0xffff;
	v18 =	vor.u32 v30, v5;
	v17 =	vadd.s32 v48, v17  }
0x259: {  	v19 =	vor.u32 v27, v5;
	v18 =	vadd.s32 v48, v18;
	v13 =	vld.idx.msk [tilespmem:v13+s12+$0x0], $0xffff  }
0x25a: {  	v20 =	vor.u32 v25, v5;
	v19 =	vadd.s32 v48, v19;
	v14 =	vld.idx.msk [tilespmem:v14+s12+$0x0], $0xffff  }
0x25b: {  	v21 =	vor.u32 v32, v5;
	v20 =	vadd.s32 v48, v20;
	v15 =	vld.idx.msk [tilespmem:v15+s12+$0x0], $0xffff  }
0x25c: {  	v53 =	vor.u32 v26, v5;
	v21 =	vadd.s32 v48, v21;
	v16 =	vld.idx.msk [tilespmem:v16+s12+$0x0], $0xffff  }
0x25d: {  	v5 =	vadd.s32 v48, v53;
	v7 =	vmul.f32 v7, v41;
	v9 =	vmul.f32 v9, v45;
	v17 =	vld.idx.msk [tilespmem:v17+s12+$0x0], $0xffff  }
0x25e: {  	v8 =	vmul.f32 v8, v52;
	v10 =	vmul.f32 v10, v55;
	v18 =	vld.idx.msk [tilespmem:v18+s12+$0x0], $0xffff  }
0x25f: {  	v0 =	vmul.f32 v11, v0;
	v1 =	vmul.f32 v12, v1;
	v19 =	vld.idx.msk [tilespmem:v19+s12+$0x0], $0xffff  }
0x260: {  	v54 =	vld.idx.msk [tilespmem:v20+s12+$0x0], $0xffff;
	v2 =	vmul.f32 v13, v2;
	v3 =	vmul.f32 v14, v3  }
0x261: {  	v12 =	vld.idx.msk [tilespmem:v21+s12+$0x0], $0xffff;
	v4 =	vmul.f32 v15, v4;
	v6 =	vmul.f32 v16, v6  }
0x262: {  	v5 =	vld.idx.msk [tilespmem:v5+s12+$0x0], $0xffff;
	v13 =	vmul.f32 v17, v60;
	v2 =	vadd.f32 v2, v56;
	v3 =	vadd.f32 v3, v61  }
0x263: {  	v14 =	vmul.f32 v18, v59;
	v4 =	vadd.f32 v4, v62;
	v6 =	vadd.f32 v6, v63  }
0x264: {  	v55 =	vmul.f32 v19, v35;
	v0 =	vadd.f32 v0, v2;
	v1 =	vadd.f32 v1, v3  }
0x265: {  	v58 =	vmul.f32 v54, v36;
	v56 =	vadd.f32 v13, v4;
	v57 =	vadd.f32 v14, v6  }
0x266: {  	v59 =	vmul.f32 v12, v33;
	v0 =	vadd.f32 v8, v0;
	v1 =	vadd.f32 v10, v1  }
0x267: {  	v61 =	vmul.f32 v5, v34;
	v2 =	vadd.f32 v55, v56;
	v60 =	vadd.f32 v58, v57  }
0x268: {  	v0 =	vadd.f32 v7, v0;
	v1 =	vadd.f32 v9, v1  }
0x269: {  	v2 =	vadd.f32 v59, v2;
	v3 =	vadd.f32 v61, v60  }
0x26a: {  	v62 =	vld [tilespmem:s18+$0x10300]  }
0x26b: {  	s24 =	sadd.s32 $0x1, s24;
	v0 =	vadd.f32 v1, v0;
	v63 =	vadd.f32 v3, v2  }
0x26c: {  	p0 =	sne.s32 s24, $0x10  }
.Ltmp3:
0x26d: {  	v0 =	vadd.f32 v63, v0;
	(pc) =	sbr.rel @p0 .LBB2_7-.Ltmp3, $4  }
0x26e: {  	_ = 	snop  }
0x26f: {  	v18 =	vld [tilespmem:$0x1FFF0];
	v0 =	vadd.f32 v62, v0  }
0x270: {  	v22 =	vmov v37;
	v13 =	vld [tilespmem:$0x1FFE0]  }
0x271: {  	v24 =	vmovc v32;
	v23 =	vmovc v38;
	v28 =	vmov v42;
	v29 =	vmov v43;
	v19 =	vmov v50;
	v14 =	vld [tilespmem:$0x1FFD0];
	[tilespmem:s18+$0x10500] =	vst v0  }
0x272: {  	s22 =	sadd.s32 $0x1, s22  }
0x273: {  	p0 =	sne.s32 s22, $0xC  }
.Ltmp4:
0x274: {  	_ = 	snop;
	(pc) =	sbr.rel @p0 .LBB2_2-.Ltmp4, $4  }
0x275: {  	_ = 	snop  }
0x276: {  	s15 =	sshll.u32 s17, $0x5  }
0x277: {  	s15 =	sadd.s32 s7, s15  }
0x278: {  	v15 =	vmov v49;
	v16 =	vmov v47;
	v17 =	vmov v46;
	[hbm4b:s15+s3] =	stream.linear.scatter [tilespmem:s13], [sflag:$0x6], $0x100, $0x38;
	[tilespmem:$0x10600] =	vst v63  }
0x279: {  	_ =	swait.ge [sflag:s23], $0x2000  }
0x27a: {  	[sflag:s23] =	ssyncset.done $0x0  }
0x27b: {  	[sflag:s23] =	ssyncadd.s32 $0xFFFFE000  }
0x27c: {  	_ =	swait.ge [sflag:s23], $0x80  }
0x27d: {  	[sflag:s23] =	ssyncset.done $0x0  }
0x27e: {  	[sflag:s23] =	ssyncadd.s32 $0xFFFFFF80  }
0x27f: {  	_ =	swait.ge [sflag:s23], $0x2000  }
0x280: {  	[sflag:s23] =	ssyncset.done $0x0  }
0x281: {  	[sflag:s23] =	ssyncadd.s32 $0xFFFFE000  }
0x282: {  	_ =	swait.ge [sflag:s23], $0x80  }
0x283: {  	[sflag:s23] =	ssyncset.done $0x0  }
0x284: {  	[sflag:s23] =	ssyncadd.s32 $0xFFFFFF80  }
0x285: {  	_ =	swait.ge [sflag:s23], $0x400  }
0x286: {  	[sflag:s23] =	ssyncset.done $0x0  }
0x287: {  	[sflag:s23] =	ssyncadd.s32 $0xFFFFFC00  }
0x288: {  	_ =	swait.ge [sflag:s23], $0x400  }
0x289: {  	[sflag:s23] =	ssyncset.done $0x0  }
0x28a: {  	[sflag:s23] =	ssyncadd.s32 $0xFFFFFC00  }
0x28b: {  	_ =	swait.ge [sflag:s23], $0x400  }
0x28c: {  	[sflag:s23] =	ssyncset.done $0x0  }
0x28d: {  	[sflag:s23] =	ssyncadd.s32 $0xFFFFFC00  }
0x28e: {  	_ =	swait.ge [sflag:s23], $0x400  }
0x28f: {  	[sflag:s23] =	ssyncset.done $0x0  }
0x290: {  	[sflag:s23] =	ssyncadd.s32 $0xFFFFFC00  }
0x291: {  	_ =	swait.ge [sflag:s23], $0x400  }
0x292: {  	[sflag:s23] =	ssyncset.done $0x0  }
0x293: {  	[sflag:s23] =	ssyncadd.s32 $0xFFFFFC00  }
0x294: {  	_ =	swait.ge [sflag:s23], $0x400  }
0x295: {  	[sflag:s23] =	ssyncset.done $0x0  }
0x296: {  	[sflag:s23] =	ssyncadd.s32 $0xFFFFFC00  }
0x297: {  	_ =	swait.ge [sflag:s23], $0x400  }
0x298: {  	[sflag:s23] =	ssyncset.done $0x0  }
0x299: {  	[sflag:s23] =	ssyncadd.s32 $0xFFFFFC00  }
0x29a: {  	_ =	swait.ge [sflag:s23], $0x400  }
0x29b: {  	[sflag:s23] =	ssyncset.done $0x0  }
0x29c: {  	[sflag:s23] =	ssyncadd.s32 $0xFFFFFC00  }
0x29d: {  	_ =	swait.ge [sflag:s23], $0x400  }
0x29e: {  	[sflag:s23] =	ssyncset.done $0x0  }
0x29f: {  	[sflag:s23] =	ssyncadd.s32 $0xFFFFFC00  }
0x2a0: {  	_ =	swait.ge [sflag:s23], $0x400  }
0x2a1: {  	[sflag:s23] =	ssyncset.done $0x0  }
0x2a2: {  	[sflag:s23] =	ssyncadd.s32 $0xFFFFFC00  }
0x2a3: {  	_ =	swait.ge [sflag:s23], $0x400  }
0x2a4: {  	[sflag:s23] =	ssyncset.done $0x0  }
0x2a5: {  	[sflag:s23] =	ssyncadd.s32 $0xFFFFFC00  }
0x2a6: {  	_ =	swait.ge [sflag:s23], $0x400  }
0x2a7: {  	[sflag:s23] =	ssyncset.done $0x0  }
0x2a8: {  	[sflag:s23] =	ssyncadd.s32 $0xFFFFFC00  }
0x2a9: {  	_ =	swait.ge [sflag:s23], $0x400  }
0x2aa: {  	[sflag:s23] =	ssyncset.done $0x0  }
0x2ab: {  	[sflag:s23] =	ssyncadd.s32 $0xFFFFFC00  }
0x2ac: {  	_ =	swait.ge [sflag:s23], $0x400  }
0x2ad: {  	[sflag:s23] =	ssyncset.done $0x0  }
0x2ae: {  	[sflag:s23] =	ssyncadd.s32 $0xFFFFFC00  }
0x2af: {  	_ =	swait.ge [sflag:s23], $0x400  }
0x2b0: {  	[sflag:s23] =	ssyncset.done $0x0  }
0x2b1: {  	[sflag:s23] =	ssyncadd.s32 $0xFFFFFC00  }
0x2b2: {  	_ =	swait.ge [sflag:s23], $0x400  }
0x2b3: {  	[sflag:s23] =	ssyncset.done $0x0  }
0x2b4: {  	s26 =	simm.s32 $0x5;
	[sflag:s23] =	ssyncadd.s32 $0xFFFFFC00  }
0x2b5: {  	_ =	swait.ge [sflag:s26], $0x100  }
0x2b6: {  	[sflag:s26] =	ssyncset.done $0x0  }
0x2b7: {  	s15 =	simm.s32 $0x0;
	s17 =	simm.s32 $0x0;
	[sflag:s26] =	ssyncadd.s32 $0xFFFFFF00  }
.LBB2_12:
0x2b8: {  	v1 =	vld [tilespmem:$0x1FED0];
	_ =	sdelay $0x1  }
0x2b9: {  	s18 =	sshll.u32 s17, $0x4  }
0x2ba: {  	v0 =	vmov s18  }
0x2bb: {  	v0 =	vshll.u32 v0, $0x6  }
0x2bc: {  	v1 =	vor.u32 v1, v0;
	v0 =	vld [tilespmem:$0x1FF90];
	_ =	sdelay $0x4  }
0x2bd: {  	v2 =	vor.u32 v0, v1;
	v0 =	vld [tilespmem:$0x1FFA0];
	_ =	sdelay $0x4  }
0x2be: {  	[tilespmem:$0x1FCC0] =	vst v2;
	v3 =	vor.u32 v0, v1;
	v0 =	vor.u32 s15, v2;
	v2 =	vld [tilespmem:$0x1FFB0];
	_ =	sdelay $0x4  }
0x2bf: {  	[tilespmem:$0x1FCD0] =	vst v3;
	v4 =	vor.u32 v2, v1;
	v2 =	vor.u32 s15, v3;
	v3 =	vld [tilespmem:$0x1FFC0];
	_ =	sdelay $0x4  }
0x2c0: {  	[tilespmem:$0x1FCE0] =	vst v4;
	v5 =	vor.u32 v3, v1;
	v3 =	vor.u32 s15, v4;
	v4 =	vld [tilespmem:$0x1FF50];
	_ =	sdelay $0x4  }
0x2c1: {  	[tilespmem:$0x1FCF0] =	vst v5;
	v6 =	vor.u32 v4, v1;
	v4 =	vor.u32 s15, v5;
	v5 =	vld [tilespmem:$0x1FF60];
	_ =	sdelay $0x3  }
0x2c2: {  	v41 =	vld.idx.msk [tilespmem:v0+s2+$0x0], $0xffff  }
0x2c3: {  	[tilespmem:$0x1FD00] =	vst v6;
	v7 =	vor.u32 v5, v1;
	v5 =	vor.u32 s15, v6;
	v6 =	vld [tilespmem:$0x1FF70]  }
0x2c4: {  	v0 =	vld [tilespmem:$0x1FF80];
	_ =	sdelay $0x3  }
0x2c5: {  	v8 =	vor.u32 v6, v1  }
0x2c6: {  	[tilespmem:$0x1FD10] =	vst v7;
	v6 =	vor.u32 s15, v7;
	v7 =	vor.u32 v0, v1;
	v0 =	vor.u32 s15, v8  }
0x2c7: {  	v45 =	vld.idx.msk [tilespmem:v2+s2+$0x0], $0xffff  }
0x2c8: {  	v2 =	vld [tilespmem:$0x1FF10]  }
0x2c9: {  	v33 =	vld.idx.msk [tilespmem:v3+s2+$0x0], $0xffff  }
0x2ca: {  	v3 =	vld [tilespmem:$0x1FF20]  }
0x2cb: {  	v35 =	vld.idx.msk [tilespmem:v0+s2+$0x0], $0xffff  }
0x2cc: {  	v0 =	vld [tilespmem:$0x1FEE0];
	_ =	sdelay $0x1  }
0x2cd: {  	v34 =	vld.idx.msk [tilespmem:v4+s2+$0x0], $0xffff  }
0x2ce: {  	v4 =	vld [tilespmem:$0x1FF30]  }
0x2cf: {  	v52 =	vld.idx.msk [tilespmem:v5+s2+$0x0], $0xffff;
	[tilespmem:$0x1FD20] =	vst v8;
	v8 =	vor.u32 v2, v1;
	v2 =	vor.u32 s15, v7  }
0x2d0: {  	[tilespmem:$0x1FD30] =	vst v7;
	v7 =	vor.u32 v3, v1;
	v3 =	vor.u32 s15, v8;
	v54 =	vor.u32 v0, v1;
	v0 =	vld [tilespmem:$0x1FEF0]  }
0x2d1: {  	v5 =	vld [tilespmem:$0x1FF40];
	_ =	sdelay $0x1  }
0x2d2: {  	v9 =	vlaneseq.u32  }
0x2d3: {  	v53 =	vor.u32 v9, v1;
	[tilespmem:$0x1FD40] =	vst v8;
	v8 =	vor.u32 v4, v1  }
0x2d4: {  	s19 =	sshrl.u32 s17, $0x3;
	[tilespmem:$0x1FD50] =	vst v7;
	v4 =	vor.u32 s15, v7;
	v7 =	vor.u32 s15, v8;
	v57 =	vor.u32 v0, v1;
	v0 =	vld.idx.msk [tilespmem:v3+s2+$0x0], $0xffff  }
0x2d5: {  	s22 =	sshll.u32 s19, $0x6;
	[tilespmem:$0x1FD60] =	vst v8;
	v8 =	vor.u32 s15, v53;
	v5 =	vor.u32 v5, v1;
	v3 =	vld [tilespmem:$0x1FF00]  }
0x2d6: {  	s24 =	sadd.s32 $0x0, s22;
	v55 =	vld.idx.msk [tilespmem:v6+s2+$0x0], $0xffff;
	v6 =	vor.u32 s15, v5  }
0x2d7: {  	s19 =	sshll.u32 s19, $0x7;
	v36 =	vld.idx.msk [tilespmem:v2+s2+$0x0], $0xffff;
	v2 =	vmov s24  }
0x2d8: {  	s19 =	ssub.s32 s18, s19;
	v51 =	vmov v5;
	v5 =	vshll.u32 v2, $0x7;
	v10 =	vor.u32 s15, v54  }
0x2d9: {  	v48 =	vor.u32 s19, v9;
	v60 =	vld.idx.msk [tilespmem:v7+s2+$0x0], $0xffff;
	v2 =	vor.u32 v23, v5;
	v11 =	vor.u32 s15, v57  }
0x2da: {  	v7 =	vadd.s32 v48, v2;
	v2 =	vld.idx.msk [tilespmem:v8+s2+$0x0], $0xffff;
	v58 =	vor.u32 v3, v1  }
0x2db: {  	v59 =	vld.idx.msk [tilespmem:v6+s2+$0x0], $0xffff;
	v3 =	vor.u32 v22, v5;
	v12 =	vor.u32 s15, v58  }
0x2dc: {  	v1 =	vld.idx.msk [tilespmem:v4+s2+$0x0], $0xffff;
	v4 =	vor.u32 v29, v5;
	v9 =	vadd.s32 v48, v3  }
0x2dd: {  	v56 =	vimm.f32 $0.0e+00;
	v6 =	vor.u32 v28, v5;
	v3 =	vld.idx.msk [tilespmem:v10+s2+$0x0], $0xffff;
	v8 =	vadd.s32 v48, v4  }
0x2de: {  	v61 =	vimm.f32 $0.0e+00;
	v4 =	vld.idx.msk [tilespmem:v11+s2+$0x0], $0xffff;
	v11 =	vor.u32 v14, v5;
	v10 =	vadd.s32 v48, v6  }
0x2df: {  	v62 =	vimm.f32 $0.0e+00;
	v7 =	vld.idx.msk [tilespmem:v7+s11+$0x0], $0xffff;
	v14 =	vor.u32 v13, v5;
	v11 =	vadd.s32 v48, v11  }
0x2e0: {  	v63 =	vimm.f32 $0.0e+00;
	s19 =	simm.s32 $0x10;
	v13 =	vor.u32 v18, v5;
	v6 =	vld.idx.msk [tilespmem:v12+s2+$0x0], $0xffff;
	v12 =	vadd.s32 v48, v14  }
.LBB2_13:
0x2e1: {  	v9 =	vld.idx.msk [tilespmem:v9+s11+$0x0], $0xffff  }
0x2e2: {  	v8 =	vld.idx.msk [tilespmem:v8+s11+$0x0], $0xffff  }
0x2e3: {  	v10 =	vld.idx.msk [tilespmem:v10+s11+$0x0], $0xffff  }
0x2e4: {  	v11 =	vld.idx.msk [tilespmem:v11+s11+$0x0], $0xffff  }
0x2e5: {  	v12 =	vld.idx.msk [tilespmem:v12+s11+$0x0], $0xffff  }
0x2e6: {  	v14 =	vor.u32 v19, v5;
	v19 =	vld [tilespmem:$0x1FCC0]  }
0x2e7: {  	v13 =	vadd.s32 v48, v13;
	v21 =	vld [tilespmem:$0x1FCD0]  }
0x2e8: {  	v15 =	vor.u32 v49, v5;
	v16 =	vor.u32 v47, v5;
	v17 =	vor.u32 v46, v5;
	v23 =	vld [tilespmem:$0x1FCE0]  }
0x2e9: {  	v18 =	vor.u32 v30, v5;
	v20 =	vor.u32 v27, v5;
	v22 =	vor.u32 v25, v5;
	v25 =	vld [tilespmem:$0x1FCF0]  }
0x2ea: {  	v24 =	vor.u32 v32, v5;
	v5 =	vor.u32 v26, v5;
	v26 =	vld [tilespmem:$0x1FD00];
	v14 =	vadd.s32 v48, v14  }
0x2eb: {  	v27 =	vld [tilespmem:$0x1FD10];
	v15 =	vadd.s32 v48, v15  }
0x2ec: {  	v28 =	vld [tilespmem:$0x1FD20];
	v16 =	vadd.s32 v48, v16  }
0x2ed: {  	v17 =	vadd.s32 v48, v17;
	v13 =	vld.idx.msk [tilespmem:v13+s11+$0x0], $0xffff  }
0x2ee: {  	v18 =	vadd.s32 v48, v18;
	v1 =	vmul.f32 v12, v1;
	v12 =	vld [tilespmem:$0x1FD50]  }
0x2ef: {  	v22 =	vadd.s32 v48, v22;
	v14 =	vld.idx.msk [tilespmem:v14+s11+$0x0], $0xffff  }
0x2f0: {  	v20 =	vadd.s32 v48, v20;
	v15 =	vld.idx.msk [tilespmem:v15+s11+$0x0], $0xffff  }
0x2f1: {  	v24 =	vadd.s32 v48, v24;
	v16 =	vld.idx.msk [tilespmem:v16+s11+$0x0], $0xffff  }
0x2f2: {  	v5 =	vadd.s32 v48, v5;
	v7 =	vmul.f32 v7, v41;
	v19 =	vor.u32 s19, v19;
	v17 =	vld.idx.msk [tilespmem:v17+s11+$0x0], $0xffff  }
0x2f3: {  	v21 =	vor.u32 s19, v21;
	v23 =	vor.u32 s19, v23;
	v9 =	vmul.f32 v9, v45;
	v18 =	vld.idx.msk [tilespmem:v18+s11+$0x0], $0xffff  }
0x2f4: {  	v25 =	vor.u32 s19, v25;
	v0 =	vmul.f32 v11, v0;
	v11 =	vld.idx.msk [tilespmem:v22+s11+$0x0], $0xffff;
	v2 =	vmul.f32 v13, v2  }
0x2f5: {  	v26 =	vor.u32 s19, v26;
	v8 =	vmul.f32 v8, v52;
	v10 =	vmul.f32 v10, v55;
	v20 =	vld.idx.msk [tilespmem:v20+s11+$0x0], $0xffff  }
0x2f6: {  	v3 =	vmul.f32 v14, v3;
	v14 =	vld [tilespmem:$0x1FD60];
	v4 =	vmul.f32 v15, v4;
	v2 =	vadd.f32 v2, v56  }
0x2f7: {  	v29 =	vld [tilespmem:$0x1FD30];
	v12 =	vor.u32 s19, v12;
	v6 =	vmul.f32 v16, v6;
	v15 =	vmul.f32 v17, v60  }
0x2f8: {  	v5 =	vld.idx.msk [tilespmem:v5+s11+$0x0], $0xffff;
	v16 =	vmul.f32 v18, v59;
	v3 =	vadd.f32 v3, v61;
	v0 =	vadd.f32 v0, v2  }
0x2f9: {  	v13 =	vld.idx.msk [tilespmem:v24+s11+$0x0], $0xffff;
	v11 =	vmul.f32 v11, v36;
	v4 =	vadd.f32 v4, v62;
	v6 =	vadd.f32 v6, v63  }
0x2fa: {  	v30 =	vld [tilespmem:$0x1FD40];
	v2 =	vmul.f32 v20, v35;
	v1 =	vadd.f32 v1, v3;
	v0 =	vadd.f32 v8, v0  }
0x2fb: {  	v41 =	vld.idx.msk [tilespmem:v19+s2+$0x0], $0xffff;
	v4 =	vadd.f32 v15, v4;
	v6 =	vadd.f32 v16, v6;
	v14 =	vor.u32 s19, v14  }
0x2fc: {  	v45 =	vld.idx.msk [tilespmem:v21+s2+$0x0], $0xffff;
	v1 =	vadd.f32 v10, v1;
	v56 =	vadd.f32 v7, v0;
	v7 =	vor.u32 s19, v53  }
0x2fd: {  	s24 =	sadd.s32 s19, s22;
	v52 =	vld.idx.msk [tilespmem:v26+s2+$0x0], $0xffff;
	v5 =	vmul.f32 v5, v34;
	v2 =	vadd.f32 v2, v4;
	v4 =	vadd.f32 v11, v6  }
0x2fe: {  	v17 =	vld.idx.msk [tilespmem:v23+s2+$0x0], $0xffff;
	v8 =	vmul.f32 v13, v33;
	v61 =	vadd.f32 v9, v1;
	v1 =	vmov s24  }
0x2ff: {  	v3 =	vld.idx.msk [tilespmem:v25+s2+$0x0], $0xffff;
	v6 =	vor.u32 s19, v51;
	v63 =	vadd.f32 v5, v4;
	v5 =	vshll.u32 v1, $0x7  }
0x300: {  	v62 =	vadd.f32 v8, v2;
	v4 =	vor.u32 s19, v54;
	v60 =	vld.idx.msk [tilespmem:v14+s2+$0x0], $0xffff;
	v2 =	vor.u32 v38, v5  }
0x301: {  	v10 =	vor.u32 s19, v57;
	v14 =	vadd.s32 v48, v2;
	v2 =	vld.idx.msk [tilespmem:v7+s2+$0x0], $0xffff  }
0x302: {  	v11 =	vor.u32 s19, v58;
	v7 =	vld [tilespmem:$0x1FFD0]  }
0x303: {  	v1 =	vld.idx.msk [tilespmem:v12+s2+$0x0], $0xffff  }
0x304: {  	v34 =	vmov v3;
	v3 =	vor.u32 v37, v5;
	v59 =	vld.idx.msk [tilespmem:v6+s2+$0x0], $0xffff  }
0x305: {  	v27 =	vor.u32 s19, v27;
	v6 =	vor.u32 v43, v5;
	v9 =	vadd.s32 v48, v3;
	v3 =	vld.idx.msk [tilespmem:v4+s2+$0x0], $0xffff  }
0x306: {  	v29 =	vor.u32 s19, v29;
	v8 =	vadd.s32 v48, v6;
	v6 =	vor.u32 v42, v5;
	v4 =	vld.idx.msk [tilespmem:v10+s2+$0x0], $0xffff  }
0x307: {  	v28 =	vor.u32 s19, v28;
	v10 =	vadd.s32 v48, v6;
	v6 =	vld.idx.msk [tilespmem:v11+s2+$0x0], $0xffff;
	v7 =	vor.u32 v7, v5  }
0x308: {  	v30 =	vor.u32 s19, v30;
	v11 =	vadd.s32 v48, v7;
	v7 =	vld [tilespmem:$0x1FFE0]  }
0x309: {  	p0 =	sne.s32 s19, $0x30;
	v12 =	vld [tilespmem:$0x1FFF0]  }
.Ltmp5:
0x30a: {  	v55 =	vld.idx.msk [tilespmem:v27+s2+$0x0], $0xffff;
	(pc) =	sbr.rel @p0 .LBB2_13-.Ltmp5, $4  }
0x30b: {  	v36 =	vld.idx.msk [tilespmem:v29+s2+$0x0], $0xffff  }
0x30c: {  	v35 =	vld.idx.msk [tilespmem:v28+s2+$0x0], $0xffff  }
0x30d: {  	v19 =	vmovc v50;
	v26 =	vmovc v31;
	v27 =	vmov v40;
	v25 =	vmov v39;
	v0 =	vld.idx.msk [tilespmem:v30+s2+$0x0], $0xffff;
	v7 =	vor.u32 v7, v5  }
0x30e: {  	v33 =	vmovc v17;
	v30 =	vmov v44;
	s19 =	sadd.s32 $0x10, s19;
	v13 =	vor.u32 v12, v5;
	v12 =	vadd.s32 v48, v7;
	v7 =	vld.idx.msk [tilespmem:v14+s11+$0x0], $0xffff  }
0x30f: {  	_ =	sdelay $0x3  }
0x310: {  	v13 =	vadd.s32 v48, v13;
	v14 =	vor.u32 v19, v5;
	v9 =	vld.idx.msk [tilespmem:v9+s11+$0x0], $0xffff  }
0x311: {  	v15 =	vor.u32 v49, v5;
	v8 =	vld.idx.msk [tilespmem:v8+s11+$0x0], $0xffff;
	v14 =	vadd.s32 v48, v14  }
0x312: {  	v16 =	vor.u32 v47, v5;
	v10 =	vld.idx.msk [tilespmem:v10+s11+$0x0], $0xffff;
	v15 =	vadd.s32 v48, v15  }
0x313: {  	v11 =	vld.idx.msk [tilespmem:v11+s11+$0x0], $0xffff;
	v17 =	vor.u32 v46, v5;
	v16 =	vadd.s32 v48, v16  }
0x314: {  	v12 =	vld.idx.msk [tilespmem:v12+s11+$0x0], $0xffff;
	v18 =	vor.u32 v30, v5;
	v17 =	vadd.s32 v48, v17  }
0x315: {  	v19 =	vor.u32 v27, v5;
	v18 =	vadd.s32 v48, v18;
	v13 =	vld.idx.msk [tilespmem:v13+s11+$0x0], $0xffff  }
0x316: {  	v20 =	vor.u32 v25, v5;
	v19 =	vadd.s32 v48, v19;
	v14 =	vld.idx.msk [tilespmem:v14+s11+$0x0], $0xffff  }
0x317: {  	v21 =	vor.u32 v32, v5;
	v20 =	vadd.s32 v48, v20;
	v15 =	vld.idx.msk [tilespmem:v15+s11+$0x0], $0xffff  }
0x318: {  	v53 =	vor.u32 v26, v5;
	v21 =	vadd.s32 v48, v21;
	v16 =	vld.idx.msk [tilespmem:v16+s11+$0x0], $0xffff  }
0x319: {  	v5 =	vadd.s32 v48, v53;
	v7 =	vmul.f32 v7, v41;
	v9 =	vmul.f32 v9, v45;
	v17 =	vld.idx.msk [tilespmem:v17+s11+$0x0], $0xffff  }
0x31a: {  	v8 =	vmul.f32 v8, v52;
	v10 =	vmul.f32 v10, v55;
	v18 =	vld.idx.msk [tilespmem:v18+s11+$0x0], $0xffff  }
0x31b: {  	v0 =	vmul.f32 v11, v0;
	v1 =	vmul.f32 v12, v1;
	v19 =	vld.idx.msk [tilespmem:v19+s11+$0x0], $0xffff  }
0x31c: {  	v54 =	vld.idx.msk [tilespmem:v20+s11+$0x0], $0xffff;
	v2 =	vmul.f32 v13, v2;
	v3 =	vmul.f32 v14, v3  }
0x31d: {  	v12 =	vld.idx.msk [tilespmem:v21+s11+$0x0], $0xffff;
	v4 =	vmul.f32 v15, v4;
	v6 =	vmul.f32 v16, v6  }
0x31e: {  	v5 =	vld.idx.msk [tilespmem:v5+s11+$0x0], $0xffff;
	v13 =	vmul.f32 v17, v60;
	v2 =	vadd.f32 v2, v56;
	v3 =	vadd.f32 v3, v61  }
0x31f: {  	v14 =	vmul.f32 v18, v59;
	v4 =	vadd.f32 v4, v62;
	v6 =	vadd.f32 v6, v63  }
0x320: {  	v55 =	vmul.f32 v19, v35;
	v0 =	vadd.f32 v0, v2;
	v1 =	vadd.f32 v1, v3  }
0x321: {  	v58 =	vmul.f32 v54, v36;
	v56 =	vadd.f32 v13, v4;
	v57 =	vadd.f32 v14, v6  }
0x322: {  	v59 =	vmul.f32 v12, v33;
	v0 =	vadd.f32 v8, v0;
	v1 =	vadd.f32 v10, v1  }
0x323: {  	v61 =	vmul.f32 v5, v34;
	v2 =	vadd.f32 v55, v56;
	v60 =	vadd.f32 v58, v57  }
0x324: {  	v0 =	vadd.f32 v7, v0;
	v1 =	vadd.f32 v9, v1  }
0x325: {  	v2 =	vadd.f32 v59, v2;
	v3 =	vadd.f32 v61, v60  }
0x326: {  	v62 =	vld [tilespmem:s18+$0x10200]  }
0x327: {  	s17 =	sadd.s32 $0x1, s17;
	v0 =	vadd.f32 v1, v0;
	v63 =	vadd.f32 v3, v2  }
0x328: {  	p0 =	sne.s32 s17, $0x10  }
.Ltmp6:
0x329: {  	v0 =	vadd.f32 v63, v0;
	(pc) =	sbr.rel @p0 .LBB2_12-.Ltmp6, $4  }
0x32a: {  	_ = 	snop  }
0x32b: {  	v18 =	vld [tilespmem:$0x1FFF0];
	v0 =	vadd.f32 v62, v0  }
0x32c: {  	v22 =	vmov v37;
	v13 =	vld [tilespmem:$0x1FFE0]  }
0x32d: {  	v24 =	vmovc v32;
	v23 =	vmovc v38;
	v28 =	vmov v42;
	v29 =	vmov v43;
	v19 =	vmov v50;
	v14 =	vld [tilespmem:$0x1FFD0];
	[tilespmem:s18+$0x10400] =	vst v0  }
0x32e: {  	s15 =	rddreg [dreg:$0x15]  }
0x32f: {  	[hbm4b:s15+s3] =	stream.linear.scatter [tilespmem:s14], [sflag:$0x5], $0x100, $0x38;
	[tilespmem:$0x10600] =	vst v63  }
0x330: {  	_ =	swait.ge [sflag:s26], $0x100  }
0x331: {  	[sflag:s26] =	ssyncset.done $0x0  }
0x332: {  	s17 =	simm.s32 $0x6;
	[sflag:s26] =	ssyncadd.s32 $0xFFFFFF00  }
0x333: {  	_ =	swait.ge [sflag:s17], $0x100  }
0x334: {  	s18 =	rddreg [dreg:$0x18]  }
0x335: {  	s29 =	rddreg [dreg:$0x16];
	s18 =	sadd.s32 $0x1, s18  }
0x336: {  	p0 =	sne.s32 s18, s29  }
.Ltmp7:
0x337: {  	_ = 	snop;
	(pc) =	sbr.rel @p0 .LBB2_1-.Ltmp7, $3  }
0x338: {  	_ =	sdelay $0x1  }
0x339: {  	[sflag:s17] =	ssyncset.done $0x0  }
0x33a: {  	v15 =	vmov v49;
	v16 =	vmov v47;
	v17 =	vmov v46;
	[sflag:s17] =	ssyncadd.s32 $0xFFFFFF00  }
0x33b: {  	_ =	sfence.sel $0x180000  }
0x33c: {  	[bflag:$0x0] =	sbarrier.arrive $0xFFFF  }
0x33d: {  	_ =	strace $0x90000047  }
0x33e: {  	s0 =	stileid.u32;
	[bflag:$0x2] =	sbarrier.arrive $0xFFFF  }
0x33f: {  	p0 =	sne.s32 s0, $0x0;
	s0 =	rddreg [dreg:$0x3]  }
0x340: {  	s0 =	sadd.s32 @!p0 $0x100000, s0  }
0x341: {  	[sflag:s0] =	ssyncadd.tile.s32 @!p0 $0x1;
	_ =	shalt  }
.Lfunc_end2:
_tile_overlayer_lowered:
.L_overlay_start_2:
0x342: {  	(tag) =	ssettag $0x2  }
0x343: {  	s0 =	rddreg [dreg:$0x0];
	s2 =	stileid.u32  }
0x344: {  	s1 =	rddreg [dreg:$0x1];
	p0 =	sne.s32 s2, $0x0  }
0x345: {  	s3 =	rddreg [dreg:$0x2];
	[bflag:$0x3] =	sbarrier.arrive $0xFFFF;
	s2 =	simm.s32 @!p0 $0x1C07  }
0x346: {  	[timem:s3], [sflag:s2] =	dma.local @!p0 [hbm:s0], s1  }
0x347: {  	s0 =	simm.s32 @!p0 $0x7  }
0x348: {  	_ =	swait.ge @!p0 [sflag:s0], s1  }
0x349: {  	s1 =	ssub.s32 @!p0 $0x0, s1;
	[sflag:s0] =	ssyncset.done @!p0 $0x0  }
0x34a: {  	[sflag:s0] =	ssyncadd.s32 @!p0 s1  }
0x34b: {  	[bflag:$0x3] =	sbarrier.arrive $0xFFFF  }
0x34c: {  	_ =	shalt  }

</sc_bundles>
